<compile_context>
chip_gen: v7x
topology: tpu7x:2x2x1
jax: 0.10.2.dev20260603
libtpu: 0.0.44.dev20260713+nightly
codegen_flags: <defaults>
</compile_context>

<pallas_src>
import jax
import jax.numpy as jnp
import numpy as np
from jax import lax
from jax.experimental import pallas as pl
from jax.experimental.pallas import tpu as pltpu
from jax.experimental.pallas import tpu_sc as plsc

B = 1; T = 1024; IN_DIMS = 128; HID = 256; C = 512; C2 = 1024
L = 6; E = 8; TOPK = 2; INNER = 512; KS = 31
NEG = -3.4e38

NA = TOPK * T
TILE = 512
PAD_N = 5632
NT = PAD_N // TILE
NW = 32
APT = NA // NW


def _ln2d(x, g, b):
    onesc = jnp.full((C, 1), 1.0 / C, jnp.float32)
    m = _dot(x, onesc)
    d = x - m
    v = _dot(d * d, onesc)
    return d * jax.lax.rsqrt(v + 1e-5) * g + b


def _silu(x):
    return x * jax.nn.sigmoid(x)


def _swiglu(h):
    return h[:, :INNER] * _silu(h[:, INNER:])


def _dot(a, b):
    return jax.lax.dot_general(a, b, (((1,), (0,)), ((), ())),
                               preferred_element_type=jnp.float32)


def _route_dispatch(res, ln_g, ln_b, conv_wt, conv_b, r_w1, r_b1, r_w2, r_b2):
    x = _ln2d(res, ln_g[...], ln_b[...])
    zpad = jnp.zeros((KS // 2, C), jnp.float32)
    xp = jnp.concatenate([zpad, x, zpad], axis=0)
    acc = jnp.broadcast_to(conv_b[...], (T, C))
    for k in range(KS):
        acc = acc + xp[k:k + T, :] * conv_wt[k:k + 1, :]

    rv = _dot(_silu(_dot(acc, r_w1[...]) + r_b1[...]), r_w2[...]) + r_b2[...]
    cols = jax.lax.broadcasted_iota(jnp.int32, (T, E), 1)
    m1 = jnp.max(rv, axis=1, keepdims=True)
    i1 = jnp.min(jnp.where(rv == m1, cols, E), axis=1, keepdims=True)
    rvm = jnp.where(cols == i1, NEG, rv)
    m2 = jnp.max(rvm, axis=1, keepdims=True)
    i2 = jnp.min(jnp.where(rvm == m2, cols, E), axis=1, keepdims=True)
    sel = (cols == i1) | (cols == i2)
    s = jnp.where(sel, jnp.exp(rv - m1), 0.0)
    ones8 = jnp.full((E, 1), 1.0, jnp.float32)
    wfull = s / _dot(s, ones8)
    w0 = _dot(jnp.where(cols == i1, wfull, 0.0), ones8)
    w1v = _dot(jnp.where(cols == i2, wfull, 0.0), ones8)
    wpair = jnp.where(cols == 0, w0, 0.0) + jnp.where(cols == 1, w1v, 0.0)

    m0i = (cols == i1).astype(jnp.float32)
    m1i = (cols == i2).astype(jnp.float32)
    mm = jnp.concatenate([m0i, m1i], axis=0)
    G = 16
    GS = NA // G
    ri = jax.lax.broadcasted_iota(jnp.int32, (GS, GS), 0)
    ci = jax.lax.broadcasted_iota(jnp.int32, (GS, GS), 1)
    lti = (ci <= ri).astype(jnp.float32)
    gcs = [_dot(lti, mm[g * GS:(g + 1) * GS, :]) for g in range(G)]
    gsum = jnp.concatenate([c[GS - 1:GS, :] for c in gcs], axis=0)
    rg = jax.lax.broadcasted_iota(jnp.int32, (G, G), 0)
    cg = jax.lax.broadcasted_iota(jnp.int32, (G, G), 1)
    ltg = (rg > cg).astype(jnp.float32)
    goff = _dot(ltg, gsum)
    csum = jnp.concatenate(
        [gcs[g] + goff[g:g + 1, :] for g in range(G)], axis=0)
    cnt = csum[NA - 1:NA, :]
    rank = _dot((csum - mm) * mm, ones8)
    pcntf = jnp.ceil(cnt * (1.0 / TILE)) * TILE
    ru = jax.lax.broadcasted_iota(jnp.int32, (E, E), 0)
    cu = jax.lax.broadcasted_iota(jnp.int32, (E, E), 1)
    su = (ru < cu).astype(jnp.float32)
    pofff = _dot(pcntf, su)
    poffj = _dot(mm * pofff, ones8)
    pos = (poffj + rank).astype(jnp.int32)
    pcnt = pcntf.astype(jnp.int32)
    poff = pofff.astype(jnp.int32)

    ends = jnp.broadcast_to(poff + pcnt, (NW, E))
    rs = jax.lax.broadcasted_iota(jnp.int32, (NW, E), 0) * TILE
    gid = jnp.sum((ends <= rs).astype(jnp.int32), axis=1, keepdims=True)
    gid = jnp.minimum(gid, E - 1)
    total = jnp.sum(pcnt, axis=1, keepdims=True)
    meta = jnp.concatenate([gid, total], axis=0)
    xmean = _dot(jnp.full((1, T), 1.0 / T, jnp.float32), x)
    return xmean, acc, pos, meta, wpair


def _se_combine(x1, x2, xmean, xc, g, wpair, se_w1, se_b1, se_w2, se_b2, se_res):
    w0 = wpair[:, 0:1]
    w1v = wpair[:, 1:2]
    y = xc[...] + w0 * g[0:T, :] + w1v * g[T:NA, :]
    pooled = (xmean[...] * se_res[...]
              + _dot(jnp.full((1, T), 1.0 / T, jnp.float32), y))
    g1 = _silu(_dot(pooled, se_w1[...]) + se_b1[...])
    gate = jax.nn.sigmoid(_dot(g1, se_w2[...]) + se_b2[...])
    return x2[...] + x1[...] + y * gate


def _pre0_kernel(spec_t, cond_t, step, emb, in_w, in_b, cond_w, cond_b,
                 de_w1, de_b1, de_w2, de_b2,
                 ln_g, ln_b, conv_wt, conv_b, r_w1, r_b1, r_w2, r_b2,
                 x1_o, x2_o, xmean_o, xc_o, pos_o, meta_o, wpair_o):
    x = _dot(spec_t[...], in_w[...]) + in_b[...]
    x = x + _dot(cond_t[...], cond_w[...]) + cond_b[...]
    e = step[0, 0] * emb[...]
    e = jnp.concatenate([jnp.sin(e), jnp.cos(e)], axis=1)
    h = _dot(e, de_w1[...]) + de_b1[...]
    d = 0.5 * h * (1.0 + jax.lax.erf(h * np.float32(1.0 / np.sqrt(2.0))))
    d = _dot(d, de_w2[...]) + de_b2[...]
    x = x + d
    x1 = x[:, :C]
    x1_o[...] = x1
    x2_o[...] = x[:, C:]
    xmean, xc, pos, meta, wpair = _route_dispatch(
        x1, ln_g, ln_b, conv_wt, conv_b, r_w1, r_b1, r_w2, r_b2)
    xmean_o[...] = xmean
    xc_o[...] = xc
    pos_o[...] = pos
    meta_o[...] = meta
    wpair_o[...] = wpair


def _postpre_kernel(x1, x2, xmean, xc, g, wpair,
                    se_w1, se_b1, se_w2, se_b2, se_res,
                    ln_g, ln_b, conv_wt, conv_b, r_w1, r_b1, r_w2, r_b2,
                    x1n_o, xmean_o, xc_o, pos_o, meta_o, wpair_o):
    x1n = _se_combine(x1, x2, xmean, xc, g, wpair,
                      se_w1, se_b1, se_w2, se_b2, se_res)
    x1n_o[...] = x1n
    xmean2, xc2, pos, meta, wpair2 = _route_dispatch(
        x1n, ln_g, ln_b, conv_wt, conv_b, r_w1, r_b1, r_w2, r_b2)
    xmean_o[...] = xmean2
    xc_o[...] = xc2
    pos_o[...] = pos
    meta_o[...] = meta
    wpair_o[...] = wpair2


def _postfinal_kernel(x1, x2, xmean, xc, g, wpair,
                      se_w1, se_b1, se_w2, se_b2, se_res,
                      g1, g2, b1, b2, w_a, w_b, ob, out):
    a = _se_combine(x1, x2, xmean, xc, g, wpair,
                    se_w1, se_b1, se_w2, se_b2, se_res)
    b = x1[...]
    onesc = jnp.full((C, 1), 1.0 / C2, jnp.float32)
    m = _dot(a, onesc) + _dot(b, onesc)
    da = a - m
    db = b - m
    v = _dot(da * da, onesc) + _dot(db * db, onesc)
    r = jax.lax.rsqrt(v + 1e-5)
    na = da * r * g1[...] + b1[...]
    nb = db * r * g2[...] + b2[...]
    out[...] = _dot(na, w_a[...]) + _dot(nb, w_b[...]) + ob[...]


def _sc_mesh():
    return plsc.VectorSubcoreMesh(core_axis_name="c", subcore_axis_name="s",
                                  num_cores=2, num_subcores=16)


def _sc_dispatch(xc, pos):
    def body(xc_hbm, pos_hbm, xs_hbm, idx_v, rows_v, sem):
        wid = lax.axis_index("s") * 2 + lax.axis_index("c")
        abase = wid * APT
        tbase = lax.rem(abase, T)
        pltpu.sync_copy(pos_hbm.at[pl.ds(abase, APT)], idx_v)
        pltpu.sync_copy(xc_hbm.at[pl.ds(tbase, APT)], rows_v)
        pltpu.async_copy(rows_v, xs_hbm.at[idx_v], sem).wait()

    return pl.kernel(
        body,
        out_type=jax.ShapeDtypeStruct((PAD_N, C), jnp.float32),
        mesh=_sc_mesh(),
        scratch_types=[pltpu.VMEM((APT,), jnp.int32),
                       pltpu.VMEM((APT, C), jnp.float32),
                       pltpu.SemaphoreType.DMA],
    )(xc, pos)


def _sc_combine(hs, pos):
    def body(hs_hbm, pos_hbm, g_hbm, idx_v, rows_v, sem):
        wid = lax.axis_index("s") * 2 + lax.axis_index("c")
        abase = wid * APT
        pltpu.sync_copy(pos_hbm.at[pl.ds(abase, APT)], idx_v)
        pltpu.async_copy(hs_hbm.at[idx_v], rows_v, sem).wait()
        pltpu.sync_copy(rows_v, g_hbm.at[pl.ds(abase, APT)])

    return pl.kernel(
        body,
        out_type=jax.ShapeDtypeStruct((NA, C), jnp.float32),
        mesh=_sc_mesh(),
        scratch_types=[pltpu.VMEM((APT,), jnp.int32),
                       pltpu.VMEM((APT, C), jnp.float32),
                       pltpu.SemaphoreType.DMA],
    )(hs, pos)


def _gmm_kernel(meta_ref, xs, w1, b1, w2, b2, w3, b3, out):
    i = pl.program_id(0)
    total = meta_ref[NW]

    @pl.when(i * TILE < total)
    def _():
        h = _swiglu(_dot(xs[...].astype(jnp.bfloat16), w1[0]) + b1[0])
        h = _swiglu(_dot(h.astype(jnp.bfloat16), w2[0]) + b2[0])
        out[...] = _dot(h.astype(jnp.bfloat16), w3[0]) + b3[0]


def _run_gmm(meta, xs, ew1, eb1, ew2, eb2, ew3, eb3):
    grid_spec = pltpu.PrefetchScalarGridSpec(
        num_scalar_prefetch=1,
        grid=(NT,),
        in_specs=[
            pl.BlockSpec((TILE, C), lambda i, m: (i, 0)),
            pl.BlockSpec((1, C, 2 * INNER), lambda i, m: (m[i], 0, 0)),
            pl.BlockSpec((1, 1, 2 * INNER), lambda i, m: (m[i], 0, 0)),
            pl.BlockSpec((1, INNER, 2 * INNER), lambda i, m: (m[i], 0, 0)),
            pl.BlockSpec((1, 1, 2 * INNER), lambda i, m: (m[i], 0, 0)),
            pl.BlockSpec((1, INNER, C), lambda i, m: (m[i], 0, 0)),
            pl.BlockSpec((1, 1, C), lambda i, m: (m[i], 0, 0)),
        ],
        out_specs=pl.BlockSpec((TILE, C), lambda i, m: (i, 0)),
    )
    return pl.pallas_call(
        _gmm_kernel,
        grid_spec=grid_spec,
        out_shape=jax.ShapeDtypeStruct((PAD_N, C), jnp.float32),
    )(meta, xs, ew1, eb1, ew2, eb2, ew3, eb3)


_STATE_SHAPES = [jax.ShapeDtypeStruct((1, C), jnp.float32),
                 jax.ShapeDtypeStruct((T, C), jnp.float32),
                 jax.ShapeDtypeStruct((NA, 1), jnp.int32),
                 jax.ShapeDtypeStruct((NW + 1, 1), jnp.int32),
                 jax.ShapeDtypeStruct((T, E), jnp.float32)]


def _layer_params(p, l):
    return {
        "ln_g": p["ln_g"][l].reshape(1, C), "ln_b": p["ln_b"][l].reshape(1, C),
        "conv_wt": jnp.transpose(p["conv_w"][l, :, 0, :], (1, 0)),
        "conv_b": p["conv_b"][l].reshape(1, C),
        "r_w1": p["r_w1"][l], "r_b1": p["r_b1"][l].reshape(1, C),
        "r_w2": p["r_w2"][l], "r_b2": p["r_b2"][l].reshape(1, E),
    }


def kernel(spec, diffusion_step, cond, params):
    p = params
    spec_t = jnp.transpose(spec[:, 0], (0, 2, 1)).reshape(T, IN_DIMS)
    cond_t = jnp.transpose(cond, (0, 2, 1)).reshape(T, HID)
    step = diffusion_step.reshape(1, 1)
    half = C // 2
    emb = jnp.exp(jnp.arange(half, dtype=jnp.float32)
                  * jnp.float32(-np.log(10000.0) / (half - 1))).reshape(1, half)

    lp0 = _layer_params(p, 0)
    x1, x2, x_ln, xc, pos2, meta2, wpair = pl.pallas_call(
        _pre0_kernel,
        out_shape=[jax.ShapeDtypeStruct((T, C), jnp.float32),
                   jax.ShapeDtypeStruct((T, C), jnp.float32)] + _STATE_SHAPES,
    )(spec_t, cond_t, step, emb,
      p["in_w"], p["in_b"].reshape(1, C2),
      p["cond_w"], p["cond_b"].reshape(1, C2),
      p["de_w1"], p["de_b1"].reshape(1, 4 * C),
      p["de_w2"], p["de_b2"].reshape(1, C2),
      lp0["ln_g"], lp0["ln_b"], lp0["conv_wt"], lp0["conv_b"],
      lp0["r_w1"], lp0["r_b1"], lp0["r_w2"], lp0["r_b2"])

    for l in range(L):
        pos = pos2.reshape(NA)
        meta = meta2.reshape(NW + 1)
        xs = _sc_dispatch(xc, pos)
        hs = _run_gmm(meta, xs,
                      p["e_w1"][l].astype(jnp.bfloat16),
                      p["e_b1"][l].reshape(E, 1, 2 * INNER),
                      p["e_w2"][l].astype(jnp.bfloat16),
                      p["e_b2"][l].reshape(E, 1, 2 * INNER),
                      p["e_w3"][l].astype(jnp.bfloat16),
                      p["e_b3"][l].reshape(E, 1, C))
        g = _sc_combine(hs, pos)
        se = (p["se_w1"][l], p["se_b1"][l].reshape(1, C // 8),
              p["se_w2"][l], p["se_b2"][l].reshape(1, C),
              p["se_res"][l].reshape(1, C))
        if l < L - 1:
            lpn = _layer_params(p, l + 1)
            x1n, x_ln, xc, pos2, meta2, wpair = pl.pallas_call(
                _postpre_kernel,
                out_shape=[jax.ShapeDtypeStruct((T, C), jnp.float32)]
                          + _STATE_SHAPES,
            )(x1, x2, x_ln, xc, g, wpair, *se,
              lpn["ln_g"], lpn["ln_b"], lpn["conv_wt"], lpn["conv_b"],
              lpn["r_w1"], lpn["r_b1"], lpn["r_w2"], lpn["r_b2"])
            x1, x2 = x1n, x1
        else:
            out = pl.pallas_call(
                _postfinal_kernel,
                out_shape=jax.ShapeDtypeStruct((T, IN_DIMS), jnp.float32),
            )(x1, x2, x_ln, xc, g, wpair, *se,
              p["out_ln_g"][:C].reshape(1, C), p["out_ln_g"][C:].reshape(1, C),
              p["out_ln_b"][:C].reshape(1, C), p["out_ln_b"][C:].reshape(1, C),
              p["out_w"][:C], p["out_w"][C:],
              p["out_b"].reshape(1, IN_DIMS))

    return jnp.transpose(out, (1, 0))[None, None, :, :]

# --- scband reference (transcript-rebuilt; emitter-appended) ---
"""Pipeline reference for scband-react-net-75977971466569 (READ-ONLY COPY).

The authoritative reference and input builder live on the scoring server;
editing this copy changes nothing except your own understanding.
"""

import jax, jax.numpy as jnp
import numpy as np

B = 1; T = 1024; IN_DIMS = 128; HID = 256; C = 512; C2 = 1024
L = 6; E = 8; TOPK = 2; INNER = 512; KS = 31


def _p(k, shape):
    return jax.random.normal(k, shape, dtype=jnp.float32) * 0.02


def setup_inputs(seed: int = 0) -> dict:
    key = jax.random.key(seed)
    ks = jax.random.split(key, 24)
    inp = {}
    inp["spec"] = jax.random.normal(ks[0], (B, 1, IN_DIMS, T), dtype=jnp.float32)
    inp["diffusion_step"] = jax.random.uniform(ks[1], (B,), dtype=jnp.float32) * 1000.0
    inp["cond"] = jax.random.normal(ks[2], (B, HID, T), dtype=jnp.float32)
    p = {}
    p["in_w"] = _p(ks[3], (IN_DIMS, C2)); p["in_b"] = jnp.zeros((C2,), jnp.float32)
    p["cond_w"] = _p(ks[4], (HID, C2)); p["cond_b"] = jnp.zeros((C2,), jnp.float32)
    p["de_w1"] = _p(ks[5], (C, 4 * C)); p["de_b1"] = jnp.zeros((4 * C,), jnp.float32)
    p["de_w2"] = _p(ks[6], (4 * C, C2)); p["de_b2"] = jnp.zeros((C2,), jnp.float32)
    p["ln_g"] = jnp.ones((L, C), jnp.float32); p["ln_b"] = jnp.zeros((L, C), jnp.float32)
    p["conv_w"] = _p(ks[7], (L, C, 1, KS)); p["conv_b"] = jnp.zeros((L, C), jnp.float32)
    p["r_w1"] = _p(ks[8], (L, C, C)); p["r_b1"] = jnp.zeros((L, C), jnp.float32)
    p["r_w2"] = _p(ks[9], (L, C, E)); p["r_b2"] = jnp.zeros((L, E), jnp.float32)
    p["e_w1"] = _p(ks[10], (L, E, C, 2 * INNER)); p["e_b1"] = jnp.zeros((L, E, 2 * INNER), jnp.float32)
    p["e_w2"] = _p(ks[11], (L, E, INNER, 2 * INNER)); p["e_b2"] = jnp.zeros((L, E, 2 * INNER), jnp.float32)
    p["e_w3"] = _p(ks[12], (L, E, INNER, C)); p["e_b3"] = jnp.zeros((L, E, C), jnp.float32)
    p["se_w1"] = _p(ks[13], (L, C, C // 8)); p["se_b1"] = jnp.zeros((L, C // 8), jnp.float32)
    p["se_w2"] = _p(ks[14], (L, C // 8, C)); p["se_b2"] = jnp.zeros((L, C), jnp.float32)
    p["se_res"] = jnp.ones((L, C), jnp.float32)
    p["out_ln_g"] = jnp.ones((C2,), jnp.float32); p["out_ln_b"] = jnp.zeros((C2,), jnp.float32)
    p["out_w"] = _p(ks[15], (C2, IN_DIMS)); p["out_b"] = jnp.zeros((IN_DIMS,), jnp.float32)
    inp["params"] = p
    return inp


def _ln(x, g, b):
    m = jnp.mean(x, -1, keepdims=True)
    v = jnp.var(x, -1, keepdims=True)
    return (x - m) / jnp.sqrt(v + 1e-5) * g + b


def _dwconv(x, w, b):
    xc = jnp.transpose(x, (0, 2, 1))
    o = jax.lax.conv_general_dilated(xc, w, (1,), [(KS // 2, KS // 2)],
                                     dimension_numbers=("NCH", "OIH", "NCH"),
                                     feature_group_count=C)
    return jnp.transpose(o + b[None, :, None], (0, 2, 1))


def _swiglu(h):
    a, g = jnp.split(h, 2, axis=-1)
    return a * jax.nn.silu(g)


def _moe(x, p, l):
    rv = jax.nn.silu(x @ p["r_w1"][l] + p["r_b1"][l]) @ p["r_w2"][l] + p["r_b2"][l]
    idx = jax.lax.top_k(rv, TOPK)[1]
    n = x.shape[0]
    mask = jnp.zeros(rv.shape, bool).at[jnp.arange(n)[:, None], idx].set(True)
    w = jax.nn.softmax(jnp.where(mask, rv, -1e9), axis=1)
    h = _swiglu(jnp.einsum("nc,ecf->enf", x, p["e_w1"][l]) + p["e_b1"][l][:, None, :])
    h = _swiglu(jnp.einsum("eni,eif->enf", h, p["e_w2"][l]) + p["e_b2"][l][:, None, :])
    h = jnp.einsum("eni,eio->eno", h, p["e_w3"][l]) + p["e_b3"][l][:, None, :]
    return x + jnp.einsum("ne,eno->no", w, h)


def _block(res, p, l):
    x = _ln(res, p["ln_g"][l], p["ln_b"][l])
    xc = _dwconv(x, p["conv_w"][l], p["conv_b"][l])
    b_, t_, d_ = xc.shape
    y = _moe(xc.reshape(b_ * t_, d_), p, l).reshape(b_, t_, d_)
    pooled = jnp.mean(x * p["se_res"][l][None, None, :] + y, axis=-2)
    gate = jax.nn.sigmoid(jax.nn.silu(pooled @ p["se_w1"][l] + p["se_b1"][l]) @ p["se_w2"][l] + p["se_b2"][l])
    return res + y * gate[:, None, :]


def _forward(spec, step, cond, p):
    x = spec[:, 0]
    x = jnp.transpose(x, (0, 2, 1)) @ p["in_w"] + p["in_b"]
    x = x + jnp.transpose(cond, (0, 2, 1)) @ p["cond_w"] + p["cond_b"]
    half = C // 2
    emb = jnp.exp(jnp.arange(half, dtype=jnp.float32) * jnp.float32(-np.log(10000.0) / (half - 1)))
    e = step[:, None] * emb[None, :]
    e = jnp.concatenate([jnp.sin(e), jnp.cos(e)], axis=-1)
    d = jax.nn.gelu(e @ p["de_w1"] + p["de_b1"], approximate=False) @ p["de_w2"] + p["de_b2"]
    x = x + d[:, None, :]
    x1, x2 = jnp.split(x, 2, axis=-1)
    for l in range(L):
        x2 = x2 + _block(x1, p, l)
        x1, x2 = x2, x1
    x = jnp.concatenate([x1, x2], axis=-1)
    x = _ln(x, p["out_ln_g"], p["out_ln_b"])
    x = x @ p["out_w"] + p["out_b"]
    return jnp.transpose(x, (0, 2, 1))[:, None, :, :]


def reference(spec, diffusion_step, cond, params):
    return _forward(spec, diffusion_step, cond, params)

if __name__ == "__main__":
    import jax
    _d = setup_inputs()
    print(jax.jit(kernel)(*tuple(_d.values())))

</pallas_src>

<mosaic_0001>
#map = affine_map<(d0, d1) -> (0, 0)>
#map1 = affine_map<(d0, d1) -> (0)>
module attributes {stable_mosaic.version = 14 : i64} {
  func.func @body(%arg0: i32, %arg1: i32, %arg2: memref<5632x512xf32, #tpu.memory_space<hbm>>, %arg3: memref<2048xi32, #tpu.memory_space<hbm>>, %arg4: memref<2048x512xf32, #tpu.memory_space<hbm>>, %arg5: memref<64xi32, #tpu.memory_space<vmem>>, %arg6: memref<64x512xf32, #tpu.memory_space<vmem>>, %arg7: memref<!tpu.dma_semaphore, #tpu.memory_space<semaphore_mem>>) attributes {dimension_semantics = [#tpu.dimension_semantics<core_parallel>, #tpu.dimension_semantics<subcore_parallel>], iteration_bounds = array<i64: 2, 16>, scalar_prefetch = 0 : i64, scratch_operands = 3 : i64, tpu.core_type = #tpu.core_type<sc_vector_subcore>, window_params = [{transform_indices = #map}, {transform_indices = #map1}, {transform_indices = #map}]} {
    %mul3A = arith.constant 2 : i32
    %mul3A_0 = arith.muli %arg1, %mul3A : i32
    %add3A = arith.addi %mul3A_0, %arg0 : i32
    %mul3A_1 = arith.constant 64 : i32
    %mul3A_2 = arith.muli %add3A, %mul3A_1 : i32
    "tpu.region"() ({
      %run_scoped3A = tpu.sem_alloc : memref<!tpu.dma_semaphore, #tpu.memory_space<semaphore_mem>>
      %dma_start3A_7 = tpu.memref_slice %arg3[%mul3A_2] : memref<2048xi32, #tpu.memory_space<hbm>> -> memref<64xi32, #tpu.memory_space<hbm>>
      %dma_start3A_8 = tpu.memref_slice %arg3[%mul3A_2] : memref<2048xi32, #tpu.memory_space<hbm>> -> memref<64xi32, #tpu.memory_space<hbm>>
      tpu.enqueue_dma source(%dma_start3A_8 : memref<64xi32, #tpu.memory_space<hbm>>) target(%arg5 : memref<64xi32, #tpu.memory_space<vmem>>) target_semaphore(%run_scoped3A : memref<!tpu.dma_semaphore, #tpu.memory_space<semaphore_mem>>)
      %dma_wait3A_9 = tpu.memref_slice %arg3[%mul3A_2] : memref<2048xi32, #tpu.memory_space<hbm>> -> memref<64xi32, #tpu.memory_space<hbm>>
      %dma_wait3A_10 = tpu.memref_slice %arg3[%mul3A_2] : memref<2048xi32, #tpu.memory_space<hbm>> -> memref<64xi32, #tpu.memory_space<hbm>>
      tpu.wait_dma2 semaphore(%run_scoped3A : memref<!tpu.dma_semaphore, #tpu.memory_space<semaphore_mem>>) src(%dma_wait3A_10 : memref<64xi32, #tpu.memory_space<hbm>>) dst(%arg5 : memref<64xi32, #tpu.memory_space<vmem>>)
      tpu.yield
    }) : () -> ()
    %dma_start3A = arith.constant 0 : i32
    %dma_start3A_3 = arith.constant 0 : i32
    %dma_start3A_4 = tpu.memref_slice %arg2[%dma_start3A, %dma_start3A_3] : memref<5632x512xf32, #tpu.memory_space<hbm>> -> memref<5632x512xf32, #tpu.memory_space<hbm>>
    tpu.enqueue_indirect_dma source(%dma_start3A_4 : memref<5632x512xf32, #tpu.memory_space<hbm>>) target(%arg6 : memref<64x512xf32, #tpu.memory_space<vmem>>) offsets(%arg5 : memref<64xi32, #tpu.memory_space<vmem>>) semaphore(%arg7 : memref<!tpu.dma_semaphore, #tpu.memory_space<semaphore_mem>>)
    %dma_wait3A = arith.constant 0 : i32
    %dma_wait3A_5 = arith.constant 0 : i32
    %dma_wait3A_6 = tpu.memref_slice %arg2[%dma_wait3A, %dma_wait3A_5] : memref<5632x512xf32, #tpu.memory_space<hbm>> -> memref<5632x512xf32, #tpu.memory_space<hbm>>
    tpu.wait_indirect_dma semaphore(%arg7 : memref<!tpu.dma_semaphore, #tpu.memory_space<semaphore_mem>>) src(%dma_wait3A_6 : memref<5632x512xf32, #tpu.memory_space<hbm>>) dst(%arg6 : memref<64x512xf32, #tpu.memory_space<vmem>>)
    "tpu.region"() ({
      %run_scoped3A = tpu.sem_alloc : memref<!tpu.dma_semaphore, #tpu.memory_space<semaphore_mem>>
      %dma_start3A_7 = arith.constant 0 : i32
      %dma_start3A_8 = tpu.memref_slice %arg4[%mul3A_2, %dma_start3A_7] : memref<2048x512xf32, #tpu.memory_space<hbm>> -> memref<64x512xf32, #tpu.memory_space<hbm>>
      %dma_start3A_9 = arith.constant 0 : i32
      %dma_start3A_10 = tpu.memref_slice %arg4[%mul3A_2, %dma_start3A_9] : memref<2048x512xf32, #tpu.memory_space<hbm>> -> memref<64x512xf32, #tpu.memory_space<hbm>>
      tpu.enqueue_dma source(%arg6 : memref<64x512xf32, #tpu.memory_space<vmem>>) target(%dma_start3A_10 : memref<64x512xf32, #tpu.memory_space<hbm>>) target_semaphore(%run_scoped3A : memref<!tpu.dma_semaphore, #tpu.memory_space<semaphore_mem>>)
      %dma_wait3A_11 = arith.constant 0 : i32
      %dma_wait3A_12 = tpu.memref_slice %arg4[%mul3A_2, %dma_wait3A_11] : memref<2048x512xf32, #tpu.memory_space<hbm>> -> memref<64x512xf32, #tpu.memory_space<hbm>>
      %dma_wait3A_13 = arith.constant 0 : i32
      %dma_wait3A_14 = tpu.memref_slice %arg4[%mul3A_2, %dma_wait3A_13] : memref<2048x512xf32, #tpu.memory_space<hbm>> -> memref<64x512xf32, #tpu.memory_space<hbm>>
      tpu.wait_dma2 semaphore(%run_scoped3A : memref<!tpu.dma_semaphore, #tpu.memory_space<semaphore_mem>>) src(%arg6 : memref<64x512xf32, #tpu.memory_space<vmem>>) dst(%dma_wait3A_14 : memref<64x512xf32, #tpu.memory_space<hbm>>)
      tpu.yield
    }) : () -> ()
    return
  }
}

#map = affine_map<(d0, d1) -> (0, 0)>
#map1 = affine_map<(d0, d1) -> (0)>
module attributes {stable_mosaic.version = 14 : i64} {
  func.func @body(%arg0: i32, %arg1: i32, %arg2: memref<1024x512xf32, #tpu.memory_space<hbm>>, %arg3: memref<2048xi32, #tpu.memory_space<hbm>>, %arg4: memref<5632x512xf32, #tpu.memory_space<hbm>>, %arg5: memref<64xi32, #tpu.memory_space<vmem>>, %arg6: memref<64x512xf32, #tpu.memory_space<vmem>>, %arg7: memref<!tpu.dma_semaphore, #tpu.memory_space<semaphore_mem>>) attributes {dimension_semantics = [#tpu.dimension_semantics<core_parallel>, #tpu.dimension_semantics<subcore_parallel>], iteration_bounds = array<i64: 2, 16>, scalar_prefetch = 0 : i64, scratch_operands = 3 : i64, tpu.core_type = #tpu.core_type<sc_vector_subcore>, window_params = [{transform_indices = #map}, {transform_indices = #map1}, {transform_indices = #map}]} {
    %mul3A = arith.constant 2 : i32
    %mul3A_0 = arith.muli %arg1, %mul3A : i32
    %add3A = arith.addi %mul3A_0, %arg0 : i32
    %mul3A_1 = arith.constant 64 : i32
    %mul3A_2 = arith.muli %add3A, %mul3A_1 : i32
    %rem3A = arith.constant 1024 : i32
    %rem3A_3 = arith.remsi %mul3A_2, %rem3A : i32
    "tpu.region"() ({
      %run_scoped3A = tpu.sem_alloc : memref<!tpu.dma_semaphore, #tpu.memory_space<semaphore_mem>>
      %dma_start3A_8 = tpu.memref_slice %arg3[%mul3A_2] : memref<2048xi32, #tpu.memory_space<hbm>> -> memref<64xi32, #tpu.memory_space<hbm>>
      %dma_start3A_9 = tpu.memref_slice %arg3[%mul3A_2] : memref<2048xi32, #tpu.memory_space<hbm>> -> memref<64xi32, #tpu.memory_space<hbm>>
      tpu.enqueue_dma source(%dma_start3A_9 : memref<64xi32, #tpu.memory_space<hbm>>) target(%arg5 : memref<64xi32, #tpu.memory_space<vmem>>) target_semaphore(%run_scoped3A : memref<!tpu.dma_semaphore, #tpu.memory_space<semaphore_mem>>)
      %dma_wait3A_10 = tpu.memref_slice %arg3[%mul3A_2] : memref<2048xi32, #tpu.memory_space<hbm>> -> memref<64xi32, #tpu.memory_space<hbm>>
      %dma_wait3A_11 = tpu.memref_slice %arg3[%mul3A_2] : memref<2048xi32, #tpu.memory_space<hbm>> -> memref<64xi32, #tpu.memory_space<hbm>>
      tpu.wait_dma2 semaphore(%run_scoped3A : memref<!tpu.dma_semaphore, #tpu.memory_space<semaphore_mem>>) src(%dma_wait3A_11 : memref<64xi32, #tpu.memory_space<hbm>>) dst(%arg5 : memref<64xi32, #tpu.memory_space<vmem>>)
      tpu.yield
    }) : () -> ()
    "tpu.region"() ({
      %run_scoped3A = tpu.sem_alloc : memref<!tpu.dma_semaphore, #tpu.memory_space<semaphore_mem>>
      %dma_start3A_8 = arith.constant 0 : i32
      %dma_start3A_9 = tpu.memref_slice %arg2[%rem3A_3, %dma_start3A_8] : memref<1024x512xf32, #tpu.memory_space<hbm>> -> memref<64x512xf32, #tpu.memory_space<hbm>>
      %dma_start3A_10 = arith.constant 0 : i32
      %dma_start3A_11 = tpu.memref_slice %arg2[%rem3A_3, %dma_start3A_10] : memref<1024x512xf32, #tpu.memory_space<hbm>> -> memref<64x512xf32, #tpu.memory_space<hbm>>
      tpu.enqueue_dma source(%dma_start3A_11 : memref<64x512xf32, #tpu.memory_space<hbm>>) target(%arg6 : memref<64x512xf32, #tpu.memory_space<vmem>>) target_semaphore(%run_scoped3A : memref<!tpu.dma_semaphore, #tpu.memory_space<semaphore_mem>>)
      %dma_wait3A_12 = arith.constant 0 : i32
      %dma_wait3A_13 = tpu.memref_slice %arg2[%rem3A_3, %dma_wait3A_12] : memref<1024x512xf32, #tpu.memory_space<hbm>> -> memref<64x512xf32, #tpu.memory_space<hbm>>
      %dma_wait3A_14 = arith.constant 0 : i32
      %dma_wait3A_15 = tpu.memref_slice %arg2[%rem3A_3, %dma_wait3A_14] : memref<1024x512xf32, #tpu.memory_space<hbm>> -> memref<64x512xf32, #tpu.memory_space<hbm>>
      tpu.wait_dma2 semaphore(%run_scoped3A : memref<!tpu.dma_semaphore, #tpu.memory_space<semaphore_mem>>) src(%dma_wait3A_15 : memref<64x512xf32, #tpu.memory_space<hbm>>) dst(%arg6 : memref<64x512xf32, #tpu.memory_space<vmem>>)
      tpu.yield
    }) : () -> ()
    %dma_start3A = arith.constant 0 : i32
    %dma_start3A_4 = arith.constant 0 : i32
    %dma_start3A_5 = tpu.memref_slice %arg4[%dma_start3A, %dma_start3A_4] : memref<5632x512xf32, #tpu.memory_space<hbm>> -> memref<5632x512xf32, #tpu.memory_space<hbm>>
    tpu.enqueue_indirect_dma source(%arg6 : memref<64x512xf32, #tpu.memory_space<vmem>>) target(%dma_start3A_5 : memref<5632x512xf32, #tpu.memory_space<hbm>>) offsets(%arg5 : memref<64xi32, #tpu.memory_space<vmem>>) semaphore(%arg7 : memref<!tpu.dma_semaphore, #tpu.memory_space<semaphore_mem>>)
    %dma_wait3A = arith.constant 0 : i32
    %dma_wait3A_6 = arith.constant 0 : i32
    %dma_wait3A_7 = tpu.memref_slice %arg4[%dma_wait3A, %dma_wait3A_6] : memref<5632x512xf32, #tpu.memory_space<hbm>> -> memref<5632x512xf32, #tpu.memory_space<hbm>>
    tpu.wait_indirect_dma semaphore(%arg7 : memref<!tpu.dma_semaphore, #tpu.memory_space<semaphore_mem>>) src(%arg6 : memref<64x512xf32, #tpu.memory_space<vmem>>) dst(%dma_wait3A_7 : memref<5632x512xf32, #tpu.memory_space<hbm>>)
    return
  }
}

#map = affine_map<(d0, d1) -> (0, 0)>
#map1 = affine_map<(d0, d1) -> (0)>
module attributes {stable_mosaic.version = 14 : i64} {
  func.func @body(%arg0: i32, %arg1: i32, %arg2: memref<5632x512xf32, #tpu.memory_space<hbm>>, %arg3: memref<2048xi32, #tpu.memory_space<hbm>>, %arg4: memref<2048x512xf32, #tpu.memory_space<hbm>>, %arg5: memref<64xi32, #tpu.memory_space<vmem>>, %arg6: memref<64x512xf32, #tpu.memory_space<vmem>>, %arg7: memref<!tpu.dma_semaphore, #tpu.memory_space<semaphore_mem>>) attributes {dimension_semantics = [#tpu.dimension_semantics<core_parallel>, #tpu.dimension_semantics<subcore_parallel>], iteration_bounds = array<i64: 2, 16>, scalar_prefetch = 0 : i64, scratch_operands = 3 : i64, tpu.core_type = #tpu.core_type<sc_vector_subcore>, window_params = [{transform_indices = #map}, {transform_indices = #map1}, {transform_indices = #map}]} {
    %mul3A = arith.constant 2 : i32
    %mul3A_0 = arith.muli %arg1, %mul3A : i32
    %add3A = arith.addi %mul3A_0, %arg0 : i32
    %mul3A_1 = arith.constant 64 : i32
    %mul3A_2 = arith.muli %add3A, %mul3A_1 : i32
    "tpu.region"() ({
      %run_scoped3A = tpu.sem_alloc : memref<!tpu.dma_semaphore, #tpu.memory_space<semaphore_mem>>
      %dma_start3A_7 = tpu.memref_slice %arg3[%mul3A_2] : memref<2048xi32, #tpu.memory_space<hbm>> -> memref<64xi32, #tpu.memory_space<hbm>>
      %dma_start3A_8 = tpu.memref_slice %arg3[%mul3A_2] : memref<2048xi32, #tpu.memory_space<hbm>> -> memref<64xi32, #tpu.memory_space<hbm>>
      tpu.enqueue_dma source(%dma_start3A_8 : memref<64xi32, #tpu.memory_space<hbm>>) target(%arg5 : memref<64xi32, #tpu.memory_space<vmem>>) target_semaphore(%run_scoped3A : memref<!tpu.dma_semaphore, #tpu.memory_space<semaphore_mem>>)
      %dma_wait3A_9 = tpu.memref_slice %arg3[%mul3A_2] : memref<2048xi32, #tpu.memory_space<hbm>> -> memref<64xi32, #tpu.memory_space<hbm>>
      %dma_wait3A_10 = tpu.memref_slice %arg3[%mul3A_2] : memref<2048xi32, #tpu.memory_space<hbm>> -> memref<64xi32, #tpu.memory_space<hbm>>
      tpu.wait_dma2 semaphore(%run_scoped3A : memref<!tpu.dma_semaphore, #tpu.memory_space<semaphore_mem>>) src(%dma_wait3A_10 : memref<64xi32, #tpu.memory_space<hbm>>) dst(%arg5 : memref<64xi32, #tpu.memory_space<vmem>>)
      tpu.yield
    }) : () -> ()
    %dma_start3A = arith.constant 0 : i32
    %dma_start3A_3 = arith.constant 0 : i32
    %dma_start3A_4 = tpu.memref_slice %arg2[%dma_start3A, %dma_start3A_3] : memref<5632x512xf32, #tpu.memory_space<hbm>> -> memref<5632x512xf32, #tpu.memory_space<hbm>>
    tpu.enqueue_indirect_dma source(%dma_start3A_4 : memref<5632x512xf32, #tpu.memory_space<hbm>>) target(%arg6 : memref<64x512xf32, #tpu.memory_space<vmem>>) offsets(%arg5 : memref<64xi32, #tpu.memory_space<vmem>>) semaphore(%arg7 : memref<!tpu.dma_semaphore, #tpu.memory_space<semaphore_mem>>)
    %dma_wait3A = arith.constant 0 : i32
    %dma_wait3A_5 = arith.constant 0 : i32
    %dma_wait3A_6 = tpu.memref_slice %arg2[%dma_wait3A, %dma_wait3A_5] : memref<5632x512xf32, #tpu.memory_space<hbm>> -> memref<5632x512xf32, #tpu.memory_space<hbm>>
    tpu.wait_indirect_dma semaphore(%arg7 : memref<!tpu.dma_semaphore, #tpu.memory_space<semaphore_mem>>) src(%dma_wait3A_6 : memref<5632x512xf32, #tpu.memory_space<hbm>>) dst(%arg6 : memref<64x512xf32, #tpu.memory_space<vmem>>)
    "tpu.region"() ({
      %run_scoped3A = tpu.sem_alloc : memref<!tpu.dma_semaphore, #tpu.memory_space<semaphore_mem>>
      %dma_start3A_7 = arith.constant 0 : i32
      %dma_start3A_8 = tpu.memref_slice %arg4[%mul3A_2, %dma_start3A_7] : memref<2048x512xf32, #tpu.memory_space<hbm>> -> memref<64x512xf32, #tpu.memory_space<hbm>>
      %dma_start3A_9 = arith.constant 0 : i32
      %dma_start3A_10 = tpu.memref_slice %arg4[%mul3A_2, %dma_start3A_9] : memref<2048x512xf32, #tpu.memory_space<hbm>> -> memref<64x512xf32, #tpu.memory_space<hbm>>
      tpu.enqueue_dma source(%arg6 : memref<64x512xf32, #tpu.memory_space<vmem>>) target(%dma_start3A_10 : memref<64x512xf32, #tpu.memory_space<hbm>>) target_semaphore(%run_scoped3A : memref<!tpu.dma_semaphore, #tpu.memory_space<semaphore_mem>>)
      %dma_wait3A_11 = arith.constant 0 : i32
      %dma_wait3A_12 = tpu.memref_slice %arg4[%mul3A_2, %dma_wait3A_11] : memref<2048x512xf32, #tpu.memory_space<hbm>> -> memref<64x512xf32, #tpu.memory_space<hbm>>
      %dma_wait3A_13 = arith.constant 0 : i32
      %dma_wait3A_14 = tpu.memref_slice %arg4[%mul3A_2, %dma_wait3A_13] : memref<2048x512xf32, #tpu.memory_space<hbm>> -> memref<64x512xf32, #tpu.memory_space<hbm>>
      tpu.wait_dma2 semaphore(%run_scoped3A : memref<!tpu.dma_semaphore, #tpu.memory_space<semaphore_mem>>) src(%arg6 : memref<64x512xf32, #tpu.memory_space<vmem>>) dst(%dma_wait3A_14 : memref<64x512xf32, #tpu.memory_space<hbm>>)
      tpu.yield
    }) : () -> ()
    return
  }
}

#map = affine_map<(d0, d1) -> (0, 0)>
#map1 = affine_map<(d0, d1) -> (0)>
module attributes {stable_mosaic.version = 14 : i64} {
  func.func @body(%arg0: i32, %arg1: i32, %arg2: memref<1024x512xf32, #tpu.memory_space<hbm>>, %arg3: memref<2048xi32, #tpu.memory_space<hbm>>, %arg4: memref<5632x512xf32, #tpu.memory_space<hbm>>, %arg5: memref<64xi32, #tpu.memory_space<vmem>>, %arg6: memref<64x512xf32, #tpu.memory_space<vmem>>, %arg7: memref<!tpu.dma_semaphore, #tpu.memory_space<semaphore_mem>>) attributes {dimension_semantics = [#tpu.dimension_semantics<core_parallel>, #tpu.dimension_semantics<subcore_parallel>], iteration_bounds = array<i64: 2, 16>, scalar_prefetch = 0 : i64, scratch_operands = 3 : i64, tpu.core_type = #tpu.core_type<sc_vector_subcore>, window_params = [{transform_indices = #map}, {transform_indices = #map1}, {transform_indices = #map}]} {
    %mul3A = arith.constant 2 : i32
    %mul3A_0 = arith.muli %arg1, %mul3A : i32
    %add3A = arith.addi %mul3A_0, %arg0 : i32
    %mul3A_1 = arith.constant 64 : i32
    %mul3A_2 = arith.muli %add3A, %mul3A_1 : i32
    %rem3A = arith.constant 1024 : i32
    %rem3A_3 = arith.remsi %mul3A_2, %rem3A : i32
    "tpu.region"() ({
      %run_scoped3A = tpu.sem_alloc : memref<!tpu.dma_semaphore, #tpu.memory_space<semaphore_mem>>
      %dma_start3A_8 = tpu.memref_slice %arg3[%mul3A_2] : memref<2048xi32, #tpu.memory_space<hbm>> -> memref<64xi32, #tpu.memory_space<hbm>>
      %dma_start3A_9 = tpu.memref_slice %arg3[%mul3A_2] : memref<2048xi32, #tpu.memory_space<hbm>> -> memref<64xi32, #tpu.memory_space<hbm>>
      tpu.enqueue_dma source(%dma_start3A_9 : memref<64xi32, #tpu.memory_space<hbm>>) target(%arg5 : memref<64xi32, #tpu.memory_space<vmem>>) target_semaphore(%run_scoped3A : memref<!tpu.dma_semaphore, #tpu.memory_space<semaphore_mem>>)
      %dma_wait3A_10 = tpu.memref_slice %arg3[%mul3A_2] : memref<2048xi32, #tpu.memory_space<hbm>> -> memref<64xi32, #tpu.memory_space<hbm>>
      %dma_wait3A_11 = tpu.memref_slice %arg3[%mul3A_2] : memref<2048xi32, #tpu.memory_space<hbm>> -> memref<64xi32, #tpu.memory_space<hbm>>
      tpu.wait_dma2 semaphore(%run_scoped3A : memref<!tpu.dma_semaphore, #tpu.memory_space<semaphore_mem>>) src(%dma_wait3A_11 : memref<64xi32, #tpu.memory_space<hbm>>) dst(%arg5 : memref<64xi32, #tpu.memory_space<vmem>>)
      tpu.yield
    }) : () -> ()
    "tpu.region"() ({
      %run_scoped3A = tpu.sem_alloc : memref<!tpu.dma_semaphore, #tpu.memory_space<semaphore_mem>>
      %dma_start3A_8 = arith.constant 0 : i32
      %dma_start3A_9 = tpu.memref_slice %arg2[%rem3A_3, %dma_start3A_8] : memref<1024x512xf32, #tpu.memory_space<hbm>> -> memref<64x512xf32, #tpu.memory_space<hbm>>
      %dma_start3A_10 = arith.constant 0 : i32
      %dma_start3A_11 = tpu.memref_slice %arg2[%rem3A_3, %dma_start3A_10] : memref<1024x512xf32, #tpu.memory_space<hbm>> -> memref<64x512xf32, #tpu.memory_space<hbm>>
      tpu.enqueue_dma source(%dma_start3A_11 : memref<64x512xf32, #tpu.memory_space<hbm>>) target(%arg6 : memref<64x512xf32, #tpu.memory_space<vmem>>) target_semaphore(%run_scoped3A : memref<!tpu.dma_semaphore, #tpu.memory_space<semaphore_mem>>)
      %dma_wait3A_12 = arith.constant 0 : i32
      %dma_wait3A_13 = tpu.memref_slice %arg2[%rem3A_3, %dma_wait3A_12] : memref<1024x512xf32, #tpu.memory_space<hbm>> -> memref<64x512xf32, #tpu.memory_space<hbm>>
      %dma_wait3A_14 = arith.constant 0 : i32
      %dma_wait3A_15 = tpu.memref_slice %arg2[%rem3A_3, %dma_wait3A_14] : memref<1024x512xf32, #tpu.memory_space<hbm>> -> memref<64x512xf32, #tpu.memory_space<hbm>>
      tpu.wait_dma2 semaphore(%run_scoped3A : memref<!tpu.dma_semaphore, #tpu.memory_space<semaphore_mem>>) src(%dma_wait3A_15 : memref<64x512xf32, #tpu.memory_space<hbm>>) dst(%arg6 : memref<64x512xf32, #tpu.memory_space<vmem>>)
      tpu.yield
    }) : () -> ()
    %dma_start3A = arith.constant 0 : i32
    %dma_start3A_4 = arith.constant 0 : i32
    %dma_start3A_5 = tpu.memref_slice %arg4[%dma_start3A, %dma_start3A_4] : memref<5632x512xf32, #tpu.memory_space<hbm>> -> memref<5632x512xf32, #tpu.memory_space<hbm>>
    tpu.enqueue_indirect_dma source(%arg6 : memref<64x512xf32, #tpu.memory_space<vmem>>) target(%dma_start3A_5 : memref<5632x512xf32, #tpu.memory_space<hbm>>) offsets(%arg5 : memref<64xi32, #tpu.memory_space<vmem>>) semaphore(%arg7 : memref<!tpu.dma_semaphore, #tpu.memory_space<semaphore_mem>>)
    %dma_wait3A = arith.constant 0 : i32
    %dma_wait3A_6 = arith.constant 0 : i32
    %dma_wait3A_7 = tpu.memref_slice %arg4[%dma_wait3A, %dma_wait3A_6] : memref<5632x512xf32, #tpu.memory_space<hbm>> -> memref<5632x512xf32, #tpu.memory_space<hbm>>
    tpu.wait_indirect_dma semaphore(%arg7 : memref<!tpu.dma_semaphore, #tpu.memory_space<semaphore_mem>>) src(%arg6 : memref<64x512xf32, #tpu.memory_space<vmem>>) dst(%dma_wait3A_7 : memref<5632x512xf32, #tpu.memory_space<hbm>>)
    return
  }
}

#map = affine_map<(d0, d1) -> (0, 0)>
#map1 = affine_map<(d0, d1) -> (0)>
module attributes {stable_mosaic.version = 14 : i64} {
  func.func @body(%arg0: i32, %arg1: i32, %arg2: memref<5632x512xf32, #tpu.memory_space<hbm>>, %arg3: memref<2048xi32, #tpu.memory_space<hbm>>, %arg4: memref<2048x512xf32, #tpu.memory_space<hbm>>, %arg5: memref<64xi32, #tpu.memory_space<vmem>>, %arg6: memref<64x512xf32, #tpu.memory_space<vmem>>, %arg7: memref<!tpu.dma_semaphore, #tpu.memory_space<semaphore_mem>>) attributes {dimension_semantics = [#tpu.dimension_semantics<core_parallel>, #tpu.dimension_semantics<subcore_parallel>], iteration_bounds = array<i64: 2, 16>, scalar_prefetch = 0 : i64, scratch_operands = 3 : i64, tpu.core_type = #tpu.core_type<sc_vector_subcore>, window_params = [{transform_indices = #map}, {transform_indices = #map1}, {transform_indices = #map}]} {
    %mul3A = arith.constant 2 : i32
    %mul3A_0 = arith.muli %arg1, %mul3A : i32
    %add3A = arith.addi %mul3A_0, %arg0 : i32
    %mul3A_1 = arith.constant 64 : i32
    %mul3A_2 = arith.muli %add3A, %mul3A_1 : i32
    "tpu.region"() ({
      %run_scoped3A = tpu.sem_alloc : memref<!tpu.dma_semaphore, #tpu.memory_space<semaphore_mem>>
      %dma_start3A_7 = tpu.memref_slice %arg3[%mul3A_2] : memref<2048xi32, #tpu.memory_space<hbm>> -> memref<64xi32, #tpu.memory_space<hbm>>
      %dma_start3A_8 = tpu.memref_slice %arg3[%mul3A_2] : memref<2048xi32, #tpu.memory_space<hbm>> -> memref<64xi32, #tpu.memory_space<hbm>>
      tpu.enqueue_dma source(%dma_start3A_8 : memref<64xi32, #tpu.memory_space<hbm>>) target(%arg5 : memref<64xi32, #tpu.memory_space<vmem>>) target_semaphore(%run_scoped3A : memref<!tpu.dma_semaphore, #tpu.memory_space<semaphore_mem>>)
      %dma_wait3A_9 = tpu.memref_slice %arg3[%mul3A_2] : memref<2048xi32, #tpu.memory_space<hbm>> -> memref<64xi32, #tpu.memory_space<hbm>>
      %dma_wait3A_10 = tpu.memref_slice %arg3[%mul3A_2] : memref<2048xi32, #tpu.memory_space<hbm>> -> memref<64xi32, #tpu.memory_space<hbm>>
      tpu.wait_dma2 semaphore(%run_scoped3A : memref<!tpu.dma_semaphore, #tpu.memory_space<semaphore_mem>>) src(%dma_wait3A_10 : memref<64xi32, #tpu.memory_space<hbm>>) dst(%arg5 : memref<64xi32, #tpu.memory_space<vmem>>)
      tpu.yield
    }) : () -> ()
    %dma_start3A = arith.constant 0 : i32
    %dma_start3A_3 = arith.constant 0 : i32
    %dma_start3A_4 = tpu.memref_slice %arg2[%dma_start3A, %dma_start3A_3] : memref<5632x512xf32, #tpu.memory_space<hbm>> -> memref<5632x512xf32, #tpu.memory_space<hbm>>
    tpu.enqueue_indirect_dma source(%dma_start3A_4 : memref<5632x512xf32, #tpu.memory_space<hbm>>) target(%arg6 : memref<64x512xf32, #tpu.memory_space<vmem>>) offsets(%arg5 : memref<64xi32, #tpu.memory_space<vmem>>) semaphore(%arg7 : memref<!tpu.dma_semaphore, #tpu.memory_space<semaphore_mem>>)
    %dma_wait3A = arith.constant 0 : i32
    %dma_wait3A_5 = arith.constant 0 : i32
    %dma_wait3A_6 = tpu.memref_slice %arg2[%dma_wait3A, %dma_wait3A_5] : memref<5632x512xf32, #tpu.memory_space<hbm>> -> memref<5632x512xf32, #tpu.memory_space<hbm>>
    tpu.wait_indirect_dma semaphore(%arg7 : memref<!tpu.dma_semaphore, #tpu.memory_space<semaphore_mem>>) src(%dma_wait3A_6 : memref<5632x512xf32, #tpu.memory_space<hbm>>) dst(%arg6 : memref<64x512xf32, #tpu.memory_space<vmem>>)
    "tpu.region"() ({
      %run_scoped3A = tpu.sem_alloc : memref<!tpu.dma_semaphore, #tpu.memory_space<semaphore_mem>>
      %dma_start3A_7 = arith.constant 0 : i32
      %dma_start3A_8 = tpu.memref_slice %arg4[%mul3A_2, %dma_start3A_7] : memref<2048x512xf32, #tpu.memory_space<hbm>> -> memref<64x512xf32, #tpu.memory_space<hbm>>
      %dma_start3A_9 = arith.constant 0 : i32
      %dma_start3A_10 = tpu.memref_slice %arg4[%mul3A_2, %dma_start3A_9] : memref<2048x512xf32, #tpu.memory_space<hbm>> -> memref<64x512xf32, #tpu.memory_space<hbm>>
      tpu.enqueue_dma source(%arg6 : memref<64x512xf32, #tpu.memory_space<vmem>>) target(%dma_start3A_10 : memref<64x512xf32, #tpu.memory_space<hbm>>) target_semaphore(%run_scoped3A : memref<!tpu.dma_semaphore, #tpu.memory_space<semaphore_mem>>)
      %dma_wait3A_11 = arith.constant 0 : i32
      %dma_wait3A_12 = tpu.memref_slice %arg4[%mul3A_2, %dma_wait3A_11] : memref<2048x512xf32, #tpu.memory_space<hbm>> -> memref<64x512xf32, #tpu.memory_space<hbm>>
      %dma_wait3A_13 = arith.constant 0 : i32
      %dma_wait3A_14 = tpu.memref_slice %arg4[%mul3A_2, %dma_wait3A_13] : memref<2048x512xf32, #tpu.memory_space<hbm>> -> memref<64x512xf32, #tpu.memory_space<hbm>>
      tpu.wait_dma2 semaphore(%run_scoped3A : memref<!tpu.dma_semaphore, #tpu.memory_space<semaphore_mem>>) src(%arg6 : memref<64x512xf32, #tpu.memory_space<vmem>>) dst(%dma_wait3A_14 : memref<64x512xf32, #tpu.memory_space<hbm>>)
      tpu.yield
    }) : () -> ()
    return
  }
}

#map = affine_map<(d0, d1) -> (0, 0)>
#map1 = affine_map<(d0, d1) -> (0)>
module attributes {stable_mosaic.version = 14 : i64} {
  func.func @body(%arg0: i32, %arg1: i32, %arg2: memref<1024x512xf32, #tpu.memory_space<hbm>>, %arg3: memref<2048xi32, #tpu.memory_space<hbm>>, %arg4: memref<5632x512xf32, #tpu.memory_space<hbm>>, %arg5: memref<64xi32, #tpu.memory_space<vmem>>, %arg6: memref<64x512xf32, #tpu.memory_space<vmem>>, %arg7: memref<!tpu.dma_semaphore, #tpu.memory_space<semaphore_mem>>) attributes {dimension_semantics = [#tpu.dimension_semantics<core_parallel>, #tpu.dimension_semantics<subcore_parallel>], iteration_bounds = array<i64: 2, 16>, scalar_prefetch = 0 : i64, scratch_operands = 3 : i64, tpu.core_type = #tpu.core_type<sc_vector_subcore>, window_params = [{transform_indices = #map}, {transform_indices = #map1}, {transform_indices = #map}]} {
    %mul3A = arith.constant 2 : i32
    %mul3A_0 = arith.muli %arg1, %mul3A : i32
    %add3A = arith.addi %mul3A_0, %arg0 : i32
    %mul3A_1 = arith.constant 64 : i32
    %mul3A_2 = arith.muli %add3A, %mul3A_1 : i32
    %rem3A = arith.constant 1024 : i32
    %rem3A_3 = arith.remsi %mul3A_2, %rem3A : i32
    "tpu.region"() ({
      %run_scoped3A = tpu.sem_alloc : memref<!tpu.dma_semaphore, #tpu.memory_space<semaphore_mem>>
      %dma_start3A_8 = tpu.memref_slice %arg3[%mul3A_2] : memref<2048xi32, #tpu.memory_space<hbm>> -> memref<64xi32, #tpu.memory_space<hbm>>
      %dma_start3A_9 = tpu.memref_slice %arg3[%mul3A_2] : memref<2048xi32, #tpu.memory_space<hbm>> -> memref<64xi32, #tpu.memory_space<hbm>>
      tpu.enqueue_dma source(%dma_start3A_9 : memref<64xi32, #tpu.memory_space<hbm>>) target(%arg5 : memref<64xi32, #tpu.memory_space<vmem>>) target_semaphore(%run_scoped3A : memref<!tpu.dma_semaphore, #tpu.memory_space<semaphore_mem>>)
      %dma_wait3A_10 = tpu.memref_slice %arg3[%mul3A_2] : memref<2048xi32, #tpu.memory_space<hbm>> -> memref<64xi32, #tpu.memory_space<hbm>>
      %dma_wait3A_11 = tpu.memref_slice %arg3[%mul3A_2] : memref<2048xi32, #tpu.memory_space<hbm>> -> memref<64xi32, #tpu.memory_space<hbm>>
      tpu.wait_dma2 semaphore(%run_scoped3A : memref<!tpu.dma_semaphore, #tpu.memory_space<semaphore_mem>>) src(%dma_wait3A_11 : memref<64xi32, #tpu.memory_space<hbm>>) dst(%arg5 : memref<64xi32, #tpu.memory_space<vmem>>)
      tpu.yield
    }) : () -> ()
    "tpu.region"() ({
      %run_scoped3A = tpu.sem_alloc : memref<!tpu.dma_semaphore, #tpu.memory_space<semaphore_mem>>
      %dma_start3A_8 = arith.constant 0 : i32
      %dma_start3A_9 = tpu.memref_slice %arg2[%rem3A_3, %dma_start3A_8] : memref<1024x512xf32, #tpu.memory_space<hbm>> -> memref<64x512xf32, #tpu.memory_space<hbm>>
      %dma_start3A_10 = arith.constant 0 : i32
      %dma_start3A_11 = tpu.memref_slice %arg2[%rem3A_3, %dma_start3A_10] : memref<1024x512xf32, #tpu.memory_space<hbm>> -> memref<64x512xf32, #tpu.memory_space<hbm>>
      tpu.enqueue_dma source(%dma_start3A_11 : memref<64x512xf32, #tpu.memory_space<hbm>>) target(%arg6 : memref<64x512xf32, #tpu.memory_space<vmem>>) target_semaphore(%run_scoped3A : memref<!tpu.dma_semaphore, #tpu.memory_space<semaphore_mem>>)
      %dma_wait3A_12 = arith.constant 0 : i32
      %dma_wait3A_13 = tpu.memref_slice %arg2[%rem3A_3, %dma_wait3A_12] : memref<1024x512xf32, #tpu.memory_space<hbm>> -> memref<64x512xf32, #tpu.memory_space<hbm>>
      %dma_wait3A_14 = arith.constant 0 : i32
      %dma_wait3A_15 = tpu.memref_slice %arg2[%rem3A_3, %dma_wait3A_14] : memref<1024x512xf32, #tpu.memory_space<hbm>> -> memref<64x512xf32, #tpu.memory_space<hbm>>
      tpu.wait_dma2 semaphore(%run_scoped3A : memref<!tpu.dma_semaphore, #tpu.memory_space<semaphore_mem>>) src(%dma_wait3A_15 : memref<64x512xf32, #tpu.memory_space<hbm>>) dst(%arg6 : memref<64x512xf32, #tpu.memory_space<vmem>>)
      tpu.yield
    }) : () -> ()
    %dma_start3A = arith.constant 0 : i32
    %dma_start3A_4 = arith.constant 0 : i32
    %dma_start3A_5 = tpu.memref_slice %arg4[%dma_start3A, %dma_start3A_4] : memref<5632x512xf32, #tpu.memory_space<hbm>> -> memref<5632x512xf32, #tpu.memory_space<hbm>>
    tpu.enqueue_indirect_dma source(%arg6 : memref<64x512xf32, #tpu.memory_space<vmem>>) target(%dma_start3A_5 : memref<5632x512xf32, #tpu.memory_space<hbm>>) offsets(%arg5 : memref<64xi32, #tpu.memory_space<vmem>>) semaphore(%arg7 : memref<!tpu.dma_semaphore, #tpu.memory_space<semaphore_mem>>)
    %dma_wait3A = arith.constant 0 : i32
    %dma_wait3A_6 = arith.constant 0 : i32
    %dma_wait3A_7 = tpu.memref_slice %arg4[%dma_wait3A, %dma_wait3A_6] : memref<5632x512xf32, #tpu.memory_space<hbm>> -> memref<5632x512xf32, #tpu.memory_space<hbm>>
    tpu.wait_indirect_dma semaphore(%arg7 : memref<!tpu.dma_semaphore, #tpu.memory_space<semaphore_mem>>) src(%arg6 : memref<64x512xf32, #tpu.memory_space<vmem>>) dst(%dma_wait3A_7 : memref<5632x512xf32, #tpu.memory_space<hbm>>)
    return
  }
}

#map = affine_map<(d0, d1) -> (0, 0)>
#map1 = affine_map<(d0, d1) -> (0)>
module attributes {stable_mosaic.version = 14 : i64} {
  func.func @body(%arg0: i32, %arg1: i32, %arg2: memref<1024x512xf32, #tpu.memory_space<hbm>>, %arg3: memref<2048xi32, #tpu.memory_space<hbm>>, %arg4: memref<5632x512xf32, #tpu.memory_space<hbm>>, %arg5: memref<64xi32, #tpu.memory_space<vmem>>, %arg6: memref<64x512xf32, #tpu.memory_space<vmem>>, %arg7: memref<!tpu.dma_semaphore, #tpu.memory_space<semaphore_mem>>) attributes {dimension_semantics = [#tpu.dimension_semantics<core_parallel>, #tpu.dimension_semantics<subcore_parallel>], iteration_bounds = array<i64: 2, 16>, scalar_prefetch = 0 : i64, scratch_operands = 3 : i64, tpu.core_type = #tpu.core_type<sc_vector_subcore>, window_params = [{transform_indices = #map}, {transform_indices = #map1}, {transform_indices = #map}]} {
    %mul3A = arith.constant 2 : i32
    %mul3A_0 = arith.muli %arg1, %mul3A : i32
    %add3A = arith.addi %mul3A_0, %arg0 : i32
    %mul3A_1 = arith.constant 64 : i32
    %mul3A_2 = arith.muli %add3A, %mul3A_1 : i32
    %rem3A = arith.constant 1024 : i32
    %rem3A_3 = arith.remsi %mul3A_2, %rem3A : i32
    "tpu.region"() ({
      %run_scoped3A = tpu.sem_alloc : memref<!tpu.dma_semaphore, #tpu.memory_space<semaphore_mem>>
      %dma_start3A_8 = tpu.memref_slice %arg3[%mul3A_2] : memref<2048xi32, #tpu.memory_space<hbm>> -> memref<64xi32, #tpu.memory_space<hbm>>
      %dma_start3A_9 = tpu.memref_slice %arg3[%mul3A_2] : memref<2048xi32, #tpu.memory_space<hbm>> -> memref<64xi32, #tpu.memory_space<hbm>>
      tpu.enqueue_dma source(%dma_start3A_9 : memref<64xi32, #tpu.memory_space<hbm>>) target(%arg5 : memref<64xi32, #tpu.memory_space<vmem>>) target_semaphore(%run_scoped3A : memref<!tpu.dma_semaphore, #tpu.memory_space<semaphore_mem>>)
      %dma_wait3A_10 = tpu.memref_slice %arg3[%mul3A_2] : memref<2048xi32, #tpu.memory_space<hbm>> -> memref<64xi32, #tpu.memory_space<hbm>>
      %dma_wait3A_11 = tpu.memref_slice %arg3[%mul3A_2] : memref<2048xi32, #tpu.memory_space<hbm>> -> memref<64xi32, #tpu.memory_space<hbm>>
      tpu.wait_dma2 semaphore(%run_scoped3A : memref<!tpu.dma_semaphore, #tpu.memory_space<semaphore_mem>>) src(%dma_wait3A_11 : memref<64xi32, #tpu.memory_space<hbm>>) dst(%arg5 : memref<64xi32, #tpu.memory_space<vmem>>)
      tpu.yield
    }) : () -> ()
    "tpu.region"() ({
      %run_scoped3A = tpu.sem_alloc : memref<!tpu.dma_semaphore, #tpu.memory_space<semaphore_mem>>
      %dma_start3A_8 = arith.constant 0 : i32
      %dma_start3A_9 = tpu.memref_slice %arg2[%rem3A_3, %dma_start3A_8] : memref<1024x512xf32, #tpu.memory_space<hbm>> -> memref<64x512xf32, #tpu.memory_space<hbm>>
      %dma_start3A_10 = arith.constant 0 : i32
      %dma_start3A_11 = tpu.memref_slice %arg2[%rem3A_3, %dma_start3A_10] : memref<1024x512xf32, #tpu.memory_space<hbm>> -> memref<64x512xf32, #tpu.memory_space<hbm>>
      tpu.enqueue_dma source(%dma_start3A_11 : memref<64x512xf32, #tpu.memory_space<hbm>>) target(%arg6 : memref<64x512xf32, #tpu.memory_space<vmem>>) target_semaphore(%run_scoped3A : memref<!tpu.dma_semaphore, #tpu.memory_space<semaphore_mem>>)
      %dma_wait3A_12 = arith.constant 0 : i32
      %dma_wait3A_13 = tpu.memref_slice %arg2[%rem3A_3, %dma_wait3A_12] : memref<1024x512xf32, #tpu.memory_space<hbm>> -> memref<64x512xf32, #tpu.memory_space<hbm>>
      %dma_wait3A_14 = arith.constant 0 : i32
      %dma_wait3A_15 = tpu.memref_slice %arg2[%rem3A_3, %dma_wait3A_14] : memref<1024x512xf32, #tpu.memory_space<hbm>> -> memref<64x512xf32, #tpu.memory_space<hbm>>
      tpu.wait_dma2 semaphore(%run_scoped3A : memref<!tpu.dma_semaphore, #tpu.memory_space<semaphore_mem>>) src(%dma_wait3A_15 : memref<64x512xf32, #tpu.memory_space<hbm>>) dst(%arg6 : memref<64x512xf32, #tpu.memory_space<vmem>>)
      tpu.yield
    }) : () -> ()
    %dma_start3A = arith.constant 0 : i32
    %dma_start3A_4 = arith.constant 0 : i32
    %dma_start3A_5 = tpu.memref_slice %arg4[%dma_start3A, %dma_start3A_4] : memref<5632x512xf32, #tpu.memory_space<hbm>> -> memref<5632x512xf32, #tpu.memory_space<hbm>>
    tpu.enqueue_indirect_dma source(%arg6 : memref<64x512xf32, #tpu.memory_space<vmem>>) target(%dma_start3A_5 : memref<5632x512xf32, #tpu.memory_space<hbm>>) offsets(%arg5 : memref<64xi32, #tpu.memory_space<vmem>>) semaphore(%arg7 : memref<!tpu.dma_semaphore, #tpu.memory_space<semaphore_mem>>)
    %dma_wait3A = arith.constant 0 : i32
    %dma_wait3A_6 = arith.constant 0 : i32
    %dma_wait3A_7 = tpu.memref_slice %arg4[%dma_wait3A, %dma_wait3A_6] : memref<5632x512xf32, #tpu.memory_space<hbm>> -> memref<5632x512xf32, #tpu.memory_space<hbm>>
    tpu.wait_indirect_dma semaphore(%arg7 : memref<!tpu.dma_semaphore, #tpu.memory_space<semaphore_mem>>) src(%arg6 : memref<64x512xf32, #tpu.memory_space<vmem>>) dst(%dma_wait3A_7 : memref<5632x512xf32, #tpu.memory_space<hbm>>)
    return
  }
}

#map = affine_map<(d0, d1) -> (0, 0)>
#map1 = affine_map<(d0, d1) -> (0)>
module attributes {stable_mosaic.version = 14 : i64} {
  func.func @body(%arg0: i32, %arg1: i32, %arg2: memref<5632x512xf32, #tpu.memory_space<hbm>>, %arg3: memref<2048xi32, #tpu.memory_space<hbm>>, %arg4: memref<2048x512xf32, #tpu.memory_space<hbm>>, %arg5: memref<64xi32, #tpu.memory_space<vmem>>, %arg6: memref<64x512xf32, #tpu.memory_space<vmem>>, %arg7: memref<!tpu.dma_semaphore, #tpu.memory_space<semaphore_mem>>) attributes {dimension_semantics = [#tpu.dimension_semantics<core_parallel>, #tpu.dimension_semantics<subcore_parallel>], iteration_bounds = array<i64: 2, 16>, scalar_prefetch = 0 : i64, scratch_operands = 3 : i64, tpu.core_type = #tpu.core_type<sc_vector_subcore>, window_params = [{transform_indices = #map}, {transform_indices = #map1}, {transform_indices = #map}]} {
    %mul3A = arith.constant 2 : i32
    %mul3A_0 = arith.muli %arg1, %mul3A : i32
    %add3A = arith.addi %mul3A_0, %arg0 : i32
    %mul3A_1 = arith.constant 64 : i32
    %mul3A_2 = arith.muli %add3A, %mul3A_1 : i32
    "tpu.region"() ({
      %run_scoped3A = tpu.sem_alloc : memref<!tpu.dma_semaphore, #tpu.memory_space<semaphore_mem>>
      %dma_start3A_7 = tpu.memref_slice %arg3[%mul3A_2] : memref<2048xi32, #tpu.memory_space<hbm>> -> memref<64xi32, #tpu.memory_space<hbm>>
      %dma_start3A_8 = tpu.memref_slice %arg3[%mul3A_2] : memref<2048xi32, #tpu.memory_space<hbm>> -> memref<64xi32, #tpu.memory_space<hbm>>
      tpu.enqueue_dma source(%dma_start3A_8 : memref<64xi32, #tpu.memory_space<hbm>>) target(%arg5 : memref<64xi32, #tpu.memory_space<vmem>>) target_semaphore(%run_scoped3A : memref<!tpu.dma_semaphore, #tpu.memory_space<semaphore_mem>>)
      %dma_wait3A_9 = tpu.memref_slice %arg3[%mul3A_2] : memref<2048xi32, #tpu.memory_space<hbm>> -> memref<64xi32, #tpu.memory_space<hbm>>
      %dma_wait3A_10 = tpu.memref_slice %arg3[%mul3A_2] : memref<2048xi32, #tpu.memory_space<hbm>> -> memref<64xi32, #tpu.memory_space<hbm>>
      tpu.wait_dma2 semaphore(%run_scoped3A : memref<!tpu.dma_semaphore, #tpu.memory_space<semaphore_mem>>) src(%dma_wait3A_10 : memref<64xi32, #tpu.memory_space<hbm>>) dst(%arg5 : memref<64xi32, #tpu.memory_space<vmem>>)
      tpu.yield
    }) : () -> ()
    %dma_start3A = arith.constant 0 : i32
    %dma_start3A_3 = arith.constant 0 : i32
    %dma_start3A_4 = tpu.memref_slice %arg2[%dma_start3A, %dma_start3A_3] : memref<5632x512xf32, #tpu.memory_space<hbm>> -> memref<5632x512xf32, #tpu.memory_space<hbm>>
    tpu.enqueue_indirect_dma source(%dma_start3A_4 : memref<5632x512xf32, #tpu.memory_space<hbm>>) target(%arg6 : memref<64x512xf32, #tpu.memory_space<vmem>>) offsets(%arg5 : memref<64xi32, #tpu.memory_space<vmem>>) semaphore(%arg7 : memref<!tpu.dma_semaphore, #tpu.memory_space<semaphore_mem>>)
    %dma_wait3A = arith.constant 0 : i32
    %dma_wait3A_5 = arith.constant 0 : i32
    %dma_wait3A_6 = tpu.memref_slice %arg2[%dma_wait3A, %dma_wait3A_5] : memref<5632x512xf32, #tpu.memory_space<hbm>> -> memref<5632x512xf32, #tpu.memory_space<hbm>>
    tpu.wait_indirect_dma semaphore(%arg7 : memref<!tpu.dma_semaphore, #tpu.memory_space<semaphore_mem>>) src(%dma_wait3A_6 : memref<5632x512xf32, #tpu.memory_space<hbm>>) dst(%arg6 : memref<64x512xf32, #tpu.memory_space<vmem>>)
    "tpu.region"() ({
      %run_scoped3A = tpu.sem_alloc : memref<!tpu.dma_semaphore, #tpu.memory_space<semaphore_mem>>
      %dma_start3A_7 = arith.constant 0 : i32
      %dma_start3A_8 = tpu.memref_slice %arg4[%mul3A_2, %dma_start3A_7] : memref<2048x512xf32, #tpu.memory_space<hbm>> -> memref<64x512xf32, #tpu.memory_space<hbm>>
      %dma_start3A_9 = arith.constant 0 : i32
      %dma_start3A_10 = tpu.memref_slice %arg4[%mul3A_2, %dma_start3A_9] : memref<2048x512xf32, #tpu.memory_space<hbm>> -> memref<64x512xf32, #tpu.memory_space<hbm>>
      tpu.enqueue_dma source(%arg6 : memref<64x512xf32, #tpu.memory_space<vmem>>) target(%dma_start3A_10 : memref<64x512xf32, #tpu.memory_space<hbm>>) target_semaphore(%run_scoped3A : memref<!tpu.dma_semaphore, #tpu.memory_space<semaphore_mem>>)
      %dma_wait3A_11 = arith.constant 0 : i32
      %dma_wait3A_12 = tpu.memref_slice %arg4[%mul3A_2, %dma_wait3A_11] : memref<2048x512xf32, #tpu.memory_space<hbm>> -> memref<64x512xf32, #tpu.memory_space<hbm>>
      %dma_wait3A_13 = arith.constant 0 : i32
      %dma_wait3A_14 = tpu.memref_slice %arg4[%mul3A_2, %dma_wait3A_13] : memref<2048x512xf32, #tpu.memory_space<hbm>> -> memref<64x512xf32, #tpu.memory_space<hbm>>
      tpu.wait_dma2 semaphore(%run_scoped3A : memref<!tpu.dma_semaphore, #tpu.memory_space<semaphore_mem>>) src(%arg6 : memref<64x512xf32, #tpu.memory_space<vmem>>) dst(%dma_wait3A_14 : memref<64x512xf32, #tpu.memory_space<hbm>>)
      tpu.yield
    }) : () -> ()
    return
  }
}

#map = affine_map<(d0, d1) -> (0, 0)>
#map1 = affine_map<(d0, d1) -> (0)>
module attributes {stable_mosaic.version = 14 : i64} {
  func.func @body(%arg0: i32, %arg1: i32, %arg2: memref<1024x512xf32, #tpu.memory_space<hbm>>, %arg3: memref<2048xi32, #tpu.memory_space<hbm>>, %arg4: memref<5632x512xf32, #tpu.memory_space<hbm>>, %arg5: memref<64xi32, #tpu.memory_space<vmem>>, %arg6: memref<64x512xf32, #tpu.memory_space<vmem>>, %arg7: memref<!tpu.dma_semaphore, #tpu.memory_space<semaphore_mem>>) attributes {dimension_semantics = [#tpu.dimension_semantics<core_parallel>, #tpu.dimension_semantics<subcore_parallel>], iteration_bounds = array<i64: 2, 16>, scalar_prefetch = 0 : i64, scratch_operands = 3 : i64, tpu.core_type = #tpu.core_type<sc_vector_subcore>, window_params = [{transform_indices = #map}, {transform_indices = #map1}, {transform_indices = #map}]} {
    %mul3A = arith.constant 2 : i32
    %mul3A_0 = arith.muli %arg1, %mul3A : i32
    %add3A = arith.addi %mul3A_0, %arg0 : i32
    %mul3A_1 = arith.constant 64 : i32
    %mul3A_2 = arith.muli %add3A, %mul3A_1 : i32
    %rem3A = arith.constant 1024 : i32
    %rem3A_3 = arith.remsi %mul3A_2, %rem3A : i32
    "tpu.region"() ({
      %run_scoped3A = tpu.sem_alloc : memref<!tpu.dma_semaphore, #tpu.memory_space<semaphore_mem>>
      %dma_start3A_8 = tpu.memref_slice %arg3[%mul3A_2] : memref<2048xi32, #tpu.memory_space<hbm>> -> memref<64xi32, #tpu.memory_space<hbm>>
      %dma_start3A_9 = tpu.memref_slice %arg3[%mul3A_2] : memref<2048xi32, #tpu.memory_space<hbm>> -> memref<64xi32, #tpu.memory_space<hbm>>
      tpu.enqueue_dma source(%dma_start3A_9 : memref<64xi32, #tpu.memory_space<hbm>>) target(%arg5 : memref<64xi32, #tpu.memory_space<vmem>>) target_semaphore(%run_scoped3A : memref<!tpu.dma_semaphore, #tpu.memory_space<semaphore_mem>>)
      %dma_wait3A_10 = tpu.memref_slice %arg3[%mul3A_2] : memref<2048xi32, #tpu.memory_space<hbm>> -> memref<64xi32, #tpu.memory_space<hbm>>
      %dma_wait3A_11 = tpu.memref_slice %arg3[%mul3A_2] : memref<2048xi32, #tpu.memory_space<hbm>> -> memref<64xi32, #tpu.memory_space<hbm>>
      tpu.wait_dma2 semaphore(%run_scoped3A : memref<!tpu.dma_semaphore, #tpu.memory_space<semaphore_mem>>) src(%dma_wait3A_11 : memref<64xi32, #tpu.memory_space<hbm>>) dst(%arg5 : memref<64xi32, #tpu.memory_space<vmem>>)
      tpu.yield
    }) : () -> ()
    "tpu.region"() ({
      %run_scoped3A = tpu.sem_alloc : memref<!tpu.dma_semaphore, #tpu.memory_space<semaphore_mem>>
      %dma_start3A_8 = arith.constant 0 : i32
      %dma_start3A_9 = tpu.memref_slice %arg2[%rem3A_3, %dma_start3A_8] : memref<1024x512xf32, #tpu.memory_space<hbm>> -> memref<64x512xf32, #tpu.memory_space<hbm>>
      %dma_start3A_10 = arith.constant 0 : i32
      %dma_start3A_11 = tpu.memref_slice %arg2[%rem3A_3, %dma_start3A_10] : memref<1024x512xf32, #tpu.memory_space<hbm>> -> memref<64x512xf32, #tpu.memory_space<hbm>>
      tpu.enqueue_dma source(%dma_start3A_11 : memref<64x512xf32, #tpu.memory_space<hbm>>) target(%arg6 : memref<64x512xf32, #tpu.memory_space<vmem>>) target_semaphore(%run_scoped3A : memref<!tpu.dma_semaphore, #tpu.memory_space<semaphore_mem>>)
      %dma_wait3A_12 = arith.constant 0 : i32
      %dma_wait3A_13 = tpu.memref_slice %arg2[%rem3A_3, %dma_wait3A_12] : memref<1024x512xf32, #tpu.memory_space<hbm>> -> memref<64x512xf32, #tpu.memory_space<hbm>>
      %dma_wait3A_14 = arith.constant 0 : i32
      %dma_wait3A_15 = tpu.memref_slice %arg2[%rem3A_3, %dma_wait3A_14] : memref<1024x512xf32, #tpu.memory_space<hbm>> -> memref<64x512xf32, #tpu.memory_space<hbm>>
      tpu.wait_dma2 semaphore(%run_scoped3A : memref<!tpu.dma_semaphore, #tpu.memory_space<semaphore_mem>>) src(%dma_wait3A_15 : memref<64x512xf32, #tpu.memory_space<hbm>>) dst(%arg6 : memref<64x512xf32, #tpu.memory_space<vmem>>)
      tpu.yield
    }) : () -> ()
    %dma_start3A = arith.constant 0 : i32
    %dma_start3A_4 = arith.constant 0 : i32
    %dma_start3A_5 = tpu.memref_slice %arg4[%dma_start3A, %dma_start3A_4] : memref<5632x512xf32, #tpu.memory_space<hbm>> -> memref<5632x512xf32, #tpu.memory_space<hbm>>
    tpu.enqueue_indirect_dma source(%arg6 : memref<64x512xf32, #tpu.memory_space<vmem>>) target(%dma_start3A_5 : memref<5632x512xf32, #tpu.memory_space<hbm>>) offsets(%arg5 : memref<64xi32, #tpu.memory_space<vmem>>) semaphore(%arg7 : memref<!tpu.dma_semaphore, #tpu.memory_space<semaphore_mem>>)
    %dma_wait3A = arith.constant 0 : i32
    %dma_wait3A_6 = arith.constant 0 : i32
    %dma_wait3A_7 = tpu.memref_slice %arg4[%dma_wait3A, %dma_wait3A_6] : memref<5632x512xf32, #tpu.memory_space<hbm>> -> memref<5632x512xf32, #tpu.memory_space<hbm>>
    tpu.wait_indirect_dma semaphore(%arg7 : memref<!tpu.dma_semaphore, #tpu.memory_space<semaphore_mem>>) src(%arg6 : memref<64x512xf32, #tpu.memory_space<vmem>>) dst(%dma_wait3A_7 : memref<5632x512xf32, #tpu.memory_space<hbm>>)
    return
  }
}

#map = affine_map<(d0, d1) -> (0, 0)>
#map1 = affine_map<(d0, d1) -> (0)>
module attributes {stable_mosaic.version = 14 : i64} {
  func.func @body(%arg0: i32, %arg1: i32, %arg2: memref<5632x512xf32, #tpu.memory_space<hbm>>, %arg3: memref<2048xi32, #tpu.memory_space<hbm>>, %arg4: memref<2048x512xf32, #tpu.memory_space<hbm>>, %arg5: memref<64xi32, #tpu.memory_space<vmem>>, %arg6: memref<64x512xf32, #tpu.memory_space<vmem>>, %arg7: memref<!tpu.dma_semaphore, #tpu.memory_space<semaphore_mem>>) attributes {dimension_semantics = [#tpu.dimension_semantics<core_parallel>, #tpu.dimension_semantics<subcore_parallel>], iteration_bounds = array<i64: 2, 16>, scalar_prefetch = 0 : i64, scratch_operands = 3 : i64, tpu.core_type = #tpu.core_type<sc_vector_subcore>, window_params = [{transform_indices = #map}, {transform_indices = #map1}, {transform_indices = #map}]} {
    %mul3A = arith.constant 2 : i32
    %mul3A_0 = arith.muli %arg1, %mul3A : i32
    %add3A = arith.addi %mul3A_0, %arg0 : i32
    %mul3A_1 = arith.constant 64 : i32
    %mul3A_2 = arith.muli %add3A, %mul3A_1 : i32
    "tpu.region"() ({
      %run_scoped3A = tpu.sem_alloc : memref<!tpu.dma_semaphore, #tpu.memory_space<semaphore_mem>>
      %dma_start3A_7 = tpu.memref_slice %arg3[%mul3A_2] : memref<2048xi32, #tpu.memory_space<hbm>> -> memref<64xi32, #tpu.memory_space<hbm>>
      %dma_start3A_8 = tpu.memref_slice %arg3[%mul3A_2] : memref<2048xi32, #tpu.memory_space<hbm>> -> memref<64xi32, #tpu.memory_space<hbm>>
      tpu.enqueue_dma source(%dma_start3A_8 : memref<64xi32, #tpu.memory_space<hbm>>) target(%arg5 : memref<64xi32, #tpu.memory_space<vmem>>) target_semaphore(%run_scoped3A : memref<!tpu.dma_semaphore, #tpu.memory_space<semaphore_mem>>)
      %dma_wait3A_9 = tpu.memref_slice %arg3[%mul3A_2] : memref<2048xi32, #tpu.memory_space<hbm>> -> memref<64xi32, #tpu.memory_space<hbm>>
      %dma_wait3A_10 = tpu.memref_slice %arg3[%mul3A_2] : memref<2048xi32, #tpu.memory_space<hbm>> -> memref<64xi32, #tpu.memory_space<hbm>>
      tpu.wait_dma2 semaphore(%run_scoped3A : memref<!tpu.dma_semaphore, #tpu.memory_space<semaphore_mem>>) src(%dma_wait3A_10 : memref<64xi32, #tpu.memory_space<hbm>>) dst(%arg5 : memref<64xi32, #tpu.memory_space<vmem>>)
      tpu.yield
    }) : () -> ()
    %dma_start3A = arith.constant 0 : i32
    %dma_start3A_3 = arith.constant 0 : i32
    %dma_start3A_4 = tpu.memref_slice %arg2[%dma_start3A, %dma_start3A_3] : memref<5632x512xf32, #tpu.memory_space<hbm>> -> memref<5632x512xf32, #tpu.memory_space<hbm>>
    tpu.enqueue_indirect_dma source(%dma_start3A_4 : memref<5632x512xf32, #tpu.memory_space<hbm>>) target(%arg6 : memref<64x512xf32, #tpu.memory_space<vmem>>) offsets(%arg5 : memref<64xi32, #tpu.memory_space<vmem>>) semaphore(%arg7 : memref<!tpu.dma_semaphore, #tpu.memory_space<semaphore_mem>>)
    %dma_wait3A = arith.constant 0 : i32
    %dma_wait3A_5 = arith.constant 0 : i32
    %dma_wait3A_6 = tpu.memref_slice %arg2[%dma_wait3A, %dma_wait3A_5] : memref<5632x512xf32, #tpu.memory_space<hbm>> -> memref<5632x512xf32, #tpu.memory_space<hbm>>
    tpu.wait_indirect_dma semaphore(%arg7 : memref<!tpu.dma_semaphore, #tpu.memory_space<semaphore_mem>>) src(%dma_wait3A_6 : memref<5632x512xf32, #tpu.memory_space<hbm>>) dst(%arg6 : memref<64x512xf32, #tpu.memory_space<vmem>>)
    "tpu.region"() ({
      %run_scoped3A = tpu.sem_alloc : memref<!tpu.dma_semaphore, #tpu.memory_space<semaphore_mem>>
      %dma_start3A_7 = arith.constant 0 : i32
      %dma_start3A_8 = tpu.memref_slice %arg4[%mul3A_2, %dma_start3A_7] : memref<2048x512xf32, #tpu.memory_space<hbm>> -> memref<64x512xf32, #tpu.memory_space<hbm>>
      %dma_start3A_9 = arith.constant 0 : i32
      %dma_start3A_10 = tpu.memref_slice %arg4[%mul3A_2, %dma_start3A_9] : memref<2048x512xf32, #tpu.memory_space<hbm>> -> memref<64x512xf32, #tpu.memory_space<hbm>>
      tpu.enqueue_dma source(%arg6 : memref<64x512xf32, #tpu.memory_space<vmem>>) target(%dma_start3A_10 : memref<64x512xf32, #tpu.memory_space<hbm>>) target_semaphore(%run_scoped3A : memref<!tpu.dma_semaphore, #tpu.memory_space<semaphore_mem>>)
      %dma_wait3A_11 = arith.constant 0 : i32
      %dma_wait3A_12 = tpu.memref_slice %arg4[%mul3A_2, %dma_wait3A_11] : memref<2048x512xf32, #tpu.memory_space<hbm>> -> memref<64x512xf32, #tpu.memory_space<hbm>>
      %dma_wait3A_13 = arith.constant 0 : i32
      %dma_wait3A_14 = tpu.memref_slice %arg4[%mul3A_2, %dma_wait3A_13] : memref<2048x512xf32, #tpu.memory_space<hbm>> -> memref<64x512xf32, #tpu.memory_space<hbm>>
      tpu.wait_dma2 semaphore(%run_scoped3A : memref<!tpu.dma_semaphore, #tpu.memory_space<semaphore_mem>>) src(%arg6 : memref<64x512xf32, #tpu.memory_space<vmem>>) dst(%dma_wait3A_14 : memref<64x512xf32, #tpu.memory_space<hbm>>)
      tpu.yield
    }) : () -> ()
    return
  }
}

#map = affine_map<(d0, d1) -> (0, 0)>
#map1 = affine_map<(d0, d1) -> (0)>
module attributes {stable_mosaic.version = 14 : i64} {
  func.func @body(%arg0: i32, %arg1: i32, %arg2: memref<1024x512xf32, #tpu.memory_space<hbm>>, %arg3: memref<2048xi32, #tpu.memory_space<hbm>>, %arg4: memref<5632x512xf32, #tpu.memory_space<hbm>>, %arg5: memref<64xi32, #tpu.memory_space<vmem>>, %arg6: memref<64x512xf32, #tpu.memory_space<vmem>>, %arg7: memref<!tpu.dma_semaphore, #tpu.memory_space<semaphore_mem>>) attributes {dimension_semantics = [#tpu.dimension_semantics<core_parallel>, #tpu.dimension_semantics<subcore_parallel>], iteration_bounds = array<i64: 2, 16>, scalar_prefetch = 0 : i64, scratch_operands = 3 : i64, tpu.core_type = #tpu.core_type<sc_vector_subcore>, window_params = [{transform_indices = #map}, {transform_indices = #map1}, {transform_indices = #map}]} {
    %mul3A = arith.constant 2 : i32
    %mul3A_0 = arith.muli %arg1, %mul3A : i32
    %add3A = arith.addi %mul3A_0, %arg0 : i32
    %mul3A_1 = arith.constant 64 : i32
    %mul3A_2 = arith.muli %add3A, %mul3A_1 : i32
    %rem3A = arith.constant 1024 : i32
    %rem3A_3 = arith.remsi %mul3A_2, %rem3A : i32
    "tpu.region"() ({
      %run_scoped3A = tpu.sem_alloc : memref<!tpu.dma_semaphore, #tpu.memory_space<semaphore_mem>>
      %dma_start3A_8 = tpu.memref_slice %arg3[%mul3A_2] : memref<2048xi32, #tpu.memory_space<hbm>> -> memref<64xi32, #tpu.memory_space<hbm>>
      %dma_start3A_9 = tpu.memref_slice %arg3[%mul3A_2] : memref<2048xi32, #tpu.memory_space<hbm>> -> memref<64xi32, #tpu.memory_space<hbm>>
      tpu.enqueue_dma source(%dma_start3A_9 : memref<64xi32, #tpu.memory_space<hbm>>) target(%arg5 : memref<64xi32, #tpu.memory_space<vmem>>) target_semaphore(%run_scoped3A : memref<!tpu.dma_semaphore, #tpu.memory_space<semaphore_mem>>)
      %dma_wait3A_10 = tpu.memref_slice %arg3[%mul3A_2] : memref<2048xi32, #tpu.memory_space<hbm>> -> memref<64xi32, #tpu.memory_space<hbm>>
      %dma_wait3A_11 = tpu.memref_slice %arg3[%mul3A_2] : memref<2048xi32, #tpu.memory_space<hbm>> -> memref<64xi32, #tpu.memory_space<hbm>>
      tpu.wait_dma2 semaphore(%run_scoped3A : memref<!tpu.dma_semaphore, #tpu.memory_space<semaphore_mem>>) src(%dma_wait3A_11 : memref<64xi32, #tpu.memory_space<hbm>>) dst(%arg5 : memref<64xi32, #tpu.memory_space<vmem>>)
      tpu.yield
    }) : () -> ()
    "tpu.region"() ({
      %run_scoped3A = tpu.sem_alloc : memref<!tpu.dma_semaphore, #tpu.memory_space<semaphore_mem>>
      %dma_start3A_8 = arith.constant 0 : i32
      %dma_start3A_9 = tpu.memref_slice %arg2[%rem3A_3, %dma_start3A_8] : memref<1024x512xf32, #tpu.memory_space<hbm>> -> memref<64x512xf32, #tpu.memory_space<hbm>>
      %dma_start3A_10 = arith.constant 0 : i32
      %dma_start3A_11 = tpu.memref_slice %arg2[%rem3A_3, %dma_start3A_10] : memref<1024x512xf32, #tpu.memory_space<hbm>> -> memref<64x512xf32, #tpu.memory_space<hbm>>
      tpu.enqueue_dma source(%dma_start3A_11 : memref<64x512xf32, #tpu.memory_space<hbm>>) target(%arg6 : memref<64x512xf32, #tpu.memory_space<vmem>>) target_semaphore(%run_scoped3A : memref<!tpu.dma_semaphore, #tpu.memory_space<semaphore_mem>>)
      %dma_wait3A_12 = arith.constant 0 : i32
      %dma_wait3A_13 = tpu.memref_slice %arg2[%rem3A_3, %dma_wait3A_12] : memref<1024x512xf32, #tpu.memory_space<hbm>> -> memref<64x512xf32, #tpu.memory_space<hbm>>
      %dma_wait3A_14 = arith.constant 0 : i32
      %dma_wait3A_15 = tpu.memref_slice %arg2[%rem3A_3, %dma_wait3A_14] : memref<1024x512xf32, #tpu.memory_space<hbm>> -> memref<64x512xf32, #tpu.memory_space<hbm>>
      tpu.wait_dma2 semaphore(%run_scoped3A : memref<!tpu.dma_semaphore, #tpu.memory_space<semaphore_mem>>) src(%dma_wait3A_15 : memref<64x512xf32, #tpu.memory_space<hbm>>) dst(%arg6 : memref<64x512xf32, #tpu.memory_space<vmem>>)
      tpu.yield
    }) : () -> ()
    %dma_start3A = arith.constant 0 : i32
    %dma_start3A_4 = arith.constant 0 : i32
    %dma_start3A_5 = tpu.memref_slice %arg4[%dma_start3A, %dma_start3A_4] : memref<5632x512xf32, #tpu.memory_space<hbm>> -> memref<5632x512xf32, #tpu.memory_space<hbm>>
    tpu.enqueue_indirect_dma source(%arg6 : memref<64x512xf32, #tpu.memory_space<vmem>>) target(%dma_start3A_5 : memref<5632x512xf32, #tpu.memory_space<hbm>>) offsets(%arg5 : memref<64xi32, #tpu.memory_space<vmem>>) semaphore(%arg7 : memref<!tpu.dma_semaphore, #tpu.memory_space<semaphore_mem>>)
    %dma_wait3A = arith.constant 0 : i32
    %dma_wait3A_6 = arith.constant 0 : i32
    %dma_wait3A_7 = tpu.memref_slice %arg4[%dma_wait3A, %dma_wait3A_6] : memref<5632x512xf32, #tpu.memory_space<hbm>> -> memref<5632x512xf32, #tpu.memory_space<hbm>>
    tpu.wait_indirect_dma semaphore(%arg7 : memref<!tpu.dma_semaphore, #tpu.memory_space<semaphore_mem>>) src(%arg6 : memref<64x512xf32, #tpu.memory_space<vmem>>) dst(%dma_wait3A_7 : memref<5632x512xf32, #tpu.memory_space<hbm>>)
    return
  }
}

#map = affine_map<(d0, d1) -> (0, 0)>
#map1 = affine_map<(d0, d1) -> (0)>
module attributes {stable_mosaic.version = 14 : i64} {
  func.func @body(%arg0: i32, %arg1: i32, %arg2: memref<5632x512xf32, #tpu.memory_space<hbm>>, %arg3: memref<2048xi32, #tpu.memory_space<hbm>>, %arg4: memref<2048x512xf32, #tpu.memory_space<hbm>>, %arg5: memref<64xi32, #tpu.memory_space<vmem>>, %arg6: memref<64x512xf32, #tpu.memory_space<vmem>>, %arg7: memref<!tpu.dma_semaphore, #tpu.memory_space<semaphore_mem>>) attributes {dimension_semantics = [#tpu.dimension_semantics<core_parallel>, #tpu.dimension_semantics<subcore_parallel>], iteration_bounds = array<i64: 2, 16>, scalar_prefetch = 0 : i64, scratch_operands = 3 : i64, tpu.core_type = #tpu.core_type<sc_vector_subcore>, window_params = [{transform_indices = #map}, {transform_indices = #map1}, {transform_indices = #map}]} {
    %mul3A = arith.constant 2 : i32
    %mul3A_0 = arith.muli %arg1, %mul3A : i32
    %add3A = arith.addi %mul3A_0, %arg0 : i32
    %mul3A_1 = arith.constant 64 : i32
    %mul3A_2 = arith.muli %add3A, %mul3A_1 : i32
    "tpu.region"() ({
      %run_scoped3A = tpu.sem_alloc : memref<!tpu.dma_semaphore, #tpu.memory_space<semaphore_mem>>
      %dma_start3A_7 = tpu.memref_slice %arg3[%mul3A_2] : memref<2048xi32, #tpu.memory_space<hbm>> -> memref<64xi32, #tpu.memory_space<hbm>>
      %dma_start3A_8 = tpu.memref_slice %arg3[%mul3A_2] : memref<2048xi32, #tpu.memory_space<hbm>> -> memref<64xi32, #tpu.memory_space<hbm>>
      tpu.enqueue_dma source(%dma_start3A_8 : memref<64xi32, #tpu.memory_space<hbm>>) target(%arg5 : memref<64xi32, #tpu.memory_space<vmem>>) target_semaphore(%run_scoped3A : memref<!tpu.dma_semaphore, #tpu.memory_space<semaphore_mem>>)
      %dma_wait3A_9 = tpu.memref_slice %arg3[%mul3A_2] : memref<2048xi32, #tpu.memory_space<hbm>> -> memref<64xi32, #tpu.memory_space<hbm>>
      %dma_wait3A_10 = tpu.memref_slice %arg3[%mul3A_2] : memref<2048xi32, #tpu.memory_space<hbm>> -> memref<64xi32, #tpu.memory_space<hbm>>
      tpu.wait_dma2 semaphore(%run_scoped3A : memref<!tpu.dma_semaphore, #tpu.memory_space<semaphore_mem>>) src(%dma_wait3A_10 : memref<64xi32, #tpu.memory_space<hbm>>) dst(%arg5 : memref<64xi32, #tpu.memory_space<vmem>>)
      tpu.yield
    }) : () -> ()
    %dma_start3A = arith.constant 0 : i32
    %dma_start3A_3 = arith.constant 0 : i32
    %dma_start3A_4 = tpu.memref_slice %arg2[%dma_start3A, %dma_start3A_3] : memref<5632x512xf32, #tpu.memory_space<hbm>> -> memref<5632x512xf32, #tpu.memory_space<hbm>>
    tpu.enqueue_indirect_dma source(%dma_start3A_4 : memref<5632x512xf32, #tpu.memory_space<hbm>>) target(%arg6 : memref<64x512xf32, #tpu.memory_space<vmem>>) offsets(%arg5 : memref<64xi32, #tpu.memory_space<vmem>>) semaphore(%arg7 : memref<!tpu.dma_semaphore, #tpu.memory_space<semaphore_mem>>)
    %dma_wait3A = arith.constant 0 : i32
    %dma_wait3A_5 = arith.constant 0 : i32
    %dma_wait3A_6 = tpu.memref_slice %arg2[%dma_wait3A, %dma_wait3A_5] : memref<5632x512xf32, #tpu.memory_space<hbm>> -> memref<5632x512xf32, #tpu.memory_space<hbm>>
    tpu.wait_indirect_dma semaphore(%arg7 : memref<!tpu.dma_semaphore, #tpu.memory_space<semaphore_mem>>) src(%dma_wait3A_6 : memref<5632x512xf32, #tpu.memory_space<hbm>>) dst(%arg6 : memref<64x512xf32, #tpu.memory_space<vmem>>)
    "tpu.region"() ({
      %run_scoped3A = tpu.sem_alloc : memref<!tpu.dma_semaphore, #tpu.memory_space<semaphore_mem>>
      %dma_start3A_7 = arith.constant 0 : i32
      %dma_start3A_8 = tpu.memref_slice %arg4[%mul3A_2, %dma_start3A_7] : memref<2048x512xf32, #tpu.memory_space<hbm>> -> memref<64x512xf32, #tpu.memory_space<hbm>>
      %dma_start3A_9 = arith.constant 0 : i32
      %dma_start3A_10 = tpu.memref_slice %arg4[%mul3A_2, %dma_start3A_9] : memref<2048x512xf32, #tpu.memory_space<hbm>> -> memref<64x512xf32, #tpu.memory_space<hbm>>
      tpu.enqueue_dma source(%arg6 : memref<64x512xf32, #tpu.memory_space<vmem>>) target(%dma_start3A_10 : memref<64x512xf32, #tpu.memory_space<hbm>>) target_semaphore(%run_scoped3A : memref<!tpu.dma_semaphore, #tpu.memory_space<semaphore_mem>>)
      %dma_wait3A_11 = arith.constant 0 : i32
      %dma_wait3A_12 = tpu.memref_slice %arg4[%mul3A_2, %dma_wait3A_11] : memref<2048x512xf32, #tpu.memory_space<hbm>> -> memref<64x512xf32, #tpu.memory_space<hbm>>
      %dma_wait3A_13 = arith.constant 0 : i32
      %dma_wait3A_14 = tpu.memref_slice %arg4[%mul3A_2, %dma_wait3A_13] : memref<2048x512xf32, #tpu.memory_space<hbm>> -> memref<64x512xf32, #tpu.memory_space<hbm>>
      tpu.wait_dma2 semaphore(%run_scoped3A : memref<!tpu.dma_semaphore, #tpu.memory_space<semaphore_mem>>) src(%arg6 : memref<64x512xf32, #tpu.memory_space<vmem>>) dst(%dma_wait3A_14 : memref<64x512xf32, #tpu.memory_space<hbm>>)
      tpu.yield
    }) : () -> ()
    return
  }
}

module attributes {stable_mosaic.version = 14 : i64} {
  func.func @_pre0_kernel(%arg0: memref<1024x128xf32, #tpu.memory_space<vmem>>, %arg1: memref<1024x256xf32, #tpu.memory_space<vmem>>, %arg2: memref<1x1xf32, #tpu.memory_space<vmem>>, %arg3: memref<1x256xf32, #tpu.memory_space<vmem>>, %arg4: memref<128x1024xf32, #tpu.memory_space<vmem>>, %arg5: memref<1x1024xf32, #tpu.memory_space<vmem>>, %arg6: memref<256x1024xf32, #tpu.memory_space<vmem>>, %arg7: memref<1x1024xf32, #tpu.memory_space<vmem>>, %arg8: memref<512x2048xf32, #tpu.memory_space<vmem>>, %arg9: memref<1x2048xf32, #tpu.memory_space<vmem>>, %arg10: memref<2048x1024xf32, #tpu.memory_space<vmem>>, %arg11: memref<1x1024xf32, #tpu.memory_space<vmem>>, %arg12: memref<1x512xf32, #tpu.memory_space<vmem>>, %arg13: memref<1x512xf32, #tpu.memory_space<vmem>>, %arg14: memref<31x512xf32, #tpu.memory_space<vmem>>, %arg15: memref<1x512xf32, #tpu.memory_space<vmem>>, %arg16: memref<512x512xf32, #tpu.memory_space<vmem>>, %arg17: memref<1x512xf32, #tpu.memory_space<vmem>>, %arg18: memref<512x8xf32, #tpu.memory_space<vmem>>, %arg19: memref<1x8xf32, #tpu.memory_space<vmem>>, %arg20: memref<1024x512xf32, #tpu.memory_space<vmem>>, %arg21: memref<1024x512xf32, #tpu.memory_space<vmem>>, %arg22: memref<1x512xf32, #tpu.memory_space<vmem>>, %arg23: memref<1024x512xf32, #tpu.memory_space<vmem>>, %arg24: memref<2048x1xi32, #tpu.memory_space<vmem>>, %arg25: memref<33x1xi32, #tpu.memory_space<vmem>>, %arg26: memref<1024x8xf32, #tpu.memory_space<vmem>>) attributes {dimension_semantics = [], scalar_prefetch = 0 : i64, scratch_operands = 0 : i64, tpu.core_type = #tpu.core_type<tc>} {
    %get3A = arith.constant 0 : index
    %get3A_0 = arith.constant 0 : index
    %get3A_1 = vector.load %arg0[%get3A, %get3A_0] : memref<1024x128xf32, #tpu.memory_space<vmem>>, vector<1024x128xf32>
    %get3A_2 = arith.constant 0 : index
    %get3A_3 = arith.constant 0 : index
    %get3A_4 = vector.load %arg4[%get3A_2, %get3A_3] : memref<128x1024xf32, #tpu.memory_space<vmem>>, vector<128x1024xf32>
    %dot_general3A = arith.constant dense<0.000000e+00> : vector<1024x1024xf32>
    %dot_general3A_5 = tpu.matmul %get3A_1, %get3A_4, %dot_general3A {dimension_numbers = #tpu.dot_dimension_numbers<[1], [0], [0], [1], [0, 0, 1, 1], [], []>, transpose_lhs_hint = false} : vector<1024x128xf32>, vector<128x1024xf32>, vector<1024x1024xf32> -> vector<1024x1024xf32>
    %get3A_6 = arith.constant 0 : index
    %get3A_7 = arith.constant 0 : index
    %get3A_8 = vector.load %arg5[%get3A_6, %get3A_7] : memref<1x1024xf32, #tpu.memory_space<vmem>>, vector<1x1024xf32>
    %add3A = vector.broadcast %get3A_8 : vector<1x1024xf32> to vector<1024x1024xf32>
    %add3A_9 = arith.addf %dot_general3A_5, %add3A : vector<1024x1024xf32>
    %get3A_10 = arith.constant 0 : index
    %get3A_11 = arith.constant 0 : index
    %get3A_12 = vector.load %arg1[%get3A_10, %get3A_11] : memref<1024x256xf32, #tpu.memory_space<vmem>>, vector<1024x256xf32>
    %get3A_13 = arith.constant 0 : index
    %get3A_14 = arith.constant 0 : index
    %get3A_15 = vector.load %arg6[%get3A_13, %get3A_14] : memref<256x1024xf32, #tpu.memory_space<vmem>>, vector<256x1024xf32>
    %dot_general3A_16 = arith.constant dense<0.000000e+00> : vector<1024x1024xf32>
    %dot_general3A_17 = tpu.matmul %get3A_12, %get3A_15, %dot_general3A_16 {dimension_numbers = #tpu.dot_dimension_numbers<[1], [0], [0], [1], [0, 0, 1, 1], [], []>, transpose_lhs_hint = false} : vector<1024x256xf32>, vector<256x1024xf32>, vector<1024x1024xf32> -> vector<1024x1024xf32>
    %add3A_18 = arith.addf %add3A_9, %dot_general3A_17 : vector<1024x1024xf32>
    %get3A_19 = arith.constant 0 : index
    %get3A_20 = arith.constant 0 : index
    %get3A_21 = vector.load %arg7[%get3A_19, %get3A_20] : memref<1x1024xf32, #tpu.memory_space<vmem>>, vector<1x1024xf32>
    %add3A_22 = vector.broadcast %get3A_21 : vector<1x1024xf32> to vector<1024x1024xf32>
    %add3A_23 = arith.addf %add3A_18, %add3A_22 : vector<1024x1024xf32>
    %get3A_24 = arith.constant 0 : index
    %get3A_25 = arith.constant 0 : index
    %get3A_26 = vector.load %arg2[%get3A_24, %get3A_25] : memref<1x1xf32, #tpu.memory_space<vmem>>, vector<1x1xf32>
    %get3A_27 = vector.extract %get3A_26[0, 0] : f32 from vector<1x1xf32>
    %get3A_28 = arith.constant 0 : index
    %get3A_29 = arith.constant 0 : index
    %get3A_30 = vector.load %arg3[%get3A_28, %get3A_29] : memref<1x256xf32, #tpu.memory_space<vmem>>, vector<1x256xf32>
    %mul3A = vector.broadcast %get3A_27 : f32 to vector<1x256xf32>
    %mul3A_31 = arith.mulf %mul3A, %get3A_30 : vector<1x256xf32>
    %sin3A = math.sin %mul3A_31 : vector<1x256xf32>
    %cos3A = math.cos %mul3A_31 : vector<1x256xf32>
    %concatenate3A = tpu.concatenate %sin3A, %cos3A in 1 : vector<1x256xf32>, vector<1x256xf32> -> vector<1x512xf32>
    %get3A_32 = arith.constant 0 : index
    %get3A_33 = arith.constant 0 : index
    %get3A_34 = vector.load %arg8[%get3A_32, %get3A_33] : memref<512x2048xf32, #tpu.memory_space<vmem>>, vector<512x2048xf32>
    %dot_general3A_35 = arith.constant dense<0.000000e+00> : vector<1x2048xf32>
    %dot_general3A_36 = tpu.matmul %concatenate3A, %get3A_34, %dot_general3A_35 {dimension_numbers = #tpu.dot_dimension_numbers<[1], [0], [0], [1], [0, 0, 1, 1], [], []>, transpose_lhs_hint = false} : vector<1x512xf32>, vector<512x2048xf32>, vector<1x2048xf32> -> vector<1x2048xf32>
    %get3A_37 = arith.constant 0 : index
    %get3A_38 = arith.constant 0 : index
    %get3A_39 = vector.load %arg9[%get3A_37, %get3A_38] : memref<1x2048xf32, #tpu.memory_space<vmem>>, vector<1x2048xf32>
    %add3A_40 = arith.addf %dot_general3A_36, %get3A_39 : vector<1x2048xf32>
    %mul3A_41 = arith.constant 5.000000e-01 : f32
    %mul3A_42 = vector.broadcast %mul3A_41 : f32 to vector<1x2048xf32>
    %mul3A_43 = arith.mulf %mul3A_42, %add3A_40 : vector<1x2048xf32>
    %mul3A_44 = arith.constant 0.707106769 : f32
    %mul3A_45 = vector.broadcast %mul3A_44 : f32 to vector<1x2048xf32>
    %mul3A_46 = arith.mulf %add3A_40, %mul3A_45 : vector<1x2048xf32>
    %erf3A = math.erf %mul3A_46 : vector<1x2048xf32>
    %add3A_47 = arith.constant 1.000000e+00 : f32
    %add3A_48 = vector.broadcast %add3A_47 : f32 to vector<1x2048xf32>
    %add3A_49 = arith.addf %add3A_48, %erf3A : vector<1x2048xf32>
    %mul3A_50 = arith.mulf %mul3A_43, %add3A_49 : vector<1x2048xf32>
    %get3A_51 = arith.constant 0 : index
    %get3A_52 = arith.constant 0 : index
    %get3A_53 = vector.load %arg10[%get3A_51, %get3A_52] : memref<2048x1024xf32, #tpu.memory_space<vmem>>, vector<2048x1024xf32>
    %dot_general3A_54 = arith.constant dense<0.000000e+00> : vector<1x1024xf32>
    %dot_general3A_55 = tpu.matmul %mul3A_50, %get3A_53, %dot_general3A_54 {dimension_numbers = #tpu.dot_dimension_numbers<[1], [0], [0], [1], [0, 0, 1, 1], [], []>, transpose_lhs_hint = false} : vector<1x2048xf32>, vector<2048x1024xf32>, vector<1x1024xf32> -> vector<1x1024xf32>
    %get3A_56 = arith.constant 0 : index
    %get3A_57 = arith.constant 0 : index
    %get3A_58 = vector.load %arg11[%get3A_56, %get3A_57] : memref<1x1024xf32, #tpu.memory_space<vmem>>, vector<1x1024xf32>
    %add3A_59 = arith.addf %dot_general3A_55, %get3A_58 : vector<1x1024xf32>
    %add3A_60 = vector.broadcast %add3A_59 : vector<1x1024xf32> to vector<1024x1024xf32>
    %add3A_61 = arith.addf %add3A_23, %add3A_60 : vector<1024x1024xf32>
    %slice3A = vector.extract_strided_slice %add3A_61 {offsets = [0, 0], sizes = [1024, 512], strides = [1, 1]} : vector<1024x1024xf32> to vector<1024x512xf32>
    %swap3A = arith.constant 0 : index
    %swap3A_62 = arith.constant 0 : index
    %swap3A_63 = vector.load %arg20[%swap3A, %swap3A_62] : memref<1024x512xf32, #tpu.memory_space<vmem>>, vector<1024x512xf32>
    tpu.vector_store %arg20[%swap3A, %swap3A_62], %slice3A {strides = array<i32>} : memref<1024x512xf32, #tpu.memory_space<vmem>>, vector<1024x512xf32>,
    %slice3A_64 = vector.extract_strided_slice %add3A_61 {offsets = [0, 512], sizes = [1024, 512], strides = [1, 1]} : vector<1024x1024xf32> to vector<1024x512xf32>
    %swap3A_65 = arith.constant 0 : index
    %swap3A_66 = arith.constant 0 : index
    %swap3A_67 = vector.load %arg21[%swap3A_65, %swap3A_66] : memref<1024x512xf32, #tpu.memory_space<vmem>>, vector<1024x512xf32>
    tpu.vector_store %arg21[%swap3A_65, %swap3A_66], %slice3A_64 {strides = array<i32>} : memref<1024x512xf32, #tpu.memory_space<vmem>>, vector<1024x512xf32>,
    %get3A_68 = arith.constant 0 : index
    %get3A_69 = arith.constant 0 : index
    %get3A_70 = vector.load %arg12[%get3A_68, %get3A_69] : memref<1x512xf32, #tpu.memory_space<vmem>>, vector<1x512xf32>
    %get3A_71 = arith.constant 0 : index
    %get3A_72 = arith.constant 0 : index
    %get3A_73 = vector.load %arg13[%get3A_71, %get3A_72] : memref<1x512xf32, #tpu.memory_space<vmem>>, vector<1x512xf32>
    %broadcast_in_dim3A = arith.constant 0.001953125 : f32
    %broadcast_in_dim3A_74 = vector.broadcast %broadcast_in_dim3A : f32 to vector<512x1xf32>
    %dot_general3A_75 = arith.constant dense<0.000000e+00> : vector<1024x1xf32>
    %dot_general3A_76 = tpu.matmul %slice3A, %broadcast_in_dim3A_74, %dot_general3A_75 {dimension_numbers = #tpu.dot_dimension_numbers<[1], [0], [0], [1], [0, 0, 1, 1], [], []>, transpose_lhs_hint = false} : vector<1024x512xf32>, vector<512x1xf32>, vector<1024x1xf32> -> vector<1024x1xf32>
    %sub3A = vector.broadcast %dot_general3A_76 : vector<1024x1xf32> to vector<1024x512xf32>
    %sub3A_77 = arith.subf %slice3A, %sub3A : vector<1024x512xf32>
    %mul3A_78 = arith.mulf %sub3A_77, %sub3A_77 : vector<1024x512xf32>
    %dot_general3A_79 = arith.constant dense<0.000000e+00> : vector<1024x1xf32>
    %dot_general3A_80 = tpu.matmul %mul3A_78, %broadcast_in_dim3A_74, %dot_general3A_79 {dimension_numbers = #tpu.dot_dimension_numbers<[1], [0], [0], [1], [0, 0, 1, 1], [], []>, transpose_lhs_hint = false} : vector<1024x512xf32>, vector<512x1xf32>, vector<1024x1xf32> -> vector<1024x1xf32>
    %add3A_81 = arith.constant 9.99999974E-6 : f32
    %add3A_82 = vector.broadcast %add3A_81 : f32 to vector<1024x1xf32>
    %add3A_83 = arith.addf %dot_general3A_80, %add3A_82 : vector<1024x1xf32>
    %rsqrt3A = math.rsqrt %add3A_83 : vector<1024x1xf32>
    %mul3A_84 = vector.broadcast %rsqrt3A : vector<1024x1xf32> to vector<1024x512xf32>
    %mul3A_85 = arith.mulf %sub3A_77, %mul3A_84 : vector<1024x512xf32>
    %mul3A_86 = vector.broadcast %get3A_70 : vector<1x512xf32> to vector<1024x512xf32>
    %mul3A_87 = arith.mulf %mul3A_85, %mul3A_86 : vector<1024x512xf32>
    %add3A_88 = vector.broadcast %get3A_73 : vector<1x512xf32> to vector<1024x512xf32>
    %add3A_89 = arith.addf %mul3A_87, %add3A_88 : vector<1024x512xf32>
    %broadcast_in_dim3A_90 = arith.constant 0.000000e+00 : f32
    %broadcast_in_dim3A_91 = vector.broadcast %broadcast_in_dim3A_90 : f32 to vector<15x512xf32>
    %concatenate3A_92 = tpu.concatenate %broadcast_in_dim3A_91, %add3A_89, %broadcast_in_dim3A_91 in 0 : vector<15x512xf32>, vector<1024x512xf32>, vector<15x512xf32> -> vector<1054x512xf32>
    %get3A_93 = arith.constant 0 : index
    %get3A_94 = arith.constant 0 : index
    %get3A_95 = vector.load %arg15[%get3A_93, %get3A_94] : memref<1x512xf32, #tpu.memory_space<vmem>>, vector<1x512xf32>
    %broadcast_in_dim3A_96 = vector.shape_cast %get3A_95 : vector<1x512xf32> to vector<1x512xf32>
    %broadcast_in_dim3A_97 = vector.broadcast %broadcast_in_dim3A_96 : vector<1x512xf32> to vector<1024x512xf32>
    %slice3A_98 = vector.extract_strided_slice %concatenate3A_92 {offsets = [0, 0], sizes = [1024, 512], strides = [1, 1]} : vector<1054x512xf32> to vector<1024x512xf32>
    %get3A_99 = arith.constant 0 : index
    %get3A_100 = arith.constant 0 : index
    %get3A_101 = vector.load %arg14[%get3A_99, %get3A_100] : memref<31x512xf32, #tpu.memory_space<vmem>>, vector<1x512xf32>
    %mul3A_102 = vector.broadcast %get3A_101 : vector<1x512xf32> to vector<1024x512xf32>
    %mul3A_103 = arith.mulf %slice3A_98, %mul3A_102 : vector<1024x512xf32>
    %add3A_104 = arith.addf %broadcast_in_dim3A_97, %mul3A_103 : vector<1024x512xf32>
    %slice3A_105 = vector.extract_strided_slice %concatenate3A_92 {offsets = [1, 0], sizes = [1024, 512], strides = [1, 1]} : vector<1054x512xf32> to vector<1024x512xf32>
    %get3A_106 = arith.constant 1 : index
    %get3A_107 = arith.constant 0 : index
    %get3A_108 = vector.load %arg14[%get3A_106, %get3A_107] : memref<31x512xf32, #tpu.memory_space<vmem>>, vector<1x512xf32>
    %mul3A_109 = vector.broadcast %get3A_108 : vector<1x512xf32> to vector<1024x512xf32>
    %mul3A_110 = arith.mulf %slice3A_105, %mul3A_109 : vector<1024x512xf32>
    %add3A_111 = arith.addf %add3A_104, %mul3A_110 : vector<1024x512xf32>
    %slice3A_112 = vector.extract_strided_slice %concatenate3A_92 {offsets = [2, 0], sizes = [1024, 512], strides = [1, 1]} : vector<1054x512xf32> to vector<1024x512xf32>
    %get3A_113 = arith.constant 2 : index
    %get3A_114 = arith.constant 0 : index
    %get3A_115 = vector.load %arg14[%get3A_113, %get3A_114] : memref<31x512xf32, #tpu.memory_space<vmem>>, vector<1x512xf32>
    %mul3A_116 = vector.broadcast %get3A_115 : vector<1x512xf32> to vector<1024x512xf32>
    %mul3A_117 = arith.mulf %slice3A_112, %mul3A_116 : vector<1024x512xf32>
    %add3A_118 = arith.addf %add3A_111, %mul3A_117 : vector<1024x512xf32>
    %slice3A_119 = vector.extract_strided_slice %concatenate3A_92 {offsets = [3, 0], sizes = [1024, 512], strides = [1, 1]} : vector<1054x512xf32> to vector<1024x512xf32>
    %get3A_120 = arith.constant 3 : index
    %get3A_121 = arith.constant 0 : index
    %get3A_122 = vector.load %arg14[%get3A_120, %get3A_121] : memref<31x512xf32, #tpu.memory_space<vmem>>, vector<1x512xf32>
    %mul3A_123 = vector.broadcast %get3A_122 : vector<1x512xf32> to vector<1024x512xf32>
    %mul3A_124 = arith.mulf %slice3A_119, %mul3A_123 : vector<1024x512xf32>
    %add3A_125 = arith.addf %add3A_118, %mul3A_124 : vector<1024x512xf32>
    %slice3A_126 = vector.extract_strided_slice %concatenate3A_92 {offsets = [4, 0], sizes = [1024, 512], strides = [1, 1]} : vector<1054x512xf32> to vector<1024x512xf32>
    %get3A_127 = arith.constant 4 : index
    %get3A_128 = arith.constant 0 : index
    %get3A_129 = vector.load %arg14[%get3A_127, %get3A_128] : memref<31x512xf32, #tpu.memory_space<vmem>>, vector<1x512xf32>
    %mul3A_130 = vector.broadcast %get3A_129 : vector<1x512xf32> to vector<1024x512xf32>
    %mul3A_131 = arith.mulf %slice3A_126, %mul3A_130 : vector<1024x512xf32>
    %add3A_132 = arith.addf %add3A_125, %mul3A_131 : vector<1024x512xf32>
    %slice3A_133 = vector.extract_strided_slice %concatenate3A_92 {offsets = [5, 0], sizes = [1024, 512], strides = [1, 1]} : vector<1054x512xf32> to vector<1024x512xf32>
    %get3A_134 = arith.constant 5 : index
    %get3A_135 = arith.constant 0 : index
    %get3A_136 = vector.load %arg14[%get3A_134, %get3A_135] : memref<31x512xf32, #tpu.memory_space<vmem>>, vector<1x512xf32>
    %mul3A_137 = vector.broadcast %get3A_136 : vector<1x512xf32> to vector<1024x512xf32>
    %mul3A_138 = arith.mulf %slice3A_133, %mul3A_137 : vector<1024x512xf32>
    %add3A_139 = arith.addf %add3A_132, %mul3A_138 : vector<1024x512xf32>
    %slice3A_140 = vector.extract_strided_slice %concatenate3A_92 {offsets = [6, 0], sizes = [1024, 512], strides = [1, 1]} : vector<1054x512xf32> to vector<1024x512xf32>
    %get3A_141 = arith.constant 6 : index
    %get3A_142 = arith.constant 0 : index
    %get3A_143 = vector.load %arg14[%get3A_141, %get3A_142] : memref<31x512xf32, #tpu.memory_space<vmem>>, vector<1x512xf32>
    %mul3A_144 = vector.broadcast %get3A_143 : vector<1x512xf32> to vector<1024x512xf32>
    %mul3A_145 = arith.mulf %slice3A_140, %mul3A_144 : vector<1024x512xf32>
    %add3A_146 = arith.addf %add3A_139, %mul3A_145 : vector<1024x512xf32>
    %slice3A_147 = vector.extract_strided_slice %concatenate3A_92 {offsets = [7, 0], sizes = [1024, 512], strides = [1, 1]} : vector<1054x512xf32> to vector<1024x512xf32>
    %get3A_148 = arith.constant 7 : index
    %get3A_149 = arith.constant 0 : index
    %get3A_150 = vector.load %arg14[%get3A_148, %get3A_149] : memref<31x512xf32, #tpu.memory_space<vmem>>, vector<1x512xf32>
    %mul3A_151 = vector.broadcast %get3A_150 : vector<1x512xf32> to vector<1024x512xf32>
    %mul3A_152 = arith.mulf %slice3A_147, %mul3A_151 : vector<1024x512xf32>
    %add3A_153 = arith.addf %add3A_146, %mul3A_152 : vector<1024x512xf32>
    %slice3A_154 = vector.extract_strided_slice %concatenate3A_92 {offsets = [8, 0], sizes = [1024, 512], strides = [1, 1]} : vector<1054x512xf32> to vector<1024x512xf32>
    %get3A_155 = arith.constant 8 : index
    %get3A_156 = arith.constant 0 : index
    %get3A_157 = vector.load %arg14[%get3A_155, %get3A_156] : memref<31x512xf32, #tpu.memory_space<vmem>>, vector<1x512xf32>
    %mul3A_158 = vector.broadcast %get3A_157 : vector<1x512xf32> to vector<1024x512xf32>
    %mul3A_159 = arith.mulf %slice3A_154, %mul3A_158 : vector<1024x512xf32>
    %add3A_160 = arith.addf %add3A_153, %mul3A_159 : vector<1024x512xf32>
    %slice3A_161 = vector.extract_strided_slice %concatenate3A_92 {offsets = [9, 0], sizes = [1024, 512], strides = [1, 1]} : vector<1054x512xf32> to vector<1024x512xf32>
    %get3A_162 = arith.constant 9 : index
    %get3A_163 = arith.constant 0 : index
    %get3A_164 = vector.load %arg14[%get3A_162, %get3A_163] : memref<31x512xf32, #tpu.memory_space<vmem>>, vector<1x512xf32>
    %mul3A_165 = vector.broadcast %get3A_164 : vector<1x512xf32> to vector<1024x512xf32>
    %mul3A_166 = arith.mulf %slice3A_161, %mul3A_165 : vector<1024x512xf32>
    %add3A_167 = arith.addf %add3A_160, %mul3A_166 : vector<1024x512xf32>
    %slice3A_168 = vector.extract_strided_slice %concatenate3A_92 {offsets = [10, 0], sizes = [1024, 512], strides = [1, 1]} : vector<1054x512xf32> to vector<1024x512xf32>
    %get3A_169 = arith.constant 10 : index
    %get3A_170 = arith.constant 0 : index
    %get3A_171 = vector.load %arg14[%get3A_169, %get3A_170] : memref<31x512xf32, #tpu.memory_space<vmem>>, vector<1x512xf32>
    %mul3A_172 = vector.broadcast %get3A_171 : vector<1x512xf32> to vector<1024x512xf32>
    %mul3A_173 = arith.mulf %slice3A_168, %mul3A_172 : vector<1024x512xf32>
    %add3A_174 = arith.addf %add3A_167, %mul3A_173 : vector<1024x512xf32>
    %slice3A_175 = vector.extract_strided_slice %concatenate3A_92 {offsets = [11, 0], sizes = [1024, 512], strides = [1, 1]} : vector<1054x512xf32> to vector<1024x512xf32>
    %get3A_176 = arith.constant 11 : index
    %get3A_177 = arith.constant 0 : index
    %get3A_178 = vector.load %arg14[%get3A_176, %get3A_177] : memref<31x512xf32, #tpu.memory_space<vmem>>, vector<1x512xf32>
    %mul3A_179 = vector.broadcast %get3A_178 : vector<1x512xf32> to vector<1024x512xf32>
    %mul3A_180 = arith.mulf %slice3A_175, %mul3A_179 : vector<1024x512xf32>
    %add3A_181 = arith.addf %add3A_174, %mul3A_180 : vector<1024x512xf32>
    %slice3A_182 = vector.extract_strided_slice %concatenate3A_92 {offsets = [12, 0], sizes = [1024, 512], strides = [1, 1]} : vector<1054x512xf32> to vector<1024x512xf32>
    %get3A_183 = arith.constant 12 : index
    %get3A_184 = arith.constant 0 : index
    %get3A_185 = vector.load %arg14[%get3A_183, %get3A_184] : memref<31x512xf32, #tpu.memory_space<vmem>>, vector<1x512xf32>
    %mul3A_186 = vector.broadcast %get3A_185 : vector<1x512xf32> to vector<1024x512xf32>
    %mul3A_187 = arith.mulf %slice3A_182, %mul3A_186 : vector<1024x512xf32>
    %add3A_188 = arith.addf %add3A_181, %mul3A_187 : vector<1024x512xf32>
    %slice3A_189 = vector.extract_strided_slice %concatenate3A_92 {offsets = [13, 0], sizes = [1024, 512], strides = [1, 1]} : vector<1054x512xf32> to vector<1024x512xf32>
    %get3A_190 = arith.constant 13 : index
    %get3A_191 = arith.constant 0 : index
    %get3A_192 = vector.load %arg14[%get3A_190, %get3A_191] : memref<31x512xf32, #tpu.memory_space<vmem>>, vector<1x512xf32>
    %mul3A_193 = vector.broadcast %get3A_192 : vector<1x512xf32> to vector<1024x512xf32>
    %mul3A_194 = arith.mulf %slice3A_189, %mul3A_193 : vector<1024x512xf32>
    %add3A_195 = arith.addf %add3A_188, %mul3A_194 : vector<1024x512xf32>
    %slice3A_196 = vector.extract_strided_slice %concatenate3A_92 {offsets = [14, 0], sizes = [1024, 512], strides = [1, 1]} : vector<1054x512xf32> to vector<1024x512xf32>
    %get3A_197 = arith.constant 14 : index
    %get3A_198 = arith.constant 0 : index
    %get3A_199 = vector.load %arg14[%get3A_197, %get3A_198] : memref<31x512xf32, #tpu.memory_space<vmem>>, vector<1x512xf32>
    %mul3A_200 = vector.broadcast %get3A_199 : vector<1x512xf32> to vector<1024x512xf32>
    %mul3A_201 = arith.mulf %slice3A_196, %mul3A_200 : vector<1024x512xf32>
    %add3A_202 = arith.addf %add3A_195, %mul3A_201 : vector<1024x512xf32>
    %slice3A_203 = vector.extract_strided_slice %concatenate3A_92 {offsets = [15, 0], sizes = [1024, 512], strides = [1, 1]} : vector<1054x512xf32> to vector<1024x512xf32>
    %get3A_204 = arith.constant 15 : index
    %get3A_205 = arith.constant 0 : index
    %get3A_206 = vector.load %arg14[%get3A_204, %get3A_205] : memref<31x512xf32, #tpu.memory_space<vmem>>, vector<1x512xf32>
    %mul3A_207 = vector.broadcast %get3A_206 : vector<1x512xf32> to vector<1024x512xf32>
    %mul3A_208 = arith.mulf %slice3A_203, %mul3A_207 : vector<1024x512xf32>
    %add3A_209 = arith.addf %add3A_202, %mul3A_208 : vector<1024x512xf32>
    %slice3A_210 = vector.extract_strided_slice %concatenate3A_92 {offsets = [16, 0], sizes = [1024, 512], strides = [1, 1]} : vector<1054x512xf32> to vector<1024x512xf32>
    %get3A_211 = arith.constant 16 : index
    %get3A_212 = arith.constant 0 : index
    %get3A_213 = vector.load %arg14[%get3A_211, %get3A_212] : memref<31x512xf32, #tpu.memory_space<vmem>>, vector<1x512xf32>
    %mul3A_214 = vector.broadcast %get3A_213 : vector<1x512xf32> to vector<1024x512xf32>
    %mul3A_215 = arith.mulf %slice3A_210, %mul3A_214 : vector<1024x512xf32>
    %add3A_216 = arith.addf %add3A_209, %mul3A_215 : vector<1024x512xf32>
    %slice3A_217 = vector.extract_strided_slice %concatenate3A_92 {offsets = [17, 0], sizes = [1024, 512], strides = [1, 1]} : vector<1054x512xf32> to vector<1024x512xf32>
    %get3A_218 = arith.constant 17 : index
    %get3A_219 = arith.constant 0 : index
    %get3A_220 = vector.load %arg14[%get3A_218, %get3A_219] : memref<31x512xf32, #tpu.memory_space<vmem>>, vector<1x512xf32>
    %mul3A_221 = vector.broadcast %get3A_220 : vector<1x512xf32> to vector<1024x512xf32>
    %mul3A_222 = arith.mulf %slice3A_217, %mul3A_221 : vector<1024x512xf32>
    %add3A_223 = arith.addf %add3A_216, %mul3A_222 : vector<1024x512xf32>
    %slice3A_224 = vector.extract_strided_slice %concatenate3A_92 {offsets = [18, 0], sizes = [1024, 512], strides = [1, 1]} : vector<1054x512xf32> to vector<1024x512xf32>
    %get3A_225 = arith.constant 18 : index
    %get3A_226 = arith.constant 0 : index
    %get3A_227 = vector.load %arg14[%get3A_225, %get3A_226] : memref<31x512xf32, #tpu.memory_space<vmem>>, vector<1x512xf32>
    %mul3A_228 = vector.broadcast %get3A_227 : vector<1x512xf32> to vector<1024x512xf32>
    %mul3A_229 = arith.mulf %slice3A_224, %mul3A_228 : vector<1024x512xf32>
    %add3A_230 = arith.addf %add3A_223, %mul3A_229 : vector<1024x512xf32>
    %slice3A_231 = vector.extract_strided_slice %concatenate3A_92 {offsets = [19, 0], sizes = [1024, 512], strides = [1, 1]} : vector<1054x512xf32> to vector<1024x512xf32>
    %get3A_232 = arith.constant 19 : index
    %get3A_233 = arith.constant 0 : index
    %get3A_234 = vector.load %arg14[%get3A_232, %get3A_233] : memref<31x512xf32, #tpu.memory_space<vmem>>, vector<1x512xf32>
    %mul3A_235 = vector.broadcast %get3A_234 : vector<1x512xf32> to vector<1024x512xf32>
    %mul3A_236 = arith.mulf %slice3A_231, %mul3A_235 : vector<1024x512xf32>
    %add3A_237 = arith.addf %add3A_230, %mul3A_236 : vector<1024x512xf32>
    %slice3A_238 = vector.extract_strided_slice %concatenate3A_92 {offsets = [20, 0], sizes = [1024, 512], strides = [1, 1]} : vector<1054x512xf32> to vector<1024x512xf32>
    %get3A_239 = arith.constant 20 : index
    %get3A_240 = arith.constant 0 : index
    %get3A_241 = vector.load %arg14[%get3A_239, %get3A_240] : memref<31x512xf32, #tpu.memory_space<vmem>>, vector<1x512xf32>
    %mul3A_242 = vector.broadcast %get3A_241 : vector<1x512xf32> to vector<1024x512xf32>
    %mul3A_243 = arith.mulf %slice3A_238, %mul3A_242 : vector<1024x512xf32>
    %add3A_244 = arith.addf %add3A_237, %mul3A_243 : vector<1024x512xf32>
    %slice3A_245 = vector.extract_strided_slice %concatenate3A_92 {offsets = [21, 0], sizes = [1024, 512], strides = [1, 1]} : vector<1054x512xf32> to vector<1024x512xf32>
    %get3A_246 = arith.constant 21 : index
    %get3A_247 = arith.constant 0 : index
    %get3A_248 = vector.load %arg14[%get3A_246, %get3A_247] : memref<31x512xf32, #tpu.memory_space<vmem>>, vector<1x512xf32>
    %mul3A_249 = vector.broadcast %get3A_248 : vector<1x512xf32> to vector<1024x512xf32>
    %mul3A_250 = arith.mulf %slice3A_245, %mul3A_249 : vector<1024x512xf32>
    %add3A_251 = arith.addf %add3A_244, %mul3A_250 : vector<1024x512xf32>
    %slice3A_252 = vector.extract_strided_slice %concatenate3A_92 {offsets = [22, 0], sizes = [1024, 512], strides = [1, 1]} : vector<1054x512xf32> to vector<1024x512xf32>
    %get3A_253 = arith.constant 22 : index
    %get3A_254 = arith.constant 0 : index
    %get3A_255 = vector.load %arg14[%get3A_253, %get3A_254] : memref<31x512xf32, #tpu.memory_space<vmem>>, vector<1x512xf32>
    %mul3A_256 = vector.broadcast %get3A_255 : vector<1x512xf32> to vector<1024x512xf32>
    %mul3A_257 = arith.mulf %slice3A_252, %mul3A_256 : vector<1024x512xf32>
    %add3A_258 = arith.addf %add3A_251, %mul3A_257 : vector<1024x512xf32>
    %slice3A_259 = vector.extract_strided_slice %concatenate3A_92 {offsets = [23, 0], sizes = [1024, 512], strides = [1, 1]} : vector<1054x512xf32> to vector<1024x512xf32>
    %get3A_260 = arith.constant 23 : index
    %get3A_261 = arith.constant 0 : index
    %get3A_262 = vector.load %arg14[%get3A_260, %get3A_261] : memref<31x512xf32, #tpu.memory_space<vmem>>, vector<1x512xf32>
    %mul3A_263 = vector.broadcast %get3A_262 : vector<1x512xf32> to vector<1024x512xf32>
    %mul3A_264 = arith.mulf %slice3A_259, %mul3A_263 : vector<1024x512xf32>
    %add3A_265 = arith.addf %add3A_258, %mul3A_264 : vector<1024x512xf32>
    %slice3A_266 = vector.extract_strided_slice %concatenate3A_92 {offsets = [24, 0], sizes = [1024, 512], strides = [1, 1]} : vector<1054x512xf32> to vector<1024x512xf32>
    %get3A_267 = arith.constant 24 : index
    %get3A_268 = arith.constant 0 : index
    %get3A_269 = vector.load %arg14[%get3A_267, %get3A_268] : memref<31x512xf32, #tpu.memory_space<vmem>>, vector<1x512xf32>
    %mul3A_270 = vector.broadcast %get3A_269 : vector<1x512xf32> to vector<1024x512xf32>
    %mul3A_271 = arith.mulf %slice3A_266, %mul3A_270 : vector<1024x512xf32>
    %add3A_272 = arith.addf %add3A_265, %mul3A_271 : vector<1024x512xf32>
    %slice3A_273 = vector.extract_strided_slice %concatenate3A_92 {offsets = [25, 0], sizes = [1024, 512], strides = [1, 1]} : vector<1054x512xf32> to vector<1024x512xf32>
    %get3A_274 = arith.constant 25 : index
    %get3A_275 = arith.constant 0 : index
    %get3A_276 = vector.load %arg14[%get3A_274, %get3A_275] : memref<31x512xf32, #tpu.memory_space<vmem>>, vector<1x512xf32>
    %mul3A_277 = vector.broadcast %get3A_276 : vector<1x512xf32> to vector<1024x512xf32>
    %mul3A_278 = arith.mulf %slice3A_273, %mul3A_277 : vector<1024x512xf32>
    %add3A_279 = arith.addf %add3A_272, %mul3A_278 : vector<1024x512xf32>
    %slice3A_280 = vector.extract_strided_slice %concatenate3A_92 {offsets = [26, 0], sizes = [1024, 512], strides = [1, 1]} : vector<1054x512xf32> to vector<1024x512xf32>
    %get3A_281 = arith.constant 26 : index
    %get3A_282 = arith.constant 0 : index
    %get3A_283 = vector.load %arg14[%get3A_281, %get3A_282] : memref<31x512xf32, #tpu.memory_space<vmem>>, vector<1x512xf32>
    %mul3A_284 = vector.broadcast %get3A_283 : vector<1x512xf32> to vector<1024x512xf32>
    %mul3A_285 = arith.mulf %slice3A_280, %mul3A_284 : vector<1024x512xf32>
    %add3A_286 = arith.addf %add3A_279, %mul3A_285 : vector<1024x512xf32>
    %slice3A_287 = vector.extract_strided_slice %concatenate3A_92 {offsets = [27, 0], sizes = [1024, 512], strides = [1, 1]} : vector<1054x512xf32> to vector<1024x512xf32>
    %get3A_288 = arith.constant 27 : index
    %get3A_289 = arith.constant 0 : index
    %get3A_290 = vector.load %arg14[%get3A_288, %get3A_289] : memref<31x512xf32, #tpu.memory_space<vmem>>, vector<1x512xf32>
    %mul3A_291 = vector.broadcast %get3A_290 : vector<1x512xf32> to vector<1024x512xf32>
    %mul3A_292 = arith.mulf %slice3A_287, %mul3A_291 : vector<1024x512xf32>
    %add3A_293 = arith.addf %add3A_286, %mul3A_292 : vector<1024x512xf32>
    %slice3A_294 = vector.extract_strided_slice %concatenate3A_92 {offsets = [28, 0], sizes = [1024, 512], strides = [1, 1]} : vector<1054x512xf32> to vector<1024x512xf32>
    %get3A_295 = arith.constant 28 : index
    %get3A_296 = arith.constant 0 : index
    %get3A_297 = vector.load %arg14[%get3A_295, %get3A_296] : memref<31x512xf32, #tpu.memory_space<vmem>>, vector<1x512xf32>
    %mul3A_298 = vector.broadcast %get3A_297 : vector<1x512xf32> to vector<1024x512xf32>
    %mul3A_299 = arith.mulf %slice3A_294, %mul3A_298 : vector<1024x512xf32>
    %add3A_300 = arith.addf %add3A_293, %mul3A_299 : vector<1024x512xf32>
    %slice3A_301 = vector.extract_strided_slice %concatenate3A_92 {offsets = [29, 0], sizes = [1024, 512], strides = [1, 1]} : vector<1054x512xf32> to vector<1024x512xf32>
    %get3A_302 = arith.constant 29 : index
    %get3A_303 = arith.constant 0 : index
    %get3A_304 = vector.load %arg14[%get3A_302, %get3A_303] : memref<31x512xf32, #tpu.memory_space<vmem>>, vector<1x512xf32>
    %mul3A_305 = vector.broadcast %get3A_304 : vector<1x512xf32> to vector<1024x512xf32>
    %mul3A_306 = arith.mulf %slice3A_301, %mul3A_305 : vector<1024x512xf32>
    %add3A_307 = arith.addf %add3A_300, %mul3A_306 : vector<1024x512xf32>
    %slice3A_308 = vector.extract_strided_slice %concatenate3A_92 {offsets = [30, 0], sizes = [1024, 512], strides = [1, 1]} : vector<1054x512xf32> to vector<1024x512xf32>
    %get3A_309 = arith.constant 30 : index
    %get3A_310 = arith.constant 0 : index
    %get3A_311 = vector.load %arg14[%get3A_309, %get3A_310] : memref<31x512xf32, #tpu.memory_space<vmem>>, vector<1x512xf32>
    %mul3A_312 = vector.broadcast %get3A_311 : vector<1x512xf32> to vector<1024x512xf32>
    %mul3A_313 = arith.mulf %slice3A_308, %mul3A_312 : vector<1024x512xf32>
    %add3A_314 = arith.addf %add3A_307, %mul3A_313 : vector<1024x512xf32>
    %get3A_315 = arith.constant 0 : index
    %get3A_316 = arith.constant 0 : index
    %get3A_317 = vector.load %arg16[%get3A_315, %get3A_316] : memref<512x512xf32, #tpu.memory_space<vmem>>, vector<512x512xf32>
    %dot_general3A_318 = arith.constant dense<0.000000e+00> : vector<1024x512xf32>
    %dot_general3A_319 = tpu.matmul %add3A_314, %get3A_317, %dot_general3A_318 {dimension_numbers = #tpu.dot_dimension_numbers<[1], [0], [0], [1], [0, 0, 1, 1], [], []>, transpose_lhs_hint = false} : vector<1024x512xf32>, vector<512x512xf32>, vector<1024x512xf32> -> vector<1024x512xf32>
    %get3A_320 = arith.constant 0 : index
    %get3A_321 = arith.constant 0 : index
    %get3A_322 = vector.load %arg17[%get3A_320, %get3A_321] : memref<1x512xf32, #tpu.memory_space<vmem>>, vector<1x512xf32>
    %add3A_323 = vector.broadcast %get3A_322 : vector<1x512xf32> to vector<1024x512xf32>
    %add3A_324 = arith.addf %dot_general3A_319, %add3A_323 : vector<1024x512xf32>
    %logistic3A = arith.negf %add3A_324 : vector<1024x512xf32>
    %logistic3A_325 = math.exp %logistic3A : vector<1024x512xf32>
    %logistic3A_326 = arith.constant 1.000000e+00 : f32
    %logistic3A_327 = vector.broadcast %logistic3A_326 : f32 to vector<1024x512xf32>
    %logistic3A_328 = arith.addf %logistic3A_327, %logistic3A_325 : vector<1024x512xf32>
    %logistic3A_329 = arith.divf %logistic3A_327, %logistic3A_328 : vector<1024x512xf32>
    %mul3A_330 = arith.mulf %add3A_324, %logistic3A_329 : vector<1024x512xf32>
    %get3A_331 = arith.constant 0 : index
    %get3A_332 = arith.constant 0 : index
    %get3A_333 = vector.load %arg18[%get3A_331, %get3A_332] : memref<512x8xf32, #tpu.memory_space<vmem>>, vector<512x8xf32>
    %dot_general3A_334 = arith.constant dense<0.000000e+00> : vector<1024x8xf32>
    %dot_general3A_335 = tpu.matmul %mul3A_330, %get3A_333, %dot_general3A_334 {dimension_numbers = #tpu.dot_dimension_numbers<[1], [0], [0], [1], [0, 0, 1, 1], [], []>, transpose_lhs_hint = false} : vector<1024x512xf32>, vector<512x8xf32>, vector<1024x8xf32> -> vector<1024x8xf32>
    %get3A_336 = arith.constant 0 : index
    %get3A_337 = arith.constant 0 : index
    %get3A_338 = vector.load %arg19[%get3A_336, %get3A_337] : memref<1x8xf32, #tpu.memory_space<vmem>>, vector<1x8xf32>
    %add3A_339 = vector.broadcast %get3A_338 : vector<1x8xf32> to vector<1024x8xf32>
    %add3A_340 = arith.addf %dot_general3A_335, %add3A_339 : vector<1024x8xf32>
    %iota3A = tpu.iota {dimensions = array<i32: 1>} : vector<1024x8xi32>
    %reduce_max3A = arith.constant dense<0xFF800000> : vector<1024xf32>
    %reduce_max3A_341 = vector.multi_reduction <maximumf>, %add3A_340, %reduce_max3A [1] : vector<1024x8xf32> to vector<1024xf32>
    %broadcast_in_dim3A_342 = vector.shape_cast %reduce_max3A_341 : vector<1024xf32> to vector<1024x1xf32>
    %eq3A = vector.broadcast %broadcast_in_dim3A_342 : vector<1024x1xf32> to vector<1024x8xf32>
    %eq3A_343 = arith.cmpf oeq, %add3A_340, %eq3A : vector<1024x8xf32>
    %jit3A = arith.constant 8 : i32
    %broadcast_in_dim3A_344 = vector.broadcast %jit3A : i32 to vector<1024x8xi32>
    %select_n3A = arith.select %eq3A_343, %iota3A, %broadcast_in_dim3A_344 : vector<1024x8xi1>, vector<1024x8xi32>
    %reduce_min3A = arith.constant dense<2147483647> : vector<1024xi32>
    %reduce_min3A_345 = vector.multi_reduction <minsi>, %select_n3A, %reduce_min3A [1] : vector<1024x8xi32> to vector<1024xi32>
    %broadcast_in_dim3A_346 = vector.shape_cast %reduce_min3A_345 : vector<1024xi32> to vector<1024x1xi32>
    %eq3A_347 = vector.broadcast %broadcast_in_dim3A_346 : vector<1024x1xi32> to vector<1024x8xi32>
    %eq3A_348 = arith.cmpi eq, %iota3A, %eq3A_347 : vector<1024x8xi32>
    %jit3A_349 = arith.constant -3.400000e+38 : f32
    %broadcast_in_dim3A_350 = vector.broadcast %jit3A_349 : f32 to vector<1024x8xf32>
    %select_n3A_351 = arith.select %eq3A_348, %broadcast_in_dim3A_350, %add3A_340 : vector<1024x8xi1>, vector<1024x8xf32>
    %reduce_max3A_352 = arith.constant dense<0xFF800000> : vector<1024xf32>
    %reduce_max3A_353 = vector.multi_reduction <maximumf>, %select_n3A_351, %reduce_max3A_352 [1] : vector<1024x8xf32> to vector<1024xf32>
    %broadcast_in_dim3A_354 = vector.shape_cast %reduce_max3A_353 : vector<1024xf32> to vector<1024x1xf32>
    %eq3A_355 = vector.broadcast %broadcast_in_dim3A_354 : vector<1024x1xf32> to vector<1024x8xf32>
    %eq3A_356 = arith.cmpf oeq, %select_n3A_351, %eq3A_355 : vector<1024x8xf32>
    %jit3A_357 = arith.constant 8 : i32
    %broadcast_in_dim3A_358 = vector.broadcast %jit3A_357 : i32 to vector<1024x8xi32>
    %select_n3A_359 = arith.select %eq3A_356, %iota3A, %broadcast_in_dim3A_358 : vector<1024x8xi1>, vector<1024x8xi32>
    %reduce_min3A_360 = arith.constant dense<2147483647> : vector<1024xi32>
    %reduce_min3A_361 = vector.multi_reduction <minsi>, %select_n3A_359, %reduce_min3A_360 [1] : vector<1024x8xi32> to vector<1024xi32>
    %broadcast_in_dim3A_362 = vector.shape_cast %reduce_min3A_361 : vector<1024xi32> to vector<1024x1xi32>
    %eq3A_363 = vector.broadcast %broadcast_in_dim3A_346 : vector<1024x1xi32> to vector<1024x8xi32>
    %eq3A_364 = arith.cmpi eq, %iota3A, %eq3A_363 : vector<1024x8xi32>
    %eq3A_365 = vector.broadcast %broadcast_in_dim3A_362 : vector<1024x1xi32> to vector<1024x8xi32>
    %eq3A_366 = arith.cmpi eq, %iota3A, %eq3A_365 : vector<1024x8xi32>
    %or3A = arith.ori %eq3A_364, %eq3A_366 : vector<1024x8xi1>
    %sub3A_367 = vector.broadcast %broadcast_in_dim3A_342 : vector<1024x1xf32> to vector<1024x8xf32>
    %sub3A_368 = arith.subf %add3A_340, %sub3A_367 : vector<1024x8xf32>
    %exp3A = math.exp %sub3A_368 : vector<1024x8xf32>
    %jit3A_369 = arith.constant 0.000000e+00 : f32
    %broadcast_in_dim3A_370 = vector.broadcast %jit3A_369 : f32 to vector<1024x8xf32>
    %select_n3A_371 = arith.select %or3A, %exp3A, %broadcast_in_dim3A_370 : vector<1024x8xi1>, vector<1024x8xf32>
    %broadcast_in_dim3A_372 = arith.constant 1.000000e+00 : f32
    %broadcast_in_dim3A_373 = vector.broadcast %broadcast_in_dim3A_372 : f32 to vector<8x1xf32>
    %dot_general3A_374 = arith.constant dense<0.000000e+00> : vector<1024x1xf32>
    %dot_general3A_375 = tpu.matmul %select_n3A_371, %broadcast_in_dim3A_373, %dot_general3A_374 {dimension_numbers = #tpu.dot_dimension_numbers<[1], [0], [0], [1], [0, 0, 1, 1], [], []>, transpose_lhs_hint = false} : vector<1024x8xf32>, vector<8x1xf32>, vector<1024x1xf32> -> vector<1024x1xf32>
    %div3A = vector.broadcast %dot_general3A_375 : vector<1024x1xf32> to vector<1024x8xf32>
    %div3A_376 = arith.divf %select_n3A_371, %div3A : vector<1024x8xf32>
    %eq3A_377 = vector.broadcast %broadcast_in_dim3A_346 : vector<1024x1xi32> to vector<1024x8xi32>
    %eq3A_378 = arith.cmpi eq, %iota3A, %eq3A_377 : vector<1024x8xi32>
    %jit3A_379 = arith.constant 0.000000e+00 : f32
    %broadcast_in_dim3A_380 = vector.broadcast %jit3A_379 : f32 to vector<1024x8xf32>
    %select_n3A_381 = arith.select %eq3A_378, %div3A_376, %broadcast_in_dim3A_380 : vector<1024x8xi1>, vector<1024x8xf32>
    %dot_general3A_382 = arith.constant dense<0.000000e+00> : vector<1024x1xf32>
    %dot_general3A_383 = tpu.matmul %select_n3A_381, %broadcast_in_dim3A_373, %dot_general3A_382 {dimension_numbers = #tpu.dot_dimension_numbers<[1], [0], [0], [1], [0, 0, 1, 1], [], []>, transpose_lhs_hint = false} : vector<1024x8xf32>, vector<8x1xf32>, vector<1024x1xf32> -> vector<1024x1xf32>
    %eq3A_384 = vector.broadcast %broadcast_in_dim3A_362 : vector<1024x1xi32> to vector<1024x8xi32>
    %eq3A_385 = arith.cmpi eq, %iota3A, %eq3A_384 : vector<1024x8xi32>
    %jit3A_386 = arith.constant 0.000000e+00 : f32
    %broadcast_in_dim3A_387 = vector.broadcast %jit3A_386 : f32 to vector<1024x8xf32>
    %select_n3A_388 = arith.select %eq3A_385, %div3A_376, %broadcast_in_dim3A_387 : vector<1024x8xi1>, vector<1024x8xf32>
    %dot_general3A_389 = arith.constant dense<0.000000e+00> : vector<1024x1xf32>
    %dot_general3A_390 = tpu.matmul %select_n3A_388, %broadcast_in_dim3A_373, %dot_general3A_389 {dimension_numbers = #tpu.dot_dimension_numbers<[1], [0], [0], [1], [0, 0, 1, 1], [], []>, transpose_lhs_hint = false} : vector<1024x8xf32>, vector<8x1xf32>, vector<1024x1xf32> -> vector<1024x1xf32>
    %eq3A_391 = arith.constant 0 : i32
    %eq3A_392 = vector.broadcast %eq3A_391 : i32 to vector<1024x8xi32>
    %eq3A_393 = arith.cmpi eq, %iota3A, %eq3A_392 : vector<1024x8xi32>
    %jit3A_394 = arith.constant 0.000000e+00 : f32
    %broadcast_in_dim3A_395 = vector.shape_cast %dot_general3A_383 : vector<1024x1xf32> to vector<1024x1xf32>
    %broadcast_in_dim3A_396 = vector.broadcast %broadcast_in_dim3A_395 : vector<1024x1xf32> to vector<1024x8xf32>
    %broadcast_in_dim3A_397 = vector.broadcast %jit3A_394 : f32 to vector<1024x8xf32>
    %select_n3A_398 = arith.select %eq3A_393, %broadcast_in_dim3A_396, %broadcast_in_dim3A_397 : vector<1024x8xi1>, vector<1024x8xf32>
    %eq3A_399 = arith.constant 1 : i32
    %eq3A_400 = vector.broadcast %eq3A_399 : i32 to vector<1024x8xi32>
    %eq3A_401 = arith.cmpi eq, %iota3A, %eq3A_400 : vector<1024x8xi32>
    %jit3A_402 = arith.constant 0.000000e+00 : f32
    %broadcast_in_dim3A_403 = vector.shape_cast %dot_general3A_390 : vector<1024x1xf32> to vector<1024x1xf32>
    %broadcast_in_dim3A_404 = vector.broadcast %broadcast_in_dim3A_403 : vector<1024x1xf32> to vector<1024x8xf32>
    %broadcast_in_dim3A_405 = vector.broadcast %jit3A_402 : f32 to vector<1024x8xf32>
    %select_n3A_406 = arith.select %eq3A_401, %broadcast_in_dim3A_404, %broadcast_in_dim3A_405 : vector<1024x8xi1>, vector<1024x8xf32>
    %add3A_407 = arith.addf %select_n3A_398, %select_n3A_406 : vector<1024x8xf32>
    %eq3A_408 = vector.broadcast %broadcast_in_dim3A_346 : vector<1024x1xi32> to vector<1024x8xi32>
    %eq3A_409 = arith.cmpi eq, %iota3A, %eq3A_408 : vector<1024x8xi32>
    %convert_element_type3A = arith.extui %eq3A_409 : vector<1024x8xi1> to vector<1024x8xi32>
    %convert_element_type3A_410 = arith.sitofp %convert_element_type3A : vector<1024x8xi32> to vector<1024x8xf32>
    %eq3A_411 = vector.broadcast %broadcast_in_dim3A_362 : vector<1024x1xi32> to vector<1024x8xi32>
    %eq3A_412 = arith.cmpi eq, %iota3A, %eq3A_411 : vector<1024x8xi32>
    %convert_element_type3A_413 = arith.extui %eq3A_412 : vector<1024x8xi1> to vector<1024x8xi32>
    %convert_element_type3A_414 = arith.sitofp %convert_element_type3A_413 : vector<1024x8xi32> to vector<1024x8xf32>
    %concatenate3A_415 = tpu.concatenate %convert_element_type3A_410, %convert_element_type3A_414 in 0 : vector<1024x8xf32>, vector<1024x8xf32> -> vector<2048x8xf32>
    %iota3A_416 = tpu.iota {dimensions = array<i32: 0>} : vector<128x128xi32>
    %iota3A_417 = tpu.iota {dimensions = array<i32: 1>} : vector<128x128xi32>
    %le3A = arith.cmpi sle, %iota3A_417, %iota3A_416 : vector<128x128xi32>
    %convert_element_type3A_418 = arith.extui %le3A : vector<128x128xi1> to vector<128x128xi32>
    %convert_element_type3A_419 = arith.sitofp %convert_element_type3A_418 : vector<128x128xi32> to vector<128x128xf32>
    %slice3A_420 = vector.extract_strided_slice %concatenate3A_415 {offsets = [0, 0], sizes = [128, 8], strides = [1, 1]} : vector<2048x8xf32> to vector<128x8xf32>
    %dot_general3A_421 = arith.constant dense<0.000000e+00> : vector<128x8xf32>
    %dot_general3A_422 = tpu.matmul %convert_element_type3A_419, %slice3A_420, %dot_general3A_421 {dimension_numbers = #tpu.dot_dimension_numbers<[1], [0], [0], [1], [0, 0, 1, 1], [], []>, transpose_lhs_hint = false} : vector<128x128xf32>, vector<128x8xf32>, vector<128x8xf32> -> vector<128x8xf32>
    %slice3A_423 = vector.extract_strided_slice %concatenate3A_415 {offsets = [128, 0], sizes = [128, 8], strides = [1, 1]} : vector<2048x8xf32> to vector<128x8xf32>
    %dot_general3A_424 = arith.constant dense<0.000000e+00> : vector<128x8xf32>
    %dot_general3A_425 = tpu.matmul %convert_element_type3A_419, %slice3A_423, %dot_general3A_424 {dimension_numbers = #tpu.dot_dimension_numbers<[1], [0], [0], [1], [0, 0, 1, 1], [], []>, transpose_lhs_hint = false} : vector<128x128xf32>, vector<128x8xf32>, vector<128x8xf32> -> vector<128x8xf32>
    %slice3A_426 = vector.extract_strided_slice %concatenate3A_415 {offsets = [256, 0], sizes = [128, 8], strides = [1, 1]} : vector<2048x8xf32> to vector<128x8xf32>
    %dot_general3A_427 = arith.constant dense<0.000000e+00> : vector<128x8xf32>
    %dot_general3A_428 = tpu.matmul %convert_element_type3A_419, %slice3A_426, %dot_general3A_427 {dimension_numbers = #tpu.dot_dimension_numbers<[1], [0], [0], [1], [0, 0, 1, 1], [], []>, transpose_lhs_hint = false} : vector<128x128xf32>, vector<128x8xf32>, vector<128x8xf32> -> vector<128x8xf32>
    %slice3A_429 = vector.extract_strided_slice %concatenate3A_415 {offsets = [384, 0], sizes = [128, 8], strides = [1, 1]} : vector<2048x8xf32> to vector<128x8xf32>
    %dot_general3A_430 = arith.constant dense<0.000000e+00> : vector<128x8xf32>
    %dot_general3A_431 = tpu.matmul %convert_element_type3A_419, %slice3A_429, %dot_general3A_430 {dimension_numbers = #tpu.dot_dimension_numbers<[1], [0], [0], [1], [0, 0, 1, 1], [], []>, transpose_lhs_hint = false} : vector<128x128xf32>, vector<128x8xf32>, vector<128x8xf32> -> vector<128x8xf32>
    %slice3A_432 = vector.extract_strided_slice %concatenate3A_415 {offsets = [512, 0], sizes = [128, 8], strides = [1, 1]} : vector<2048x8xf32> to vector<128x8xf32>
    %dot_general3A_433 = arith.constant dense<0.000000e+00> : vector<128x8xf32>
    %dot_general3A_434 = tpu.matmul %convert_element_type3A_419, %slice3A_432, %dot_general3A_433 {dimension_numbers = #tpu.dot_dimension_numbers<[1], [0], [0], [1], [0, 0, 1, 1], [], []>, transpose_lhs_hint = false} : vector<128x128xf32>, vector<128x8xf32>, vector<128x8xf32> -> vector<128x8xf32>
    %slice3A_435 = vector.extract_strided_slice %concatenate3A_415 {offsets = [640, 0], sizes = [128, 8], strides = [1, 1]} : vector<2048x8xf32> to vector<128x8xf32>
    %dot_general3A_436 = arith.constant dense<0.000000e+00> : vector<128x8xf32>
    %dot_general3A_437 = tpu.matmul %convert_element_type3A_419, %slice3A_435, %dot_general3A_436 {dimension_numbers = #tpu.dot_dimension_numbers<[1], [0], [0], [1], [0, 0, 1, 1], [], []>, transpose_lhs_hint = false} : vector<128x128xf32>, vector<128x8xf32>, vector<128x8xf32> -> vector<128x8xf32>
    %slice3A_438 = vector.extract_strided_slice %concatenate3A_415 {offsets = [768, 0], sizes = [128, 8], strides = [1, 1]} : vector<2048x8xf32> to vector<128x8xf32>
    %dot_general3A_439 = arith.constant dense<0.000000e+00> : vector<128x8xf32>
    %dot_general3A_440 = tpu.matmul %convert_element_type3A_419, %slice3A_438, %dot_general3A_439 {dimension_numbers = #tpu.dot_dimension_numbers<[1], [0], [0], [1], [0, 0, 1, 1], [], []>, transpose_lhs_hint = false} : vector<128x128xf32>, vector<128x8xf32>, vector<128x8xf32> -> vector<128x8xf32>
    %slice3A_441 = vector.extract_strided_slice %concatenate3A_415 {offsets = [896, 0], sizes = [128, 8], strides = [1, 1]} : vector<2048x8xf32> to vector<128x8xf32>
    %dot_general3A_442 = arith.constant dense<0.000000e+00> : vector<128x8xf32>
    %dot_general3A_443 = tpu.matmul %convert_element_type3A_419, %slice3A_441, %dot_general3A_442 {dimension_numbers = #tpu.dot_dimension_numbers<[1], [0], [0], [1], [0, 0, 1, 1], [], []>, transpose_lhs_hint = false} : vector<128x128xf32>, vector<128x8xf32>, vector<128x8xf32> -> vector<128x8xf32>
    %slice3A_444 = vector.extract_strided_slice %concatenate3A_415 {offsets = [1024, 0], sizes = [128, 8], strides = [1, 1]} : vector<2048x8xf32> to vector<128x8xf32>
    %dot_general3A_445 = arith.constant dense<0.000000e+00> : vector<128x8xf32>
    %dot_general3A_446 = tpu.matmul %convert_element_type3A_419, %slice3A_444, %dot_general3A_445 {dimension_numbers = #tpu.dot_dimension_numbers<[1], [0], [0], [1], [0, 0, 1, 1], [], []>, transpose_lhs_hint = false} : vector<128x128xf32>, vector<128x8xf32>, vector<128x8xf32> -> vector<128x8xf32>
    %slice3A_447 = vector.extract_strided_slice %concatenate3A_415 {offsets = [1152, 0], sizes = [128, 8], strides = [1, 1]} : vector<2048x8xf32> to vector<128x8xf32>
    %dot_general3A_448 = arith.constant dense<0.000000e+00> : vector<128x8xf32>
    %dot_general3A_449 = tpu.matmul %convert_element_type3A_419, %slice3A_447, %dot_general3A_448 {dimension_numbers = #tpu.dot_dimension_numbers<[1], [0], [0], [1], [0, 0, 1, 1], [], []>, transpose_lhs_hint = false} : vector<128x128xf32>, vector<128x8xf32>, vector<128x8xf32> -> vector<128x8xf32>
    %slice3A_450 = vector.extract_strided_slice %concatenate3A_415 {offsets = [1280, 0], sizes = [128, 8], strides = [1, 1]} : vector<2048x8xf32> to vector<128x8xf32>
    %dot_general3A_451 = arith.constant dense<0.000000e+00> : vector<128x8xf32>
    %dot_general3A_452 = tpu.matmul %convert_element_type3A_419, %slice3A_450, %dot_general3A_451 {dimension_numbers = #tpu.dot_dimension_numbers<[1], [0], [0], [1], [0, 0, 1, 1], [], []>, transpose_lhs_hint = false} : vector<128x128xf32>, vector<128x8xf32>, vector<128x8xf32> -> vector<128x8xf32>
    %slice3A_453 = vector.extract_strided_slice %concatenate3A_415 {offsets = [1408, 0], sizes = [128, 8], strides = [1, 1]} : vector<2048x8xf32> to vector<128x8xf32>
    %dot_general3A_454 = arith.constant dense<0.000000e+00> : vector<128x8xf32>
    %dot_general3A_455 = tpu.matmul %convert_element_type3A_419, %slice3A_453, %dot_general3A_454 {dimension_numbers = #tpu.dot_dimension_numbers<[1], [0], [0], [1], [0, 0, 1, 1], [], []>, transpose_lhs_hint = false} : vector<128x128xf32>, vector<128x8xf32>, vector<128x8xf32> -> vector<128x8xf32>
    %slice3A_456 = vector.extract_strided_slice %concatenate3A_415 {offsets = [1536, 0], sizes = [128, 8], strides = [1, 1]} : vector<2048x8xf32> to vector<128x8xf32>
    %dot_general3A_457 = arith.constant dense<0.000000e+00> : vector<128x8xf32>
    %dot_general3A_458 = tpu.matmul %convert_element_type3A_419, %slice3A_456, %dot_general3A_457 {dimension_numbers = #tpu.dot_dimension_numbers<[1], [0], [0], [1], [0, 0, 1, 1], [], []>, transpose_lhs_hint = false} : vector<128x128xf32>, vector<128x8xf32>, vector<128x8xf32> -> vector<128x8xf32>
    %slice3A_459 = vector.extract_strided_slice %concatenate3A_415 {offsets = [1664, 0], sizes = [128, 8], strides = [1, 1]} : vector<2048x8xf32> to vector<128x8xf32>
    %dot_general3A_460 = arith.constant dense<0.000000e+00> : vector<128x8xf32>
    %dot_general3A_461 = tpu.matmul %convert_element_type3A_419, %slice3A_459, %dot_general3A_460 {dimension_numbers = #tpu.dot_dimension_numbers<[1], [0], [0], [1], [0, 0, 1, 1], [], []>, transpose_lhs_hint = false} : vector<128x128xf32>, vector<128x8xf32>, vector<128x8xf32> -> vector<128x8xf32>
    %slice3A_462 = vector.extract_strided_slice %concatenate3A_415 {offsets = [1792, 0], sizes = [128, 8], strides = [1, 1]} : vector<2048x8xf32> to vector<128x8xf32>
    %dot_general3A_463 = arith.constant dense<0.000000e+00> : vector<128x8xf32>
    %dot_general3A_464 = tpu.matmul %convert_element_type3A_419, %slice3A_462, %dot_general3A_463 {dimension_numbers = #tpu.dot_dimension_numbers<[1], [0], [0], [1], [0, 0, 1, 1], [], []>, transpose_lhs_hint = false} : vector<128x128xf32>, vector<128x8xf32>, vector<128x8xf32> -> vector<128x8xf32>
    %slice3A_465 = vector.extract_strided_slice %concatenate3A_415 {offsets = [1920, 0], sizes = [128, 8], strides = [1, 1]} : vector<2048x8xf32> to vector<128x8xf32>
    %dot_general3A_466 = arith.constant dense<0.000000e+00> : vector<128x8xf32>
    %dot_general3A_467 = tpu.matmul %convert_element_type3A_419, %slice3A_465, %dot_general3A_466 {dimension_numbers = #tpu.dot_dimension_numbers<[1], [0], [0], [1], [0, 0, 1, 1], [], []>, transpose_lhs_hint = false} : vector<128x128xf32>, vector<128x8xf32>, vector<128x8xf32> -> vector<128x8xf32>
    %slice3A_468 = vector.extract_strided_slice %dot_general3A_422 {offsets = [127, 0], sizes = [1, 8], strides = [1, 1]} : vector<128x8xf32> to vector<1x8xf32>
    %slice3A_469 = vector.extract_strided_slice %dot_general3A_425 {offsets = [127, 0], sizes = [1, 8], strides = [1, 1]} : vector<128x8xf32> to vector<1x8xf32>
    %slice3A_470 = vector.extract_strided_slice %dot_general3A_428 {offsets = [127, 0], sizes = [1, 8], strides = [1, 1]} : vector<128x8xf32> to vector<1x8xf32>
    %slice3A_471 = vector.extract_strided_slice %dot_general3A_431 {offsets = [127, 0], sizes = [1, 8], strides = [1, 1]} : vector<128x8xf32> to vector<1x8xf32>
    %slice3A_472 = vector.extract_strided_slice %dot_general3A_434 {offsets = [127, 0], sizes = [1, 8], strides = [1, 1]} : vector<128x8xf32> to vector<1x8xf32>
    %slice3A_473 = vector.extract_strided_slice %dot_general3A_437 {offsets = [127, 0], sizes = [1, 8], strides = [1, 1]} : vector<128x8xf32> to vector<1x8xf32>
    %slice3A_474 = vector.extract_strided_slice %dot_general3A_440 {offsets = [127, 0], sizes = [1, 8], strides = [1, 1]} : vector<128x8xf32> to vector<1x8xf32>
    %slice3A_475 = vector.extract_strided_slice %dot_general3A_443 {offsets = [127, 0], sizes = [1, 8], strides = [1, 1]} : vector<128x8xf32> to vector<1x8xf32>
    %slice3A_476 = vector.extract_strided_slice %dot_general3A_446 {offsets = [127, 0], sizes = [1, 8], strides = [1, 1]} : vector<128x8xf32> to vector<1x8xf32>
    %slice3A_477 = vector.extract_strided_slice %dot_general3A_449 {offsets = [127, 0], sizes = [1, 8], strides = [1, 1]} : vector<128x8xf32> to vector<1x8xf32>
    %slice3A_478 = vector.extract_strided_slice %dot_general3A_452 {offsets = [127, 0], sizes = [1, 8], strides = [1, 1]} : vector<128x8xf32> to vector<1x8xf32>
    %slice3A_479 = vector.extract_strided_slice %dot_general3A_455 {offsets = [127, 0], sizes = [1, 8], strides = [1, 1]} : vector<128x8xf32> to vector<1x8xf32>
    %slice3A_480 = vector.extract_strided_slice %dot_general3A_458 {offsets = [127, 0], sizes = [1, 8], strides = [1, 1]} : vector<128x8xf32> to vector<1x8xf32>
    %slice3A_481 = vector.extract_strided_slice %dot_general3A_461 {offsets = [127, 0], sizes = [1, 8], strides = [1, 1]} : vector<128x8xf32> to vector<1x8xf32>
    %slice3A_482 = vector.extract_strided_slice %dot_general3A_464 {offsets = [127, 0], sizes = [1, 8], strides = [1, 1]} : vector<128x8xf32> to vector<1x8xf32>
    %slice3A_483 = vector.extract_strided_slice %dot_general3A_467 {offsets = [127, 0], sizes = [1, 8], strides = [1, 1]} : vector<128x8xf32> to vector<1x8xf32>
    %concatenate3A_484 = tpu.concatenate %slice3A_468, %slice3A_469, %slice3A_470, %slice3A_471, %slice3A_472, %slice3A_473, %slice3A_474, %slice3A_475, %slice3A_476, %slice3A_477, %slice3A_478, %slice3A_479, %slice3A_480, %slice3A_481, %slice3A_482, %slice3A_483 in 0 : vector<1x8xf32>, vector<1x8xf32>, vector<1x8xf32>, vector<1x8xf32>, vector<1x8xf32>, vector<1x8xf32>, vector<1x8xf32>, vector<1x8xf32>, vector<1x8xf32>, vector<1x8xf32>, vector<1x8xf32>, vector<1x8xf32>, vector<1x8xf32>, vector<1x8xf32>, vector<1x8xf32>, vector<1x8xf32> -> vector<16x8xf32>
    %iota3A_485 = tpu.iota {dimensions = array<i32: 0>} : vector<16x16xi32>
    %iota3A_486 = tpu.iota {dimensions = array<i32: 1>} : vector<16x16xi32>
    %gt3A = arith.cmpi sgt, %iota3A_485, %iota3A_486 : vector<16x16xi32>
    %convert_element_type3A_487 = arith.extui %gt3A : vector<16x16xi1> to vector<16x16xi32>
    %convert_element_type3A_488 = arith.sitofp %convert_element_type3A_487 : vector<16x16xi32> to vector<16x16xf32>
    %dot_general3A_489 = arith.constant dense<0.000000e+00> : vector<16x8xf32>
    %dot_general3A_490 = tpu.matmul %convert_element_type3A_488, %concatenate3A_484, %dot_general3A_489 {dimension_numbers = #tpu.dot_dimension_numbers<[1], [0], [0], [1], [0, 0, 1, 1], [], []>, transpose_lhs_hint = false} : vector<16x16xf32>, vector<16x8xf32>, vector<16x8xf32> -> vector<16x8xf32>
    %slice3A_491 = vector.extract_strided_slice %dot_general3A_490 {offsets = [0, 0], sizes = [1, 8], strides = [1, 1]} : vector<16x8xf32> to vector<1x8xf32>
    %add3A_492 = vector.broadcast %slice3A_491 : vector<1x8xf32> to vector<128x8xf32>
    %add3A_493 = arith.addf %dot_general3A_422, %add3A_492 : vector<128x8xf32>
    %slice3A_494 = vector.extract_strided_slice %dot_general3A_490 {offsets = [1, 0], sizes = [1, 8], strides = [1, 1]} : vector<16x8xf32> to vector<1x8xf32>
    %add3A_495 = vector.broadcast %slice3A_494 : vector<1x8xf32> to vector<128x8xf32>
    %add3A_496 = arith.addf %dot_general3A_425, %add3A_495 : vector<128x8xf32>
    %slice3A_497 = vector.extract_strided_slice %dot_general3A_490 {offsets = [2, 0], sizes = [1, 8], strides = [1, 1]} : vector<16x8xf32> to vector<1x8xf32>
    %add3A_498 = vector.broadcast %slice3A_497 : vector<1x8xf32> to vector<128x8xf32>
    %add3A_499 = arith.addf %dot_general3A_428, %add3A_498 : vector<128x8xf32>
    %slice3A_500 = vector.extract_strided_slice %dot_general3A_490 {offsets = [3, 0], sizes = [1, 8], strides = [1, 1]} : vector<16x8xf32> to vector<1x8xf32>
    %add3A_501 = vector.broadcast %slice3A_500 : vector<1x8xf32> to vector<128x8xf32>
    %add3A_502 = arith.addf %dot_general3A_431, %add3A_501 : vector<128x8xf32>
    %slice3A_503 = vector.extract_strided_slice %dot_general3A_490 {offsets = [4, 0], sizes = [1, 8], strides = [1, 1]} : vector<16x8xf32> to vector<1x8xf32>
    %add3A_504 = vector.broadcast %slice3A_503 : vector<1x8xf32> to vector<128x8xf32>
    %add3A_505 = arith.addf %dot_general3A_434, %add3A_504 : vector<128x8xf32>
    %slice3A_506 = vector.extract_strided_slice %dot_general3A_490 {offsets = [5, 0], sizes = [1, 8], strides = [1, 1]} : vector<16x8xf32> to vector<1x8xf32>
    %add3A_507 = vector.broadcast %slice3A_506 : vector<1x8xf32> to vector<128x8xf32>
    %add3A_508 = arith.addf %dot_general3A_437, %add3A_507 : vector<128x8xf32>
    %slice3A_509 = vector.extract_strided_slice %dot_general3A_490 {offsets = [6, 0], sizes = [1, 8], strides = [1, 1]} : vector<16x8xf32> to vector<1x8xf32>
    %add3A_510 = vector.broadcast %slice3A_509 : vector<1x8xf32> to vector<128x8xf32>
    %add3A_511 = arith.addf %dot_general3A_440, %add3A_510 : vector<128x8xf32>
    %slice3A_512 = vector.extract_strided_slice %dot_general3A_490 {offsets = [7, 0], sizes = [1, 8], strides = [1, 1]} : vector<16x8xf32> to vector<1x8xf32>
    %add3A_513 = vector.broadcast %slice3A_512 : vector<1x8xf32> to vector<128x8xf32>
    %add3A_514 = arith.addf %dot_general3A_443, %add3A_513 : vector<128x8xf32>
    %slice3A_515 = vector.extract_strided_slice %dot_general3A_490 {offsets = [8, 0], sizes = [1, 8], strides = [1, 1]} : vector<16x8xf32> to vector<1x8xf32>
    %add3A_516 = vector.broadcast %slice3A_515 : vector<1x8xf32> to vector<128x8xf32>
    %add3A_517 = arith.addf %dot_general3A_446, %add3A_516 : vector<128x8xf32>
    %slice3A_518 = vector.extract_strided_slice %dot_general3A_490 {offsets = [9, 0], sizes = [1, 8], strides = [1, 1]} : vector<16x8xf32> to vector<1x8xf32>
    %add3A_519 = vector.broadcast %slice3A_518 : vector<1x8xf32> to vector<128x8xf32>
    %add3A_520 = arith.addf %dot_general3A_449, %add3A_519 : vector<128x8xf32>
    %slice3A_521 = vector.extract_strided_slice %dot_general3A_490 {offsets = [10, 0], sizes = [1, 8], strides = [1, 1]} : vector<16x8xf32> to vector<1x8xf32>
    %add3A_522 = vector.broadcast %slice3A_521 : vector<1x8xf32> to vector<128x8xf32>
    %add3A_523 = arith.addf %dot_general3A_452, %add3A_522 : vector<128x8xf32>
    %slice3A_524 = vector.extract_strided_slice %dot_general3A_490 {offsets = [11, 0], sizes = [1, 8], strides = [1, 1]} : vector<16x8xf32> to vector<1x8xf32>
    %add3A_525 = vector.broadcast %slice3A_524 : vector<1x8xf32> to vector<128x8xf32>
    %add3A_526 = arith.addf %dot_general3A_455, %add3A_525 : vector<128x8xf32>
    %slice3A_527 = vector.extract_strided_slice %dot_general3A_490 {offsets = [12, 0], sizes = [1, 8], strides = [1, 1]} : vector<16x8xf32> to vector<1x8xf32>
    %add3A_528 = vector.broadcast %slice3A_527 : vector<1x8xf32> to vector<128x8xf32>
    %add3A_529 = arith.addf %dot_general3A_458, %add3A_528 : vector<128x8xf32>
    %slice3A_530 = vector.extract_strided_slice %dot_general3A_490 {offsets = [13, 0], sizes = [1, 8], strides = [1, 1]} : vector<16x8xf32> to vector<1x8xf32>
    %add3A_531 = vector.broadcast %slice3A_530 : vector<1x8xf32> to vector<128x8xf32>
    %add3A_532 = arith.addf %dot_general3A_461, %add3A_531 : vector<128x8xf32>
    %slice3A_533 = vector.extract_strided_slice %dot_general3A_490 {offsets = [14, 0], sizes = [1, 8], strides = [1, 1]} : vector<16x8xf32> to vector<1x8xf32>
    %add3A_534 = vector.broadcast %slice3A_533 : vector<1x8xf32> to vector<128x8xf32>
    %add3A_535 = arith.addf %dot_general3A_464, %add3A_534 : vector<128x8xf32>
    %slice3A_536 = vector.extract_strided_slice %dot_general3A_490 {offsets = [15, 0], sizes = [1, 8], strides = [1, 1]} : vector<16x8xf32> to vector<1x8xf32>
    %add3A_537 = vector.broadcast %slice3A_536 : vector<1x8xf32> to vector<128x8xf32>
    %add3A_538 = arith.addf %dot_general3A_467, %add3A_537 : vector<128x8xf32>
    %concatenate3A_539 = tpu.concatenate %add3A_493, %add3A_496, %add3A_499, %add3A_502, %add3A_505, %add3A_508, %add3A_511, %add3A_514, %add3A_517, %add3A_520, %add3A_523, %add3A_526, %add3A_529, %add3A_532, %add3A_535, %add3A_538 in 0 : vector<128x8xf32>, vector<128x8xf32>, vector<128x8xf32>, vector<128x8xf32>, vector<128x8xf32>, vector<128x8xf32>, vector<128x8xf32>, vector<128x8xf32>, vector<128x8xf32>, vector<128x8xf32>, vector<128x8xf32>, vector<128x8xf32>, vector<128x8xf32>, vector<128x8xf32>, vector<128x8xf32>, vector<128x8xf32> -> vector<2048x8xf32>
    %slice3A_540 = vector.extract_strided_slice %concatenate3A_539 {offsets = [2047, 0], sizes = [1, 8], strides = [1, 1]} : vector<2048x8xf32> to vector<1x8xf32>
    %sub3A_541 = arith.subf %concatenate3A_539, %concatenate3A_415 : vector<2048x8xf32>
    %mul3A_542 = arith.mulf %sub3A_541, %concatenate3A_415 : vector<2048x8xf32>
    %dot_general3A_543 = arith.constant dense<0.000000e+00> : vector<2048x1xf32>
    %dot_general3A_544 = tpu.matmul %mul3A_542, %broadcast_in_dim3A_373, %dot_general3A_543 {dimension_numbers = #tpu.dot_dimension_numbers<[1], [0], [0], [1], [0, 0, 1, 1], [], []>, transpose_lhs_hint = false} : vector<2048x8xf32>, vector<8x1xf32>, vector<2048x1xf32> -> vector<2048x1xf32>
    %mul3A_545 = arith.constant 0.001953125 : f32
    %mul3A_546 = vector.broadcast %mul3A_545 : f32 to vector<1x8xf32>
    %mul3A_547 = arith.mulf %slice3A_540, %mul3A_546 : vector<1x8xf32>
    %ceil3A = math.ceil %mul3A_547 : vector<1x8xf32>
    %mul3A_548 = arith.constant 5.120000e+02 : f32
    %mul3A_549 = vector.broadcast %mul3A_548 : f32 to vector<1x8xf32>
    %mul3A_550 = arith.mulf %ceil3A, %mul3A_549 : vector<1x8xf32>
    %iota3A_551 = tpu.iota {dimensions = array<i32: 0>} : vector<8x8xi32>
    %iota3A_552 = tpu.iota {dimensions = array<i32: 1>} : vector<8x8xi32>
    %lt3A = arith.cmpi slt, %iota3A_551, %iota3A_552 : vector<8x8xi32>
    %convert_element_type3A_553 = arith.extui %lt3A : vector<8x8xi1> to vector<8x8xi32>
    %convert_element_type3A_554 = arith.sitofp %convert_element_type3A_553 : vector<8x8xi32> to vector<8x8xf32>
    %dot_general3A_555 = arith.constant dense<0.000000e+00> : vector<1x8xf32>
    %dot_general3A_556 = tpu.matmul %mul3A_550, %convert_element_type3A_554, %dot_general3A_555 {dimension_numbers = #tpu.dot_dimension_numbers<[1], [0], [0], [1], [0, 0, 1, 1], [], []>, transpose_lhs_hint = false} : vector<1x8xf32>, vector<8x8xf32>, vector<1x8xf32> -> vector<1x8xf32>
    %mul3A_557 = vector.broadcast %dot_general3A_556 : vector<1x8xf32> to vector<2048x8xf32>
    %mul3A_558 = arith.mulf %concatenate3A_415, %mul3A_557 : vector<2048x8xf32>
    %dot_general3A_559 = arith.constant dense<0.000000e+00> : vector<2048x1xf32>
    %dot_general3A_560 = tpu.matmul %mul3A_558, %broadcast_in_dim3A_373, %dot_general3A_559 {dimension_numbers = #tpu.dot_dimension_numbers<[1], [0], [0], [1], [0, 0, 1, 1], [], []>, transpose_lhs_hint = false} : vector<2048x8xf32>, vector<8x1xf32>, vector<2048x1xf32> -> vector<2048x1xf32>
    %add3A_561 = arith.addf %dot_general3A_560, %dot_general3A_544 : vector<2048x1xf32>
    %convert_element_type3A_562 = arith.fptosi %add3A_561 : vector<2048x1xf32> to vector<2048x1xi32>
    %convert_element_type3A_563 = arith.fptosi %mul3A_550 : vector<1x8xf32> to vector<1x8xi32>
    %convert_element_type3A_564 = arith.fptosi %dot_general3A_556 : vector<1x8xf32> to vector<1x8xi32>
    %add3A_565 = arith.addi %convert_element_type3A_564, %convert_element_type3A_563 : vector<1x8xi32>
    %broadcast_in_dim3A_566 = vector.shape_cast %add3A_565 : vector<1x8xi32> to vector<1x8xi32>
    %broadcast_in_dim3A_567 = vector.broadcast %broadcast_in_dim3A_566 : vector<1x8xi32> to vector<32x8xi32>
    %iota3A_568 = tpu.iota {dimensions = array<i32: 0>} : vector<32x8xi32>
    %mul3A_569 = arith.constant 512 : i32
    %mul3A_570 = vector.broadcast %mul3A_569 : i32 to vector<32x8xi32>
    %mul3A_571 = arith.muli %iota3A_568, %mul3A_570 : vector<32x8xi32>
    %le3A_572 = arith.cmpi sle, %broadcast_in_dim3A_567, %mul3A_571 : vector<32x8xi32>
    %convert_element_type3A_573 = arith.extui %le3A_572 : vector<32x8xi1> to vector<32x8xi32>
    %reduce_sum3A = arith.constant dense<0> : vector<32xi32>
    %reduce_sum3A_574 = vector.multi_reduction <add>, %convert_element_type3A_573, %reduce_sum3A [1] : vector<32x8xi32> to vector<32xi32>
    %broadcast_in_dim3A_575 = vector.shape_cast %reduce_sum3A_574 : vector<32xi32> to vector<32x1xi32>
    %min3A = arith.constant 7 : i32
    %min3A_576 = vector.broadcast %min3A : i32 to vector<32x1xi32>
    %min3A_577 = arith.minsi %broadcast_in_dim3A_575, %min3A_576 : vector<32x1xi32>
    %reduce_sum3A_578 = arith.constant dense<0> : vector<1xi32>
    %reduce_sum3A_579 = vector.multi_reduction <add>, %convert_element_type3A_563, %reduce_sum3A_578 [1] : vector<1x8xi32> to vector<1xi32>
    %broadcast_in_dim3A_580 = vector.shape_cast %reduce_sum3A_579 : vector<1xi32> to vector<1x1xi32>
    %concatenate3A_581 = tpu.concatenate %min3A_577, %broadcast_in_dim3A_580 in 0 : vector<32x1xi32>, vector<1x1xi32> -> vector<33x1xi32>
    %broadcast_in_dim3A_582 = arith.constant 9.765625E-4 : f32
    %broadcast_in_dim3A_583 = vector.broadcast %broadcast_in_dim3A_582 : f32 to vector<1x1024xf32>
    %dot_general3A_584 = arith.constant dense<0.000000e+00> : vector<1x512xf32>
    %dot_general3A_585 = tpu.matmul %broadcast_in_dim3A_583, %add3A_89, %dot_general3A_584 {dimension_numbers = #tpu.dot_dimension_numbers<[1], [0], [0], [1], [0, 0, 1, 1], [], []>, transpose_lhs_hint = false} : vector<1x1024xf32>, vector<1024x512xf32>, vector<1x512xf32> -> vector<1x512xf32>
    %swap3A_586 = arith.constant 0 : index
    %swap3A_587 = arith.constant 0 : index
    %swap3A_588 = vector.load %arg22[%swap3A_586, %swap3A_587] : memref<1x512xf32, #tpu.memory_space<vmem>>, vector<1x512xf32>
    tpu.vector_store %arg22[%swap3A_586, %swap3A_587], %dot_general3A_585 {strides = array<i32>} : memref<1x512xf32, #tpu.memory_space<vmem>>, vector<1x512xf32>,
    %swap3A_589 = arith.constant 0 : index
    %swap3A_590 = arith.constant 0 : index
    %swap3A_591 = vector.load %arg23[%swap3A_589, %swap3A_590] : memref<1024x512xf32, #tpu.memory_space<vmem>>, vector<1024x512xf32>
    tpu.vector_store %arg23[%swap3A_589, %swap3A_590], %add3A_314 {strides = array<i32>} : memref<1024x512xf32, #tpu.memory_space<vmem>>, vector<1024x512xf32>,
    %swap3A_592 = arith.constant 0 : index
    %swap3A_593 = arith.constant 0 : index
    %swap3A_594 = vector.load %arg24[%swap3A_592, %swap3A_593] : memref<2048x1xi32, #tpu.memory_space<vmem>>, vector<2048x1xi32>
    tpu.vector_store %arg24[%swap3A_592, %swap3A_593], %convert_element_type3A_562 {strides = array<i32>} : memref<2048x1xi32, #tpu.memory_space<vmem>>, vector<2048x1xi32>,
    %swap3A_595 = arith.constant 0 : index
    %swap3A_596 = arith.constant 0 : index
    %swap3A_597 = vector.load %arg25[%swap3A_595, %swap3A_596] : memref<33x1xi32, #tpu.memory_space<vmem>>, vector<33x1xi32>
    tpu.vector_store %arg25[%swap3A_595, %swap3A_596], %concatenate3A_581 {strides = array<i32>} : memref<33x1xi32, #tpu.memory_space<vmem>>, vector<33x1xi32>,
    %swap3A_598 = arith.constant 0 : index
    %swap3A_599 = arith.constant 0 : index
    %swap3A_600 = vector.load %arg26[%swap3A_598, %swap3A_599] : memref<1024x8xf32, #tpu.memory_space<vmem>>, vector<1024x8xf32>
    tpu.vector_store %arg26[%swap3A_598, %swap3A_599], %add3A_407 {strides = array<i32>} : memref<1024x8xf32, #tpu.memory_space<vmem>>, vector<1024x8xf32>,
    return
  }
}

module attributes {stable_mosaic.version = 14 : i64} {
  func.func @_gmm_kernel(%arg0: i32, %arg1: memref<33xi32, #tpu.memory_space<smem>>, %arg2: memref<512x512xf32, #tpu.memory_space<vmem>>, %arg3: memref<1x512x1024xbf16, #tpu.memory_space<vmem>>, %arg4: memref<1x1x1024xf32, #tpu.memory_space<vmem>>, %arg5: memref<1x512x1024xbf16, #tpu.memory_space<vmem>>, %arg6: memref<1x1x1024xf32, #tpu.memory_space<vmem>>, %arg7: memref<1x512x512xbf16, #tpu.memory_space<vmem>>, %arg8: memref<1x1x512xf32, #tpu.memory_space<vmem>>, %arg9: memref<512x512xf32, #tpu.memory_space<vmem>>) attributes {dimension_semantics = [#tpu.dimension_semantics<arbitrary>], iteration_bounds = array<i64: 11>, scalar_prefetch = 1 : i64, scratch_operands = 0 : i64, tpu.core_type = #tpu.core_type<tc>, window_params = [{transform_indices = @transform_0, window_bounds = array<i64: 512, 512>}, {transform_indices = @transform_1, window_bounds = array<i64: 1, 512, 1024>}, {transform_indices = @transform_2, window_bounds = array<i64: 1, 1, 1024>}, {transform_indices = @transform_3, window_bounds = array<i64: 1, 512, 1024>}, {transform_indices = @transform_4, window_bounds = array<i64: 1, 1, 1024>}, {transform_indices = @transform_5, window_bounds = array<i64: 1, 512, 512>}, {transform_indices = @transform_6, window_bounds = array<i64: 1, 1, 512>}, {transform_indices = @transform_7, window_bounds = array<i64: 512, 512>}]} {
    %get3A = arith.constant 32 : index
    %get3A_0 = memref.load %arg1[%get3A] : memref<33xi32, #tpu.memory_space<smem>>
    %mul3A = arith.constant 512 : i32
    %mul3A_1 = arith.muli %arg0, %mul3A : i32
    %lt3A = arith.cmpi slt, %mul3A_1, %get3A_0 : i32
    %convert_element_type3A = arith.extui %lt3A : i1 to i32
    %cond3A = arith.constant 0 : i32
    %cond3A_2 = arith.cmpi ne, %convert_element_type3A, %cond3A : i32
    scf.if %cond3A_2 {
      %get3A_3 = arith.constant 0 : index
      %get3A_4 = arith.constant 0 : index
      %get3A_5 = vector.load %arg2[%get3A_3, %get3A_4] : memref<512x512xf32, #tpu.memory_space<vmem>>, vector<512x512xf32>
      %convert_element_type3A_6 = arith.truncf %get3A_5 : vector<512x512xf32> to vector<512x512xbf16>
      %get3A_7 = arith.constant 0 : index
      %get3A_8 = arith.constant 0 : index
      %get3A_9 = arith.constant 0 : index
      %get3A_10 = vector.load %arg3[%get3A_7, %get3A_8, %get3A_9] : memref<1x512x1024xbf16, #tpu.memory_space<vmem>>, vector<1x512x1024xbf16>
      %get3A_11 = vector.shape_cast %get3A_10 : vector<1x512x1024xbf16> to vector<512x1024xbf16>
      %dot_general3A = arith.constant dense<0.000000e+00> : vector<512x1024xf32>
      %dot_general3A_12 = tpu.matmul %convert_element_type3A_6, %get3A_11, %dot_general3A {dimension_numbers = #tpu.dot_dimension_numbers<[1], [0], [0], [1], [0, 0, 1, 1], [], []>, transpose_lhs_hint = false} : vector<512x512xbf16>, vector<512x1024xbf16>, vector<512x1024xf32> -> vector<512x1024xf32>
      %get3A_13 = arith.constant 0 : index
      %get3A_14 = arith.constant 0 : index
      %get3A_15 = arith.constant 0 : index
      %get3A_16 = vector.load %arg4[%get3A_13, %get3A_14, %get3A_15] : memref<1x1x1024xf32, #tpu.memory_space<vmem>>, vector<1x1x1024xf32>
      %get3A_17 = vector.shape_cast %get3A_16 : vector<1x1x1024xf32> to vector<1x1024xf32>
      %add3A = vector.broadcast %get3A_17 : vector<1x1024xf32> to vector<512x1024xf32>
      %add3A_18 = arith.addf %dot_general3A_12, %add3A : vector<512x1024xf32>
      %split3A = vector.extract_strided_slice %add3A_18 {offsets = [0, 0], sizes = [512, 512], strides = [1, 1]} : vector<512x1024xf32> to vector<512x512xf32>
      %split3A_19 = vector.extract_strided_slice %add3A_18 {offsets = [0, 512], sizes = [512, 512], strides = [1, 1]} : vector<512x1024xf32> to vector<512x512xf32>
      %logistic3A = arith.negf %split3A_19 : vector<512x512xf32>
      %logistic3A_20 = math.exp %logistic3A : vector<512x512xf32>
      %logistic3A_21 = arith.constant 1.000000e+00 : f32
      %logistic3A_22 = vector.broadcast %logistic3A_21 : f32 to vector<512x512xf32>
      %logistic3A_23 = arith.addf %logistic3A_22, %logistic3A_20 : vector<512x512xf32>
      %logistic3A_24 = arith.divf %logistic3A_22, %logistic3A_23 : vector<512x512xf32>
      %mul3A_25 = arith.mulf %split3A_19, %logistic3A_24 : vector<512x512xf32>
      %mul3A_26 = arith.mulf %split3A, %mul3A_25 : vector<512x512xf32>
      %convert_element_type3A_27 = arith.truncf %mul3A_26 : vector<512x512xf32> to vector<512x512xbf16>
      %get3A_28 = arith.constant 0 : index
      %get3A_29 = arith.constant 0 : index
      %get3A_30 = arith.constant 0 : index
      %get3A_31 = vector.load %arg5[%get3A_28, %get3A_29, %get3A_30] : memref<1x512x1024xbf16, #tpu.memory_space<vmem>>, vector<1x512x1024xbf16>
      %get3A_32 = vector.shape_cast %get3A_31 : vector<1x512x1024xbf16> to vector<512x1024xbf16>
      %dot_general3A_33 = arith.constant dense<0.000000e+00> : vector<512x1024xf32>
      %dot_general3A_34 = tpu.matmul %convert_element_type3A_27, %get3A_32, %dot_general3A_33 {dimension_numbers = #tpu.dot_dimension_numbers<[1], [0], [0], [1], [0, 0, 1, 1], [], []>, transpose_lhs_hint = false} : vector<512x512xbf16>, vector<512x1024xbf16>, vector<512x1024xf32> -> vector<512x1024xf32>
      %get3A_35 = arith.constant 0 : index
      %get3A_36 = arith.constant 0 : index
      %get3A_37 = arith.constant 0 : index
      %get3A_38 = vector.load %arg6[%get3A_35, %get3A_36, %get3A_37] : memref<1x1x1024xf32, #tpu.memory_space<vmem>>, vector<1x1x1024xf32>
      %get3A_39 = vector.shape_cast %get3A_38 : vector<1x1x1024xf32> to vector<1x1024xf32>
      %add3A_40 = vector.broadcast %get3A_39 : vector<1x1024xf32> to vector<512x1024xf32>
      %add3A_41 = arith.addf %dot_general3A_34, %add3A_40 : vector<512x1024xf32>
      %split3A_42 = vector.extract_strided_slice %add3A_41 {offsets = [0, 0], sizes = [512, 512], strides = [1, 1]} : vector<512x1024xf32> to vector<512x512xf32>
      %split3A_43 = vector.extract_strided_slice %add3A_41 {offsets = [0, 512], sizes = [512, 512], strides = [1, 1]} : vector<512x1024xf32> to vector<512x512xf32>
      %logistic3A_44 = arith.negf %split3A_43 : vector<512x512xf32>
      %logistic3A_45 = math.exp %logistic3A_44 : vector<512x512xf32>
      %logistic3A_46 = arith.constant 1.000000e+00 : f32
      %logistic3A_47 = vector.broadcast %logistic3A_46 : f32 to vector<512x512xf32>
      %logistic3A_48 = arith.addf %logistic3A_47, %logistic3A_45 : vector<512x512xf32>
      %logistic3A_49 = arith.divf %logistic3A_47, %logistic3A_48 : vector<512x512xf32>
      %mul3A_50 = arith.mulf %split3A_43, %logistic3A_49 : vector<512x512xf32>
      %mul3A_51 = arith.mulf %split3A_42, %mul3A_50 : vector<512x512xf32>
      %convert_element_type3A_52 = arith.truncf %mul3A_51 : vector<512x512xf32> to vector<512x512xbf16>
      %get3A_53 = arith.constant 0 : index
      %get3A_54 = arith.constant 0 : index
      %get3A_55 = arith.constant 0 : index
      %get3A_56 = vector.load %arg7[%get3A_53, %get3A_54, %get3A_55] : memref<1x512x512xbf16, #tpu.memory_space<vmem>>, vector<1x512x512xbf16>
      %get3A_57 = vector.shape_cast %get3A_56 : vector<1x512x512xbf16> to vector<512x512xbf16>
      %dot_general3A_58 = arith.constant dense<0.000000e+00> : vector<512x512xf32>
      %dot_general3A_59 = tpu.matmul %convert_element_type3A_52, %get3A_57, %dot_general3A_58 {dimension_numbers = #tpu.dot_dimension_numbers<[1], [0], [0], [1], [0, 0, 1, 1], [], []>, transpose_lhs_hint = false} : vector<512x512xbf16>, vector<512x512xbf16>, vector<512x512xf32> -> vector<512x512xf32>
      %get3A_60 = arith.constant 0 : index
      %get3A_61 = arith.constant 0 : index
      %get3A_62 = arith.constant 0 : index
      %get3A_63 = vector.load %arg8[%get3A_60, %get3A_61, %get3A_62] : memref<1x1x512xf32, #tpu.memory_space<vmem>>, vector<1x1x512xf32>
      %get3A_64 = vector.shape_cast %get3A_63 : vector<1x1x512xf32> to vector<1x512xf32>
      %add3A_65 = vector.broadcast %get3A_64 : vector<1x512xf32> to vector<512x512xf32>
      %add3A_66 = arith.addf %dot_general3A_59, %add3A_65 : vector<512x512xf32>
      %swap3A = arith.constant 0 : index
      %swap3A_67 = arith.constant 0 : index
      %swap3A_68 = vector.load %arg9[%swap3A, %swap3A_67] : memref<512x512xf32, #tpu.memory_space<vmem>>, vector<512x512xf32>
      tpu.vector_store %arg9[%swap3A, %swap3A_67], %add3A_66 {strides = array<i32>} : memref<512x512xf32, #tpu.memory_space<vmem>>, vector<512x512xf32>,
    } else {
    }
    return
  }
  func.func @transform_0(%arg0: i32, %arg1: memref<33xi32, #tpu.memory_space<smem>>) -> (i32, i32) {
    %c0_i32 = arith.constant 0 : i32
    %c0_i32_0 = arith.constant 0 : i32
    return %arg0, %c0_i32 : i32, i32
  }
  func.func @transform_1(%arg0: i32, %arg1: memref<33xi32, #tpu.memory_space<smem>>) -> (i32, i32, i32) {
    %get3A = arith.index_cast %arg0 : i32 to index
    %get3A_0 = memref.load %arg1[%get3A] : memref<33xi32, #tpu.memory_space<smem>>
    %c0_i32 = arith.constant 0 : i32
    %c0_i32_1 = arith.constant 0 : i32
    %c0_i32_2 = arith.constant 0 : i32
    return %get3A_0, %c0_i32, %c0_i32_1 : i32, i32, i32
  }
  func.func @transform_2(%arg0: i32, %arg1: memref<33xi32, #tpu.memory_space<smem>>) -> (i32, i32, i32) {
    %get3A = arith.index_cast %arg0 : i32 to index
    %get3A_0 = memref.load %arg1[%get3A] : memref<33xi32, #tpu.memory_space<smem>>
    %c0_i32 = arith.constant 0 : i32
    %c0_i32_1 = arith.constant 0 : i32
    %c0_i32_2 = arith.constant 0 : i32
    return %get3A_0, %c0_i32, %c0_i32_1 : i32, i32, i32
  }
  func.func @transform_3(%arg0: i32, %arg1: memref<33xi32, #tpu.memory_space<smem>>) -> (i32, i32, i32) {
    %get3A = arith.index_cast %arg0 : i32 to index
    %get3A_0 = memref.load %arg1[%get3A] : memref<33xi32, #tpu.memory_space<smem>>
    %c0_i32 = arith.constant 0 : i32
    %c0_i32_1 = arith.constant 0 : i32
    %c0_i32_2 = arith.constant 0 : i32
    return %get3A_0, %c0_i32, %c0_i32_1 : i32, i32, i32
  }
  func.func @transform_4(%arg0: i32, %arg1: memref<33xi32, #tpu.memory_space<smem>>) -> (i32, i32, i32) {
    %get3A = arith.index_cast %arg0 : i32 to index
    %get3A_0 = memref.load %arg1[%get3A] : memref<33xi32, #tpu.memory_space<smem>>
    %c0_i32 = arith.constant 0 : i32
    %c0_i32_1 = arith.constant 0 : i32
    %c0_i32_2 = arith.constant 0 : i32
    return %get3A_0, %c0_i32, %c0_i32_1 : i32, i32, i32
  }
  func.func @transform_5(%arg0: i32, %arg1: memref<33xi32, #tpu.memory_space<smem>>) -> (i32, i32, i32) {
    %get3A = arith.index_cast %arg0 : i32 to index
    %get3A_0 = memref.load %arg1[%get3A] : memref<33xi32, #tpu.memory_space<smem>>
    %c0_i32 = arith.constant 0 : i32
    %c0_i32_1 = arith.constant 0 : i32
    %c0_i32_2 = arith.constant 0 : i32
    return %get3A_0, %c0_i32, %c0_i32_1 : i32, i32, i32
  }
  func.func @transform_6(%arg0: i32, %arg1: memref<33xi32, #tpu.memory_space<smem>>) -> (i32, i32, i32) {
    %get3A = arith.index_cast %arg0 : i32 to index
    %get3A_0 = memref.load %arg1[%get3A] : memref<33xi32, #tpu.memory_space<smem>>
    %c0_i32 = arith.constant 0 : i32
    %c0_i32_1 = arith.constant 0 : i32
    %c0_i32_2 = arith.constant 0 : i32
    return %get3A_0, %c0_i32, %c0_i32_1 : i32, i32, i32
  }
  func.func @transform_7(%arg0: i32, %arg1: memref<33xi32, #tpu.memory_space<smem>>) -> (i32, i32) {
    %c0_i32 = arith.constant 0 : i32
    %c0_i32_0 = arith.constant 0 : i32
    return %arg0, %c0_i32 : i32, i32
  }
}

module attributes {stable_mosaic.version = 14 : i64} {
  func.func @_postpre_kernel(%arg0: memref<1024x512xf32, #tpu.memory_space<vmem>>, %arg1: memref<1024x512xf32, #tpu.memory_space<vmem>>, %arg2: memref<1x512xf32, #tpu.memory_space<vmem>>, %arg3: memref<1024x512xf32, #tpu.memory_space<vmem>>, %arg4: memref<2048x512xf32, #tpu.memory_space<vmem>>, %arg5: memref<1024x8xf32, #tpu.memory_space<vmem>>, %arg6: memref<512x64xf32, #tpu.memory_space<vmem>>, %arg7: memref<1x64xf32, #tpu.memory_space<vmem>>, %arg8: memref<64x512xf32, #tpu.memory_space<vmem>>, %arg9: memref<1x512xf32, #tpu.memory_space<vmem>>, %arg10: memref<1x512xf32, #tpu.memory_space<vmem>>, %arg11: memref<1x512xf32, #tpu.memory_space<vmem>>, %arg12: memref<1x512xf32, #tpu.memory_space<vmem>>, %arg13: memref<31x512xf32, #tpu.memory_space<vmem>>, %arg14: memref<1x512xf32, #tpu.memory_space<vmem>>, %arg15: memref<512x512xf32, #tpu.memory_space<vmem>>, %arg16: memref<1x512xf32, #tpu.memory_space<vmem>>, %arg17: memref<512x8xf32, #tpu.memory_space<vmem>>, %arg18: memref<1x8xf32, #tpu.memory_space<vmem>>, %arg19: memref<1024x512xf32, #tpu.memory_space<vmem>>, %arg20: memref<1x512xf32, #tpu.memory_space<vmem>>, %arg21: memref<1024x512xf32, #tpu.memory_space<vmem>>, %arg22: memref<2048x1xi32, #tpu.memory_space<vmem>>, %arg23: memref<33x1xi32, #tpu.memory_space<vmem>>, %arg24: memref<1024x8xf32, #tpu.memory_space<vmem>>) attributes {dimension_semantics = [], scalar_prefetch = 0 : i64, scratch_operands = 0 : i64, tpu.core_type = #tpu.core_type<tc>} {
    %get3A = arith.constant 0 : index
    %get3A_0 = arith.constant 0 : index
    %get3A_1 = vector.load %arg5[%get3A, %get3A_0] : memref<1024x8xf32, #tpu.memory_space<vmem>>, vector<1024x1xf32>
    %get3A_2 = arith.constant 0 : index
    %get3A_3 = arith.constant 1 : index
    %get3A_4 = vector.load %arg5[%get3A_2, %get3A_3] : memref<1024x8xf32, #tpu.memory_space<vmem>>, vector<1024x1xf32>
    %get3A_5 = arith.constant 0 : index
    %get3A_6 = arith.constant 0 : index
    %get3A_7 = vector.load %arg3[%get3A_5, %get3A_6] : memref<1024x512xf32, #tpu.memory_space<vmem>>, vector<1024x512xf32>
    %get3A_8 = arith.constant 0 : index
    %get3A_9 = arith.constant 0 : index
    %get3A_10 = vector.load %arg4[%get3A_8, %get3A_9] : memref<2048x512xf32, #tpu.memory_space<vmem>>, vector<1024x512xf32>
    %mul3A = vector.broadcast %get3A_1 : vector<1024x1xf32> to vector<1024x512xf32>
    %mul3A_11 = arith.mulf %mul3A, %get3A_10 : vector<1024x512xf32>
    %add3A = arith.addf %get3A_7, %mul3A_11 : vector<1024x512xf32>
    %get3A_12 = arith.constant 1024 : index
    %get3A_13 = arith.constant 0 : index
    %get3A_14 = vector.load %arg4[%get3A_12, %get3A_13] : memref<2048x512xf32, #tpu.memory_space<vmem>>, vector<1024x512xf32>
    %mul3A_15 = vector.broadcast %get3A_4 : vector<1024x1xf32> to vector<1024x512xf32>
    %mul3A_16 = arith.mulf %mul3A_15, %get3A_14 : vector<1024x512xf32>
    %add3A_17 = arith.addf %add3A, %mul3A_16 : vector<1024x512xf32>
    %get3A_18 = arith.constant 0 : index
    %get3A_19 = arith.constant 0 : index
    %get3A_20 = vector.load %arg2[%get3A_18, %get3A_19] : memref<1x512xf32, #tpu.memory_space<vmem>>, vector<1x512xf32>
    %get3A_21 = arith.constant 0 : index
    %get3A_22 = arith.constant 0 : index
    %get3A_23 = vector.load %arg10[%get3A_21, %get3A_22] : memref<1x512xf32, #tpu.memory_space<vmem>>, vector<1x512xf32>
    %mul3A_24 = arith.mulf %get3A_20, %get3A_23 : vector<1x512xf32>
    %broadcast_in_dim3A = arith.constant 9.765625E-4 : f32
    %broadcast_in_dim3A_25 = vector.broadcast %broadcast_in_dim3A : f32 to vector<1x1024xf32>
    %dot_general3A = arith.constant dense<0.000000e+00> : vector<1x512xf32>
    %dot_general3A_26 = tpu.matmul %broadcast_in_dim3A_25, %add3A_17, %dot_general3A {dimension_numbers = #tpu.dot_dimension_numbers<[1], [0], [0], [1], [0, 0, 1, 1], [], []>, transpose_lhs_hint = false} : vector<1x1024xf32>, vector<1024x512xf32>, vector<1x512xf32> -> vector<1x512xf32>
    %add3A_27 = arith.addf %mul3A_24, %dot_general3A_26 : vector<1x512xf32>
    %get3A_28 = arith.constant 0 : index
    %get3A_29 = arith.constant 0 : index
    %get3A_30 = vector.load %arg6[%get3A_28, %get3A_29] : memref<512x64xf32, #tpu.memory_space<vmem>>, vector<512x64xf32>
    %dot_general3A_31 = arith.constant dense<0.000000e+00> : vector<1x64xf32>
    %dot_general3A_32 = tpu.matmul %add3A_27, %get3A_30, %dot_general3A_31 {dimension_numbers = #tpu.dot_dimension_numbers<[1], [0], [0], [1], [0, 0, 1, 1], [], []>, transpose_lhs_hint = false} : vector<1x512xf32>, vector<512x64xf32>, vector<1x64xf32> -> vector<1x64xf32>
    %get3A_33 = arith.constant 0 : index
    %get3A_34 = arith.constant 0 : index
    %get3A_35 = vector.load %arg7[%get3A_33, %get3A_34] : memref<1x64xf32, #tpu.memory_space<vmem>>, vector<1x64xf32>
    %add3A_36 = arith.addf %dot_general3A_32, %get3A_35 : vector<1x64xf32>
    %logistic3A = arith.negf %add3A_36 : vector<1x64xf32>
    %logistic3A_37 = math.exp %logistic3A : vector<1x64xf32>
    %logistic3A_38 = arith.constant 1.000000e+00 : f32
    %logistic3A_39 = vector.broadcast %logistic3A_38 : f32 to vector<1x64xf32>
    %logistic3A_40 = arith.addf %logistic3A_39, %logistic3A_37 : vector<1x64xf32>
    %logistic3A_41 = arith.divf %logistic3A_39, %logistic3A_40 : vector<1x64xf32>
    %mul3A_42 = arith.mulf %add3A_36, %logistic3A_41 : vector<1x64xf32>
    %get3A_43 = arith.constant 0 : index
    %get3A_44 = arith.constant 0 : index
    %get3A_45 = vector.load %arg8[%get3A_43, %get3A_44] : memref<64x512xf32, #tpu.memory_space<vmem>>, vector<64x512xf32>
    %dot_general3A_46 = arith.constant dense<0.000000e+00> : vector<1x512xf32>
    %dot_general3A_47 = tpu.matmul %mul3A_42, %get3A_45, %dot_general3A_46 {dimension_numbers = #tpu.dot_dimension_numbers<[1], [0], [0], [1], [0, 0, 1, 1], [], []>, transpose_lhs_hint = false} : vector<1x64xf32>, vector<64x512xf32>, vector<1x512xf32> -> vector<1x512xf32>
    %get3A_48 = arith.constant 0 : index
    %get3A_49 = arith.constant 0 : index
    %get3A_50 = vector.load %arg9[%get3A_48, %get3A_49] : memref<1x512xf32, #tpu.memory_space<vmem>>, vector<1x512xf32>
    %add3A_51 = arith.addf %dot_general3A_47, %get3A_50 : vector<1x512xf32>
    %logistic3A_52 = arith.negf %add3A_51 : vector<1x512xf32>
    %logistic3A_53 = math.exp %logistic3A_52 : vector<1x512xf32>
    %logistic3A_54 = arith.constant 1.000000e+00 : f32
    %logistic3A_55 = vector.broadcast %logistic3A_54 : f32 to vector<1x512xf32>
    %logistic3A_56 = arith.addf %logistic3A_55, %logistic3A_53 : vector<1x512xf32>
    %logistic3A_57 = arith.divf %logistic3A_55, %logistic3A_56 : vector<1x512xf32>
    %get3A_58 = arith.constant 0 : index
    %get3A_59 = arith.constant 0 : index
    %get3A_60 = vector.load %arg1[%get3A_58, %get3A_59] : memref<1024x512xf32, #tpu.memory_space<vmem>>, vector<1024x512xf32>
    %get3A_61 = arith.constant 0 : index
    %get3A_62 = arith.constant 0 : index
    %get3A_63 = vector.load %arg0[%get3A_61, %get3A_62] : memref<1024x512xf32, #tpu.memory_space<vmem>>, vector<1024x512xf32>
    %add3A_64 = arith.addf %get3A_60, %get3A_63 : vector<1024x512xf32>
    %mul3A_65 = vector.broadcast %logistic3A_57 : vector<1x512xf32> to vector<1024x512xf32>
    %mul3A_66 = arith.mulf %add3A_17, %mul3A_65 : vector<1024x512xf32>
    %add3A_67 = arith.addf %add3A_64, %mul3A_66 : vector<1024x512xf32>
    %swap3A = arith.constant 0 : index
    %swap3A_68 = arith.constant 0 : index
    %swap3A_69 = vector.load %arg19[%swap3A, %swap3A_68] : memref<1024x512xf32, #tpu.memory_space<vmem>>, vector<1024x512xf32>
    tpu.vector_store %arg19[%swap3A, %swap3A_68], %add3A_67 {strides = array<i32>} : memref<1024x512xf32, #tpu.memory_space<vmem>>, vector<1024x512xf32>,
    %get3A_70 = arith.constant 0 : index
    %get3A_71 = arith.constant 0 : index
    %get3A_72 = vector.load %arg11[%get3A_70, %get3A_71] : memref<1x512xf32, #tpu.memory_space<vmem>>, vector<1x512xf32>
    %get3A_73 = arith.constant 0 : index
    %get3A_74 = arith.constant 0 : index
    %get3A_75 = vector.load %arg12[%get3A_73, %get3A_74] : memref<1x512xf32, #tpu.memory_space<vmem>>, vector<1x512xf32>
    %broadcast_in_dim3A_76 = arith.constant 0.001953125 : f32
    %broadcast_in_dim3A_77 = vector.broadcast %broadcast_in_dim3A_76 : f32 to vector<512x1xf32>
    %dot_general3A_78 = arith.constant dense<0.000000e+00> : vector<1024x1xf32>
    %dot_general3A_79 = tpu.matmul %add3A_67, %broadcast_in_dim3A_77, %dot_general3A_78 {dimension_numbers = #tpu.dot_dimension_numbers<[1], [0], [0], [1], [0, 0, 1, 1], [], []>, transpose_lhs_hint = false} : vector<1024x512xf32>, vector<512x1xf32>, vector<1024x1xf32> -> vector<1024x1xf32>
    %sub3A = vector.broadcast %dot_general3A_79 : vector<1024x1xf32> to vector<1024x512xf32>
    %sub3A_80 = arith.subf %add3A_67, %sub3A : vector<1024x512xf32>
    %mul3A_81 = arith.mulf %sub3A_80, %sub3A_80 : vector<1024x512xf32>
    %dot_general3A_82 = arith.constant dense<0.000000e+00> : vector<1024x1xf32>
    %dot_general3A_83 = tpu.matmul %mul3A_81, %broadcast_in_dim3A_77, %dot_general3A_82 {dimension_numbers = #tpu.dot_dimension_numbers<[1], [0], [0], [1], [0, 0, 1, 1], [], []>, transpose_lhs_hint = false} : vector<1024x512xf32>, vector<512x1xf32>, vector<1024x1xf32> -> vector<1024x1xf32>
    %add3A_84 = arith.constant 9.99999974E-6 : f32
    %add3A_85 = vector.broadcast %add3A_84 : f32 to vector<1024x1xf32>
    %add3A_86 = arith.addf %dot_general3A_83, %add3A_85 : vector<1024x1xf32>
    %rsqrt3A = math.rsqrt %add3A_86 : vector<1024x1xf32>
    %mul3A_87 = vector.broadcast %rsqrt3A : vector<1024x1xf32> to vector<1024x512xf32>
    %mul3A_88 = arith.mulf %sub3A_80, %mul3A_87 : vector<1024x512xf32>
    %mul3A_89 = vector.broadcast %get3A_72 : vector<1x512xf32> to vector<1024x512xf32>
    %mul3A_90 = arith.mulf %mul3A_88, %mul3A_89 : vector<1024x512xf32>
    %add3A_91 = vector.broadcast %get3A_75 : vector<1x512xf32> to vector<1024x512xf32>
    %add3A_92 = arith.addf %mul3A_90, %add3A_91 : vector<1024x512xf32>
    %broadcast_in_dim3A_93 = arith.constant 0.000000e+00 : f32
    %broadcast_in_dim3A_94 = vector.broadcast %broadcast_in_dim3A_93 : f32 to vector<15x512xf32>
    %concatenate3A = tpu.concatenate %broadcast_in_dim3A_94, %add3A_92, %broadcast_in_dim3A_94 in 0 : vector<15x512xf32>, vector<1024x512xf32>, vector<15x512xf32> -> vector<1054x512xf32>
    %get3A_95 = arith.constant 0 : index
    %get3A_96 = arith.constant 0 : index
    %get3A_97 = vector.load %arg14[%get3A_95, %get3A_96] : memref<1x512xf32, #tpu.memory_space<vmem>>, vector<1x512xf32>
    %broadcast_in_dim3A_98 = vector.shape_cast %get3A_97 : vector<1x512xf32> to vector<1x512xf32>
    %broadcast_in_dim3A_99 = vector.broadcast %broadcast_in_dim3A_98 : vector<1x512xf32> to vector<1024x512xf32>
    %slice3A = vector.extract_strided_slice %concatenate3A {offsets = [0, 0], sizes = [1024, 512], strides = [1, 1]} : vector<1054x512xf32> to vector<1024x512xf32>
    %get3A_100 = arith.constant 0 : index
    %get3A_101 = arith.constant 0 : index
    %get3A_102 = vector.load %arg13[%get3A_100, %get3A_101] : memref<31x512xf32, #tpu.memory_space<vmem>>, vector<1x512xf32>
    %mul3A_103 = vector.broadcast %get3A_102 : vector<1x512xf32> to vector<1024x512xf32>
    %mul3A_104 = arith.mulf %slice3A, %mul3A_103 : vector<1024x512xf32>
    %add3A_105 = arith.addf %broadcast_in_dim3A_99, %mul3A_104 : vector<1024x512xf32>
    %slice3A_106 = vector.extract_strided_slice %concatenate3A {offsets = [1, 0], sizes = [1024, 512], strides = [1, 1]} : vector<1054x512xf32> to vector<1024x512xf32>
    %get3A_107 = arith.constant 1 : index
    %get3A_108 = arith.constant 0 : index
    %get3A_109 = vector.load %arg13[%get3A_107, %get3A_108] : memref<31x512xf32, #tpu.memory_space<vmem>>, vector<1x512xf32>
    %mul3A_110 = vector.broadcast %get3A_109 : vector<1x512xf32> to vector<1024x512xf32>
    %mul3A_111 = arith.mulf %slice3A_106, %mul3A_110 : vector<1024x512xf32>
    %add3A_112 = arith.addf %add3A_105, %mul3A_111 : vector<1024x512xf32>
    %slice3A_113 = vector.extract_strided_slice %concatenate3A {offsets = [2, 0], sizes = [1024, 512], strides = [1, 1]} : vector<1054x512xf32> to vector<1024x512xf32>
    %get3A_114 = arith.constant 2 : index
    %get3A_115 = arith.constant 0 : index
    %get3A_116 = vector.load %arg13[%get3A_114, %get3A_115] : memref<31x512xf32, #tpu.memory_space<vmem>>, vector<1x512xf32>
    %mul3A_117 = vector.broadcast %get3A_116 : vector<1x512xf32> to vector<1024x512xf32>
    %mul3A_118 = arith.mulf %slice3A_113, %mul3A_117 : vector<1024x512xf32>
    %add3A_119 = arith.addf %add3A_112, %mul3A_118 : vector<1024x512xf32>
    %slice3A_120 = vector.extract_strided_slice %concatenate3A {offsets = [3, 0], sizes = [1024, 512], strides = [1, 1]} : vector<1054x512xf32> to vector<1024x512xf32>
    %get3A_121 = arith.constant 3 : index
    %get3A_122 = arith.constant 0 : index
    %get3A_123 = vector.load %arg13[%get3A_121, %get3A_122] : memref<31x512xf32, #tpu.memory_space<vmem>>, vector<1x512xf32>
    %mul3A_124 = vector.broadcast %get3A_123 : vector<1x512xf32> to vector<1024x512xf32>
    %mul3A_125 = arith.mulf %slice3A_120, %mul3A_124 : vector<1024x512xf32>
    %add3A_126 = arith.addf %add3A_119, %mul3A_125 : vector<1024x512xf32>
    %slice3A_127 = vector.extract_strided_slice %concatenate3A {offsets = [4, 0], sizes = [1024, 512], strides = [1, 1]} : vector<1054x512xf32> to vector<1024x512xf32>
    %get3A_128 = arith.constant 4 : index
    %get3A_129 = arith.constant 0 : index
    %get3A_130 = vector.load %arg13[%get3A_128, %get3A_129] : memref<31x512xf32, #tpu.memory_space<vmem>>, vector<1x512xf32>
    %mul3A_131 = vector.broadcast %get3A_130 : vector<1x512xf32> to vector<1024x512xf32>
    %mul3A_132 = arith.mulf %slice3A_127, %mul3A_131 : vector<1024x512xf32>
    %add3A_133 = arith.addf %add3A_126, %mul3A_132 : vector<1024x512xf32>
    %slice3A_134 = vector.extract_strided_slice %concatenate3A {offsets = [5, 0], sizes = [1024, 512], strides = [1, 1]} : vector<1054x512xf32> to vector<1024x512xf32>
    %get3A_135 = arith.constant 5 : index
    %get3A_136 = arith.constant 0 : index
    %get3A_137 = vector.load %arg13[%get3A_135, %get3A_136] : memref<31x512xf32, #tpu.memory_space<vmem>>, vector<1x512xf32>
    %mul3A_138 = vector.broadcast %get3A_137 : vector<1x512xf32> to vector<1024x512xf32>
    %mul3A_139 = arith.mulf %slice3A_134, %mul3A_138 : vector<1024x512xf32>
    %add3A_140 = arith.addf %add3A_133, %mul3A_139 : vector<1024x512xf32>
    %slice3A_141 = vector.extract_strided_slice %concatenate3A {offsets = [6, 0], sizes = [1024, 512], strides = [1, 1]} : vector<1054x512xf32> to vector<1024x512xf32>
    %get3A_142 = arith.constant 6 : index
    %get3A_143 = arith.constant 0 : index
    %get3A_144 = vector.load %arg13[%get3A_142, %get3A_143] : memref<31x512xf32, #tpu.memory_space<vmem>>, vector<1x512xf32>
    %mul3A_145 = vector.broadcast %get3A_144 : vector<1x512xf32> to vector<1024x512xf32>
    %mul3A_146 = arith.mulf %slice3A_141, %mul3A_145 : vector<1024x512xf32>
    %add3A_147 = arith.addf %add3A_140, %mul3A_146 : vector<1024x512xf32>
    %slice3A_148 = vector.extract_strided_slice %concatenate3A {offsets = [7, 0], sizes = [1024, 512], strides = [1, 1]} : vector<1054x512xf32> to vector<1024x512xf32>
    %get3A_149 = arith.constant 7 : index
    %get3A_150 = arith.constant 0 : index
    %get3A_151 = vector.load %arg13[%get3A_149, %get3A_150] : memref<31x512xf32, #tpu.memory_space<vmem>>, vector<1x512xf32>
    %mul3A_152 = vector.broadcast %get3A_151 : vector<1x512xf32> to vector<1024x512xf32>
    %mul3A_153 = arith.mulf %slice3A_148, %mul3A_152 : vector<1024x512xf32>
    %add3A_154 = arith.addf %add3A_147, %mul3A_153 : vector<1024x512xf32>
    %slice3A_155 = vector.extract_strided_slice %concatenate3A {offsets = [8, 0], sizes = [1024, 512], strides = [1, 1]} : vector<1054x512xf32> to vector<1024x512xf32>
    %get3A_156 = arith.constant 8 : index
    %get3A_157 = arith.constant 0 : index
    %get3A_158 = vector.load %arg13[%get3A_156, %get3A_157] : memref<31x512xf32, #tpu.memory_space<vmem>>, vector<1x512xf32>
    %mul3A_159 = vector.broadcast %get3A_158 : vector<1x512xf32> to vector<1024x512xf32>
    %mul3A_160 = arith.mulf %slice3A_155, %mul3A_159 : vector<1024x512xf32>
    %add3A_161 = arith.addf %add3A_154, %mul3A_160 : vector<1024x512xf32>
    %slice3A_162 = vector.extract_strided_slice %concatenate3A {offsets = [9, 0], sizes = [1024, 512], strides = [1, 1]} : vector<1054x512xf32> to vector<1024x512xf32>
    %get3A_163 = arith.constant 9 : index
    %get3A_164 = arith.constant 0 : index
    %get3A_165 = vector.load %arg13[%get3A_163, %get3A_164] : memref<31x512xf32, #tpu.memory_space<vmem>>, vector<1x512xf32>
    %mul3A_166 = vector.broadcast %get3A_165 : vector<1x512xf32> to vector<1024x512xf32>
    %mul3A_167 = arith.mulf %slice3A_162, %mul3A_166 : vector<1024x512xf32>
    %add3A_168 = arith.addf %add3A_161, %mul3A_167 : vector<1024x512xf32>
    %slice3A_169 = vector.extract_strided_slice %concatenate3A {offsets = [10, 0], sizes = [1024, 512], strides = [1, 1]} : vector<1054x512xf32> to vector<1024x512xf32>
    %get3A_170 = arith.constant 10 : index
    %get3A_171 = arith.constant 0 : index
    %get3A_172 = vector.load %arg13[%get3A_170, %get3A_171] : memref<31x512xf32, #tpu.memory_space<vmem>>, vector<1x512xf32>
    %mul3A_173 = vector.broadcast %get3A_172 : vector<1x512xf32> to vector<1024x512xf32>
    %mul3A_174 = arith.mulf %slice3A_169, %mul3A_173 : vector<1024x512xf32>
    %add3A_175 = arith.addf %add3A_168, %mul3A_174 : vector<1024x512xf32>
    %slice3A_176 = vector.extract_strided_slice %concatenate3A {offsets = [11, 0], sizes = [1024, 512], strides = [1, 1]} : vector<1054x512xf32> to vector<1024x512xf32>
    %get3A_177 = arith.constant 11 : index
    %get3A_178 = arith.constant 0 : index
    %get3A_179 = vector.load %arg13[%get3A_177, %get3A_178] : memref<31x512xf32, #tpu.memory_space<vmem>>, vector<1x512xf32>
    %mul3A_180 = vector.broadcast %get3A_179 : vector<1x512xf32> to vector<1024x512xf32>
    %mul3A_181 = arith.mulf %slice3A_176, %mul3A_180 : vector<1024x512xf32>
    %add3A_182 = arith.addf %add3A_175, %mul3A_181 : vector<1024x512xf32>
    %slice3A_183 = vector.extract_strided_slice %concatenate3A {offsets = [12, 0], sizes = [1024, 512], strides = [1, 1]} : vector<1054x512xf32> to vector<1024x512xf32>
    %get3A_184 = arith.constant 12 : index
    %get3A_185 = arith.constant 0 : index
    %get3A_186 = vector.load %arg13[%get3A_184, %get3A_185] : memref<31x512xf32, #tpu.memory_space<vmem>>, vector<1x512xf32>
    %mul3A_187 = vector.broadcast %get3A_186 : vector<1x512xf32> to vector<1024x512xf32>
    %mul3A_188 = arith.mulf %slice3A_183, %mul3A_187 : vector<1024x512xf32>
    %add3A_189 = arith.addf %add3A_182, %mul3A_188 : vector<1024x512xf32>
    %slice3A_190 = vector.extract_strided_slice %concatenate3A {offsets = [13, 0], sizes = [1024, 512], strides = [1, 1]} : vector<1054x512xf32> to vector<1024x512xf32>
    %get3A_191 = arith.constant 13 : index
    %get3A_192 = arith.constant 0 : index
    %get3A_193 = vector.load %arg13[%get3A_191, %get3A_192] : memref<31x512xf32, #tpu.memory_space<vmem>>, vector<1x512xf32>
    %mul3A_194 = vector.broadcast %get3A_193 : vector<1x512xf32> to vector<1024x512xf32>
    %mul3A_195 = arith.mulf %slice3A_190, %mul3A_194 : vector<1024x512xf32>
    %add3A_196 = arith.addf %add3A_189, %mul3A_195 : vector<1024x512xf32>
    %slice3A_197 = vector.extract_strided_slice %concatenate3A {offsets = [14, 0], sizes = [1024, 512], strides = [1, 1]} : vector<1054x512xf32> to vector<1024x512xf32>
    %get3A_198 = arith.constant 14 : index
    %get3A_199 = arith.constant 0 : index
    %get3A_200 = vector.load %arg13[%get3A_198, %get3A_199] : memref<31x512xf32, #tpu.memory_space<vmem>>, vector<1x512xf32>
    %mul3A_201 = vector.broadcast %get3A_200 : vector<1x512xf32> to vector<1024x512xf32>
    %mul3A_202 = arith.mulf %slice3A_197, %mul3A_201 : vector<1024x512xf32>
    %add3A_203 = arith.addf %add3A_196, %mul3A_202 : vector<1024x512xf32>
    %slice3A_204 = vector.extract_strided_slice %concatenate3A {offsets = [15, 0], sizes = [1024, 512], strides = [1, 1]} : vector<1054x512xf32> to vector<1024x512xf32>
    %get3A_205 = arith.constant 15 : index
    %get3A_206 = arith.constant 0 : index
    %get3A_207 = vector.load %arg13[%get3A_205, %get3A_206] : memref<31x512xf32, #tpu.memory_space<vmem>>, vector<1x512xf32>
    %mul3A_208 = vector.broadcast %get3A_207 : vector<1x512xf32> to vector<1024x512xf32>
    %mul3A_209 = arith.mulf %slice3A_204, %mul3A_208 : vector<1024x512xf32>
    %add3A_210 = arith.addf %add3A_203, %mul3A_209 : vector<1024x512xf32>
    %slice3A_211 = vector.extract_strided_slice %concatenate3A {offsets = [16, 0], sizes = [1024, 512], strides = [1, 1]} : vector<1054x512xf32> to vector<1024x512xf32>
    %get3A_212 = arith.constant 16 : index
    %get3A_213 = arith.constant 0 : index
    %get3A_214 = vector.load %arg13[%get3A_212, %get3A_213] : memref<31x512xf32, #tpu.memory_space<vmem>>, vector<1x512xf32>
    %mul3A_215 = vector.broadcast %get3A_214 : vector<1x512xf32> to vector<1024x512xf32>
    %mul3A_216 = arith.mulf %slice3A_211, %mul3A_215 : vector<1024x512xf32>
    %add3A_217 = arith.addf %add3A_210, %mul3A_216 : vector<1024x512xf32>
    %slice3A_218 = vector.extract_strided_slice %concatenate3A {offsets = [17, 0], sizes = [1024, 512], strides = [1, 1]} : vector<1054x512xf32> to vector<1024x512xf32>
    %get3A_219 = arith.constant 17 : index
    %get3A_220 = arith.constant 0 : index
    %get3A_221 = vector.load %arg13[%get3A_219, %get3A_220] : memref<31x512xf32, #tpu.memory_space<vmem>>, vector<1x512xf32>
    %mul3A_222 = vector.broadcast %get3A_221 : vector<1x512xf32> to vector<1024x512xf32>
    %mul3A_223 = arith.mulf %slice3A_218, %mul3A_222 : vector<1024x512xf32>
    %add3A_224 = arith.addf %add3A_217, %mul3A_223 : vector<1024x512xf32>
    %slice3A_225 = vector.extract_strided_slice %concatenate3A {offsets = [18, 0], sizes = [1024, 512], strides = [1, 1]} : vector<1054x512xf32> to vector<1024x512xf32>
    %get3A_226 = arith.constant 18 : index
    %get3A_227 = arith.constant 0 : index
    %get3A_228 = vector.load %arg13[%get3A_226, %get3A_227] : memref<31x512xf32, #tpu.memory_space<vmem>>, vector<1x512xf32>
    %mul3A_229 = vector.broadcast %get3A_228 : vector<1x512xf32> to vector<1024x512xf32>
    %mul3A_230 = arith.mulf %slice3A_225, %mul3A_229 : vector<1024x512xf32>
    %add3A_231 = arith.addf %add3A_224, %mul3A_230 : vector<1024x512xf32>
    %slice3A_232 = vector.extract_strided_slice %concatenate3A {offsets = [19, 0], sizes = [1024, 512], strides = [1, 1]} : vector<1054x512xf32> to vector<1024x512xf32>
    %get3A_233 = arith.constant 19 : index
    %get3A_234 = arith.constant 0 : index
    %get3A_235 = vector.load %arg13[%get3A_233, %get3A_234] : memref<31x512xf32, #tpu.memory_space<vmem>>, vector<1x512xf32>
    %mul3A_236 = vector.broadcast %get3A_235 : vector<1x512xf32> to vector<1024x512xf32>
    %mul3A_237 = arith.mulf %slice3A_232, %mul3A_236 : vector<1024x512xf32>
    %add3A_238 = arith.addf %add3A_231, %mul3A_237 : vector<1024x512xf32>
    %slice3A_239 = vector.extract_strided_slice %concatenate3A {offsets = [20, 0], sizes = [1024, 512], strides = [1, 1]} : vector<1054x512xf32> to vector<1024x512xf32>
    %get3A_240 = arith.constant 20 : index
    %get3A_241 = arith.constant 0 : index
    %get3A_242 = vector.load %arg13[%get3A_240, %get3A_241] : memref<31x512xf32, #tpu.memory_space<vmem>>, vector<1x512xf32>
    %mul3A_243 = vector.broadcast %get3A_242 : vector<1x512xf32> to vector<1024x512xf32>
    %mul3A_244 = arith.mulf %slice3A_239, %mul3A_243 : vector<1024x512xf32>
    %add3A_245 = arith.addf %add3A_238, %mul3A_244 : vector<1024x512xf32>
    %slice3A_246 = vector.extract_strided_slice %concatenate3A {offsets = [21, 0], sizes = [1024, 512], strides = [1, 1]} : vector<1054x512xf32> to vector<1024x512xf32>
    %get3A_247 = arith.constant 21 : index
    %get3A_248 = arith.constant 0 : index
    %get3A_249 = vector.load %arg13[%get3A_247, %get3A_248] : memref<31x512xf32, #tpu.memory_space<vmem>>, vector<1x512xf32>
    %mul3A_250 = vector.broadcast %get3A_249 : vector<1x512xf32> to vector<1024x512xf32>
    %mul3A_251 = arith.mulf %slice3A_246, %mul3A_250 : vector<1024x512xf32>
    %add3A_252 = arith.addf %add3A_245, %mul3A_251 : vector<1024x512xf32>
    %slice3A_253 = vector.extract_strided_slice %concatenate3A {offsets = [22, 0], sizes = [1024, 512], strides = [1, 1]} : vector<1054x512xf32> to vector<1024x512xf32>
    %get3A_254 = arith.constant 22 : index
    %get3A_255 = arith.constant 0 : index
    %get3A_256 = vector.load %arg13[%get3A_254, %get3A_255] : memref<31x512xf32, #tpu.memory_space<vmem>>, vector<1x512xf32>
    %mul3A_257 = vector.broadcast %get3A_256 : vector<1x512xf32> to vector<1024x512xf32>
    %mul3A_258 = arith.mulf %slice3A_253, %mul3A_257 : vector<1024x512xf32>
    %add3A_259 = arith.addf %add3A_252, %mul3A_258 : vector<1024x512xf32>
    %slice3A_260 = vector.extract_strided_slice %concatenate3A {offsets = [23, 0], sizes = [1024, 512], strides = [1, 1]} : vector<1054x512xf32> to vector<1024x512xf32>
    %get3A_261 = arith.constant 23 : index
    %get3A_262 = arith.constant 0 : index
    %get3A_263 = vector.load %arg13[%get3A_261, %get3A_262] : memref<31x512xf32, #tpu.memory_space<vmem>>, vector<1x512xf32>
    %mul3A_264 = vector.broadcast %get3A_263 : vector<1x512xf32> to vector<1024x512xf32>
    %mul3A_265 = arith.mulf %slice3A_260, %mul3A_264 : vector<1024x512xf32>
    %add3A_266 = arith.addf %add3A_259, %mul3A_265 : vector<1024x512xf32>
    %slice3A_267 = vector.extract_strided_slice %concatenate3A {offsets = [24, 0], sizes = [1024, 512], strides = [1, 1]} : vector<1054x512xf32> to vector<1024x512xf32>
    %get3A_268 = arith.constant 24 : index
    %get3A_269 = arith.constant 0 : index
    %get3A_270 = vector.load %arg13[%get3A_268, %get3A_269] : memref<31x512xf32, #tpu.memory_space<vmem>>, vector<1x512xf32>
    %mul3A_271 = vector.broadcast %get3A_270 : vector<1x512xf32> to vector<1024x512xf32>
    %mul3A_272 = arith.mulf %slice3A_267, %mul3A_271 : vector<1024x512xf32>
    %add3A_273 = arith.addf %add3A_266, %mul3A_272 : vector<1024x512xf32>
    %slice3A_274 = vector.extract_strided_slice %concatenate3A {offsets = [25, 0], sizes = [1024, 512], strides = [1, 1]} : vector<1054x512xf32> to vector<1024x512xf32>
    %get3A_275 = arith.constant 25 : index
    %get3A_276 = arith.constant 0 : index
    %get3A_277 = vector.load %arg13[%get3A_275, %get3A_276] : memref<31x512xf32, #tpu.memory_space<vmem>>, vector<1x512xf32>
    %mul3A_278 = vector.broadcast %get3A_277 : vector<1x512xf32> to vector<1024x512xf32>
    %mul3A_279 = arith.mulf %slice3A_274, %mul3A_278 : vector<1024x512xf32>
    %add3A_280 = arith.addf %add3A_273, %mul3A_279 : vector<1024x512xf32>
    %slice3A_281 = vector.extract_strided_slice %concatenate3A {offsets = [26, 0], sizes = [1024, 512], strides = [1, 1]} : vector<1054x512xf32> to vector<1024x512xf32>
    %get3A_282 = arith.constant 26 : index
    %get3A_283 = arith.constant 0 : index
    %get3A_284 = vector.load %arg13[%get3A_282, %get3A_283] : memref<31x512xf32, #tpu.memory_space<vmem>>, vector<1x512xf32>
    %mul3A_285 = vector.broadcast %get3A_284 : vector<1x512xf32> to vector<1024x512xf32>
    %mul3A_286 = arith.mulf %slice3A_281, %mul3A_285 : vector<1024x512xf32>
    %add3A_287 = arith.addf %add3A_280, %mul3A_286 : vector<1024x512xf32>
    %slice3A_288 = vector.extract_strided_slice %concatenate3A {offsets = [27, 0], sizes = [1024, 512], strides = [1, 1]} : vector<1054x512xf32> to vector<1024x512xf32>
    %get3A_289 = arith.constant 27 : index
    %get3A_290 = arith.constant 0 : index
    %get3A_291 = vector.load %arg13[%get3A_289, %get3A_290] : memref<31x512xf32, #tpu.memory_space<vmem>>, vector<1x512xf32>
    %mul3A_292 = vector.broadcast %get3A_291 : vector<1x512xf32> to vector<1024x512xf32>
    %mul3A_293 = arith.mulf %slice3A_288, %mul3A_292 : vector<1024x512xf32>
    %add3A_294 = arith.addf %add3A_287, %mul3A_293 : vector<1024x512xf32>
    %slice3A_295 = vector.extract_strided_slice %concatenate3A {offsets = [28, 0], sizes = [1024, 512], strides = [1, 1]} : vector<1054x512xf32> to vector<1024x512xf32>
    %get3A_296 = arith.constant 28 : index
    %get3A_297 = arith.constant 0 : index
    %get3A_298 = vector.load %arg13[%get3A_296, %get3A_297] : memref<31x512xf32, #tpu.memory_space<vmem>>, vector<1x512xf32>
    %mul3A_299 = vector.broadcast %get3A_298 : vector<1x512xf32> to vector<1024x512xf32>
    %mul3A_300 = arith.mulf %slice3A_295, %mul3A_299 : vector<1024x512xf32>
    %add3A_301 = arith.addf %add3A_294, %mul3A_300 : vector<1024x512xf32>
    %slice3A_302 = vector.extract_strided_slice %concatenate3A {offsets = [29, 0], sizes = [1024, 512], strides = [1, 1]} : vector<1054x512xf32> to vector<1024x512xf32>
    %get3A_303 = arith.constant 29 : index
    %get3A_304 = arith.constant 0 : index
    %get3A_305 = vector.load %arg13[%get3A_303, %get3A_304] : memref<31x512xf32, #tpu.memory_space<vmem>>, vector<1x512xf32>
    %mul3A_306 = vector.broadcast %get3A_305 : vector<1x512xf32> to vector<1024x512xf32>
    %mul3A_307 = arith.mulf %slice3A_302, %mul3A_306 : vector<1024x512xf32>
    %add3A_308 = arith.addf %add3A_301, %mul3A_307 : vector<1024x512xf32>
    %slice3A_309 = vector.extract_strided_slice %concatenate3A {offsets = [30, 0], sizes = [1024, 512], strides = [1, 1]} : vector<1054x512xf32> to vector<1024x512xf32>
    %get3A_310 = arith.constant 30 : index
    %get3A_311 = arith.constant 0 : index
    %get3A_312 = vector.load %arg13[%get3A_310, %get3A_311] : memref<31x512xf32, #tpu.memory_space<vmem>>, vector<1x512xf32>
    %mul3A_313 = vector.broadcast %get3A_312 : vector<1x512xf32> to vector<1024x512xf32>
    %mul3A_314 = arith.mulf %slice3A_309, %mul3A_313 : vector<1024x512xf32>
    %add3A_315 = arith.addf %add3A_308, %mul3A_314 : vector<1024x512xf32>
    %get3A_316 = arith.constant 0 : index
    %get3A_317 = arith.constant 0 : index
    %get3A_318 = vector.load %arg15[%get3A_316, %get3A_317] : memref<512x512xf32, #tpu.memory_space<vmem>>, vector<512x512xf32>
    %dot_general3A_319 = arith.constant dense<0.000000e+00> : vector<1024x512xf32>
    %dot_general3A_320 = tpu.matmul %add3A_315, %get3A_318, %dot_general3A_319 {dimension_numbers = #tpu.dot_dimension_numbers<[1], [0], [0], [1], [0, 0, 1, 1], [], []>, transpose_lhs_hint = false} : vector<1024x512xf32>, vector<512x512xf32>, vector<1024x512xf32> -> vector<1024x512xf32>
    %get3A_321 = arith.constant 0 : index
    %get3A_322 = arith.constant 0 : index
    %get3A_323 = vector.load %arg16[%get3A_321, %get3A_322] : memref<1x512xf32, #tpu.memory_space<vmem>>, vector<1x512xf32>
    %add3A_324 = vector.broadcast %get3A_323 : vector<1x512xf32> to vector<1024x512xf32>
    %add3A_325 = arith.addf %dot_general3A_320, %add3A_324 : vector<1024x512xf32>
    %logistic3A_326 = arith.negf %add3A_325 : vector<1024x512xf32>
    %logistic3A_327 = math.exp %logistic3A_326 : vector<1024x512xf32>
    %logistic3A_328 = arith.constant 1.000000e+00 : f32
    %logistic3A_329 = vector.broadcast %logistic3A_328 : f32 to vector<1024x512xf32>
    %logistic3A_330 = arith.addf %logistic3A_329, %logistic3A_327 : vector<1024x512xf32>
    %logistic3A_331 = arith.divf %logistic3A_329, %logistic3A_330 : vector<1024x512xf32>
    %mul3A_332 = arith.mulf %add3A_325, %logistic3A_331 : vector<1024x512xf32>
    %get3A_333 = arith.constant 0 : index
    %get3A_334 = arith.constant 0 : index
    %get3A_335 = vector.load %arg17[%get3A_333, %get3A_334] : memref<512x8xf32, #tpu.memory_space<vmem>>, vector<512x8xf32>
    %dot_general3A_336 = arith.constant dense<0.000000e+00> : vector<1024x8xf32>
    %dot_general3A_337 = tpu.matmul %mul3A_332, %get3A_335, %dot_general3A_336 {dimension_numbers = #tpu.dot_dimension_numbers<[1], [0], [0], [1], [0, 0, 1, 1], [], []>, transpose_lhs_hint = false} : vector<1024x512xf32>, vector<512x8xf32>, vector<1024x8xf32> -> vector<1024x8xf32>
    %get3A_338 = arith.constant 0 : index
    %get3A_339 = arith.constant 0 : index
    %get3A_340 = vector.load %arg18[%get3A_338, %get3A_339] : memref<1x8xf32, #tpu.memory_space<vmem>>, vector<1x8xf32>
    %add3A_341 = vector.broadcast %get3A_340 : vector<1x8xf32> to vector<1024x8xf32>
    %add3A_342 = arith.addf %dot_general3A_337, %add3A_341 : vector<1024x8xf32>
    %iota3A = tpu.iota {dimensions = array<i32: 1>} : vector<1024x8xi32>
    %reduce_max3A = arith.constant dense<0xFF800000> : vector<1024xf32>
    %reduce_max3A_343 = vector.multi_reduction <maximumf>, %add3A_342, %reduce_max3A [1] : vector<1024x8xf32> to vector<1024xf32>
    %broadcast_in_dim3A_344 = vector.shape_cast %reduce_max3A_343 : vector<1024xf32> to vector<1024x1xf32>
    %eq3A = vector.broadcast %broadcast_in_dim3A_344 : vector<1024x1xf32> to vector<1024x8xf32>
    %eq3A_345 = arith.cmpf oeq, %add3A_342, %eq3A : vector<1024x8xf32>
    %jit3A = arith.constant 8 : i32
    %broadcast_in_dim3A_346 = vector.broadcast %jit3A : i32 to vector<1024x8xi32>
    %select_n3A = arith.select %eq3A_345, %iota3A, %broadcast_in_dim3A_346 : vector<1024x8xi1>, vector<1024x8xi32>
    %reduce_min3A = arith.constant dense<2147483647> : vector<1024xi32>
    %reduce_min3A_347 = vector.multi_reduction <minsi>, %select_n3A, %reduce_min3A [1] : vector<1024x8xi32> to vector<1024xi32>
    %broadcast_in_dim3A_348 = vector.shape_cast %reduce_min3A_347 : vector<1024xi32> to vector<1024x1xi32>
    %eq3A_349 = vector.broadcast %broadcast_in_dim3A_348 : vector<1024x1xi32> to vector<1024x8xi32>
    %eq3A_350 = arith.cmpi eq, %iota3A, %eq3A_349 : vector<1024x8xi32>
    %jit3A_351 = arith.constant -3.400000e+38 : f32
    %broadcast_in_dim3A_352 = vector.broadcast %jit3A_351 : f32 to vector<1024x8xf32>
    %select_n3A_353 = arith.select %eq3A_350, %broadcast_in_dim3A_352, %add3A_342 : vector<1024x8xi1>, vector<1024x8xf32>
    %reduce_max3A_354 = arith.constant dense<0xFF800000> : vector<1024xf32>
    %reduce_max3A_355 = vector.multi_reduction <maximumf>, %select_n3A_353, %reduce_max3A_354 [1] : vector<1024x8xf32> to vector<1024xf32>
    %broadcast_in_dim3A_356 = vector.shape_cast %reduce_max3A_355 : vector<1024xf32> to vector<1024x1xf32>
    %eq3A_357 = vector.broadcast %broadcast_in_dim3A_356 : vector<1024x1xf32> to vector<1024x8xf32>
    %eq3A_358 = arith.cmpf oeq, %select_n3A_353, %eq3A_357 : vector<1024x8xf32>
    %jit3A_359 = arith.constant 8 : i32
    %broadcast_in_dim3A_360 = vector.broadcast %jit3A_359 : i32 to vector<1024x8xi32>
    %select_n3A_361 = arith.select %eq3A_358, %iota3A, %broadcast_in_dim3A_360 : vector<1024x8xi1>, vector<1024x8xi32>
    %reduce_min3A_362 = arith.constant dense<2147483647> : vector<1024xi32>
    %reduce_min3A_363 = vector.multi_reduction <minsi>, %select_n3A_361, %reduce_min3A_362 [1] : vector<1024x8xi32> to vector<1024xi32>
    %broadcast_in_dim3A_364 = vector.shape_cast %reduce_min3A_363 : vector<1024xi32> to vector<1024x1xi32>
    %eq3A_365 = vector.broadcast %broadcast_in_dim3A_348 : vector<1024x1xi32> to vector<1024x8xi32>
    %eq3A_366 = arith.cmpi eq, %iota3A, %eq3A_365 : vector<1024x8xi32>
    %eq3A_367 = vector.broadcast %broadcast_in_dim3A_364 : vector<1024x1xi32> to vector<1024x8xi32>
    %eq3A_368 = arith.cmpi eq, %iota3A, %eq3A_367 : vector<1024x8xi32>
    %or3A = arith.ori %eq3A_366, %eq3A_368 : vector<1024x8xi1>
    %sub3A_369 = vector.broadcast %broadcast_in_dim3A_344 : vector<1024x1xf32> to vector<1024x8xf32>
    %sub3A_370 = arith.subf %add3A_342, %sub3A_369 : vector<1024x8xf32>
    %exp3A = math.exp %sub3A_370 : vector<1024x8xf32>
    %jit3A_371 = arith.constant 0.000000e+00 : f32
    %broadcast_in_dim3A_372 = vector.broadcast %jit3A_371 : f32 to vector<1024x8xf32>
    %select_n3A_373 = arith.select %or3A, %exp3A, %broadcast_in_dim3A_372 : vector<1024x8xi1>, vector<1024x8xf32>
    %broadcast_in_dim3A_374 = arith.constant 1.000000e+00 : f32
    %broadcast_in_dim3A_375 = vector.broadcast %broadcast_in_dim3A_374 : f32 to vector<8x1xf32>
    %dot_general3A_376 = arith.constant dense<0.000000e+00> : vector<1024x1xf32>
    %dot_general3A_377 = tpu.matmul %select_n3A_373, %broadcast_in_dim3A_375, %dot_general3A_376 {dimension_numbers = #tpu.dot_dimension_numbers<[1], [0], [0], [1], [0, 0, 1, 1], [], []>, transpose_lhs_hint = false} : vector<1024x8xf32>, vector<8x1xf32>, vector<1024x1xf32> -> vector<1024x1xf32>
    %div3A = vector.broadcast %dot_general3A_377 : vector<1024x1xf32> to vector<1024x8xf32>
    %div3A_378 = arith.divf %select_n3A_373, %div3A : vector<1024x8xf32>
    %eq3A_379 = vector.broadcast %broadcast_in_dim3A_348 : vector<1024x1xi32> to vector<1024x8xi32>
    %eq3A_380 = arith.cmpi eq, %iota3A, %eq3A_379 : vector<1024x8xi32>
    %jit3A_381 = arith.constant 0.000000e+00 : f32
    %broadcast_in_dim3A_382 = vector.broadcast %jit3A_381 : f32 to vector<1024x8xf32>
    %select_n3A_383 = arith.select %eq3A_380, %div3A_378, %broadcast_in_dim3A_382 : vector<1024x8xi1>, vector<1024x8xf32>
    %dot_general3A_384 = arith.constant dense<0.000000e+00> : vector<1024x1xf32>
    %dot_general3A_385 = tpu.matmul %select_n3A_383, %broadcast_in_dim3A_375, %dot_general3A_384 {dimension_numbers = #tpu.dot_dimension_numbers<[1], [0], [0], [1], [0, 0, 1, 1], [], []>, transpose_lhs_hint = false} : vector<1024x8xf32>, vector<8x1xf32>, vector<1024x1xf32> -> vector<1024x1xf32>
    %eq3A_386 = vector.broadcast %broadcast_in_dim3A_364 : vector<1024x1xi32> to vector<1024x8xi32>
    %eq3A_387 = arith.cmpi eq, %iota3A, %eq3A_386 : vector<1024x8xi32>
    %jit3A_388 = arith.constant 0.000000e+00 : f32
    %broadcast_in_dim3A_389 = vector.broadcast %jit3A_388 : f32 to vector<1024x8xf32>
    %select_n3A_390 = arith.select %eq3A_387, %div3A_378, %broadcast_in_dim3A_389 : vector<1024x8xi1>, vector<1024x8xf32>
    %dot_general3A_391 = arith.constant dense<0.000000e+00> : vector<1024x1xf32>
    %dot_general3A_392 = tpu.matmul %select_n3A_390, %broadcast_in_dim3A_375, %dot_general3A_391 {dimension_numbers = #tpu.dot_dimension_numbers<[1], [0], [0], [1], [0, 0, 1, 1], [], []>, transpose_lhs_hint = false} : vector<1024x8xf32>, vector<8x1xf32>, vector<1024x1xf32> -> vector<1024x1xf32>
    %eq3A_393 = arith.constant 0 : i32
    %eq3A_394 = vector.broadcast %eq3A_393 : i32 to vector<1024x8xi32>
    %eq3A_395 = arith.cmpi eq, %iota3A, %eq3A_394 : vector<1024x8xi32>
    %jit3A_396 = arith.constant 0.000000e+00 : f32
    %broadcast_in_dim3A_397 = vector.shape_cast %dot_general3A_385 : vector<1024x1xf32> to vector<1024x1xf32>
    %broadcast_in_dim3A_398 = vector.broadcast %broadcast_in_dim3A_397 : vector<1024x1xf32> to vector<1024x8xf32>
    %broadcast_in_dim3A_399 = vector.broadcast %jit3A_396 : f32 to vector<1024x8xf32>
    %select_n3A_400 = arith.select %eq3A_395, %broadcast_in_dim3A_398, %broadcast_in_dim3A_399 : vector<1024x8xi1>, vector<1024x8xf32>
    %eq3A_401 = arith.constant 1 : i32
    %eq3A_402 = vector.broadcast %eq3A_401 : i32 to vector<1024x8xi32>
    %eq3A_403 = arith.cmpi eq, %iota3A, %eq3A_402 : vector<1024x8xi32>
    %jit3A_404 = arith.constant 0.000000e+00 : f32
    %broadcast_in_dim3A_405 = vector.shape_cast %dot_general3A_392 : vector<1024x1xf32> to vector<1024x1xf32>
    %broadcast_in_dim3A_406 = vector.broadcast %broadcast_in_dim3A_405 : vector<1024x1xf32> to vector<1024x8xf32>
    %broadcast_in_dim3A_407 = vector.broadcast %jit3A_404 : f32 to vector<1024x8xf32>
    %select_n3A_408 = arith.select %eq3A_403, %broadcast_in_dim3A_406, %broadcast_in_dim3A_407 : vector<1024x8xi1>, vector<1024x8xf32>
    %add3A_409 = arith.addf %select_n3A_400, %select_n3A_408 : vector<1024x8xf32>
    %eq3A_410 = vector.broadcast %broadcast_in_dim3A_348 : vector<1024x1xi32> to vector<1024x8xi32>
    %eq3A_411 = arith.cmpi eq, %iota3A, %eq3A_410 : vector<1024x8xi32>
    %convert_element_type3A = arith.extui %eq3A_411 : vector<1024x8xi1> to vector<1024x8xi32>
    %convert_element_type3A_412 = arith.sitofp %convert_element_type3A : vector<1024x8xi32> to vector<1024x8xf32>
    %eq3A_413 = vector.broadcast %broadcast_in_dim3A_364 : vector<1024x1xi32> to vector<1024x8xi32>
    %eq3A_414 = arith.cmpi eq, %iota3A, %eq3A_413 : vector<1024x8xi32>
    %convert_element_type3A_415 = arith.extui %eq3A_414 : vector<1024x8xi1> to vector<1024x8xi32>
    %convert_element_type3A_416 = arith.sitofp %convert_element_type3A_415 : vector<1024x8xi32> to vector<1024x8xf32>
    %concatenate3A_417 = tpu.concatenate %convert_element_type3A_412, %convert_element_type3A_416 in 0 : vector<1024x8xf32>, vector<1024x8xf32> -> vector<2048x8xf32>
    %iota3A_418 = tpu.iota {dimensions = array<i32: 0>} : vector<128x128xi32>
    %iota3A_419 = tpu.iota {dimensions = array<i32: 1>} : vector<128x128xi32>
    %le3A = arith.cmpi sle, %iota3A_419, %iota3A_418 : vector<128x128xi32>
    %convert_element_type3A_420 = arith.extui %le3A : vector<128x128xi1> to vector<128x128xi32>
    %convert_element_type3A_421 = arith.sitofp %convert_element_type3A_420 : vector<128x128xi32> to vector<128x128xf32>
    %slice3A_422 = vector.extract_strided_slice %concatenate3A_417 {offsets = [0, 0], sizes = [128, 8], strides = [1, 1]} : vector<2048x8xf32> to vector<128x8xf32>
    %dot_general3A_423 = arith.constant dense<0.000000e+00> : vector<128x8xf32>
    %dot_general3A_424 = tpu.matmul %convert_element_type3A_421, %slice3A_422, %dot_general3A_423 {dimension_numbers = #tpu.dot_dimension_numbers<[1], [0], [0], [1], [0, 0, 1, 1], [], []>, transpose_lhs_hint = false} : vector<128x128xf32>, vector<128x8xf32>, vector<128x8xf32> -> vector<128x8xf32>
    %slice3A_425 = vector.extract_strided_slice %concatenate3A_417 {offsets = [128, 0], sizes = [128, 8], strides = [1, 1]} : vector<2048x8xf32> to vector<128x8xf32>
    %dot_general3A_426 = arith.constant dense<0.000000e+00> : vector<128x8xf32>
    %dot_general3A_427 = tpu.matmul %convert_element_type3A_421, %slice3A_425, %dot_general3A_426 {dimension_numbers = #tpu.dot_dimension_numbers<[1], [0], [0], [1], [0, 0, 1, 1], [], []>, transpose_lhs_hint = false} : vector<128x128xf32>, vector<128x8xf32>, vector<128x8xf32> -> vector<128x8xf32>
    %slice3A_428 = vector.extract_strided_slice %concatenate3A_417 {offsets = [256, 0], sizes = [128, 8], strides = [1, 1]} : vector<2048x8xf32> to vector<128x8xf32>
    %dot_general3A_429 = arith.constant dense<0.000000e+00> : vector<128x8xf32>
    %dot_general3A_430 = tpu.matmul %convert_element_type3A_421, %slice3A_428, %dot_general3A_429 {dimension_numbers = #tpu.dot_dimension_numbers<[1], [0], [0], [1], [0, 0, 1, 1], [], []>, transpose_lhs_hint = false} : vector<128x128xf32>, vector<128x8xf32>, vector<128x8xf32> -> vector<128x8xf32>
    %slice3A_431 = vector.extract_strided_slice %concatenate3A_417 {offsets = [384, 0], sizes = [128, 8], strides = [1, 1]} : vector<2048x8xf32> to vector<128x8xf32>
    %dot_general3A_432 = arith.constant dense<0.000000e+00> : vector<128x8xf32>
    %dot_general3A_433 = tpu.matmul %convert_element_type3A_421, %slice3A_431, %dot_general3A_432 {dimension_numbers = #tpu.dot_dimension_numbers<[1], [0], [0], [1], [0, 0, 1, 1], [], []>, transpose_lhs_hint = false} : vector<128x128xf32>, vector<128x8xf32>, vector<128x8xf32> -> vector<128x8xf32>
    %slice3A_434 = vector.extract_strided_slice %concatenate3A_417 {offsets = [512, 0], sizes = [128, 8], strides = [1, 1]} : vector<2048x8xf32> to vector<128x8xf32>
    %dot_general3A_435 = arith.constant dense<0.000000e+00> : vector<128x8xf32>
    %dot_general3A_436 = tpu.matmul %convert_element_type3A_421, %slice3A_434, %dot_general3A_435 {dimension_numbers = #tpu.dot_dimension_numbers<[1], [0], [0], [1], [0, 0, 1, 1], [], []>, transpose_lhs_hint = false} : vector<128x128xf32>, vector<128x8xf32>, vector<128x8xf32> -> vector<128x8xf32>
    %slice3A_437 = vector.extract_strided_slice %concatenate3A_417 {offsets = [640, 0], sizes = [128, 8], strides = [1, 1]} : vector<2048x8xf32> to vector<128x8xf32>
    %dot_general3A_438 = arith.constant dense<0.000000e+00> : vector<128x8xf32>
    %dot_general3A_439 = tpu.matmul %convert_element_type3A_421, %slice3A_437, %dot_general3A_438 {dimension_numbers = #tpu.dot_dimension_numbers<[1], [0], [0], [1], [0, 0, 1, 1], [], []>, transpose_lhs_hint = false} : vector<128x128xf32>, vector<128x8xf32>, vector<128x8xf32> -> vector<128x8xf32>
    %slice3A_440 = vector.extract_strided_slice %concatenate3A_417 {offsets = [768, 0], sizes = [128, 8], strides = [1, 1]} : vector<2048x8xf32> to vector<128x8xf32>
    %dot_general3A_441 = arith.constant dense<0.000000e+00> : vector<128x8xf32>
    %dot_general3A_442 = tpu.matmul %convert_element_type3A_421, %slice3A_440, %dot_general3A_441 {dimension_numbers = #tpu.dot_dimension_numbers<[1], [0], [0], [1], [0, 0, 1, 1], [], []>, transpose_lhs_hint = false} : vector<128x128xf32>, vector<128x8xf32>, vector<128x8xf32> -> vector<128x8xf32>
    %slice3A_443 = vector.extract_strided_slice %concatenate3A_417 {offsets = [896, 0], sizes = [128, 8], strides = [1, 1]} : vector<2048x8xf32> to vector<128x8xf32>
    %dot_general3A_444 = arith.constant dense<0.000000e+00> : vector<128x8xf32>
    %dot_general3A_445 = tpu.matmul %convert_element_type3A_421, %slice3A_443, %dot_general3A_444 {dimension_numbers = #tpu.dot_dimension_numbers<[1], [0], [0], [1], [0, 0, 1, 1], [], []>, transpose_lhs_hint = false} : vector<128x128xf32>, vector<128x8xf32>, vector<128x8xf32> -> vector<128x8xf32>
    %slice3A_446 = vector.extract_strided_slice %concatenate3A_417 {offsets = [1024, 0], sizes = [128, 8], strides = [1, 1]} : vector<2048x8xf32> to vector<128x8xf32>
    %dot_general3A_447 = arith.constant dense<0.000000e+00> : vector<128x8xf32>
    %dot_general3A_448 = tpu.matmul %convert_element_type3A_421, %slice3A_446, %dot_general3A_447 {dimension_numbers = #tpu.dot_dimension_numbers<[1], [0], [0], [1], [0, 0, 1, 1], [], []>, transpose_lhs_hint = false} : vector<128x128xf32>, vector<128x8xf32>, vector<128x8xf32> -> vector<128x8xf32>
    %slice3A_449 = vector.extract_strided_slice %concatenate3A_417 {offsets = [1152, 0], sizes = [128, 8], strides = [1, 1]} : vector<2048x8xf32> to vector<128x8xf32>
    %dot_general3A_450 = arith.constant dense<0.000000e+00> : vector<128x8xf32>
    %dot_general3A_451 = tpu.matmul %convert_element_type3A_421, %slice3A_449, %dot_general3A_450 {dimension_numbers = #tpu.dot_dimension_numbers<[1], [0], [0], [1], [0, 0, 1, 1], [], []>, transpose_lhs_hint = false} : vector<128x128xf32>, vector<128x8xf32>, vector<128x8xf32> -> vector<128x8xf32>
    %slice3A_452 = vector.extract_strided_slice %concatenate3A_417 {offsets = [1280, 0], sizes = [128, 8], strides = [1, 1]} : vector<2048x8xf32> to vector<128x8xf32>
    %dot_general3A_453 = arith.constant dense<0.000000e+00> : vector<128x8xf32>
    %dot_general3A_454 = tpu.matmul %convert_element_type3A_421, %slice3A_452, %dot_general3A_453 {dimension_numbers = #tpu.dot_dimension_numbers<[1], [0], [0], [1], [0, 0, 1, 1], [], []>, transpose_lhs_hint = false} : vector<128x128xf32>, vector<128x8xf32>, vector<128x8xf32> -> vector<128x8xf32>
    %slice3A_455 = vector.extract_strided_slice %concatenate3A_417 {offsets = [1408, 0], sizes = [128, 8], strides = [1, 1]} : vector<2048x8xf32> to vector<128x8xf32>
    %dot_general3A_456 = arith.constant dense<0.000000e+00> : vector<128x8xf32>
    %dot_general3A_457 = tpu.matmul %convert_element_type3A_421, %slice3A_455, %dot_general3A_456 {dimension_numbers = #tpu.dot_dimension_numbers<[1], [0], [0], [1], [0, 0, 1, 1], [], []>, transpose_lhs_hint = false} : vector<128x128xf32>, vector<128x8xf32>, vector<128x8xf32> -> vector<128x8xf32>
    %slice3A_458 = vector.extract_strided_slice %concatenate3A_417 {offsets = [1536, 0], sizes = [128, 8], strides = [1, 1]} : vector<2048x8xf32> to vector<128x8xf32>
    %dot_general3A_459 = arith.constant dense<0.000000e+00> : vector<128x8xf32>
    %dot_general3A_460 = tpu.matmul %convert_element_type3A_421, %slice3A_458, %dot_general3A_459 {dimension_numbers = #tpu.dot_dimension_numbers<[1], [0], [0], [1], [0, 0, 1, 1], [], []>, transpose_lhs_hint = false} : vector<128x128xf32>, vector<128x8xf32>, vector<128x8xf32> -> vector<128x8xf32>
    %slice3A_461 = vector.extract_strided_slice %concatenate3A_417 {offsets = [1664, 0], sizes = [128, 8], strides = [1, 1]} : vector<2048x8xf32> to vector<128x8xf32>
    %dot_general3A_462 = arith.constant dense<0.000000e+00> : vector<128x8xf32>
    %dot_general3A_463 = tpu.matmul %convert_element_type3A_421, %slice3A_461, %dot_general3A_462 {dimension_numbers = #tpu.dot_dimension_numbers<[1], [0], [0], [1], [0, 0, 1, 1], [], []>, transpose_lhs_hint = false} : vector<128x128xf32>, vector<128x8xf32>, vector<128x8xf32> -> vector<128x8xf32>
    %slice3A_464 = vector.extract_strided_slice %concatenate3A_417 {offsets = [1792, 0], sizes = [128, 8], strides = [1, 1]} : vector<2048x8xf32> to vector<128x8xf32>
    %dot_general3A_465 = arith.constant dense<0.000000e+00> : vector<128x8xf32>
    %dot_general3A_466 = tpu.matmul %convert_element_type3A_421, %slice3A_464, %dot_general3A_465 {dimension_numbers = #tpu.dot_dimension_numbers<[1], [0], [0], [1], [0, 0, 1, 1], [], []>, transpose_lhs_hint = false} : vector<128x128xf32>, vector<128x8xf32>, vector<128x8xf32> -> vector<128x8xf32>
    %slice3A_467 = vector.extract_strided_slice %concatenate3A_417 {offsets = [1920, 0], sizes = [128, 8], strides = [1, 1]} : vector<2048x8xf32> to vector<128x8xf32>
    %dot_general3A_468 = arith.constant dense<0.000000e+00> : vector<128x8xf32>
    %dot_general3A_469 = tpu.matmul %convert_element_type3A_421, %slice3A_467, %dot_general3A_468 {dimension_numbers = #tpu.dot_dimension_numbers<[1], [0], [0], [1], [0, 0, 1, 1], [], []>, transpose_lhs_hint = false} : vector<128x128xf32>, vector<128x8xf32>, vector<128x8xf32> -> vector<128x8xf32>
    %slice3A_470 = vector.extract_strided_slice %dot_general3A_424 {offsets = [127, 0], sizes = [1, 8], strides = [1, 1]} : vector<128x8xf32> to vector<1x8xf32>
    %slice3A_471 = vector.extract_strided_slice %dot_general3A_427 {offsets = [127, 0], sizes = [1, 8], strides = [1, 1]} : vector<128x8xf32> to vector<1x8xf32>
    %slice3A_472 = vector.extract_strided_slice %dot_general3A_430 {offsets = [127, 0], sizes = [1, 8], strides = [1, 1]} : vector<128x8xf32> to vector<1x8xf32>
    %slice3A_473 = vector.extract_strided_slice %dot_general3A_433 {offsets = [127, 0], sizes = [1, 8], strides = [1, 1]} : vector<128x8xf32> to vector<1x8xf32>
    %slice3A_474 = vector.extract_strided_slice %dot_general3A_436 {offsets = [127, 0], sizes = [1, 8], strides = [1, 1]} : vector<128x8xf32> to vector<1x8xf32>
    %slice3A_475 = vector.extract_strided_slice %dot_general3A_439 {offsets = [127, 0], sizes = [1, 8], strides = [1, 1]} : vector<128x8xf32> to vector<1x8xf32>
    %slice3A_476 = vector.extract_strided_slice %dot_general3A_442 {offsets = [127, 0], sizes = [1, 8], strides = [1, 1]} : vector<128x8xf32> to vector<1x8xf32>
    %slice3A_477 = vector.extract_strided_slice %dot_general3A_445 {offsets = [127, 0], sizes = [1, 8], strides = [1, 1]} : vector<128x8xf32> to vector<1x8xf32>
    %slice3A_478 = vector.extract_strided_slice %dot_general3A_448 {offsets = [127, 0], sizes = [1, 8], strides = [1, 1]} : vector<128x8xf32> to vector<1x8xf32>
    %slice3A_479 = vector.extract_strided_slice %dot_general3A_451 {offsets = [127, 0], sizes = [1, 8], strides = [1, 1]} : vector<128x8xf32> to vector<1x8xf32>
    %slice3A_480 = vector.extract_strided_slice %dot_general3A_454 {offsets = [127, 0], sizes = [1, 8], strides = [1, 1]} : vector<128x8xf32> to vector<1x8xf32>
    %slice3A_481 = vector.extract_strided_slice %dot_general3A_457 {offsets = [127, 0], sizes = [1, 8], strides = [1, 1]} : vector<128x8xf32> to vector<1x8xf32>
    %slice3A_482 = vector.extract_strided_slice %dot_general3A_460 {offsets = [127, 0], sizes = [1, 8], strides = [1, 1]} : vector<128x8xf32> to vector<1x8xf32>
    %slice3A_483 = vector.extract_strided_slice %dot_general3A_463 {offsets = [127, 0], sizes = [1, 8], strides = [1, 1]} : vector<128x8xf32> to vector<1x8xf32>
    %slice3A_484 = vector.extract_strided_slice %dot_general3A_466 {offsets = [127, 0], sizes = [1, 8], strides = [1, 1]} : vector<128x8xf32> to vector<1x8xf32>
    %slice3A_485 = vector.extract_strided_slice %dot_general3A_469 {offsets = [127, 0], sizes = [1, 8], strides = [1, 1]} : vector<128x8xf32> to vector<1x8xf32>
    %concatenate3A_486 = tpu.concatenate %slice3A_470, %slice3A_471, %slice3A_472, %slice3A_473, %slice3A_474, %slice3A_475, %slice3A_476, %slice3A_477, %slice3A_478, %slice3A_479, %slice3A_480, %slice3A_481, %slice3A_482, %slice3A_483, %slice3A_484, %slice3A_485 in 0 : vector<1x8xf32>, vector<1x8xf32>, vector<1x8xf32>, vector<1x8xf32>, vector<1x8xf32>, vector<1x8xf32>, vector<1x8xf32>, vector<1x8xf32>, vector<1x8xf32>, vector<1x8xf32>, vector<1x8xf32>, vector<1x8xf32>, vector<1x8xf32>, vector<1x8xf32>, vector<1x8xf32>, vector<1x8xf32> -> vector<16x8xf32>
    %iota3A_487 = tpu.iota {dimensions = array<i32: 0>} : vector<16x16xi32>
    %iota3A_488 = tpu.iota {dimensions = array<i32: 1>} : vector<16x16xi32>
    %gt3A = arith.cmpi sgt, %iota3A_487, %iota3A_488 : vector<16x16xi32>
    %convert_element_type3A_489 = arith.extui %gt3A : vector<16x16xi1> to vector<16x16xi32>
    %convert_element_type3A_490 = arith.sitofp %convert_element_type3A_489 : vector<16x16xi32> to vector<16x16xf32>
    %dot_general3A_491 = arith.constant dense<0.000000e+00> : vector<16x8xf32>
    %dot_general3A_492 = tpu.matmul %convert_element_type3A_490, %concatenate3A_486, %dot_general3A_491 {dimension_numbers = #tpu.dot_dimension_numbers<[1], [0], [0], [1], [0, 0, 1, 1], [], []>, transpose_lhs_hint = false} : vector<16x16xf32>, vector<16x8xf32>, vector<16x8xf32> -> vector<16x8xf32>
    %slice3A_493 = vector.extract_strided_slice %dot_general3A_492 {offsets = [0, 0], sizes = [1, 8], strides = [1, 1]} : vector<16x8xf32> to vector<1x8xf32>
    %add3A_494 = vector.broadcast %slice3A_493 : vector<1x8xf32> to vector<128x8xf32>
    %add3A_495 = arith.addf %dot_general3A_424, %add3A_494 : vector<128x8xf32>
    %slice3A_496 = vector.extract_strided_slice %dot_general3A_492 {offsets = [1, 0], sizes = [1, 8], strides = [1, 1]} : vector<16x8xf32> to vector<1x8xf32>
    %add3A_497 = vector.broadcast %slice3A_496 : vector<1x8xf32> to vector<128x8xf32>
    %add3A_498 = arith.addf %dot_general3A_427, %add3A_497 : vector<128x8xf32>
    %slice3A_499 = vector.extract_strided_slice %dot_general3A_492 {offsets = [2, 0], sizes = [1, 8], strides = [1, 1]} : vector<16x8xf32> to vector<1x8xf32>
    %add3A_500 = vector.broadcast %slice3A_499 : vector<1x8xf32> to vector<128x8xf32>
    %add3A_501 = arith.addf %dot_general3A_430, %add3A_500 : vector<128x8xf32>
    %slice3A_502 = vector.extract_strided_slice %dot_general3A_492 {offsets = [3, 0], sizes = [1, 8], strides = [1, 1]} : vector<16x8xf32> to vector<1x8xf32>
    %add3A_503 = vector.broadcast %slice3A_502 : vector<1x8xf32> to vector<128x8xf32>
    %add3A_504 = arith.addf %dot_general3A_433, %add3A_503 : vector<128x8xf32>
    %slice3A_505 = vector.extract_strided_slice %dot_general3A_492 {offsets = [4, 0], sizes = [1, 8], strides = [1, 1]} : vector<16x8xf32> to vector<1x8xf32>
    %add3A_506 = vector.broadcast %slice3A_505 : vector<1x8xf32> to vector<128x8xf32>
    %add3A_507 = arith.addf %dot_general3A_436, %add3A_506 : vector<128x8xf32>
    %slice3A_508 = vector.extract_strided_slice %dot_general3A_492 {offsets = [5, 0], sizes = [1, 8], strides = [1, 1]} : vector<16x8xf32> to vector<1x8xf32>
    %add3A_509 = vector.broadcast %slice3A_508 : vector<1x8xf32> to vector<128x8xf32>
    %add3A_510 = arith.addf %dot_general3A_439, %add3A_509 : vector<128x8xf32>
    %slice3A_511 = vector.extract_strided_slice %dot_general3A_492 {offsets = [6, 0], sizes = [1, 8], strides = [1, 1]} : vector<16x8xf32> to vector<1x8xf32>
    %add3A_512 = vector.broadcast %slice3A_511 : vector<1x8xf32> to vector<128x8xf32>
    %add3A_513 = arith.addf %dot_general3A_442, %add3A_512 : vector<128x8xf32>
    %slice3A_514 = vector.extract_strided_slice %dot_general3A_492 {offsets = [7, 0], sizes = [1, 8], strides = [1, 1]} : vector<16x8xf32> to vector<1x8xf32>
    %add3A_515 = vector.broadcast %slice3A_514 : vector<1x8xf32> to vector<128x8xf32>
    %add3A_516 = arith.addf %dot_general3A_445, %add3A_515 : vector<128x8xf32>
    %slice3A_517 = vector.extract_strided_slice %dot_general3A_492 {offsets = [8, 0], sizes = [1, 8], strides = [1, 1]} : vector<16x8xf32> to vector<1x8xf32>
    %add3A_518 = vector.broadcast %slice3A_517 : vector<1x8xf32> to vector<128x8xf32>
    %add3A_519 = arith.addf %dot_general3A_448, %add3A_518 : vector<128x8xf32>
    %slice3A_520 = vector.extract_strided_slice %dot_general3A_492 {offsets = [9, 0], sizes = [1, 8], strides = [1, 1]} : vector<16x8xf32> to vector<1x8xf32>
    %add3A_521 = vector.broadcast %slice3A_520 : vector<1x8xf32> to vector<128x8xf32>
    %add3A_522 = arith.addf %dot_general3A_451, %add3A_521 : vector<128x8xf32>
    %slice3A_523 = vector.extract_strided_slice %dot_general3A_492 {offsets = [10, 0], sizes = [1, 8], strides = [1, 1]} : vector<16x8xf32> to vector<1x8xf32>
    %add3A_524 = vector.broadcast %slice3A_523 : vector<1x8xf32> to vector<128x8xf32>
    %add3A_525 = arith.addf %dot_general3A_454, %add3A_524 : vector<128x8xf32>
    %slice3A_526 = vector.extract_strided_slice %dot_general3A_492 {offsets = [11, 0], sizes = [1, 8], strides = [1, 1]} : vector<16x8xf32> to vector<1x8xf32>
    %add3A_527 = vector.broadcast %slice3A_526 : vector<1x8xf32> to vector<128x8xf32>
    %add3A_528 = arith.addf %dot_general3A_457, %add3A_527 : vector<128x8xf32>
    %slice3A_529 = vector.extract_strided_slice %dot_general3A_492 {offsets = [12, 0], sizes = [1, 8], strides = [1, 1]} : vector<16x8xf32> to vector<1x8xf32>
    %add3A_530 = vector.broadcast %slice3A_529 : vector<1x8xf32> to vector<128x8xf32>
    %add3A_531 = arith.addf %dot_general3A_460, %add3A_530 : vector<128x8xf32>
    %slice3A_532 = vector.extract_strided_slice %dot_general3A_492 {offsets = [13, 0], sizes = [1, 8], strides = [1, 1]} : vector<16x8xf32> to vector<1x8xf32>
    %add3A_533 = vector.broadcast %slice3A_532 : vector<1x8xf32> to vector<128x8xf32>
    %add3A_534 = arith.addf %dot_general3A_463, %add3A_533 : vector<128x8xf32>
    %slice3A_535 = vector.extract_strided_slice %dot_general3A_492 {offsets = [14, 0], sizes = [1, 8], strides = [1, 1]} : vector<16x8xf32> to vector<1x8xf32>
    %add3A_536 = vector.broadcast %slice3A_535 : vector<1x8xf32> to vector<128x8xf32>
    %add3A_537 = arith.addf %dot_general3A_466, %add3A_536 : vector<128x8xf32>
    %slice3A_538 = vector.extract_strided_slice %dot_general3A_492 {offsets = [15, 0], sizes = [1, 8], strides = [1, 1]} : vector<16x8xf32> to vector<1x8xf32>
    %add3A_539 = vector.broadcast %slice3A_538 : vector<1x8xf32> to vector<128x8xf32>
    %add3A_540 = arith.addf %dot_general3A_469, %add3A_539 : vector<128x8xf32>
    %concatenate3A_541 = tpu.concatenate %add3A_495, %add3A_498, %add3A_501, %add3A_504, %add3A_507, %add3A_510, %add3A_513, %add3A_516, %add3A_519, %add3A_522, %add3A_525, %add3A_528, %add3A_531, %add3A_534, %add3A_537, %add3A_540 in 0 : vector<128x8xf32>, vector<128x8xf32>, vector<128x8xf32>, vector<128x8xf32>, vector<128x8xf32>, vector<128x8xf32>, vector<128x8xf32>, vector<128x8xf32>, vector<128x8xf32>, vector<128x8xf32>, vector<128x8xf32>, vector<128x8xf32>, vector<128x8xf32>, vector<128x8xf32>, vector<128x8xf32>, vector<128x8xf32> -> vector<2048x8xf32>
    %slice3A_542 = vector.extract_strided_slice %concatenate3A_541 {offsets = [2047, 0], sizes = [1, 8], strides = [1, 1]} : vector<2048x8xf32> to vector<1x8xf32>
    %sub3A_543 = arith.subf %concatenate3A_541, %concatenate3A_417 : vector<2048x8xf32>
    %mul3A_544 = arith.mulf %sub3A_543, %concatenate3A_417 : vector<2048x8xf32>
    %dot_general3A_545 = arith.constant dense<0.000000e+00> : vector<2048x1xf32>
    %dot_general3A_546 = tpu.matmul %mul3A_544, %broadcast_in_dim3A_375, %dot_general3A_545 {dimension_numbers = #tpu.dot_dimension_numbers<[1], [0], [0], [1], [0, 0, 1, 1], [], []>, transpose_lhs_hint = false} : vector<2048x8xf32>, vector<8x1xf32>, vector<2048x1xf32> -> vector<2048x1xf32>
    %mul3A_547 = arith.constant 0.001953125 : f32
    %mul3A_548 = vector.broadcast %mul3A_547 : f32 to vector<1x8xf32>
    %mul3A_549 = arith.mulf %slice3A_542, %mul3A_548 : vector<1x8xf32>
    %ceil3A = math.ceil %mul3A_549 : vector<1x8xf32>
    %mul3A_550 = arith.constant 5.120000e+02 : f32
    %mul3A_551 = vector.broadcast %mul3A_550 : f32 to vector<1x8xf32>
    %mul3A_552 = arith.mulf %ceil3A, %mul3A_551 : vector<1x8xf32>
    %iota3A_553 = tpu.iota {dimensions = array<i32: 0>} : vector<8x8xi32>
    %iota3A_554 = tpu.iota {dimensions = array<i32: 1>} : vector<8x8xi32>
    %lt3A = arith.cmpi slt, %iota3A_553, %iota3A_554 : vector<8x8xi32>
    %convert_element_type3A_555 = arith.extui %lt3A : vector<8x8xi1> to vector<8x8xi32>
    %convert_element_type3A_556 = arith.sitofp %convert_element_type3A_555 : vector<8x8xi32> to vector<8x8xf32>
    %dot_general3A_557 = arith.constant dense<0.000000e+00> : vector<1x8xf32>
    %dot_general3A_558 = tpu.matmul %mul3A_552, %convert_element_type3A_556, %dot_general3A_557 {dimension_numbers = #tpu.dot_dimension_numbers<[1], [0], [0], [1], [0, 0, 1, 1], [], []>, transpose_lhs_hint = false} : vector<1x8xf32>, vector<8x8xf32>, vector<1x8xf32> -> vector<1x8xf32>
    %mul3A_559 = vector.broadcast %dot_general3A_558 : vector<1x8xf32> to vector<2048x8xf32>
    %mul3A_560 = arith.mulf %concatenate3A_417, %mul3A_559 : vector<2048x8xf32>
    %dot_general3A_561 = arith.constant dense<0.000000e+00> : vector<2048x1xf32>
    %dot_general3A_562 = tpu.matmul %mul3A_560, %broadcast_in_dim3A_375, %dot_general3A_561 {dimension_numbers = #tpu.dot_dimension_numbers<[1], [0], [0], [1], [0, 0, 1, 1], [], []>, transpose_lhs_hint = false} : vector<2048x8xf32>, vector<8x1xf32>, vector<2048x1xf32> -> vector<2048x1xf32>
    %add3A_563 = arith.addf %dot_general3A_562, %dot_general3A_546 : vector<2048x1xf32>
    %convert_element_type3A_564 = arith.fptosi %add3A_563 : vector<2048x1xf32> to vector<2048x1xi32>
    %convert_element_type3A_565 = arith.fptosi %mul3A_552 : vector<1x8xf32> to vector<1x8xi32>
    %convert_element_type3A_566 = arith.fptosi %dot_general3A_558 : vector<1x8xf32> to vector<1x8xi32>
    %add3A_567 = arith.addi %convert_element_type3A_566, %convert_element_type3A_565 : vector<1x8xi32>
    %broadcast_in_dim3A_568 = vector.shape_cast %add3A_567 : vector<1x8xi32> to vector<1x8xi32>
    %broadcast_in_dim3A_569 = vector.broadcast %broadcast_in_dim3A_568 : vector<1x8xi32> to vector<32x8xi32>
    %iota3A_570 = tpu.iota {dimensions = array<i32: 0>} : vector<32x8xi32>
    %mul3A_571 = arith.constant 512 : i32
    %mul3A_572 = vector.broadcast %mul3A_571 : i32 to vector<32x8xi32>
    %mul3A_573 = arith.muli %iota3A_570, %mul3A_572 : vector<32x8xi32>
    %le3A_574 = arith.cmpi sle, %broadcast_in_dim3A_569, %mul3A_573 : vector<32x8xi32>
    %convert_element_type3A_575 = arith.extui %le3A_574 : vector<32x8xi1> to vector<32x8xi32>
    %reduce_sum3A = arith.constant dense<0> : vector<32xi32>
    %reduce_sum3A_576 = vector.multi_reduction <add>, %convert_element_type3A_575, %reduce_sum3A [1] : vector<32x8xi32> to vector<32xi32>
    %broadcast_in_dim3A_577 = vector.shape_cast %reduce_sum3A_576 : vector<32xi32> to vector<32x1xi32>
    %min3A = arith.constant 7 : i32
    %min3A_578 = vector.broadcast %min3A : i32 to vector<32x1xi32>
    %min3A_579 = arith.minsi %broadcast_in_dim3A_577, %min3A_578 : vector<32x1xi32>
    %reduce_sum3A_580 = arith.constant dense<0> : vector<1xi32>
    %reduce_sum3A_581 = vector.multi_reduction <add>, %convert_element_type3A_565, %reduce_sum3A_580 [1] : vector<1x8xi32> to vector<1xi32>
    %broadcast_in_dim3A_582 = vector.shape_cast %reduce_sum3A_581 : vector<1xi32> to vector<1x1xi32>
    %concatenate3A_583 = tpu.concatenate %min3A_579, %broadcast_in_dim3A_582 in 0 : vector<32x1xi32>, vector<1x1xi32> -> vector<33x1xi32>
    %broadcast_in_dim3A_584 = arith.constant 9.765625E-4 : f32
    %broadcast_in_dim3A_585 = vector.broadcast %broadcast_in_dim3A_584 : f32 to vector<1x1024xf32>
    %dot_general3A_586 = arith.constant dense<0.000000e+00> : vector<1x512xf32>
    %dot_general3A_587 = tpu.matmul %broadcast_in_dim3A_585, %add3A_92, %dot_general3A_586 {dimension_numbers = #tpu.dot_dimension_numbers<[1], [0], [0], [1], [0, 0, 1, 1], [], []>, transpose_lhs_hint = false} : vector<1x1024xf32>, vector<1024x512xf32>, vector<1x512xf32> -> vector<1x512xf32>
    %swap3A_588 = arith.constant 0 : index
    %swap3A_589 = arith.constant 0 : index
    %swap3A_590 = vector.load %arg20[%swap3A_588, %swap3A_589] : memref<1x512xf32, #tpu.memory_space<vmem>>, vector<1x512xf32>
    tpu.vector_store %arg20[%swap3A_588, %swap3A_589], %dot_general3A_587 {strides = array<i32>} : memref<1x512xf32, #tpu.memory_space<vmem>>, vector<1x512xf32>,
    %swap3A_591 = arith.constant 0 : index
    %swap3A_592 = arith.constant 0 : index
    %swap3A_593 = vector.load %arg21[%swap3A_591, %swap3A_592] : memref<1024x512xf32, #tpu.memory_space<vmem>>, vector<1024x512xf32>
    tpu.vector_store %arg21[%swap3A_591, %swap3A_592], %add3A_315 {strides = array<i32>} : memref<1024x512xf32, #tpu.memory_space<vmem>>, vector<1024x512xf32>,
    %swap3A_594 = arith.constant 0 : index
    %swap3A_595 = arith.constant 0 : index
    %swap3A_596 = vector.load %arg22[%swap3A_594, %swap3A_595] : memref<2048x1xi32, #tpu.memory_space<vmem>>, vector<2048x1xi32>
    tpu.vector_store %arg22[%swap3A_594, %swap3A_595], %convert_element_type3A_564 {strides = array<i32>} : memref<2048x1xi32, #tpu.memory_space<vmem>>, vector<2048x1xi32>,
    %swap3A_597 = arith.constant 0 : index
    %swap3A_598 = arith.constant 0 : index
    %swap3A_599 = vector.load %arg23[%swap3A_597, %swap3A_598] : memref<33x1xi32, #tpu.memory_space<vmem>>, vector<33x1xi32>
    tpu.vector_store %arg23[%swap3A_597, %swap3A_598], %concatenate3A_583 {strides = array<i32>} : memref<33x1xi32, #tpu.memory_space<vmem>>, vector<33x1xi32>,
    %swap3A_600 = arith.constant 0 : index
    %swap3A_601 = arith.constant 0 : index
    %swap3A_602 = vector.load %arg24[%swap3A_600, %swap3A_601] : memref<1024x8xf32, #tpu.memory_space<vmem>>, vector<1024x8xf32>
    tpu.vector_store %arg24[%swap3A_600, %swap3A_601], %add3A_409 {strides = array<i32>} : memref<1024x8xf32, #tpu.memory_space<vmem>>, vector<1024x8xf32>,
    return
  }
}

module attributes {stable_mosaic.version = 14 : i64} {
  func.func @_postfinal_kernel(%arg0: memref<1024x512xf32, #tpu.memory_space<vmem>>, %arg1: memref<1024x512xf32, #tpu.memory_space<vmem>>, %arg2: memref<1x512xf32, #tpu.memory_space<vmem>>, %arg3: memref<1024x512xf32, #tpu.memory_space<vmem>>, %arg4: memref<2048x512xf32, #tpu.memory_space<vmem>>, %arg5: memref<1024x8xf32, #tpu.memory_space<vmem>>, %arg6: memref<512x64xf32, #tpu.memory_space<vmem>>, %arg7: memref<1x64xf32, #tpu.memory_space<vmem>>, %arg8: memref<64x512xf32, #tpu.memory_space<vmem>>, %arg9: memref<1x512xf32, #tpu.memory_space<vmem>>, %arg10: memref<1x512xf32, #tpu.memory_space<vmem>>, %arg11: memref<1x512xf32, #tpu.memory_space<vmem>>, %arg12: memref<1x512xf32, #tpu.memory_space<vmem>>, %arg13: memref<1x512xf32, #tpu.memory_space<vmem>>, %arg14: memref<1x512xf32, #tpu.memory_space<vmem>>, %arg15: memref<512x128xf32, #tpu.memory_space<vmem>>, %arg16: memref<512x128xf32, #tpu.memory_space<vmem>>, %arg17: memref<1x128xf32, #tpu.memory_space<vmem>>, %arg18: memref<1024x128xf32, #tpu.memory_space<vmem>>) attributes {dimension_semantics = [], scalar_prefetch = 0 : i64, scratch_operands = 0 : i64, tpu.core_type = #tpu.core_type<tc>} {
    %get3A = arith.constant 0 : index
    %get3A_0 = arith.constant 0 : index
    %get3A_1 = vector.load %arg5[%get3A, %get3A_0] : memref<1024x8xf32, #tpu.memory_space<vmem>>, vector<1024x1xf32>
    %get3A_2 = arith.constant 0 : index
    %get3A_3 = arith.constant 1 : index
    %get3A_4 = vector.load %arg5[%get3A_2, %get3A_3] : memref<1024x8xf32, #tpu.memory_space<vmem>>, vector<1024x1xf32>
    %get3A_5 = arith.constant 0 : index
    %get3A_6 = arith.constant 0 : index
    %get3A_7 = vector.load %arg3[%get3A_5, %get3A_6] : memref<1024x512xf32, #tpu.memory_space<vmem>>, vector<1024x512xf32>
    %get3A_8 = arith.constant 0 : index
    %get3A_9 = arith.constant 0 : index
    %get3A_10 = vector.load %arg4[%get3A_8, %get3A_9] : memref<2048x512xf32, #tpu.memory_space<vmem>>, vector<1024x512xf32>
    %mul3A = vector.broadcast %get3A_1 : vector<1024x1xf32> to vector<1024x512xf32>
    %mul3A_11 = arith.mulf %mul3A, %get3A_10 : vector<1024x512xf32>
    %add3A = arith.addf %get3A_7, %mul3A_11 : vector<1024x512xf32>
    %get3A_12 = arith.constant 1024 : index
    %get3A_13 = arith.constant 0 : index
    %get3A_14 = vector.load %arg4[%get3A_12, %get3A_13] : memref<2048x512xf32, #tpu.memory_space<vmem>>, vector<1024x512xf32>
    %mul3A_15 = vector.broadcast %get3A_4 : vector<1024x1xf32> to vector<1024x512xf32>
    %mul3A_16 = arith.mulf %mul3A_15, %get3A_14 : vector<1024x512xf32>
    %add3A_17 = arith.addf %add3A, %mul3A_16 : vector<1024x512xf32>
    %get3A_18 = arith.constant 0 : index
    %get3A_19 = arith.constant 0 : index
    %get3A_20 = vector.load %arg2[%get3A_18, %get3A_19] : memref<1x512xf32, #tpu.memory_space<vmem>>, vector<1x512xf32>
    %get3A_21 = arith.constant 0 : index
    %get3A_22 = arith.constant 0 : index
    %get3A_23 = vector.load %arg10[%get3A_21, %get3A_22] : memref<1x512xf32, #tpu.memory_space<vmem>>, vector<1x512xf32>
    %mul3A_24 = arith.mulf %get3A_20, %get3A_23 : vector<1x512xf32>
    %broadcast_in_dim3A = arith.constant 9.765625E-4 : f32
    %broadcast_in_dim3A_25 = vector.broadcast %broadcast_in_dim3A : f32 to vector<1x1024xf32>
    %dot_general3A = arith.constant dense<0.000000e+00> : vector<1x512xf32>
    %dot_general3A_26 = tpu.matmul %broadcast_in_dim3A_25, %add3A_17, %dot_general3A {dimension_numbers = #tpu.dot_dimension_numbers<[1], [0], [0], [1], [0, 0, 1, 1], [], []>, transpose_lhs_hint = false} : vector<1x1024xf32>, vector<1024x512xf32>, vector<1x512xf32> -> vector<1x512xf32>
    %add3A_27 = arith.addf %mul3A_24, %dot_general3A_26 : vector<1x512xf32>
    %get3A_28 = arith.constant 0 : index
    %get3A_29 = arith.constant 0 : index
    %get3A_30 = vector.load %arg6[%get3A_28, %get3A_29] : memref<512x64xf32, #tpu.memory_space<vmem>>, vector<512x64xf32>
    %dot_general3A_31 = arith.constant dense<0.000000e+00> : vector<1x64xf32>
    %dot_general3A_32 = tpu.matmul %add3A_27, %get3A_30, %dot_general3A_31 {dimension_numbers = #tpu.dot_dimension_numbers<[1], [0], [0], [1], [0, 0, 1, 1], [], []>, transpose_lhs_hint = false} : vector<1x512xf32>, vector<512x64xf32>, vector<1x64xf32> -> vector<1x64xf32>
    %get3A_33 = arith.constant 0 : index
    %get3A_34 = arith.constant 0 : index
    %get3A_35 = vector.load %arg7[%get3A_33, %get3A_34] : memref<1x64xf32, #tpu.memory_space<vmem>>, vector<1x64xf32>
    %add3A_36 = arith.addf %dot_general3A_32, %get3A_35 : vector<1x64xf32>
    %logistic3A = arith.negf %add3A_36 : vector<1x64xf32>
    %logistic3A_37 = math.exp %logistic3A : vector<1x64xf32>
    %logistic3A_38 = arith.constant 1.000000e+00 : f32
    %logistic3A_39 = vector.broadcast %logistic3A_38 : f32 to vector<1x64xf32>
    %logistic3A_40 = arith.addf %logistic3A_39, %logistic3A_37 : vector<1x64xf32>
    %logistic3A_41 = arith.divf %logistic3A_39, %logistic3A_40 : vector<1x64xf32>
    %mul3A_42 = arith.mulf %add3A_36, %logistic3A_41 : vector<1x64xf32>
    %get3A_43 = arith.constant 0 : index
    %get3A_44 = arith.constant 0 : index
    %get3A_45 = vector.load %arg8[%get3A_43, %get3A_44] : memref<64x512xf32, #tpu.memory_space<vmem>>, vector<64x512xf32>
    %dot_general3A_46 = arith.constant dense<0.000000e+00> : vector<1x512xf32>
    %dot_general3A_47 = tpu.matmul %mul3A_42, %get3A_45, %dot_general3A_46 {dimension_numbers = #tpu.dot_dimension_numbers<[1], [0], [0], [1], [0, 0, 1, 1], [], []>, transpose_lhs_hint = false} : vector<1x64xf32>, vector<64x512xf32>, vector<1x512xf32> -> vector<1x512xf32>
    %get3A_48 = arith.constant 0 : index
    %get3A_49 = arith.constant 0 : index
    %get3A_50 = vector.load %arg9[%get3A_48, %get3A_49] : memref<1x512xf32, #tpu.memory_space<vmem>>, vector<1x512xf32>
    %add3A_51 = arith.addf %dot_general3A_47, %get3A_50 : vector<1x512xf32>
    %logistic3A_52 = arith.negf %add3A_51 : vector<1x512xf32>
    %logistic3A_53 = math.exp %logistic3A_52 : vector<1x512xf32>
    %logistic3A_54 = arith.constant 1.000000e+00 : f32
    %logistic3A_55 = vector.broadcast %logistic3A_54 : f32 to vector<1x512xf32>
    %logistic3A_56 = arith.addf %logistic3A_55, %logistic3A_53 : vector<1x512xf32>
    %logistic3A_57 = arith.divf %logistic3A_55, %logistic3A_56 : vector<1x512xf32>
    %get3A_58 = arith.constant 0 : index
    %get3A_59 = arith.constant 0 : index
    %get3A_60 = vector.load %arg1[%get3A_58, %get3A_59] : memref<1024x512xf32, #tpu.memory_space<vmem>>, vector<1024x512xf32>
    %get3A_61 = arith.constant 0 : index
    %get3A_62 = arith.constant 0 : index
    %get3A_63 = vector.load %arg0[%get3A_61, %get3A_62] : memref<1024x512xf32, #tpu.memory_space<vmem>>, vector<1024x512xf32>
    %add3A_64 = arith.addf %get3A_60, %get3A_63 : vector<1024x512xf32>
    %mul3A_65 = vector.broadcast %logistic3A_57 : vector<1x512xf32> to vector<1024x512xf32>
    %mul3A_66 = arith.mulf %add3A_17, %mul3A_65 : vector<1024x512xf32>
    %add3A_67 = arith.addf %add3A_64, %mul3A_66 : vector<1024x512xf32>
    %get3A_68 = arith.constant 0 : index
    %get3A_69 = arith.constant 0 : index
    %get3A_70 = vector.load %arg0[%get3A_68, %get3A_69] : memref<1024x512xf32, #tpu.memory_space<vmem>>, vector<1024x512xf32>
    %broadcast_in_dim3A_71 = arith.constant 9.765625E-4 : f32
    %broadcast_in_dim3A_72 = vector.broadcast %broadcast_in_dim3A_71 : f32 to vector<512x1xf32>
    %dot_general3A_73 = arith.constant dense<0.000000e+00> : vector<1024x1xf32>
    %dot_general3A_74 = tpu.matmul %add3A_67, %broadcast_in_dim3A_72, %dot_general3A_73 {dimension_numbers = #tpu.dot_dimension_numbers<[1], [0], [0], [1], [0, 0, 1, 1], [], []>, transpose_lhs_hint = false} : vector<1024x512xf32>, vector<512x1xf32>, vector<1024x1xf32> -> vector<1024x1xf32>
    %dot_general3A_75 = arith.constant dense<0.000000e+00> : vector<1024x1xf32>
    %dot_general3A_76 = tpu.matmul %get3A_70, %broadcast_in_dim3A_72, %dot_general3A_75 {dimension_numbers = #tpu.dot_dimension_numbers<[1], [0], [0], [1], [0, 0, 1, 1], [], []>, transpose_lhs_hint = false} : vector<1024x512xf32>, vector<512x1xf32>, vector<1024x1xf32> -> vector<1024x1xf32>
    %add3A_77 = arith.addf %dot_general3A_74, %dot_general3A_76 : vector<1024x1xf32>
    %sub3A = vector.broadcast %add3A_77 : vector<1024x1xf32> to vector<1024x512xf32>
    %sub3A_78 = arith.subf %add3A_67, %sub3A : vector<1024x512xf32>
    %sub3A_79 = vector.broadcast %add3A_77 : vector<1024x1xf32> to vector<1024x512xf32>
    %sub3A_80 = arith.subf %get3A_70, %sub3A_79 : vector<1024x512xf32>
    %mul3A_81 = arith.mulf %sub3A_78, %sub3A_78 : vector<1024x512xf32>
    %dot_general3A_82 = arith.constant dense<0.000000e+00> : vector<1024x1xf32>
    %dot_general3A_83 = tpu.matmul %mul3A_81, %broadcast_in_dim3A_72, %dot_general3A_82 {dimension_numbers = #tpu.dot_dimension_numbers<[1], [0], [0], [1], [0, 0, 1, 1], [], []>, transpose_lhs_hint = false} : vector<1024x512xf32>, vector<512x1xf32>, vector<1024x1xf32> -> vector<1024x1xf32>
    %mul3A_84 = arith.mulf %sub3A_80, %sub3A_80 : vector<1024x512xf32>
    %dot_general3A_85 = arith.constant dense<0.000000e+00> : vector<1024x1xf32>
    %dot_general3A_86 = tpu.matmul %mul3A_84, %broadcast_in_dim3A_72, %dot_general3A_85 {dimension_numbers = #tpu.dot_dimension_numbers<[1], [0], [0], [1], [0, 0, 1, 1], [], []>, transpose_lhs_hint = false} : vector<1024x512xf32>, vector<512x1xf32>, vector<1024x1xf32> -> vector<1024x1xf32>
    %add3A_87 = arith.addf %dot_general3A_83, %dot_general3A_86 : vector<1024x1xf32>
    %add3A_88 = arith.constant 9.99999974E-6 : f32
    %add3A_89 = vector.broadcast %add3A_88 : f32 to vector<1024x1xf32>
    %add3A_90 = arith.addf %add3A_87, %add3A_89 : vector<1024x1xf32>
    %rsqrt3A = math.rsqrt %add3A_90 : vector<1024x1xf32>
    %mul3A_91 = vector.broadcast %rsqrt3A : vector<1024x1xf32> to vector<1024x512xf32>
    %mul3A_92 = arith.mulf %sub3A_78, %mul3A_91 : vector<1024x512xf32>
    %get3A_93 = arith.constant 0 : index
    %get3A_94 = arith.constant 0 : index
    %get3A_95 = vector.load %arg11[%get3A_93, %get3A_94] : memref<1x512xf32, #tpu.memory_space<vmem>>, vector<1x512xf32>
    %mul3A_96 = vector.broadcast %get3A_95 : vector<1x512xf32> to vector<1024x512xf32>
    %mul3A_97 = arith.mulf %mul3A_92, %mul3A_96 : vector<1024x512xf32>
    %get3A_98 = arith.constant 0 : index
    %get3A_99 = arith.constant 0 : index
    %get3A_100 = vector.load %arg13[%get3A_98, %get3A_99] : memref<1x512xf32, #tpu.memory_space<vmem>>, vector<1x512xf32>
    %add3A_101 = vector.broadcast %get3A_100 : vector<1x512xf32> to vector<1024x512xf32>
    %add3A_102 = arith.addf %mul3A_97, %add3A_101 : vector<1024x512xf32>
    %mul3A_103 = vector.broadcast %rsqrt3A : vector<1024x1xf32> to vector<1024x512xf32>
    %mul3A_104 = arith.mulf %sub3A_80, %mul3A_103 : vector<1024x512xf32>
    %get3A_105 = arith.constant 0 : index
    %get3A_106 = arith.constant 0 : index
    %get3A_107 = vector.load %arg12[%get3A_105, %get3A_106] : memref<1x512xf32, #tpu.memory_space<vmem>>, vector<1x512xf32>
    %mul3A_108 = vector.broadcast %get3A_107 : vector<1x512xf32> to vector<1024x512xf32>
    %mul3A_109 = arith.mulf %mul3A_104, %mul3A_108 : vector<1024x512xf32>
    %get3A_110 = arith.constant 0 : index
    %get3A_111 = arith.constant 0 : index
    %get3A_112 = vector.load %arg14[%get3A_110, %get3A_111] : memref<1x512xf32, #tpu.memory_space<vmem>>, vector<1x512xf32>
    %add3A_113 = vector.broadcast %get3A_112 : vector<1x512xf32> to vector<1024x512xf32>
    %add3A_114 = arith.addf %mul3A_109, %add3A_113 : vector<1024x512xf32>
    %get3A_115 = arith.constant 0 : index
    %get3A_116 = arith.constant 0 : index
    %get3A_117 = vector.load %arg15[%get3A_115, %get3A_116] : memref<512x128xf32, #tpu.memory_space<vmem>>, vector<512x128xf32>
    %dot_general3A_118 = arith.constant dense<0.000000e+00> : vector<1024x128xf32>
    %dot_general3A_119 = tpu.matmul %add3A_102, %get3A_117, %dot_general3A_118 {dimension_numbers = #tpu.dot_dimension_numbers<[1], [0], [0], [1], [0, 0, 1, 1], [], []>, transpose_lhs_hint = false} : vector<1024x512xf32>, vector<512x128xf32>, vector<1024x128xf32> -> vector<1024x128xf32>
    %get3A_120 = arith.constant 0 : index
    %get3A_121 = arith.constant 0 : index
    %get3A_122 = vector.load %arg16[%get3A_120, %get3A_121] : memref<512x128xf32, #tpu.memory_space<vmem>>, vector<512x128xf32>
    %dot_general3A_123 = arith.constant dense<0.000000e+00> : vector<1024x128xf32>
    %dot_general3A_124 = tpu.matmul %add3A_114, %get3A_122, %dot_general3A_123 {dimension_numbers = #tpu.dot_dimension_numbers<[1], [0], [0], [1], [0, 0, 1, 1], [], []>, transpose_lhs_hint = false} : vector<1024x512xf32>, vector<512x128xf32>, vector<1024x128xf32> -> vector<1024x128xf32>
    %add3A_125 = arith.addf %dot_general3A_119, %dot_general3A_124 : vector<1024x128xf32>
    %get3A_126 = arith.constant 0 : index
    %get3A_127 = arith.constant 0 : index
    %get3A_128 = vector.load %arg17[%get3A_126, %get3A_127] : memref<1x128xf32, #tpu.memory_space<vmem>>, vector<1x128xf32>
    %add3A_129 = vector.broadcast %get3A_128 : vector<1x128xf32> to vector<1024x128xf32>
    %add3A_130 = arith.addf %add3A_125, %add3A_129 : vector<1024x128xf32>
    %swap3A = arith.constant 0 : index
    %swap3A_131 = arith.constant 0 : index
    %swap3A_132 = vector.load %arg18[%swap3A, %swap3A_131] : memref<1024x128xf32, #tpu.memory_space<vmem>>, vector<1024x128xf32>
    tpu.vector_store %arg18[%swap3A, %swap3A_131], %add3A_130 {strides = array<i32>} : memref<1024x128xf32, #tpu.memory_space<vmem>>, vector<1024x128xf32>,
    return
  }
}

</mosaic_0001>

<sc_bundles>
// kernel: kernel.27.cloned.1.call-start
scs
__scs_entry_jumppad:
0x0: {  	(pc) =	sbr.rel $0x88, $3  }
0x1: {  	(tag) =	ssettag $0x0;
	lr =	simm.s32 $0x1  }
0x2: {  	[smem:$0x3F7F] =	sst lr;
	_ =	strace $0xD0000000  }
0x3: {  	_ = 	snop  }
0x4: {  	_ = 	snop  }
0x5: {  	_ = 	snop  }
0x6: {  	_ = 	snop  }
0x7: {  	_ = 	snop  }
__scs_overlays_trampoline_lowered:
0x8: {  	[smem:$0x3F8E] =	sst s0  }
0x9: {  	[smem:$0x3F8F] =	sst s1  }
0xa: {  	[smem:$0x3F90] =	sst s2  }
0xb: {  	[smem:$0x3F91] =	sst s3  }
0xc: {  	[smem:$0x3F92] =	sst s4  }
0xd: {  	[smem:$0x3F93] =	sst s5  }
0xe: {  	[smem:$0x3F94] =	sst s6  }
0xf: {  	[smem:$0x3F95] =	sst s7  }
0x10: {  	[smem:$0x3F96] =	sst s8  }
0x11: {  	[smem:$0x3F97] =	sst s9;
	s0 =	simm.s32 @!p0 $0x0  }
0x12: {  	s1 =	sld [smem:$0x3F7D];
	s0 =	simm.s32 @p0 $0x1  }
0x13: {  	[smem:$0x3F98] =	sst s0;
	s0 =	simm.s32 @!p1 $0x0  }
0x14: {  	s2 =	sld [smem:$0x3F7C];
	s0 =	simm.s32 @p1 $0x1  }
0x15: {  	[smem:$0x3F99] =	sst s0;
	s0 =	simm.s32 @!p2 $0x0  }
0x16: {  	s3 =	sld [smem:$0x3FDB];
	s0 =	simm.s32 @p2 $0x1  }
0x17: {  	s4 =	simm.s32 $0x1BF5;
	[smem:$0x3F9B] =	sst s0  }
0x18: {  	s0 =	sld [smem:$0x3F7E];
	_ =	swait.ge [sflag:s4], $0x0  }
0x19: {  	s7 =	sld [smem:$0x3F7F]  }
0x1a: {  	s8 =	sadd.s32 $0xFFFFE003, lr  }
0x1b: {  	s9 =	sadd.s32 $0xFFFFFEF7, lr;
	s5 =	simm.s32 $0xFFFFFFFF;
	p2 =	slt.u32 s8, $0xFFFFF086  }
0x1c: {  	p1 =	slt.u32 s9, $0xF7A;
	s5 =	simm.s32 @!p2 $0x0  }
0x1d: {  	s5 =	simm.s32 @p1 $0x1;
	p0 =	seq.s32 s7, s2  }
0x1e: {  	s7 =	smul.u32 @!p0 $0xF7A, s2;
	p2 =	seq.s32 @!p0 s5, $0x0  }
0x1f: {  	s9 =	smul.u32 $0xF7A, s1;
	s8 =	simm.s32 @!p0 $0x1BF5;
	p2 =	por !p2, p0  }
0x20: {  	[sflag:s8] =	ssyncset.s32 @!p0 $0xFFFFF086;
	s6 =	sadd.s32 @!p0 s3, s7;
	s7 =	simm.s32 @!p0 $0x108  }
0x21: {  	s3 =	sadd.s32 s3, s9;
	s6 =	sadd.s32 @!p0 $0x88, s6;
	s7 =	simm.s32 @p2 $0x1082  }
0x22: {  	[simem:s7], [sflag:s8] =	dma.local @!p0 [hbm:s6], $0xF7A  }
0x23: {  	s9 =	sor.u32 $0xD0000000, s2;
	s6 =	simm.s32 $0x108;
	_ =	swait.ge @!p0 [sflag:s8], $0x0  }
0x24: {  	s3 =	sadd.s32 $0x88, s3;
	s6 =	simm.s32 @!p1 $0x1082;
	[sflag:s4] =	ssyncset.s32 $0xFFFFF086  }
0x25: {  	[simem:s6], [sflag:s4] =	dma.local [hbm:s3], $0xF7A  }
0x26: {  	[smem:$0x3F7F] =	sst s1;
	(tag) =	ssettag s2;
	_ =	strace s9  }
0x27: {  	s1 =	sld [smem:$0x3F8F]  }
0x28: {  	s2 =	sld [smem:$0x3F90]  }
0x29: {  	s4 =	sld [smem:$0x3F92]  }
0x2a: {  	p0 =	seq.s32 s5, $0x0;
	s5 =	sld [smem:$0x3F93]  }
0x2b: {  	s6 =	sld [smem:$0x3F94]  }
0x2c: {  	s7 =	sld [smem:$0x3F95]  }
0x2d: {  	s3 =	simm.s32 $0x108;
	s8 =	sld [smem:$0x3F96]  }
0x2e: {  	s3 =	simm.s32 @!p0 $0x1082;
	s9 =	sld [smem:$0x3F97]  }
0x2f: {  	lr =	sadd.s32 s0, s3;
	s0 =	sld [smem:$0x3F8E]  }
0x30: {  	s3 =	sld [smem:$0x3F91]  }
0x31: {  	[smem:$0x3F9A] =	sst s10  }
0x32: {  	s10 =	sld [smem:$0x3F98];
	_ =	sdelay $0x3  }
0x33: {  	p0 =	seq.s32 s10, $0x1;
	s10 =	sld [smem:$0x3F9A];
	_ =	sdelay $0x3  }
0x34: {  	[smem:$0x3F9A] =	sst s10  }
0x35: {  	s10 =	sld [smem:$0x3F99];
	_ =	sdelay $0x3  }
0x36: {  	p1 =	seq.s32 s10, $0x1;
	s10 =	sld [smem:$0x3F9A];
	_ =	sdelay $0x3  }
0x37: {  	[smem:$0x3F9A] =	sst s10  }
0x38: {  	s10 =	sld [smem:$0x3F9B]  }
0x39: {  	_ = 	snop;
	(pc) =	sbr.ind lr, $3  }
0x3a: {  	_ = 	snop  }
0x3b: {  	_ = 	snop  }
0x3c: {  	p2 =	seq.s32 s10, $0x1;
	s10 =	sld [smem:$0x3F9A]  }
0x3d: {  	_ =	shalt  }
0x3e: {  	_ =	shalt  }
0x3f: {  	_ =	shalt  }
0x40: {  	_ =	shalt  }
0x41: {  	_ =	shalt  }
0x42: {  	_ =	shalt  }
0x43: {  	_ =	shalt  }
0x44: {  	_ =	shalt  }
0x45: {  	_ =	shalt  }
0x46: {  	_ =	shalt  }
0x47: {  	_ =	shalt  }
0x48: {  	_ =	shalt  }
0x49: {  	_ =	shalt  }
0x4a: {  	_ =	shalt  }
0x4b: {  	_ =	shalt  }
0x4c: {  	_ =	shalt  }
0x4d: {  	_ =	shalt  }
0x4e: {  	_ =	shalt  }
0x4f: {  	_ =	shalt  }
0x50: {  	_ =	shalt  }
0x51: {  	_ =	shalt  }
0x52: {  	_ =	shalt  }
0x53: {  	_ =	shalt  }
0x54: {  	_ =	shalt  }
0x55: {  	_ =	shalt  }
0x56: {  	_ =	shalt  }
0x57: {  	_ =	shalt  }
0x58: {  	_ =	shalt  }
0x59: {  	_ =	shalt  }
0x5a: {  	_ =	shalt  }
0x5b: {  	_ =	shalt  }
0x5c: {  	_ =	shalt  }
0x5d: {  	_ =	shalt  }
0x5e: {  	_ =	shalt  }
0x5f: {  	_ =	shalt  }
0x60: {  	_ =	shalt  }
0x61: {  	_ =	shalt  }
0x62: {  	_ =	shalt  }
0x63: {  	_ =	shalt  }
0x64: {  	_ =	shalt  }
0x65: {  	_ =	shalt  }
0x66: {  	_ =	shalt  }
0x67: {  	_ =	shalt  }
0x68: {  	_ =	shalt  }
0x69: {  	_ =	shalt  }
0x6a: {  	_ =	shalt  }
0x6b: {  	_ =	shalt  }
0x6c: {  	_ =	shalt  }
0x6d: {  	_ =	shalt  }
0x6e: {  	_ =	shalt  }
0x6f: {  	_ =	shalt  }
0x70: {  	_ =	shalt  }
0x71: {  	_ =	shalt  }
0x72: {  	_ =	shalt  }
0x73: {  	_ =	shalt  }
0x74: {  	_ =	shalt  }
0x75: {  	_ =	shalt  }
0x76: {  	_ =	shalt  }
0x77: {  	_ =	shalt  }
0x78: {  	_ =	shalt  }
0x79: {  	_ =	shalt  }
0x7a: {  	_ =	shalt  }
0x7b: {  	_ =	shalt  }
0x7c: {  	_ =	shalt  }
0x7d: {  	_ =	shalt  }
0x7e: {  	_ =	shalt  }
0x7f: {  	_ =	shalt  }
0x80: {  	_ =	shalt  }
0x81: {  	_ =	shalt  }
0x82: {  	_ =	shalt  }
0x83: {  	_ =	shalt  }
0x84: {  	_ =	shalt  }
0x85: {  	_ =	shalt  }
0x86: {  	_ =	shalt  }
0x87: {  	_ =	shalt  }
.Lfunc_end0:
.L_simem_size_0:
called_computation_lowered:
.L_overlay_start_0:
0x88: {  	s2 =	sld [smem:$0x3FD9]  }
0x89: {  	s3 =	sld [smem:$0x3FFE];
	_ =	sdelay $0x1  }
0x8a: {  	s1 =	srdreg.scid  }
0x8b: {  	s0 =	sand.u32 $0x1, s1  }
0x8c: {  	s16 =	sshll.u32 s0, $0xA;
	s2 =	sadd.s32 s3, s2  }
0x8d: {  	s2 =	sadd.s32 s2, s16  }
0x8e: {  	[smem:$0x3FA6] =	sst s2  }
0x8f: {  	_ = 	snop  }
0x90: {  	(tm) =	ssettm $0x1  }
0x91: {  	s17 =	sld [smem:$0x3FFB];
	_ =	sdelay $0x3  }
0x92: {  	_ =	strace s17  }
0x93: {  	s2 =	sld [smem:$0x3FFC];
	_ =	sdelay $0x3  }
0x94: {  	_ =	strace s2  }
0x95: {  	s2 =	sld [smem:$0x3FFD];
	_ =	sdelay $0x3  }
0x96: {  	_ =	strace s2  }
0x97: {  	_ =	strace $0x8FFFFFFF  }
0x98: {  	s18 =	sld [smem:$0x3FDB];
	_ =	sdelay $0x1  }
0x99: {  	s19 =	simm.s32 $_scs_section_size  }
0x9a: {  	s4 =	simm.s32 $_size__tile_overlayer_lowered;
	s5 =	simm.s32 $_tile_overlayer_lowered  }
0x9b: {  	s22 =	simm.s32 $0x1BFF;
	s21 =	sshll.u32 s5, $0x1;
	s2 =	sadd.s32 s19, s18  }
0x9c: {  	s6 =	simm.s32 $0x0;
	s20 =	sshll.u32 s4, $0x1;
	s4 =	sadd.s32 s21, s2  }
0x9d: {  	[timem:s6], [sflag:s22] =	dma.local [hbm:s4], s20  }
0x9e: {  	_ =	swait.ge [sflag:s22], s20  }
0x9f: {  	s3 =	ssub.s32 $0x0, s20;
	[sflag:s22] =	ssyncset.done $0x0  }
0xa0: {  	[sflag:s22] =	ssyncadd.s32 s3;
	_ =	sdelay $0x1  }
0xa1: {  	s23 =	simm.s32 $0x1B8B  }
0xa2: {  	_ =	swait.ge [sflag:s23], $0x1  }
0xa3: {  	[sflag:s23] =	ssyncset.done $0x0  }
0xa4: {  	s25 =	simm.s32 $0x1B8E;
	s24 =	sld [smem:$0x3FFE];
	[sflag:s23] =	ssyncadd.s32 $0xFFFFFFFF  }
0xa5: {  	s26 =	simm.s32 $execute0_lowered;
	[smem:$0x3FD2] =	sst s25  }
0xa6: {  	s4 =	sshll.u32 s26, $0x1;
	_ =	strace $0x80000046;
	[dreg:$0x1] =	wrdreg $0xFFFFFFFF  }
0xa7: {  	s28 =	simm.s32 $_size_execute0_lowered;
	s2 =	sadd.s32 s2, s4;
	[dreg:$0x0] =	wrdreg $0x0  }
0xa8: {  	s4 =	sshll.u32 s28, $0x1;
	[dreg:$0x2] =	wrdreg s2  }
0xa9: {  	[dreg:$0x3] =	wrdreg s4  }
0xaa: {  	[dreg:$0x4] =	wrdreg $0xC0  }
0xab: {  	_ =	task [dreg:s6], $0x5FFFF  }
0xac: {  	[dreg:$0x1] =	wrdreg $0xFFFFFFFF  }
0xad: {  	[dreg:$0x0] =	wrdreg $0x60  }
0xae: {  	[dreg:$0x2] =	wrdreg s24  }
0xaf: {  	[dreg:$0x3] =	wrdreg $0x9  }
0xb0: {  	_ =	task.clear_ibuf [dreg:s6], $0x4FFFF;
	_ =	strace $0x90000046  }
0xb1: {  	s29 =	simm.s32 $0x9;
	_ =	strace $0x80000048  }
0xb2: {  	_ =	swait.ge [sflag:s29], $0x1  }
0xb3: {  	[sflag:s29] =	ssyncadd.s32 $0xFFFFFFFF  }
0xb4: {  	_ =	strace $0x90000048  }
0xb5: {  	_ =	sfence  }
0xb6: {  	s30 =	sld [smem:$0x0];
	_ =	sdelay $0x2  }
0xb7: {  	s31 =	sshll.u32 s1, $0xD;
	s1 =	sshrl.u32 s1, $0x2  }
0xb8: {  	s3 =	sand.u32 $0x4000, s31;
	s1 =	sadd.s32 s1, s30  }
0xb9: {  	s0 =	sor.u32 s3, s0;
	s1 =	sshll.u32 s1, $0x11  }
0xba: {  	s0 =	sor.u32 s1, s0  }
0xbb: {  	s0 =	sadd.s32 $0x8F2B, s0  }
0xbc: {  	[sflag:s0] =	ssyncadd.remote.s32 $0x1  }
0xbd: {  	_ =	sfence.sel $0xFFFF  }
0xbe: {  	[dreg:$0x0] =	wrdreg $0xFFFFFFFF;
	(pc) =	sbr.abs _section_cstart, $3  }
0xbf: {  	[dreg:$0x1] =	wrdreg $0xFFFFFFFF  }
0xc0: {  	_ =	task.clear_ibuf [dreg:s6], $0x2FFFF;
	_ =	strace $0x9FFFFFFF  }
0xc1: {  	(tm) =	ssettm $0x7FFFFFFF  }
tec
execute0_lowered:
.L_overlay_start_1:
0x0: {  	(tag) =	ssettag $0x1  }
0x1: {  	s6 =	rddreg [dreg:$0x0]  }
0x2: {  	s2 =	srdreg.scid;
	s0 =	rddreg [dreg:$0x1]  }
0x3: {  	s1 =	stileid.u32;
	s9 =	simm.s32 $0x80;
	s10 =	simm.s32 $0x880  }
0x4: {  	s11 =	simm.s32 $0x1080;
	s12 =	simm.s32 $0x1880;
	s13 =	simm.s32 $0x2080  }
0x5: {  	s14 =	simm.s32 $0x2880;
	s15 =	simm.s32 $0x3080;
	s16 =	simm.s32 $0x3880  }
0x6: {  	s17 =	simm.s32 $0x4080;
	s18 =	simm.s32 $0x4880;
	s19 =	simm.s32 $0x5080  }
0x7: {  	s20 =	simm.s32 $0x5880;
	s21 =	simm.s32 $0x6080;
	s22 =	simm.s32 $0x6880  }
0x8: {  	s23 =	simm.s32 $0x7080;
	s24 =	simm.s32 $0x7880;
	s25 =	simm.s32 $0x1  }
0x9: {  	s3 =	sand.u32 $0x1, s2;
	s2 =	simm.s32 $0x0;
	s4 =	sshll.u32 s1, $0x7  }
0xa: {  	s5 =	sshll.u32 s3, $0x6;
	[smem:$0x7FF] =	sst s2;
	s7 =	ssub.s32 $0x2, s3  }
0xb: {  	s3 =	sadd.s32 $0x73E00, s6;
	s4 =	sor.u32 s5, s4;
	_ =	strace $0x80000047  }
0xc: {  	s8 =	sshrl.u32 s7, $0x1;
	s5 =	sshll.u32 s4, $0x6;
	s4 =	sshrl.u32 s4, $0x3  }
0xd: {  	v2 =	vlaneseq.u32;
	s7 =	ssub.s32 s7, s8;
	s8 =	simm.s32 $0x2;
	s5 =	sand.u32 $0xF000, s5  }
0xe: {  	vm0 =	vmmov $0xffff;
	v1 =	vshrl.u32 v2, $0x3;
	s4 =	sadd.s32 s4, s6;
	s7 =	smax.u32 s7, $0x1;
	s5 =	sadd.s32 s5, s6  }
0xf: {  	v0 =	vand.u32 $0x7, v2;
	v2 =	vor.u32 $0x8, v2;
	v1 =	vmul.u32 $0x8, v1;
	s4 =	sadd.s32 $0x73C00, s4;
	s6 =	sadd.s32 $0x73F00, s6;
	s5 =	sadd.s32 $0x43A00, s5  }
.LBB2_1:
0x10: {  	[tilespmem:s2], [sflag:$0x2] =	stream.linear.gather [hbm4b:s4+s2], $0x40, $0x38;
	[tilespmem:$0x8080] =	vst v63  }
0x11: {  	_ =	swait.ge [sflag:s8], $0x40  }
0x12: {  	[sflag:s8] =	ssyncset.done $0x0  }
0x13: {  	[sflag:s8] =	ssyncadd.s32 $0xFFFFFFC0  }
0x14: {  	[tilespmem:s9], [sflag:$0x2] =	stream.linear.gather [hbm4b:s5+s2], $0x8000, $0x38;
	[tilespmem:$0x8080] =	vst v63  }
0x15: {  	_ =	swait.ge [sflag:s8], $0x8000  }
0x16: {  	[sflag:s8] =	ssyncset.done $0x0  }
0x17: {  	[sflag:s8] =	ssyncadd.s32 $0xFFFF8000  }
0x18: {  	v3 =	vld [tilespmem:$0x0];
	_ =	sdelay $0x4  }
0x19: {  	v4 =	vshll.u32 v3, $0x2  }
0x1a: {  	v3 =	vand.u32 $0x7, v3;
	v4 =	vand.u32 $0xFFFFFFE0, v4  }
0x1b: {  	v3 =	vor.u32 v3, v4  }
0x1c: {  	v4 =	vperm.xlane v3, v0;
	_ =	sdelay $0x1  }
0x1d: {  	v4 =	vadd.s32 v1, v4;
	_ =	sdelay $0x1  }
0x1e: {  	v3 =	vperm.xlane v3, v2;
	_ =	sdelay $0x1  }
0x1f: {  	v3 =	vadd.s32 v1, v3  }
0x20: {  	[hbm4b:s3+s2] =	stream.indirect_vreg.scatter [tilespmem:s9], [sflag:$0x1], $0x80, v4, vm0, $0xb8;
	[tilespmem:$0x8080] =	vst v63  }
0x21: {  	_ = 	snop  }
0x22: {  	[hbm4b:s6+s2] =	stream.indirect_vreg.scatter [tilespmem:s10], [sflag:$0x1], $0x80, v4, vm0, $0xb8;
	[tilespmem:$0x8080] =	vst v63  }
0x23: {  	_ = 	snop  }
0x24: {  	[hbm4b:s3+s2] =	stream.indirect_vreg.scatter [tilespmem:s11], [sflag:$0x1], $0x80, v3, vm0, $0xb8;
	[tilespmem:$0x8080] =	vst v63  }
0x25: {  	_ = 	snop  }
0x26: {  	[hbm4b:s6+s2] =	stream.indirect_vreg.scatter [tilespmem:s12], [sflag:$0x1], $0x80, v3, vm0, $0xb8;
	[tilespmem:$0x8080] =	vst v63  }
0x27: {  	v3 =	vld [tilespmem:$0x10];
	_ =	sdelay $0x4  }
0x28: {  	v61 =	vshll.u32 v3, $0x2  }
0x29: {  	v3 =	vand.u32 $0x7, v3;
	v4 =	vand.u32 $0xFFFFFFE0, v61  }
0x2a: {  	v3 =	vor.u32 v3, v4  }
0x2b: {  	v4 =	vperm.xlane v3, v0;
	_ =	sdelay $0x1  }
0x2c: {  	v4 =	vadd.s32 v1, v4;
	_ =	sdelay $0x1  }
0x2d: {  	v3 =	vperm.xlane v3, v2;
	_ =	sdelay $0x1  }
0x2e: {  	v3 =	vadd.s32 v1, v3  }
0x2f: {  	[hbm4b:s3+s2] =	stream.indirect_vreg.scatter [tilespmem:s13], [sflag:$0x1], $0x80, v4, vm0, $0xb8;
	[tilespmem:$0x8080] =	vst v63  }
0x30: {  	_ = 	snop  }
0x31: {  	[hbm4b:s6+s2] =	stream.indirect_vreg.scatter [tilespmem:s14], [sflag:$0x1], $0x80, v4, vm0, $0xb8;
	[tilespmem:$0x8080] =	vst v63  }
0x32: {  	_ = 	snop  }
0x33: {  	[hbm4b:s3+s2] =	stream.indirect_vreg.scatter [tilespmem:s15], [sflag:$0x1], $0x80, v3, vm0, $0xb8;
	[tilespmem:$0x8080] =	vst v63  }
0x34: {  	_ = 	snop  }
0x35: {  	[hbm4b:s6+s2] =	stream.indirect_vreg.scatter [tilespmem:s16], [sflag:$0x1], $0x80, v3, vm0, $0xb8;
	[tilespmem:$0x8080] =	vst v63  }
0x36: {  	v3 =	vld [tilespmem:$0x20];
	_ =	sdelay $0x4  }
0x37: {  	v62 =	vshll.u32 v3, $0x2  }
0x38: {  	v3 =	vand.u32 $0x7, v3;
	v4 =	vand.u32 $0xFFFFFFE0, v62  }
0x39: {  	v3 =	vor.u32 v3, v4  }
0x3a: {  	v4 =	vperm.xlane v3, v0;
	_ =	sdelay $0x1  }
0x3b: {  	v4 =	vadd.s32 v1, v4;
	_ =	sdelay $0x1  }
0x3c: {  	v3 =	vperm.xlane v3, v2;
	_ =	sdelay $0x1  }
0x3d: {  	v3 =	vadd.s32 v1, v3  }
0x3e: {  	[hbm4b:s3+s2] =	stream.indirect_vreg.scatter [tilespmem:s17], [sflag:$0x1], $0x80, v4, vm0, $0xb8;
	[tilespmem:$0x8080] =	vst v63  }
0x3f: {  	_ = 	snop  }
0x40: {  	[hbm4b:s6+s2] =	stream.indirect_vreg.scatter [tilespmem:s18], [sflag:$0x1], $0x80, v4, vm0, $0xb8;
	[tilespmem:$0x8080] =	vst v63  }
0x41: {  	_ = 	snop  }
0x42: {  	[hbm4b:s3+s2] =	stream.indirect_vreg.scatter [tilespmem:s19], [sflag:$0x1], $0x80, v3, vm0, $0xb8;
	[tilespmem:$0x8080] =	vst v63  }
0x43: {  	_ = 	snop  }
0x44: {  	[hbm4b:s6+s2] =	stream.indirect_vreg.scatter [tilespmem:s20], [sflag:$0x1], $0x80, v3, vm0, $0xb8;
	[tilespmem:$0x8080] =	vst v63  }
0x45: {  	v3 =	vld [tilespmem:$0x30];
	_ =	sdelay $0x4  }
0x46: {  	v63 =	vshll.u32 v3, $0x2  }
0x47: {  	v3 =	vand.u32 $0x7, v3;
	v4 =	vand.u32 $0xFFFFFFE0, v63  }
0x48: {  	v3 =	vor.u32 v3, v4  }
0x49: {  	v4 =	vperm.xlane v3, v0;
	_ =	sdelay $0x1  }
0x4a: {  	v4 =	vadd.s32 v1, v4;
	_ =	sdelay $0x1  }
0x4b: {  	v3 =	vperm.xlane v3, v2;
	_ =	sdelay $0x1  }
0x4c: {  	v3 =	vadd.s32 v1, v3  }
0x4d: {  	[hbm4b:s3+s2] =	stream.indirect_vreg.scatter [tilespmem:s21], [sflag:$0x1], $0x80, v4, vm0, $0xb8;
	[tilespmem:$0x8080] =	vst v63  }
0x4e: {  	_ = 	snop  }
0x4f: {  	[hbm4b:s6+s2] =	stream.indirect_vreg.scatter [tilespmem:s22], [sflag:$0x1], $0x80, v4, vm0, $0xb8;
	[tilespmem:$0x8080] =	vst v63  }
0x50: {  	p0 =	sne.s32 s7, $0x1  }
0x51: {  	[hbm4b:s3+s2] =	stream.indirect_vreg.scatter [tilespmem:s23], [sflag:$0x1], $0x80, v3, vm0, $0xb8;
	[tilespmem:$0x8080] =	vst v63  }
.Ltmp0:
0x52: {  	_ = 	snop;
	(pc) =	sbr.rel @p0 .LBB2_1-.Ltmp0, $4  }
0x53: {  	[hbm4b:s6+s2] =	stream.indirect_vreg.scatter [tilespmem:s24], [sflag:$0x1], $0x80, v3, vm0, $0xb8;
	[tilespmem:$0x8080] =	vst v63  }
0x54: {  	_ =	swait.ge [sflag:s25], $0x8000  }
0x55: {  	[sflag:s25] =	ssyncset.done $0x0  }
0x56: {  	s7 =	sadd.s32 $0xFFFFFFFF, s7;
	[sflag:s25] =	ssyncadd.s32 $0xFFFF8000  }
0x57: {  	_ =	sfence.sel $0x180000  }
0x58: {  	[bflag:$0x0] =	sbarrier.arrive $0xFFFF  }
0x59: {  	p0 =	sne.s32 s1, $0x0;
	_ =	strace $0x90000047  }
0x5a: {  	s0 =	sadd.s32 @!p0 $0x100000, s0;
	[bflag:$0x2] =	sbarrier.arrive $0xFFFF  }
0x5b: {  	[sflag:s0] =	ssyncadd.tile.s32 @!p0 $0x1;
	_ =	shalt  }
.Lfunc_end2:
_tile_overlayer_lowered:
.L_overlay_start_2:
0x5c: {  	(tag) =	ssettag $0x2  }
0x5d: {  	s0 =	rddreg [dreg:$0x0];
	s2 =	stileid.u32  }
0x5e: {  	s1 =	rddreg [dreg:$0x1];
	p0 =	sne.s32 s2, $0x0  }
0x5f: {  	s3 =	rddreg [dreg:$0x2];
	[bflag:$0x3] =	sbarrier.arrive $0xFFFF;
	s2 =	simm.s32 @!p0 $0x1C02  }
0x60: {  	[timem:s3], [sflag:s2] =	dma.local @!p0 [hbm:s0], s1  }
0x61: {  	s0 =	simm.s32 @!p0 $0x2  }
0x62: {  	_ =	swait.ge @!p0 [sflag:s0], s1  }
0x63: {  	s1 =	ssub.s32 @!p0 $0x0, s1;
	[sflag:s0] =	ssyncset.done @!p0 $0x0  }
0x64: {  	[sflag:s0] =	ssyncadd.s32 @!p0 s1  }
0x65: {  	[bflag:$0x3] =	sbarrier.arrive $0xFFFF  }
0x66: {  	_ =	shalt  }

// kernel: kernel.30.cloned.1.call-start
scs
__scs_entry_jumppad:
0x0: {  	(pc) =	sbr.rel $0x88, $3  }
0x1: {  	(tag) =	ssettag $0x0;
	lr =	simm.s32 $0x1  }
0x2: {  	[smem:$0x3F7F] =	sst lr;
	_ =	strace $0xD0000000  }
0x3: {  	_ = 	snop  }
0x4: {  	_ = 	snop  }
0x5: {  	_ = 	snop  }
0x6: {  	_ = 	snop  }
0x7: {  	_ = 	snop  }
__scs_overlays_trampoline_lowered:
0x8: {  	[smem:$0x3F8E] =	sst s0  }
0x9: {  	[smem:$0x3F8F] =	sst s1  }
0xa: {  	[smem:$0x3F90] =	sst s2  }
0xb: {  	[smem:$0x3F91] =	sst s3  }
0xc: {  	[smem:$0x3F92] =	sst s4  }
0xd: {  	[smem:$0x3F93] =	sst s5  }
0xe: {  	[smem:$0x3F94] =	sst s6  }
0xf: {  	[smem:$0x3F95] =	sst s7  }
0x10: {  	[smem:$0x3F96] =	sst s8  }
0x11: {  	[smem:$0x3F97] =	sst s9;
	s0 =	simm.s32 @!p0 $0x0  }
0x12: {  	s1 =	sld [smem:$0x3F7D];
	s0 =	simm.s32 @p0 $0x1  }
0x13: {  	[smem:$0x3F98] =	sst s0;
	s0 =	simm.s32 @!p1 $0x0  }
0x14: {  	s2 =	sld [smem:$0x3F7C];
	s0 =	simm.s32 @p1 $0x1  }
0x15: {  	[smem:$0x3F99] =	sst s0;
	s0 =	simm.s32 @!p2 $0x0  }
0x16: {  	s3 =	sld [smem:$0x3FDB];
	s0 =	simm.s32 @p2 $0x1  }
0x17: {  	s4 =	simm.s32 $0x1BF5;
	[smem:$0x3F9B] =	sst s0  }
0x18: {  	s0 =	sld [smem:$0x3F7E];
	_ =	swait.ge [sflag:s4], $0x0  }
0x19: {  	s7 =	sld [smem:$0x3F7F]  }
0x1a: {  	s8 =	sadd.s32 $0xFFFFE003, lr  }
0x1b: {  	s9 =	sadd.s32 $0xFFFFFEF7, lr;
	s5 =	simm.s32 $0xFFFFFFFF;
	p2 =	slt.u32 s8, $0xFFFFF086  }
0x1c: {  	p1 =	slt.u32 s9, $0xF7A;
	s5 =	simm.s32 @!p2 $0x0  }
0x1d: {  	s5 =	simm.s32 @p1 $0x1;
	p0 =	seq.s32 s7, s2  }
0x1e: {  	s7 =	smul.u32 @!p0 $0xF7A, s2;
	p2 =	seq.s32 @!p0 s5, $0x0  }
0x1f: {  	s9 =	smul.u32 $0xF7A, s1;
	s8 =	simm.s32 @!p0 $0x1BF5;
	p2 =	por !p2, p0  }
0x20: {  	[sflag:s8] =	ssyncset.s32 @!p0 $0xFFFFF086;
	s6 =	sadd.s32 @!p0 s3, s7;
	s7 =	simm.s32 @!p0 $0x108  }
0x21: {  	s3 =	sadd.s32 s3, s9;
	s6 =	sadd.s32 @!p0 $0x88, s6;
	s7 =	simm.s32 @p2 $0x1082  }
0x22: {  	[simem:s7], [sflag:s8] =	dma.local @!p0 [hbm:s6], $0xF7A  }
0x23: {  	s9 =	sor.u32 $0xD0000000, s2;
	s6 =	simm.s32 $0x108;
	_ =	swait.ge @!p0 [sflag:s8], $0x0  }
0x24: {  	s3 =	sadd.s32 $0x88, s3;
	s6 =	simm.s32 @!p1 $0x1082;
	[sflag:s4] =	ssyncset.s32 $0xFFFFF086  }
0x25: {  	[simem:s6], [sflag:s4] =	dma.local [hbm:s3], $0xF7A  }
0x26: {  	[smem:$0x3F7F] =	sst s1;
	(tag) =	ssettag s2;
	_ =	strace s9  }
0x27: {  	s1 =	sld [smem:$0x3F8F]  }
0x28: {  	s2 =	sld [smem:$0x3F90]  }
0x29: {  	s4 =	sld [smem:$0x3F92]  }
0x2a: {  	p0 =	seq.s32 s5, $0x0;
	s5 =	sld [smem:$0x3F93]  }
0x2b: {  	s6 =	sld [smem:$0x3F94]  }
0x2c: {  	s7 =	sld [smem:$0x3F95]  }
0x2d: {  	s3 =	simm.s32 $0x108;
	s8 =	sld [smem:$0x3F96]  }
0x2e: {  	s3 =	simm.s32 @!p0 $0x1082;
	s9 =	sld [smem:$0x3F97]  }
0x2f: {  	lr =	sadd.s32 s0, s3;
	s0 =	sld [smem:$0x3F8E]  }
0x30: {  	s3 =	sld [smem:$0x3F91]  }
0x31: {  	[smem:$0x3F9A] =	sst s10  }
0x32: {  	s10 =	sld [smem:$0x3F98];
	_ =	sdelay $0x3  }
0x33: {  	p0 =	seq.s32 s10, $0x1;
	s10 =	sld [smem:$0x3F9A];
	_ =	sdelay $0x3  }
0x34: {  	[smem:$0x3F9A] =	sst s10  }
0x35: {  	s10 =	sld [smem:$0x3F99];
	_ =	sdelay $0x3  }
0x36: {  	p1 =	seq.s32 s10, $0x1;
	s10 =	sld [smem:$0x3F9A];
	_ =	sdelay $0x3  }
0x37: {  	[smem:$0x3F9A] =	sst s10  }
0x38: {  	s10 =	sld [smem:$0x3F9B]  }
0x39: {  	_ = 	snop;
	(pc) =	sbr.ind lr, $3  }
0x3a: {  	_ = 	snop  }
0x3b: {  	_ = 	snop  }
0x3c: {  	p2 =	seq.s32 s10, $0x1;
	s10 =	sld [smem:$0x3F9A]  }
0x3d: {  	_ =	shalt  }
0x3e: {  	_ =	shalt  }
0x3f: {  	_ =	shalt  }
0x40: {  	_ =	shalt  }
0x41: {  	_ =	shalt  }
0x42: {  	_ =	shalt  }
0x43: {  	_ =	shalt  }
0x44: {  	_ =	shalt  }
0x45: {  	_ =	shalt  }
0x46: {  	_ =	shalt  }
0x47: {  	_ =	shalt  }
0x48: {  	_ =	shalt  }
0x49: {  	_ =	shalt  }
0x4a: {  	_ =	shalt  }
0x4b: {  	_ =	shalt  }
0x4c: {  	_ =	shalt  }
0x4d: {  	_ =	shalt  }
0x4e: {  	_ =	shalt  }
0x4f: {  	_ =	shalt  }
0x50: {  	_ =	shalt  }
0x51: {  	_ =	shalt  }
0x52: {  	_ =	shalt  }
0x53: {  	_ =	shalt  }
0x54: {  	_ =	shalt  }
0x55: {  	_ =	shalt  }
0x56: {  	_ =	shalt  }
0x57: {  	_ =	shalt  }
0x58: {  	_ =	shalt  }
0x59: {  	_ =	shalt  }
0x5a: {  	_ =	shalt  }
0x5b: {  	_ =	shalt  }
0x5c: {  	_ =	shalt  }
0x5d: {  	_ =	shalt  }
0x5e: {  	_ =	shalt  }
0x5f: {  	_ =	shalt  }
0x60: {  	_ =	shalt  }
0x61: {  	_ =	shalt  }
0x62: {  	_ =	shalt  }
0x63: {  	_ =	shalt  }
0x64: {  	_ =	shalt  }
0x65: {  	_ =	shalt  }
0x66: {  	_ =	shalt  }
0x67: {  	_ =	shalt  }
0x68: {  	_ =	shalt  }
0x69: {  	_ =	shalt  }
0x6a: {  	_ =	shalt  }
0x6b: {  	_ =	shalt  }
0x6c: {  	_ =	shalt  }
0x6d: {  	_ =	shalt  }
0x6e: {  	_ =	shalt  }
0x6f: {  	_ =	shalt  }
0x70: {  	_ =	shalt  }
0x71: {  	_ =	shalt  }
0x72: {  	_ =	shalt  }
0x73: {  	_ =	shalt  }
0x74: {  	_ =	shalt  }
0x75: {  	_ =	shalt  }
0x76: {  	_ =	shalt  }
0x77: {  	_ =	shalt  }
0x78: {  	_ =	shalt  }
0x79: {  	_ =	shalt  }
0x7a: {  	_ =	shalt  }
0x7b: {  	_ =	shalt  }
0x7c: {  	_ =	shalt  }
0x7d: {  	_ =	shalt  }
0x7e: {  	_ =	shalt  }
0x7f: {  	_ =	shalt  }
0x80: {  	_ =	shalt  }
0x81: {  	_ =	shalt  }
0x82: {  	_ =	shalt  }
0x83: {  	_ =	shalt  }
0x84: {  	_ =	shalt  }
0x85: {  	_ =	shalt  }
0x86: {  	_ =	shalt  }
0x87: {  	_ =	shalt  }
.Lfunc_end0:
.L_simem_size_0:
called_computation.1_lowered:
.L_overlay_start_0:
0x88: {  	s2 =	sld [smem:$0x3FD9]  }
0x89: {  	s3 =	sld [smem:$0x3FFE];
	_ =	sdelay $0x1  }
0x8a: {  	s1 =	srdreg.scid  }
0x8b: {  	s0 =	sand.u32 $0x1, s1  }
0x8c: {  	s16 =	sshll.u32 s0, $0xA;
	s2 =	sadd.s32 s3, s2  }
0x8d: {  	s2 =	sadd.s32 s2, s16  }
0x8e: {  	[smem:$0x3FA6] =	sst s2  }
0x8f: {  	_ = 	snop  }
0x90: {  	(tm) =	ssettm $0x1  }
0x91: {  	s17 =	sld [smem:$0x3FFB];
	_ =	sdelay $0x3  }
0x92: {  	_ =	strace s17  }
0x93: {  	s2 =	sld [smem:$0x3FFC];
	_ =	sdelay $0x3  }
0x94: {  	_ =	strace s2  }
0x95: {  	s2 =	sld [smem:$0x3FFD];
	_ =	sdelay $0x3  }
0x96: {  	_ =	strace s2  }
0x97: {  	_ =	strace $0x8FFFFFFF  }
0x98: {  	s18 =	sld [smem:$0x3FDB];
	_ =	sdelay $0x1  }
0x99: {  	s19 =	simm.s32 $_scs_section_size  }
0x9a: {  	s4 =	simm.s32 $_size__tile_overlayer_lowered;
	s5 =	simm.s32 $_tile_overlayer_lowered  }
0x9b: {  	s22 =	simm.s32 $0x1BFF;
	s21 =	sshll.u32 s5, $0x1;
	s2 =	sadd.s32 s19, s18  }
0x9c: {  	s6 =	simm.s32 $0x0;
	s20 =	sshll.u32 s4, $0x1;
	s4 =	sadd.s32 s21, s2  }
0x9d: {  	[timem:s6], [sflag:s22] =	dma.local [hbm:s4], s20  }
0x9e: {  	_ =	swait.ge [sflag:s22], s20  }
0x9f: {  	s3 =	ssub.s32 $0x0, s20;
	[sflag:s22] =	ssyncset.done $0x0  }
0xa0: {  	[sflag:s22] =	ssyncadd.s32 s3;
	_ =	sdelay $0x1  }
0xa1: {  	s23 =	simm.s32 $0x1B8B  }
0xa2: {  	_ =	swait.ge [sflag:s23], $0x1  }
0xa3: {  	[sflag:s23] =	ssyncset.done $0x0  }
0xa4: {  	s25 =	simm.s32 $0x1B8E;
	s24 =	sld [smem:$0x3FFE];
	[sflag:s23] =	ssyncadd.s32 $0xFFFFFFFF  }
0xa5: {  	s26 =	simm.s32 $execute0_lowered;
	[smem:$0x3FD2] =	sst s25  }
0xa6: {  	s4 =	sshll.u32 s26, $0x1;
	_ =	strace $0x80000049;
	[dreg:$0x1] =	wrdreg $0xFFFFFFFF  }
0xa7: {  	s28 =	simm.s32 $_size_execute0_lowered;
	s2 =	sadd.s32 s2, s4;
	[dreg:$0x0] =	wrdreg $0x0  }
0xa8: {  	s4 =	sshll.u32 s28, $0x1;
	[dreg:$0x2] =	wrdreg s2  }
0xa9: {  	[dreg:$0x3] =	wrdreg s4  }
0xaa: {  	[dreg:$0x4] =	wrdreg $0xC0  }
0xab: {  	_ =	task [dreg:s6], $0x5FFFF  }
0xac: {  	[dreg:$0x1] =	wrdreg $0xFFFFFFFF  }
0xad: {  	[dreg:$0x0] =	wrdreg $0x60  }
0xae: {  	[dreg:$0x2] =	wrdreg s24  }
0xaf: {  	[dreg:$0x3] =	wrdreg $0x9  }
0xb0: {  	_ =	task.clear_ibuf [dreg:s6], $0x4FFFF;
	_ =	strace $0x90000049  }
0xb1: {  	s29 =	simm.s32 $0x9;
	_ =	strace $0x8000004B  }
0xb2: {  	_ =	swait.ge [sflag:s29], $0x1  }
0xb3: {  	[sflag:s29] =	ssyncadd.s32 $0xFFFFFFFF  }
0xb4: {  	_ =	strace $0x9000004B  }
0xb5: {  	_ =	sfence  }
0xb6: {  	s30 =	sld [smem:$0x0];
	_ =	sdelay $0x2  }
0xb7: {  	s31 =	sshll.u32 s1, $0xD;
	s1 =	sshrl.u32 s1, $0x2  }
0xb8: {  	s3 =	sand.u32 $0x4000, s31;
	s1 =	sadd.s32 s1, s30  }
0xb9: {  	s0 =	sor.u32 s3, s0;
	s1 =	sshll.u32 s1, $0x11  }
0xba: {  	s0 =	sor.u32 s1, s0  }
0xbb: {  	s0 =	sadd.s32 $0x8F2B, s0  }
0xbc: {  	[sflag:s0] =	ssyncadd.remote.s32 $0x1  }
0xbd: {  	_ =	sfence.sel $0xFFFF  }
0xbe: {  	[dreg:$0x0] =	wrdreg $0xFFFFFFFF;
	(pc) =	sbr.abs _section_cstart, $3  }
0xbf: {  	[dreg:$0x1] =	wrdreg $0xFFFFFFFF  }
0xc0: {  	_ =	task.clear_ibuf [dreg:s6], $0x2FFFF;
	_ =	strace $0x9FFFFFFF  }
0xc1: {  	(tm) =	ssettm $0x7FFFFFFF  }
tec
execute0_lowered:
.L_overlay_start_1:
0x0: {  	(tag) =	ssettag $0x1  }
0x1: {  	s5 =	rddreg [dreg:$0x0]  }
0x2: {  	s0 =	rddreg [dreg:$0x1]  }
0x3: {  	s3 =	srdreg.scid;
	s2 =	simm.s32 $0x0;
	s1 =	stileid.u32  }
0x4: {  	s9 =	simm.s32 $0x80;
	s10 =	simm.s32 $0x880;
	s11 =	simm.s32 $0x1080  }
0x5: {  	s12 =	simm.s32 $0x1880;
	s13 =	simm.s32 $0x2080;
	s14 =	simm.s32 $0x2880  }
0x6: {  	s15 =	simm.s32 $0x3080;
	s16 =	simm.s32 $0x3880;
	s17 =	simm.s32 $0x4080  }
0x7: {  	s18 =	simm.s32 $0x4880;
	s19 =	simm.s32 $0x5080;
	s20 =	simm.s32 $0x5880  }
0x8: {  	s21 =	simm.s32 $0x6080;
	s22 =	simm.s32 $0x6880;
	s23 =	simm.s32 $0x7080  }
0x9: {  	s24 =	simm.s32 $0x7880;
	s25 =	simm.s32 $0x1;
	s4 =	sand.u32 $0x1, s3  }
0xa: {  	[smem:$0x7FF] =	sst s2;
	s31 =	sshll.u32 s1, $0x7;
	s6 =	sshll.u32 s4, $0x6  }
0xb: {  	s3 =	sadd.s32 $0xCBE00, s5;
	s4 =	ssub.s32 $0x2, s4;
	s6 =	sor.u32 s6, s31  }
0xc: {  	_ =	strace $0x8000004A;
	s8 =	sshrl.u32 s4, $0x1;
	s7 =	sshrl.u32 s6, $0x3  }
0xd: {  	v2 =	vlaneseq.u32;
	s6 =	sshll.u32 s6, $0x6;
	s8 =	ssub.s32 s4, s8;
	s7 =	sadd.s32 s7, s5  }
0xe: {  	vm0 =	vmmov $0xffff;
	v1 =	vshrl.u32 v2, $0x3;
	s6 =	sadd.s32 s6, s5;
	s5 =	sadd.s32 $0xCBF00, s5;
	s4 =	sadd.s32 $0x73C00, s7  }
0xf: {  	v0 =	vand.u32 $0x7, v2;
	v2 =	vor.u32 $0x8, v2;
	v1 =	vmul.u32 $0x8, v1;
	s6 =	sadd.s32 $0x73E00, s6;
	s7 =	smax.u32 s8, $0x1;
	s8 =	simm.s32 $0x2  }
.LBB2_1:
0x10: {  	[tilespmem:s2], [sflag:$0x2] =	stream.linear.gather [hbm4b:s4+s2], $0x40, $0x38;
	[tilespmem:$0x8080] =	vst v63  }
0x11: {  	_ =	swait.ge [sflag:s8], $0x40  }
0x12: {  	[sflag:s8] =	ssyncset.done $0x0  }
0x13: {  	[sflag:s8] =	ssyncadd.s32 $0xFFFFFFC0  }
0x14: {  	v3 =	vld [tilespmem:$0x0];
	_ =	sdelay $0x4  }
0x15: {  	v4 =	vshll.u32 v3, $0x2  }
0x16: {  	v3 =	vand.u32 $0x7, v3;
	v4 =	vand.u32 $0xFFFFFFE0, v4  }
0x17: {  	v3 =	vor.u32 v3, v4  }
0x18: {  	v4 =	vperm.xlane v3, v0;
	_ =	sdelay $0x1  }
0x19: {  	v4 =	vadd.s32 v1, v4;
	_ =	sdelay $0x1  }
0x1a: {  	v3 =	vperm.xlane v3, v2;
	_ =	sdelay $0x1  }
0x1b: {  	v3 =	vadd.s32 v1, v3  }
0x1c: {  	[tilespmem:s9], [sflag:$0x1] =	stream.indirect_vreg.gather [hbm4b:s3+s2], $0x80, v4, vm0, $0xb8;
	[tilespmem:$0x8080] =	vst v63  }
0x1d: {  	_ = 	snop  }
0x1e: {  	[tilespmem:s10], [sflag:$0x1] =	stream.indirect_vreg.gather [hbm4b:s5+s2], $0x80, v4, vm0, $0xb8;
	[tilespmem:$0x8080] =	vst v63  }
0x1f: {  	_ = 	snop  }
0x20: {  	[tilespmem:s11], [sflag:$0x1] =	stream.indirect_vreg.gather [hbm4b:s3+s2], $0x80, v3, vm0, $0xb8;
	[tilespmem:$0x8080] =	vst v63  }
0x21: {  	_ = 	snop  }
0x22: {  	[tilespmem:s12], [sflag:$0x1] =	stream.indirect_vreg.gather [hbm4b:s5+s2], $0x80, v3, vm0, $0xb8;
	[tilespmem:$0x8080] =	vst v63  }
0x23: {  	v3 =	vld [tilespmem:$0x10];
	_ =	sdelay $0x4  }
0x24: {  	v61 =	vshll.u32 v3, $0x2  }
0x25: {  	v3 =	vand.u32 $0x7, v3;
	v4 =	vand.u32 $0xFFFFFFE0, v61  }
0x26: {  	v3 =	vor.u32 v3, v4  }
0x27: {  	v4 =	vperm.xlane v3, v0;
	_ =	sdelay $0x1  }
0x28: {  	v4 =	vadd.s32 v1, v4;
	_ =	sdelay $0x1  }
0x29: {  	v3 =	vperm.xlane v3, v2;
	_ =	sdelay $0x1  }
0x2a: {  	v3 =	vadd.s32 v1, v3  }
0x2b: {  	[tilespmem:s13], [sflag:$0x1] =	stream.indirect_vreg.gather [hbm4b:s3+s2], $0x80, v4, vm0, $0xb8;
	[tilespmem:$0x8080] =	vst v63  }
0x2c: {  	_ = 	snop  }
0x2d: {  	[tilespmem:s14], [sflag:$0x1] =	stream.indirect_vreg.gather [hbm4b:s5+s2], $0x80, v4, vm0, $0xb8;
	[tilespmem:$0x8080] =	vst v63  }
0x2e: {  	_ = 	snop  }
0x2f: {  	[tilespmem:s15], [sflag:$0x1] =	stream.indirect_vreg.gather [hbm4b:s3+s2], $0x80, v3, vm0, $0xb8;
	[tilespmem:$0x8080] =	vst v63  }
0x30: {  	_ = 	snop  }
0x31: {  	[tilespmem:s16], [sflag:$0x1] =	stream.indirect_vreg.gather [hbm4b:s5+s2], $0x80, v3, vm0, $0xb8;
	[tilespmem:$0x8080] =	vst v63  }
0x32: {  	v3 =	vld [tilespmem:$0x20];
	_ =	sdelay $0x4  }
0x33: {  	v62 =	vshll.u32 v3, $0x2  }
0x34: {  	v3 =	vand.u32 $0x7, v3;
	v4 =	vand.u32 $0xFFFFFFE0, v62  }
0x35: {  	v3 =	vor.u32 v3, v4  }
0x36: {  	v4 =	vperm.xlane v3, v0;
	_ =	sdelay $0x1  }
0x37: {  	v4 =	vadd.s32 v1, v4;
	_ =	sdelay $0x1  }
0x38: {  	v3 =	vperm.xlane v3, v2;
	_ =	sdelay $0x1  }
0x39: {  	v3 =	vadd.s32 v1, v3  }
0x3a: {  	[tilespmem:s17], [sflag:$0x1] =	stream.indirect_vreg.gather [hbm4b:s3+s2], $0x80, v4, vm0, $0xb8;
	[tilespmem:$0x8080] =	vst v63  }
0x3b: {  	_ = 	snop  }
0x3c: {  	[tilespmem:s18], [sflag:$0x1] =	stream.indirect_vreg.gather [hbm4b:s5+s2], $0x80, v4, vm0, $0xb8;
	[tilespmem:$0x8080] =	vst v63  }
0x3d: {  	_ = 	snop  }
0x3e: {  	[tilespmem:s19], [sflag:$0x1] =	stream.indirect_vreg.gather [hbm4b:s3+s2], $0x80, v3, vm0, $0xb8;
	[tilespmem:$0x8080] =	vst v63  }
0x3f: {  	_ = 	snop  }
0x40: {  	[tilespmem:s20], [sflag:$0x1] =	stream.indirect_vreg.gather [hbm4b:s5+s2], $0x80, v3, vm0, $0xb8;
	[tilespmem:$0x8080] =	vst v63  }
0x41: {  	v3 =	vld [tilespmem:$0x30];
	_ =	sdelay $0x4  }
0x42: {  	v63 =	vshll.u32 v3, $0x2  }
0x43: {  	v3 =	vand.u32 $0x7, v3;
	v4 =	vand.u32 $0xFFFFFFE0, v63  }
0x44: {  	v3 =	vor.u32 v3, v4  }
0x45: {  	v4 =	vperm.xlane v3, v0;
	_ =	sdelay $0x1  }
0x46: {  	v4 =	vadd.s32 v1, v4;
	_ =	sdelay $0x1  }
0x47: {  	v3 =	vperm.xlane v3, v2;
	_ =	sdelay $0x1  }
0x48: {  	v3 =	vadd.s32 v1, v3  }
0x49: {  	[tilespmem:s21], [sflag:$0x1] =	stream.indirect_vreg.gather [hbm4b:s3+s2], $0x80, v4, vm0, $0xb8;
	[tilespmem:$0x8080] =	vst v63  }
0x4a: {  	_ = 	snop  }
0x4b: {  	[tilespmem:s22], [sflag:$0x1] =	stream.indirect_vreg.gather [hbm4b:s5+s2], $0x80, v4, vm0, $0xb8;
	[tilespmem:$0x8080] =	vst v63  }
0x4c: {  	_ = 	snop  }
0x4d: {  	[tilespmem:s23], [sflag:$0x1] =	stream.indirect_vreg.gather [hbm4b:s3+s2], $0x80, v3, vm0, $0xb8;
	[tilespmem:$0x8080] =	vst v63  }
0x4e: {  	_ = 	snop  }
0x4f: {  	[tilespmem:s24], [sflag:$0x1] =	stream.indirect_vreg.gather [hbm4b:s5+s2], $0x80, v3, vm0, $0xb8;
	[tilespmem:$0x8080] =	vst v63  }
0x50: {  	_ =	swait.ge [sflag:s25], $0x8000  }
0x51: {  	p0 =	sne.s32 s7, $0x1;
	[sflag:s25] =	ssyncset.done $0x0  }
.Ltmp0:
0x52: {  	[sflag:s25] =	ssyncadd.s32 $0xFFFF8000;
	(pc) =	sbr.rel @p0 .LBB2_1-.Ltmp0, $4  }
0x53: {  	[hbm4b:s6+s2] =	stream.linear.scatter [tilespmem:s9], [sflag:$0x2], $0x8000, $0x38;
	[tilespmem:$0x8080] =	vst v63  }
0x54: {  	_ =	swait.ge [sflag:s8], $0x8000  }
0x55: {  	[sflag:s8] =	ssyncset.done $0x0  }
0x56: {  	s7 =	sadd.s32 $0xFFFFFFFF, s7;
	[sflag:s8] =	ssyncadd.s32 $0xFFFF8000  }
0x57: {  	_ =	sfence.sel $0x180000  }
0x58: {  	[bflag:$0x0] =	sbarrier.arrive $0xFFFF  }
0x59: {  	p0 =	sne.s32 s1, $0x0;
	_ =	strace $0x9000004A  }
0x5a: {  	s0 =	sadd.s32 @!p0 $0x100000, s0;
	[bflag:$0x2] =	sbarrier.arrive $0xFFFF  }
0x5b: {  	[sflag:s0] =	ssyncadd.tile.s32 @!p0 $0x1;
	_ =	shalt  }
.Lfunc_end2:
_tile_overlayer_lowered:
.L_overlay_start_2:
0x5c: {  	(tag) =	ssettag $0x2  }
0x5d: {  	s0 =	rddreg [dreg:$0x0];
	s2 =	stileid.u32  }
0x5e: {  	s1 =	rddreg [dreg:$0x1];
	p0 =	sne.s32 s2, $0x0  }
0x5f: {  	s3 =	rddreg [dreg:$0x2];
	[bflag:$0x3] =	sbarrier.arrive $0xFFFF;
	s2 =	simm.s32 @!p0 $0x1C02  }
0x60: {  	[timem:s3], [sflag:s2] =	dma.local @!p0 [hbm:s0], s1  }
0x61: {  	s0 =	simm.s32 @!p0 $0x2  }
0x62: {  	_ =	swait.ge @!p0 [sflag:s0], s1  }
0x63: {  	s1 =	ssub.s32 @!p0 $0x0, s1;
	[sflag:s0] =	ssyncset.done @!p0 $0x0  }
0x64: {  	[sflag:s0] =	ssyncadd.s32 @!p0 s1  }
0x65: {  	[bflag:$0x3] =	sbarrier.arrive $0xFFFF  }
0x66: {  	_ =	shalt  }

// kernel: kernel.33.cloned.1.call-start
scs
__scs_entry_jumppad:
0x0: {  	(pc) =	sbr.rel $0x88, $3  }
0x1: {  	(tag) =	ssettag $0x0;
	lr =	simm.s32 $0x1  }
0x2: {  	[smem:$0x3F7F] =	sst lr;
	_ =	strace $0xD0000000  }
0x3: {  	_ = 	snop  }
0x4: {  	_ = 	snop  }
0x5: {  	_ = 	snop  }
0x6: {  	_ = 	snop  }
0x7: {  	_ = 	snop  }
__scs_overlays_trampoline_lowered:
0x8: {  	[smem:$0x3F8E] =	sst s0  }
0x9: {  	[smem:$0x3F8F] =	sst s1  }
0xa: {  	[smem:$0x3F90] =	sst s2  }
0xb: {  	[smem:$0x3F91] =	sst s3  }
0xc: {  	[smem:$0x3F92] =	sst s4  }
0xd: {  	[smem:$0x3F93] =	sst s5  }
0xe: {  	[smem:$0x3F94] =	sst s6  }
0xf: {  	[smem:$0x3F95] =	sst s7  }
0x10: {  	[smem:$0x3F96] =	sst s8  }
0x11: {  	[smem:$0x3F97] =	sst s9;
	s0 =	simm.s32 @!p0 $0x0  }
0x12: {  	s1 =	sld [smem:$0x3F7D];
	s0 =	simm.s32 @p0 $0x1  }
0x13: {  	[smem:$0x3F98] =	sst s0;
	s0 =	simm.s32 @!p1 $0x0  }
0x14: {  	s2 =	sld [smem:$0x3F7C];
	s0 =	simm.s32 @p1 $0x1  }
0x15: {  	[smem:$0x3F99] =	sst s0;
	s0 =	simm.s32 @!p2 $0x0  }
0x16: {  	s3 =	sld [smem:$0x3FDB];
	s0 =	simm.s32 @p2 $0x1  }
0x17: {  	s4 =	simm.s32 $0x1BF5;
	[smem:$0x3F9B] =	sst s0  }
0x18: {  	s0 =	sld [smem:$0x3F7E];
	_ =	swait.ge [sflag:s4], $0x0  }
0x19: {  	s7 =	sld [smem:$0x3F7F]  }
0x1a: {  	s8 =	sadd.s32 $0xFFFFE003, lr  }
0x1b: {  	s9 =	sadd.s32 $0xFFFFFEF7, lr;
	s5 =	simm.s32 $0xFFFFFFFF;
	p2 =	slt.u32 s8, $0xFFFFF086  }
0x1c: {  	p1 =	slt.u32 s9, $0xF7A;
	s5 =	simm.s32 @!p2 $0x0  }
0x1d: {  	s5 =	simm.s32 @p1 $0x1;
	p0 =	seq.s32 s7, s2  }
0x1e: {  	s7 =	smul.u32 @!p0 $0xF7A, s2;
	p2 =	seq.s32 @!p0 s5, $0x0  }
0x1f: {  	s9 =	smul.u32 $0xF7A, s1;
	s8 =	simm.s32 @!p0 $0x1BF5;
	p2 =	por !p2, p0  }
0x20: {  	[sflag:s8] =	ssyncset.s32 @!p0 $0xFFFFF086;
	s6 =	sadd.s32 @!p0 s3, s7;
	s7 =	simm.s32 @!p0 $0x108  }
0x21: {  	s3 =	sadd.s32 s3, s9;
	s6 =	sadd.s32 @!p0 $0x88, s6;
	s7 =	simm.s32 @p2 $0x1082  }
0x22: {  	[simem:s7], [sflag:s8] =	dma.local @!p0 [hbm:s6], $0xF7A  }
0x23: {  	s9 =	sor.u32 $0xD0000000, s2;
	s6 =	simm.s32 $0x108;
	_ =	swait.ge @!p0 [sflag:s8], $0x0  }
0x24: {  	s3 =	sadd.s32 $0x88, s3;
	s6 =	simm.s32 @!p1 $0x1082;
	[sflag:s4] =	ssyncset.s32 $0xFFFFF086  }
0x25: {  	[simem:s6], [sflag:s4] =	dma.local [hbm:s3], $0xF7A  }
0x26: {  	[smem:$0x3F7F] =	sst s1;
	(tag) =	ssettag s2;
	_ =	strace s9  }
0x27: {  	s1 =	sld [smem:$0x3F8F]  }
0x28: {  	s2 =	sld [smem:$0x3F90]  }
0x29: {  	s4 =	sld [smem:$0x3F92]  }
0x2a: {  	p0 =	seq.s32 s5, $0x0;
	s5 =	sld [smem:$0x3F93]  }
0x2b: {  	s6 =	sld [smem:$0x3F94]  }
0x2c: {  	s7 =	sld [smem:$0x3F95]  }
0x2d: {  	s3 =	simm.s32 $0x108;
	s8 =	sld [smem:$0x3F96]  }
0x2e: {  	s3 =	simm.s32 @!p0 $0x1082;
	s9 =	sld [smem:$0x3F97]  }
0x2f: {  	lr =	sadd.s32 s0, s3;
	s0 =	sld [smem:$0x3F8E]  }
0x30: {  	s3 =	sld [smem:$0x3F91]  }
0x31: {  	[smem:$0x3F9A] =	sst s10  }
0x32: {  	s10 =	sld [smem:$0x3F98];
	_ =	sdelay $0x3  }
0x33: {  	p0 =	seq.s32 s10, $0x1;
	s10 =	sld [smem:$0x3F9A];
	_ =	sdelay $0x3  }
0x34: {  	[smem:$0x3F9A] =	sst s10  }
0x35: {  	s10 =	sld [smem:$0x3F99];
	_ =	sdelay $0x3  }
0x36: {  	p1 =	seq.s32 s10, $0x1;
	s10 =	sld [smem:$0x3F9A];
	_ =	sdelay $0x3  }
0x37: {  	[smem:$0x3F9A] =	sst s10  }
0x38: {  	s10 =	sld [smem:$0x3F9B]  }
0x39: {  	_ = 	snop;
	(pc) =	sbr.ind lr, $3  }
0x3a: {  	_ = 	snop  }
0x3b: {  	_ = 	snop  }
0x3c: {  	p2 =	seq.s32 s10, $0x1;
	s10 =	sld [smem:$0x3F9A]  }
0x3d: {  	_ =	shalt  }
0x3e: {  	_ =	shalt  }
0x3f: {  	_ =	shalt  }
0x40: {  	_ =	shalt  }
0x41: {  	_ =	shalt  }
0x42: {  	_ =	shalt  }
0x43: {  	_ =	shalt  }
0x44: {  	_ =	shalt  }
0x45: {  	_ =	shalt  }
0x46: {  	_ =	shalt  }
0x47: {  	_ =	shalt  }
0x48: {  	_ =	shalt  }
0x49: {  	_ =	shalt  }
0x4a: {  	_ =	shalt  }
0x4b: {  	_ =	shalt  }
0x4c: {  	_ =	shalt  }
0x4d: {  	_ =	shalt  }
0x4e: {  	_ =	shalt  }
0x4f: {  	_ =	shalt  }
0x50: {  	_ =	shalt  }
0x51: {  	_ =	shalt  }
0x52: {  	_ =	shalt  }
0x53: {  	_ =	shalt  }
0x54: {  	_ =	shalt  }
0x55: {  	_ =	shalt  }
0x56: {  	_ =	shalt  }
0x57: {  	_ =	shalt  }
0x58: {  	_ =	shalt  }
0x59: {  	_ =	shalt  }
0x5a: {  	_ =	shalt  }
0x5b: {  	_ =	shalt  }
0x5c: {  	_ =	shalt  }
0x5d: {  	_ =	shalt  }
0x5e: {  	_ =	shalt  }
0x5f: {  	_ =	shalt  }
0x60: {  	_ =	shalt  }
0x61: {  	_ =	shalt  }
0x62: {  	_ =	shalt  }
0x63: {  	_ =	shalt  }
0x64: {  	_ =	shalt  }
0x65: {  	_ =	shalt  }
0x66: {  	_ =	shalt  }
0x67: {  	_ =	shalt  }
0x68: {  	_ =	shalt  }
0x69: {  	_ =	shalt  }
0x6a: {  	_ =	shalt  }
0x6b: {  	_ =	shalt  }
0x6c: {  	_ =	shalt  }
0x6d: {  	_ =	shalt  }
0x6e: {  	_ =	shalt  }
0x6f: {  	_ =	shalt  }
0x70: {  	_ =	shalt  }
0x71: {  	_ =	shalt  }
0x72: {  	_ =	shalt  }
0x73: {  	_ =	shalt  }
0x74: {  	_ =	shalt  }
0x75: {  	_ =	shalt  }
0x76: {  	_ =	shalt  }
0x77: {  	_ =	shalt  }
0x78: {  	_ =	shalt  }
0x79: {  	_ =	shalt  }
0x7a: {  	_ =	shalt  }
0x7b: {  	_ =	shalt  }
0x7c: {  	_ =	shalt  }
0x7d: {  	_ =	shalt  }
0x7e: {  	_ =	shalt  }
0x7f: {  	_ =	shalt  }
0x80: {  	_ =	shalt  }
0x81: {  	_ =	shalt  }
0x82: {  	_ =	shalt  }
0x83: {  	_ =	shalt  }
0x84: {  	_ =	shalt  }
0x85: {  	_ =	shalt  }
0x86: {  	_ =	shalt  }
0x87: {  	_ =	shalt  }
.Lfunc_end0:
.L_simem_size_0:
called_computation.2_lowered:
.L_overlay_start_0:
0x88: {  	s2 =	sld [smem:$0x3FD9]  }
0x89: {  	s3 =	sld [smem:$0x3FFE];
	_ =	sdelay $0x1  }
0x8a: {  	s1 =	srdreg.scid  }
0x8b: {  	s0 =	sand.u32 $0x1, s1  }
0x8c: {  	s17 =	sshll.u32 s0, $0xA;
	s2 =	sadd.s32 s3, s2  }
0x8d: {  	s2 =	sadd.s32 s2, s17  }
0x8e: {  	[smem:$0x3FA6] =	sst s2  }
0x8f: {  	_ = 	snop  }
0x90: {  	s2 =	sld [smem:$0x3FD0];
	(tm) =	ssettm $0x1  }
0x91: {  	s18 =	sld [smem:$0x3FFB];
	_ =	sdelay $0x3  }
0x92: {  	_ =	strace s18  }
0x93: {  	s3 =	sld [smem:$0x3FFC];
	_ =	sdelay $0x3  }
0x94: {  	_ =	strace s3  }
0x95: {  	s3 =	sld [smem:$0x3FFD];
	_ =	sdelay $0x3  }
0x96: {  	_ =	strace s3  }
0x97: {  	_ =	strace $0x8FFFFFFF  }
0x98: {  	s19 =	sld [smem:$0x3FDB];
	_ =	sdelay $0x1  }
0x99: {  	s4 =	simm.s32 $_scs_section_size  }
0x9a: {  	s5 =	simm.s32 $_size__tile_overlayer_lowered;
	s6 =	simm.s32 $_tile_overlayer_lowered  }
0x9b: {  	s22 =	simm.s32 $0x1BFF;
	s21 =	sshll.u32 s6, $0x1;
	s3 =	sadd.s32 s4, s19  }
0x9c: {  	s7 =	simm.s32 $0x0;
	s20 =	sshll.u32 s5, $0x1;
	s5 =	sadd.s32 s21, s3  }
0x9d: {  	[timem:s7], [sflag:s22] =	dma.local [hbm:s5], s20  }
0x9e: {  	_ =	swait.ge [sflag:s22], s20  }
0x9f: {  	s4 =	ssub.s32 $0x0, s20;
	[sflag:s22] =	ssyncset.done $0x0  }
0xa0: {  	[sflag:s22] =	ssyncadd.s32 s4;
	_ =	sdelay $0x1  }
0xa1: {  	s23 =	simm.s32 $0x1B8B  }
0xa2: {  	_ =	swait.ge [sflag:s23], $0x1  }
0xa3: {  	[sflag:s23] =	ssyncset.done $0x0  }
0xa4: {  	s25 =	simm.s32 $0x1B8E;
	s24 =	sld [smem:$0x3FFE];
	[sflag:s23] =	ssyncadd.s32 $0xFFFFFFFF  }
0xa5: {  	s26 =	simm.s32 $execute0_lowered;
	[smem:$0x3FD2] =	sst s25  }
0xa6: {  	s5 =	sshll.u32 s26, $0x1;
	_ =	strace $0x8000004C;
	[dreg:$0x1] =	wrdreg $0xFFFFFFFF  }
0xa7: {  	s28 =	simm.s32 $_size_execute0_lowered;
	s3 =	sadd.s32 s3, s5;
	[dreg:$0x0] =	wrdreg $0x0  }
0xa8: {  	s5 =	sshll.u32 s28, $0x1;
	[dreg:$0x2] =	wrdreg s3  }
0xa9: {  	[dreg:$0x3] =	wrdreg s5  }
0xaa: {  	[dreg:$0x4] =	wrdreg $0xC0  }
0xab: {  	_ =	task [dreg:s7], $0x5FFFF  }
0xac: {  	[dreg:$0x1] =	wrdreg $0xFFFFFFFF  }
0xad: {  	[dreg:$0x0] =	wrdreg $0x60  }
0xae: {  	[dreg:$0x2] =	wrdreg s24  }
0xaf: {  	[dreg:$0x3] =	wrdreg s2  }
0xb0: {  	[dreg:$0x4] =	wrdreg $0x9  }
0xb1: {  	_ =	task.clear_ibuf [dreg:s7], $0x5FFFF;
	_ =	strace $0x9000004C  }
0xb2: {  	s29 =	simm.s32 $0x9;
	_ =	strace $0x8000004E  }
0xb3: {  	_ =	swait.ge [sflag:s29], $0x1  }
0xb4: {  	[sflag:s29] =	ssyncadd.s32 $0xFFFFFFFF  }
0xb5: {  	_ =	strace $0x9000004E  }
0xb6: {  	_ =	sfence  }
0xb7: {  	s30 =	sld [smem:$0x0];
	_ =	sdelay $0x2  }
0xb8: {  	s31 =	sshll.u32 s1, $0xD;
	s1 =	sshrl.u32 s1, $0x2  }
0xb9: {  	s3 =	sand.u32 $0x4000, s31;
	s1 =	sadd.s32 s1, s30  }
0xba: {  	s0 =	sor.u32 s3, s0;
	s1 =	sshll.u32 s1, $0x11  }
0xbb: {  	s0 =	sor.u32 s1, s0  }
0xbc: {  	s0 =	sadd.s32 $0x8F2B, s0  }
0xbd: {  	[sflag:s0] =	ssyncadd.remote.s32 $0x1  }
0xbe: {  	_ =	sfence.sel $0xFFFF  }
0xbf: {  	[dreg:$0x0] =	wrdreg $0xFFFFFFFF;
	(pc) =	sbr.abs _section_cstart, $3  }
0xc0: {  	[dreg:$0x1] =	wrdreg $0xFFFFFFFF  }
0xc1: {  	_ =	task.clear_ibuf [dreg:s7], $0x2FFFF;
	_ =	strace $0x9FFFFFFF  }
0xc2: {  	(tm) =	ssettm $0x7FFFFFFF  }
0xc3: {  	_ =	shalt  }
tec
execute0_lowered:
.L_overlay_start_1:
0x0: {  	(tag) =	ssettag $0x1  }
0x1: {  	s1 =	srdreg.scid  }
0x2: {  	s6 =	rddreg [dreg:$0x0];
	s0 =	stileid.u32  }
0x3: {  	s4 =	rddreg [dreg:$0x1];
	s2 =	simm.s32 $0x0;
	s10 =	simm.s32 $0x880  }
0x4: {  	s11 =	simm.s32 $0x1080;
	s12 =	simm.s32 $0x1880;
	s13 =	simm.s32 $0x2080  }
0x5: {  	s14 =	simm.s32 $0x2880;
	s15 =	simm.s32 $0x3080;
	s16 =	simm.s32 $0x3880  }
0x6: {  	s17 =	simm.s32 $0x4080;
	s18 =	simm.s32 $0x4880;
	s19 =	simm.s32 $0x5080  }
0x7: {  	s20 =	simm.s32 $0x5880;
	s21 =	simm.s32 $0x6080;
	s22 =	simm.s32 $0x6880  }
0x8: {  	s23 =	simm.s32 $0x7080;
	s24 =	simm.s32 $0x7880;
	s25 =	simm.s32 $0x1  }
0x9: {  	s3 =	sand.u32 $0x1, s1;
	s5 =	sshll.u32 s0, $0x7;
	[smem:$0x7FF] =	sst s2  }
0xa: {  	s1 =	rddreg [dreg:$0x2];
	s7 =	sshll.u32 s3, $0x6;
	_ =	strace $0x8000004D  }
0xb: {  	s8 =	ssub.s32 $0x2, s3;
	s3 =	sadd.s32 $0x98800, s6;
	s5 =	sor.u32 s7, s5  }
0xc: {  	s9 =	sshrl.u32 s8, $0x1;
	s7 =	sshll.u32 s5, $0x6;
	s5 =	sshrl.u32 s5, $0x3  }
0xd: {  	v2 =	vlaneseq.u32;
	s8 =	ssub.s32 s8, s9;
	s9 =	simm.s32 $0x80;
	s7 =	sand.u32 $0xF000, s7  }
0xe: {  	vm0 =	vmmov $0xffff;
	v1 =	vshrl.u32 v2, $0x3;
	s4 =	sadd.s32 s4, s5;
	s7 =	sadd.s32 s7, s6;
	s6 =	sadd.s32 $0x98900, s6  }
0xf: {  	v0 =	vand.u32 $0x7, v2;
	v2 =	vor.u32 $0x8, v2;
	v1 =	vmul.u32 $0x8, v1;
	s5 =	sadd.s32 $0x43A00, s7;
	s7 =	smax.u32 s8, $0x1;
	s8 =	simm.s32 $0x2  }
.LBB2_1:
0x10: {  	[tilespmem:s2], [sflag:$0x2] =	stream.linear.gather [hbm4b:s4+s2], $0x40, $0x38;
	[tilespmem:$0x8080] =	vst v63  }
0x11: {  	_ =	swait.ge [sflag:s8], $0x40  }
0x12: {  	[sflag:s8] =	ssyncset.done $0x0  }
0x13: {  	[sflag:s8] =	ssyncadd.s32 $0xFFFFFFC0  }
0x14: {  	[tilespmem:s9], [sflag:$0x2] =	stream.linear.gather [hbm4b:s5+s2], $0x8000, $0x38;
	[tilespmem:$0x8080] =	vst v63  }
0x15: {  	_ =	swait.ge [sflag:s8], $0x8000  }
0x16: {  	[sflag:s8] =	ssyncset.done $0x0  }
0x17: {  	[sflag:s8] =	ssyncadd.s32 $0xFFFF8000  }
0x18: {  	v3 =	vld [tilespmem:$0x0];
	_ =	sdelay $0x4  }
0x19: {  	v4 =	vshll.u32 v3, $0x2  }
0x1a: {  	v3 =	vand.u32 $0x7, v3;
	v4 =	vand.u32 $0xFFFFFFE0, v4  }
0x1b: {  	v3 =	vor.u32 v3, v4  }
0x1c: {  	v4 =	vperm.xlane v3, v0;
	_ =	sdelay $0x1  }
0x1d: {  	v4 =	vadd.s32 v1, v4;
	_ =	sdelay $0x1  }
0x1e: {  	v3 =	vperm.xlane v3, v2;
	_ =	sdelay $0x1  }
0x1f: {  	v3 =	vadd.s32 v1, v3  }
0x20: {  	[hbm4b:s3+s2] =	stream.indirect_vreg.scatter [tilespmem:s9], [sflag:$0x1], $0x80, v4, vm0, $0xb8;
	[tilespmem:$0x8080] =	vst v63  }
0x21: {  	_ = 	snop  }
0x22: {  	[hbm4b:s6+s2] =	stream.indirect_vreg.scatter [tilespmem:s10], [sflag:$0x1], $0x80, v4, vm0, $0xb8;
	[tilespmem:$0x8080] =	vst v63  }
0x23: {  	_ = 	snop  }
0x24: {  	[hbm4b:s3+s2] =	stream.indirect_vreg.scatter [tilespmem:s11], [sflag:$0x1], $0x80, v3, vm0, $0xb8;
	[tilespmem:$0x8080] =	vst v63  }
0x25: {  	_ = 	snop  }
0x26: {  	[hbm4b:s6+s2] =	stream.indirect_vreg.scatter [tilespmem:s12], [sflag:$0x1], $0x80, v3, vm0, $0xb8;
	[tilespmem:$0x8080] =	vst v63  }
0x27: {  	v3 =	vld [tilespmem:$0x10];
	_ =	sdelay $0x4  }
0x28: {  	v61 =	vshll.u32 v3, $0x2  }
0x29: {  	v3 =	vand.u32 $0x7, v3;
	v4 =	vand.u32 $0xFFFFFFE0, v61  }
0x2a: {  	v3 =	vor.u32 v3, v4  }
0x2b: {  	v4 =	vperm.xlane v3, v0;
	_ =	sdelay $0x1  }
0x2c: {  	v4 =	vadd.s32 v1, v4;
	_ =	sdelay $0x1  }
0x2d: {  	v3 =	vperm.xlane v3, v2;
	_ =	sdelay $0x1  }
0x2e: {  	v3 =	vadd.s32 v1, v3  }
0x2f: {  	[hbm4b:s3+s2] =	stream.indirect_vreg.scatter [tilespmem:s13], [sflag:$0x1], $0x80, v4, vm0, $0xb8;
	[tilespmem:$0x8080] =	vst v63  }
0x30: {  	_ = 	snop  }
0x31: {  	[hbm4b:s6+s2] =	stream.indirect_vreg.scatter [tilespmem:s14], [sflag:$0x1], $0x80, v4, vm0, $0xb8;
	[tilespmem:$0x8080] =	vst v63  }
0x32: {  	_ = 	snop  }
0x33: {  	[hbm4b:s3+s2] =	stream.indirect_vreg.scatter [tilespmem:s15], [sflag:$0x1], $0x80, v3, vm0, $0xb8;
	[tilespmem:$0x8080] =	vst v63  }
0x34: {  	_ = 	snop  }
0x35: {  	[hbm4b:s6+s2] =	stream.indirect_vreg.scatter [tilespmem:s16], [sflag:$0x1], $0x80, v3, vm0, $0xb8;
	[tilespmem:$0x8080] =	vst v63  }
0x36: {  	v3 =	vld [tilespmem:$0x20];
	_ =	sdelay $0x4  }
0x37: {  	v62 =	vshll.u32 v3, $0x2  }
0x38: {  	v3 =	vand.u32 $0x7, v3;
	v4 =	vand.u32 $0xFFFFFFE0, v62  }
0x39: {  	v3 =	vor.u32 v3, v4  }
0x3a: {  	v4 =	vperm.xlane v3, v0;
	_ =	sdelay $0x1  }
0x3b: {  	v4 =	vadd.s32 v1, v4;
	_ =	sdelay $0x1  }
0x3c: {  	v3 =	vperm.xlane v3, v2;
	_ =	sdelay $0x1  }
0x3d: {  	v3 =	vadd.s32 v1, v3  }
0x3e: {  	[hbm4b:s3+s2] =	stream.indirect_vreg.scatter [tilespmem:s17], [sflag:$0x1], $0x80, v4, vm0, $0xb8;
	[tilespmem:$0x8080] =	vst v63  }
0x3f: {  	_ = 	snop  }
0x40: {  	[hbm4b:s6+s2] =	stream.indirect_vreg.scatter [tilespmem:s18], [sflag:$0x1], $0x80, v4, vm0, $0xb8;
	[tilespmem:$0x8080] =	vst v63  }
0x41: {  	_ = 	snop  }
0x42: {  	[hbm4b:s3+s2] =	stream.indirect_vreg.scatter [tilespmem:s19], [sflag:$0x1], $0x80, v3, vm0, $0xb8;
	[tilespmem:$0x8080] =	vst v63  }
0x43: {  	_ = 	snop  }
0x44: {  	[hbm4b:s6+s2] =	stream.indirect_vreg.scatter [tilespmem:s20], [sflag:$0x1], $0x80, v3, vm0, $0xb8;
	[tilespmem:$0x8080] =	vst v63  }
0x45: {  	v3 =	vld [tilespmem:$0x30];
	_ =	sdelay $0x4  }
0x46: {  	v63 =	vshll.u32 v3, $0x2  }
0x47: {  	v3 =	vand.u32 $0x7, v3;
	v4 =	vand.u32 $0xFFFFFFE0, v63  }
0x48: {  	v3 =	vor.u32 v3, v4  }
0x49: {  	v4 =	vperm.xlane v3, v0;
	_ =	sdelay $0x1  }
0x4a: {  	v4 =	vadd.s32 v1, v4;
	_ =	sdelay $0x1  }
0x4b: {  	v3 =	vperm.xlane v3, v2;
	_ =	sdelay $0x1  }
0x4c: {  	v3 =	vadd.s32 v1, v3  }
0x4d: {  	[hbm4b:s3+s2] =	stream.indirect_vreg.scatter [tilespmem:s21], [sflag:$0x1], $0x80, v4, vm0, $0xb8;
	[tilespmem:$0x8080] =	vst v63  }
0x4e: {  	_ = 	snop  }
0x4f: {  	[hbm4b:s6+s2] =	stream.indirect_vreg.scatter [tilespmem:s22], [sflag:$0x1], $0x80, v4, vm0, $0xb8;
	[tilespmem:$0x8080] =	vst v63  }
0x50: {  	p0 =	sne.s32 s7, $0x1  }
0x51: {  	[hbm4b:s3+s2] =	stream.indirect_vreg.scatter [tilespmem:s23], [sflag:$0x1], $0x80, v3, vm0, $0xb8;
	[tilespmem:$0x8080] =	vst v63  }
.Ltmp0:
0x52: {  	_ = 	snop;
	(pc) =	sbr.rel @p0 .LBB2_1-.Ltmp0, $4  }
0x53: {  	[hbm4b:s6+s2] =	stream.indirect_vreg.scatter [tilespmem:s24], [sflag:$0x1], $0x80, v3, vm0, $0xb8;
	[tilespmem:$0x8080] =	vst v63  }
0x54: {  	_ =	swait.ge [sflag:s25], $0x8000  }
0x55: {  	[sflag:s25] =	ssyncset.done $0x0  }
0x56: {  	s7 =	sadd.s32 $0xFFFFFFFF, s7;
	[sflag:s25] =	ssyncadd.s32 $0xFFFF8000  }
0x57: {  	_ =	sfence.sel $0x180000  }
0x58: {  	[bflag:$0x0] =	sbarrier.arrive $0xFFFF  }
0x59: {  	p0 =	sne.s32 s0, $0x0;
	_ =	strace $0x9000004D  }
0x5a: {  	s0 =	sadd.s32 @!p0 $0x100000, s1;
	[bflag:$0x2] =	sbarrier.arrive $0xFFFF  }
0x5b: {  	[sflag:s0] =	ssyncadd.tile.s32 @!p0 $0x1;
	_ =	shalt  }
.Lfunc_end2:
_tile_overlayer_lowered:
.L_overlay_start_2:
0x5c: {  	(tag) =	ssettag $0x2  }
0x5d: {  	s0 =	rddreg [dreg:$0x0];
	s2 =	stileid.u32  }
0x5e: {  	s1 =	rddreg [dreg:$0x1];
	p0 =	sne.s32 s2, $0x0  }
0x5f: {  	s3 =	rddreg [dreg:$0x2];
	[bflag:$0x3] =	sbarrier.arrive $0xFFFF;
	s2 =	simm.s32 @!p0 $0x1C02  }
0x60: {  	[timem:s3], [sflag:s2] =	dma.local @!p0 [hbm:s0], s1  }
0x61: {  	s0 =	simm.s32 @!p0 $0x2  }
0x62: {  	_ =	swait.ge @!p0 [sflag:s0], s1  }
0x63: {  	s1 =	ssub.s32 @!p0 $0x0, s1;
	[sflag:s0] =	ssyncset.done @!p0 $0x0  }
0x64: {  	[sflag:s0] =	ssyncadd.s32 @!p0 s1  }
0x65: {  	[bflag:$0x3] =	sbarrier.arrive $0xFFFF  }
0x66: {  	_ =	shalt  }

// kernel: kernel.36.cloned.1.call-start
scs
__scs_entry_jumppad:
0x0: {  	(pc) =	sbr.rel $0x88, $3  }
0x1: {  	(tag) =	ssettag $0x0;
	lr =	simm.s32 $0x1  }
0x2: {  	[smem:$0x3F7F] =	sst lr;
	_ =	strace $0xD0000000  }
0x3: {  	_ = 	snop  }
0x4: {  	_ = 	snop  }
0x5: {  	_ = 	snop  }
0x6: {  	_ = 	snop  }
0x7: {  	_ = 	snop  }
__scs_overlays_trampoline_lowered:
0x8: {  	[smem:$0x3F8E] =	sst s0  }
0x9: {  	[smem:$0x3F8F] =	sst s1  }
0xa: {  	[smem:$0x3F90] =	sst s2  }
0xb: {  	[smem:$0x3F91] =	sst s3  }
0xc: {  	[smem:$0x3F92] =	sst s4  }
0xd: {  	[smem:$0x3F93] =	sst s5  }
0xe: {  	[smem:$0x3F94] =	sst s6  }
0xf: {  	[smem:$0x3F95] =	sst s7  }
0x10: {  	[smem:$0x3F96] =	sst s8  }
0x11: {  	[smem:$0x3F97] =	sst s9;
	s0 =	simm.s32 @!p0 $0x0  }
0x12: {  	s1 =	sld [smem:$0x3F7D];
	s0 =	simm.s32 @p0 $0x1  }
0x13: {  	[smem:$0x3F98] =	sst s0;
	s0 =	simm.s32 @!p1 $0x0  }
0x14: {  	s2 =	sld [smem:$0x3F7C];
	s0 =	simm.s32 @p1 $0x1  }
0x15: {  	[smem:$0x3F99] =	sst s0;
	s0 =	simm.s32 @!p2 $0x0  }
0x16: {  	s3 =	sld [smem:$0x3FDB];
	s0 =	simm.s32 @p2 $0x1  }
0x17: {  	s4 =	simm.s32 $0x1BF5;
	[smem:$0x3F9B] =	sst s0  }
0x18: {  	s0 =	sld [smem:$0x3F7E];
	_ =	swait.ge [sflag:s4], $0x0  }
0x19: {  	s7 =	sld [smem:$0x3F7F]  }
0x1a: {  	s8 =	sadd.s32 $0xFFFFE003, lr  }
0x1b: {  	s9 =	sadd.s32 $0xFFFFFEF7, lr;
	s5 =	simm.s32 $0xFFFFFFFF;
	p2 =	slt.u32 s8, $0xFFFFF086  }
0x1c: {  	p1 =	slt.u32 s9, $0xF7A;
	s5 =	simm.s32 @!p2 $0x0  }
0x1d: {  	s5 =	simm.s32 @p1 $0x1;
	p0 =	seq.s32 s7, s2  }
0x1e: {  	s7 =	smul.u32 @!p0 $0xF7A, s2;
	p2 =	seq.s32 @!p0 s5, $0x0  }
0x1f: {  	s9 =	smul.u32 $0xF7A, s1;
	s8 =	simm.s32 @!p0 $0x1BF5;
	p2 =	por !p2, p0  }
0x20: {  	[sflag:s8] =	ssyncset.s32 @!p0 $0xFFFFF086;
	s6 =	sadd.s32 @!p0 s3, s7;
	s7 =	simm.s32 @!p0 $0x108  }
0x21: {  	s3 =	sadd.s32 s3, s9;
	s6 =	sadd.s32 @!p0 $0x88, s6;
	s7 =	simm.s32 @p2 $0x1082  }
0x22: {  	[simem:s7], [sflag:s8] =	dma.local @!p0 [hbm:s6], $0xF7A  }
0x23: {  	s9 =	sor.u32 $0xD0000000, s2;
	s6 =	simm.s32 $0x108;
	_ =	swait.ge @!p0 [sflag:s8], $0x0  }
0x24: {  	s3 =	sadd.s32 $0x88, s3;
	s6 =	simm.s32 @!p1 $0x1082;
	[sflag:s4] =	ssyncset.s32 $0xFFFFF086  }
0x25: {  	[simem:s6], [sflag:s4] =	dma.local [hbm:s3], $0xF7A  }
0x26: {  	[smem:$0x3F7F] =	sst s1;
	(tag) =	ssettag s2;
	_ =	strace s9  }
0x27: {  	s1 =	sld [smem:$0x3F8F]  }
0x28: {  	s2 =	sld [smem:$0x3F90]  }
0x29: {  	s4 =	sld [smem:$0x3F92]  }
0x2a: {  	p0 =	seq.s32 s5, $0x0;
	s5 =	sld [smem:$0x3F93]  }
0x2b: {  	s6 =	sld [smem:$0x3F94]  }
0x2c: {  	s7 =	sld [smem:$0x3F95]  }
0x2d: {  	s3 =	simm.s32 $0x108;
	s8 =	sld [smem:$0x3F96]  }
0x2e: {  	s3 =	simm.s32 @!p0 $0x1082;
	s9 =	sld [smem:$0x3F97]  }
0x2f: {  	lr =	sadd.s32 s0, s3;
	s0 =	sld [smem:$0x3F8E]  }
0x30: {  	s3 =	sld [smem:$0x3F91]  }
0x31: {  	[smem:$0x3F9A] =	sst s10  }
0x32: {  	s10 =	sld [smem:$0x3F98];
	_ =	sdelay $0x3  }
0x33: {  	p0 =	seq.s32 s10, $0x1;
	s10 =	sld [smem:$0x3F9A];
	_ =	sdelay $0x3  }
0x34: {  	[smem:$0x3F9A] =	sst s10  }
0x35: {  	s10 =	sld [smem:$0x3F99];
	_ =	sdelay $0x3  }
0x36: {  	p1 =	seq.s32 s10, $0x1;
	s10 =	sld [smem:$0x3F9A];
	_ =	sdelay $0x3  }
0x37: {  	[smem:$0x3F9A] =	sst s10  }
0x38: {  	s10 =	sld [smem:$0x3F9B]  }
0x39: {  	_ = 	snop;
	(pc) =	sbr.ind lr, $3  }
0x3a: {  	_ = 	snop  }
0x3b: {  	_ = 	snop  }
0x3c: {  	p2 =	seq.s32 s10, $0x1;
	s10 =	sld [smem:$0x3F9A]  }
0x3d: {  	_ =	shalt  }
0x3e: {  	_ =	shalt  }
0x3f: {  	_ =	shalt  }
0x40: {  	_ =	shalt  }
0x41: {  	_ =	shalt  }
0x42: {  	_ =	shalt  }
0x43: {  	_ =	shalt  }
0x44: {  	_ =	shalt  }
0x45: {  	_ =	shalt  }
0x46: {  	_ =	shalt  }
0x47: {  	_ =	shalt  }
0x48: {  	_ =	shalt  }
0x49: {  	_ =	shalt  }
0x4a: {  	_ =	shalt  }
0x4b: {  	_ =	shalt  }
0x4c: {  	_ =	shalt  }
0x4d: {  	_ =	shalt  }
0x4e: {  	_ =	shalt  }
0x4f: {  	_ =	shalt  }
0x50: {  	_ =	shalt  }
0x51: {  	_ =	shalt  }
0x52: {  	_ =	shalt  }
0x53: {  	_ =	shalt  }
0x54: {  	_ =	shalt  }
0x55: {  	_ =	shalt  }
0x56: {  	_ =	shalt  }
0x57: {  	_ =	shalt  }
0x58: {  	_ =	shalt  }
0x59: {  	_ =	shalt  }
0x5a: {  	_ =	shalt  }
0x5b: {  	_ =	shalt  }
0x5c: {  	_ =	shalt  }
0x5d: {  	_ =	shalt  }
0x5e: {  	_ =	shalt  }
0x5f: {  	_ =	shalt  }
0x60: {  	_ =	shalt  }
0x61: {  	_ =	shalt  }
0x62: {  	_ =	shalt  }
0x63: {  	_ =	shalt  }
0x64: {  	_ =	shalt  }
0x65: {  	_ =	shalt  }
0x66: {  	_ =	shalt  }
0x67: {  	_ =	shalt  }
0x68: {  	_ =	shalt  }
0x69: {  	_ =	shalt  }
0x6a: {  	_ =	shalt  }
0x6b: {  	_ =	shalt  }
0x6c: {  	_ =	shalt  }
0x6d: {  	_ =	shalt  }
0x6e: {  	_ =	shalt  }
0x6f: {  	_ =	shalt  }
0x70: {  	_ =	shalt  }
0x71: {  	_ =	shalt  }
0x72: {  	_ =	shalt  }
0x73: {  	_ =	shalt  }
0x74: {  	_ =	shalt  }
0x75: {  	_ =	shalt  }
0x76: {  	_ =	shalt  }
0x77: {  	_ =	shalt  }
0x78: {  	_ =	shalt  }
0x79: {  	_ =	shalt  }
0x7a: {  	_ =	shalt  }
0x7b: {  	_ =	shalt  }
0x7c: {  	_ =	shalt  }
0x7d: {  	_ =	shalt  }
0x7e: {  	_ =	shalt  }
0x7f: {  	_ =	shalt  }
0x80: {  	_ =	shalt  }
0x81: {  	_ =	shalt  }
0x82: {  	_ =	shalt  }
0x83: {  	_ =	shalt  }
0x84: {  	_ =	shalt  }
0x85: {  	_ =	shalt  }
0x86: {  	_ =	shalt  }
0x87: {  	_ =	shalt  }
.Lfunc_end0:
.L_simem_size_0:
called_computation.3_lowered:
.L_overlay_start_0:
0x88: {  	s2 =	sld [smem:$0x3FD9]  }
0x89: {  	s3 =	sld [smem:$0x3FFE];
	_ =	sdelay $0x1  }
0x8a: {  	s1 =	srdreg.scid  }
0x8b: {  	s0 =	sand.u32 $0x1, s1  }
0x8c: {  	s17 =	sshll.u32 s0, $0xA;
	s2 =	sadd.s32 s3, s2  }
0x8d: {  	s2 =	sadd.s32 s2, s17  }
0x8e: {  	[smem:$0x3FA6] =	sst s2  }
0x8f: {  	_ = 	snop  }
0x90: {  	s2 =	sld [smem:$0x3FD0];
	(tm) =	ssettm $0x1  }
0x91: {  	s18 =	sld [smem:$0x3FFB];
	_ =	sdelay $0x3  }
0x92: {  	_ =	strace s18  }
0x93: {  	s3 =	sld [smem:$0x3FFC];
	_ =	sdelay $0x3  }
0x94: {  	_ =	strace s3  }
0x95: {  	s3 =	sld [smem:$0x3FFD];
	_ =	sdelay $0x3  }
0x96: {  	_ =	strace s3  }
0x97: {  	_ =	strace $0x8FFFFFFF  }
0x98: {  	s19 =	sld [smem:$0x3FDB];
	_ =	sdelay $0x1  }
0x99: {  	s4 =	simm.s32 $_scs_section_size  }
0x9a: {  	s5 =	simm.s32 $_size__tile_overlayer_lowered;
	s6 =	simm.s32 $_tile_overlayer_lowered  }
0x9b: {  	s22 =	simm.s32 $0x1BFF;
	s21 =	sshll.u32 s6, $0x1;
	s3 =	sadd.s32 s4, s19  }
0x9c: {  	s7 =	simm.s32 $0x0;
	s20 =	sshll.u32 s5, $0x1;
	s5 =	sadd.s32 s21, s3  }
0x9d: {  	[timem:s7], [sflag:s22] =	dma.local [hbm:s5], s20  }
0x9e: {  	_ =	swait.ge [sflag:s22], s20  }
0x9f: {  	s4 =	ssub.s32 $0x0, s20;
	[sflag:s22] =	ssyncset.done $0x0  }
0xa0: {  	[sflag:s22] =	ssyncadd.s32 s4;
	_ =	sdelay $0x1  }
0xa1: {  	s23 =	simm.s32 $0x1B8B  }
0xa2: {  	_ =	swait.ge [sflag:s23], $0x1  }
0xa3: {  	[sflag:s23] =	ssyncset.done $0x0  }
0xa4: {  	s25 =	simm.s32 $0x1B8E;
	s24 =	sld [smem:$0x3FFE];
	[sflag:s23] =	ssyncadd.s32 $0xFFFFFFFF  }
0xa5: {  	s26 =	simm.s32 $execute0_lowered;
	[smem:$0x3FD2] =	sst s25  }
0xa6: {  	s5 =	sshll.u32 s26, $0x1;
	_ =	strace $0x8000004F;
	[dreg:$0x1] =	wrdreg $0xFFFFFFFF  }
0xa7: {  	s28 =	simm.s32 $_size_execute0_lowered;
	s3 =	sadd.s32 s3, s5;
	[dreg:$0x0] =	wrdreg $0x0  }
0xa8: {  	s5 =	sshll.u32 s28, $0x1;
	[dreg:$0x2] =	wrdreg s3  }
0xa9: {  	[dreg:$0x3] =	wrdreg s5  }
0xaa: {  	[dreg:$0x4] =	wrdreg $0xC0  }
0xab: {  	_ =	task [dreg:s7], $0x5FFFF  }
0xac: {  	[dreg:$0x1] =	wrdreg $0xFFFFFFFF  }
0xad: {  	[dreg:$0x0] =	wrdreg $0x60  }
0xae: {  	[dreg:$0x2] =	wrdreg s24  }
0xaf: {  	[dreg:$0x3] =	wrdreg s2  }
0xb0: {  	[dreg:$0x4] =	wrdreg $0x9  }
0xb1: {  	_ =	task.clear_ibuf [dreg:s7], $0x5FFFF;
	_ =	strace $0x9000004F  }
0xb2: {  	s29 =	simm.s32 $0x9;
	_ =	strace $0x80000051  }
0xb3: {  	_ =	swait.ge [sflag:s29], $0x1  }
0xb4: {  	[sflag:s29] =	ssyncadd.s32 $0xFFFFFFFF  }
0xb5: {  	_ =	strace $0x90000051  }
0xb6: {  	_ =	sfence  }
0xb7: {  	s30 =	sld [smem:$0x0];
	_ =	sdelay $0x2  }
0xb8: {  	s31 =	sshll.u32 s1, $0xD;
	s1 =	sshrl.u32 s1, $0x2  }
0xb9: {  	s3 =	sand.u32 $0x4000, s31;
	s1 =	sadd.s32 s1, s30  }
0xba: {  	s0 =	sor.u32 s3, s0;
	s1 =	sshll.u32 s1, $0x11  }
0xbb: {  	s0 =	sor.u32 s1, s0  }
0xbc: {  	s0 =	sadd.s32 $0x8F2B, s0  }
0xbd: {  	[sflag:s0] =	ssyncadd.remote.s32 $0x1  }
0xbe: {  	_ =	sfence.sel $0xFFFF  }
0xbf: {  	[dreg:$0x0] =	wrdreg $0xFFFFFFFF;
	(pc) =	sbr.abs _section_cstart, $3  }
0xc0: {  	[dreg:$0x1] =	wrdreg $0xFFFFFFFF  }
0xc1: {  	_ =	task.clear_ibuf [dreg:s7], $0x2FFFF;
	_ =	strace $0x9FFFFFFF  }
0xc2: {  	(tm) =	ssettm $0x7FFFFFFF  }
0xc3: {  	_ =	shalt  }
tec
execute0_lowered:
.L_overlay_start_1:
0x0: {  	(tag) =	ssettag $0x1  }
0x1: {  	s5 =	rddreg [dreg:$0x0]  }
0x2: {  	s4 =	rddreg [dreg:$0x1]  }
0x3: {  	s0 =	rddreg [dreg:$0x2];
	s2 =	simm.s32 $0x0;
	s3 =	srdreg.scid  }
0x4: {  	s1 =	stileid.u32;
	s10 =	simm.s32 $0x880;
	s11 =	simm.s32 $0x1080  }
0x5: {  	s12 =	simm.s32 $0x1880;
	s13 =	simm.s32 $0x2080;
	s14 =	simm.s32 $0x2880  }
0x6: {  	s15 =	simm.s32 $0x3080;
	s16 =	simm.s32 $0x3880;
	s17 =	simm.s32 $0x4080  }
0x7: {  	s18 =	simm.s32 $0x4880;
	s19 =	simm.s32 $0x5080;
	s20 =	simm.s32 $0x5880  }
0x8: {  	s21 =	simm.s32 $0x6080;
	s22 =	simm.s32 $0x6880;
	s23 =	simm.s32 $0x7080  }
0x9: {  	s24 =	simm.s32 $0x7880;
	s25 =	simm.s32 $0x1;
	s6 =	sand.u32 $0x1, s3  }
0xa: {  	[smem:$0x7FF] =	sst s2;
	s7 =	sshll.u32 s1, $0x7;
	s8 =	sshll.u32 s6, $0x6  }
0xb: {  	s3 =	sadd.s32 $0xF0800, s5;
	s6 =	ssub.s32 $0x2, s6;
	s7 =	sor.u32 s8, s7  }
0xc: {  	_ =	strace $0x80000050;
	s9 =	sshrl.u32 s6, $0x1;
	s8 =	sshll.u32 s7, $0x6  }
0xd: {  	v2 =	vlaneseq.u32;
	s7 =	sshrl.u32 s7, $0x3;
	s9 =	ssub.s32 s6, s9;
	s8 =	sadd.s32 s8, s5  }
0xe: {  	vm0 =	vmmov $0xffff;
	v1 =	vshrl.u32 v2, $0x3;
	s4 =	sadd.s32 s4, s7;
	s5 =	sadd.s32 $0xF0900, s5;
	s7 =	smax.u32 s9, $0x1  }
0xf: {  	v0 =	vand.u32 $0x7, v2;
	v2 =	vor.u32 $0x8, v2;
	v1 =	vmul.u32 $0x8, v1;
	s9 =	simm.s32 $0x80;
	s6 =	sadd.s32 $0x48E800, s8;
	s8 =	simm.s32 $0x2  }
.LBB2_1:
0x10: {  	[tilespmem:s2], [sflag:$0x2] =	stream.linear.gather [hbm4b:s4+s2], $0x40, $0x38;
	[tilespmem:$0x8080] =	vst v63  }
0x11: {  	_ =	swait.ge [sflag:s8], $0x40  }
0x12: {  	[sflag:s8] =	ssyncset.done $0x0  }
0x13: {  	[sflag:s8] =	ssyncadd.s32 $0xFFFFFFC0  }
0x14: {  	v3 =	vld [tilespmem:$0x0];
	_ =	sdelay $0x4  }
0x15: {  	v4 =	vshll.u32 v3, $0x2  }
0x16: {  	v3 =	vand.u32 $0x7, v3;
	v4 =	vand.u32 $0xFFFFFFE0, v4  }
0x17: {  	v3 =	vor.u32 v3, v4  }
0x18: {  	v4 =	vperm.xlane v3, v0;
	_ =	sdelay $0x1  }
0x19: {  	v4 =	vadd.s32 v1, v4;
	_ =	sdelay $0x1  }
0x1a: {  	v3 =	vperm.xlane v3, v2;
	_ =	sdelay $0x1  }
0x1b: {  	v3 =	vadd.s32 v1, v3  }
0x1c: {  	[tilespmem:s9], [sflag:$0x1] =	stream.indirect_vreg.gather [hbm4b:s3+s2], $0x80, v4, vm0, $0xb8;
	[tilespmem:$0x8080] =	vst v63  }
0x1d: {  	_ = 	snop  }
0x1e: {  	[tilespmem:s10], [sflag:$0x1] =	stream.indirect_vreg.gather [hbm4b:s5+s2], $0x80, v4, vm0, $0xb8;
	[tilespmem:$0x8080] =	vst v63  }
0x1f: {  	_ = 	snop  }
0x20: {  	[tilespmem:s11], [sflag:$0x1] =	stream.indirect_vreg.gather [hbm4b:s3+s2], $0x80, v3, vm0, $0xb8;
	[tilespmem:$0x8080] =	vst v63  }
0x21: {  	_ = 	snop  }
0x22: {  	[tilespmem:s12], [sflag:$0x1] =	stream.indirect_vreg.gather [hbm4b:s5+s2], $0x80, v3, vm0, $0xb8;
	[tilespmem:$0x8080] =	vst v63  }
0x23: {  	v3 =	vld [tilespmem:$0x10];
	_ =	sdelay $0x4  }
0x24: {  	v61 =	vshll.u32 v3, $0x2  }
0x25: {  	v3 =	vand.u32 $0x7, v3;
	v4 =	vand.u32 $0xFFFFFFE0, v61  }
0x26: {  	v3 =	vor.u32 v3, v4  }
0x27: {  	v4 =	vperm.xlane v3, v0;
	_ =	sdelay $0x1  }
0x28: {  	v4 =	vadd.s32 v1, v4;
	_ =	sdelay $0x1  }
0x29: {  	v3 =	vperm.xlane v3, v2;
	_ =	sdelay $0x1  }
0x2a: {  	v3 =	vadd.s32 v1, v3  }
0x2b: {  	[tilespmem:s13], [sflag:$0x1] =	stream.indirect_vreg.gather [hbm4b:s3+s2], $0x80, v4, vm0, $0xb8;
	[tilespmem:$0x8080] =	vst v63  }
0x2c: {  	_ = 	snop  }
0x2d: {  	[tilespmem:s14], [sflag:$0x1] =	stream.indirect_vreg.gather [hbm4b:s5+s2], $0x80, v4, vm0, $0xb8;
	[tilespmem:$0x8080] =	vst v63  }
0x2e: {  	_ = 	snop  }
0x2f: {  	[tilespmem:s15], [sflag:$0x1] =	stream.indirect_vreg.gather [hbm4b:s3+s2], $0x80, v3, vm0, $0xb8;
	[tilespmem:$0x8080] =	vst v63  }
0x30: {  	_ = 	snop  }
0x31: {  	[tilespmem:s16], [sflag:$0x1] =	stream.indirect_vreg.gather [hbm4b:s5+s2], $0x80, v3, vm0, $0xb8;
	[tilespmem:$0x8080] =	vst v63  }
0x32: {  	v3 =	vld [tilespmem:$0x20];
	_ =	sdelay $0x4  }
0x33: {  	v62 =	vshll.u32 v3, $0x2  }
0x34: {  	v3 =	vand.u32 $0x7, v3;
	v4 =	vand.u32 $0xFFFFFFE0, v62  }
0x35: {  	v3 =	vor.u32 v3, v4  }
0x36: {  	v4 =	vperm.xlane v3, v0;
	_ =	sdelay $0x1  }
0x37: {  	v4 =	vadd.s32 v1, v4;
	_ =	sdelay $0x1  }
0x38: {  	v3 =	vperm.xlane v3, v2;
	_ =	sdelay $0x1  }
0x39: {  	v3 =	vadd.s32 v1, v3  }
0x3a: {  	[tilespmem:s17], [sflag:$0x1] =	stream.indirect_vreg.gather [hbm4b:s3+s2], $0x80, v4, vm0, $0xb8;
	[tilespmem:$0x8080] =	vst v63  }
0x3b: {  	_ = 	snop  }
0x3c: {  	[tilespmem:s18], [sflag:$0x1] =	stream.indirect_vreg.gather [hbm4b:s5+s2], $0x80, v4, vm0, $0xb8;
	[tilespmem:$0x8080] =	vst v63  }
0x3d: {  	_ = 	snop  }
0x3e: {  	[tilespmem:s19], [sflag:$0x1] =	stream.indirect_vreg.gather [hbm4b:s3+s2], $0x80, v3, vm0, $0xb8;
	[tilespmem:$0x8080] =	vst v63  }
0x3f: {  	_ = 	snop  }
0x40: {  	[tilespmem:s20], [sflag:$0x1] =	stream.indirect_vreg.gather [hbm4b:s5+s2], $0x80, v3, vm0, $0xb8;
	[tilespmem:$0x8080] =	vst v63  }
0x41: {  	v3 =	vld [tilespmem:$0x30];
	_ =	sdelay $0x4  }
0x42: {  	v63 =	vshll.u32 v3, $0x2  }
0x43: {  	v3 =	vand.u32 $0x7, v3;
	v4 =	vand.u32 $0xFFFFFFE0, v63  }
0x44: {  	v3 =	vor.u32 v3, v4  }
0x45: {  	v4 =	vperm.xlane v3, v0;
	_ =	sdelay $0x1  }
0x46: {  	v4 =	vadd.s32 v1, v4;
	_ =	sdelay $0x1  }
0x47: {  	v3 =	vperm.xlane v3, v2;
	_ =	sdelay $0x1  }
0x48: {  	v3 =	vadd.s32 v1, v3  }
0x49: {  	[tilespmem:s21], [sflag:$0x1] =	stream.indirect_vreg.gather [hbm4b:s3+s2], $0x80, v4, vm0, $0xb8;
	[tilespmem:$0x8080] =	vst v63  }
0x4a: {  	_ = 	snop  }
0x4b: {  	[tilespmem:s22], [sflag:$0x1] =	stream.indirect_vreg.gather [hbm4b:s5+s2], $0x80, v4, vm0, $0xb8;
	[tilespmem:$0x8080] =	vst v63  }
0x4c: {  	_ = 	snop  }
0x4d: {  	[tilespmem:s23], [sflag:$0x1] =	stream.indirect_vreg.gather [hbm4b:s3+s2], $0x80, v3, vm0, $0xb8;
	[tilespmem:$0x8080] =	vst v63  }
0x4e: {  	_ = 	snop  }
0x4f: {  	[tilespmem:s24], [sflag:$0x1] =	stream.indirect_vreg.gather [hbm4b:s5+s2], $0x80, v3, vm0, $0xb8;
	[tilespmem:$0x8080] =	vst v63  }
0x50: {  	_ =	swait.ge [sflag:s25], $0x8000  }
0x51: {  	p0 =	sne.s32 s7, $0x1;
	[sflag:s25] =	ssyncset.done $0x0  }
.Ltmp0:
0x52: {  	[sflag:s25] =	ssyncadd.s32 $0xFFFF8000;
	(pc) =	sbr.rel @p0 .LBB2_1-.Ltmp0, $4  }
0x53: {  	[hbm4b:s6+s2] =	stream.linear.scatter [tilespmem:s9], [sflag:$0x2], $0x8000, $0x38;
	[tilespmem:$0x8080] =	vst v63  }
0x54: {  	_ =	swait.ge [sflag:s8], $0x8000  }
0x55: {  	[sflag:s8] =	ssyncset.done $0x0  }
0x56: {  	s7 =	sadd.s32 $0xFFFFFFFF, s7;
	[sflag:s8] =	ssyncadd.s32 $0xFFFF8000  }
0x57: {  	_ =	sfence.sel $0x180000  }
0x58: {  	[bflag:$0x0] =	sbarrier.arrive $0xFFFF  }
0x59: {  	p0 =	sne.s32 s1, $0x0;
	_ =	strace $0x90000050  }
0x5a: {  	s0 =	sadd.s32 @!p0 $0x100000, s0;
	[bflag:$0x2] =	sbarrier.arrive $0xFFFF  }
0x5b: {  	[sflag:s0] =	ssyncadd.tile.s32 @!p0 $0x1;
	_ =	shalt  }
.Lfunc_end2:
_tile_overlayer_lowered:
.L_overlay_start_2:
0x5c: {  	(tag) =	ssettag $0x2  }
0x5d: {  	s0 =	rddreg [dreg:$0x0];
	s2 =	stileid.u32  }
0x5e: {  	s1 =	rddreg [dreg:$0x1];
	p0 =	sne.s32 s2, $0x0  }
0x5f: {  	s3 =	rddreg [dreg:$0x2];
	[bflag:$0x3] =	sbarrier.arrive $0xFFFF;
	s2 =	simm.s32 @!p0 $0x1C02  }
0x60: {  	[timem:s3], [sflag:s2] =	dma.local @!p0 [hbm:s0], s1  }
0x61: {  	s0 =	simm.s32 @!p0 $0x2  }
0x62: {  	_ =	swait.ge @!p0 [sflag:s0], s1  }
0x63: {  	s1 =	ssub.s32 @!p0 $0x0, s1;
	[sflag:s0] =	ssyncset.done @!p0 $0x0  }
0x64: {  	[sflag:s0] =	ssyncadd.s32 @!p0 s1  }
0x65: {  	[bflag:$0x3] =	sbarrier.arrive $0xFFFF  }
0x66: {  	_ =	shalt  }

// kernel: kernel.39.cloned.1.call-start
scs
__scs_entry_jumppad:
0x0: {  	(pc) =	sbr.rel $0x88, $3  }
0x1: {  	(tag) =	ssettag $0x0;
	lr =	simm.s32 $0x1  }
0x2: {  	[smem:$0x3F7F] =	sst lr;
	_ =	strace $0xD0000000  }
0x3: {  	_ = 	snop  }
0x4: {  	_ = 	snop  }
0x5: {  	_ = 	snop  }
0x6: {  	_ = 	snop  }
0x7: {  	_ = 	snop  }
__scs_overlays_trampoline_lowered:
0x8: {  	[smem:$0x3F8E] =	sst s0  }
0x9: {  	[smem:$0x3F8F] =	sst s1  }
0xa: {  	[smem:$0x3F90] =	sst s2  }
0xb: {  	[smem:$0x3F91] =	sst s3  }
0xc: {  	[smem:$0x3F92] =	sst s4  }
0xd: {  	[smem:$0x3F93] =	sst s5  }
0xe: {  	[smem:$0x3F94] =	sst s6  }
0xf: {  	[smem:$0x3F95] =	sst s7  }
0x10: {  	[smem:$0x3F96] =	sst s8  }
0x11: {  	[smem:$0x3F97] =	sst s9;
	s0 =	simm.s32 @!p0 $0x0  }
0x12: {  	s1 =	sld [smem:$0x3F7D];
	s0 =	simm.s32 @p0 $0x1  }
0x13: {  	[smem:$0x3F98] =	sst s0;
	s0 =	simm.s32 @!p1 $0x0  }
0x14: {  	s2 =	sld [smem:$0x3F7C];
	s0 =	simm.s32 @p1 $0x1  }
0x15: {  	[smem:$0x3F99] =	sst s0;
	s0 =	simm.s32 @!p2 $0x0  }
0x16: {  	s3 =	sld [smem:$0x3FDB];
	s0 =	simm.s32 @p2 $0x1  }
0x17: {  	s4 =	simm.s32 $0x1BF5;
	[smem:$0x3F9B] =	sst s0  }
0x18: {  	s0 =	sld [smem:$0x3F7E];
	_ =	swait.ge [sflag:s4], $0x0  }
0x19: {  	s7 =	sld [smem:$0x3F7F]  }
0x1a: {  	s8 =	sadd.s32 $0xFFFFE003, lr  }
0x1b: {  	s9 =	sadd.s32 $0xFFFFFEF7, lr;
	s5 =	simm.s32 $0xFFFFFFFF;
	p2 =	slt.u32 s8, $0xFFFFF086  }
0x1c: {  	p1 =	slt.u32 s9, $0xF7A;
	s5 =	simm.s32 @!p2 $0x0  }
0x1d: {  	s5 =	simm.s32 @p1 $0x1;
	p0 =	seq.s32 s7, s2  }
0x1e: {  	s7 =	smul.u32 @!p0 $0xF7A, s2;
	p2 =	seq.s32 @!p0 s5, $0x0  }
0x1f: {  	s9 =	smul.u32 $0xF7A, s1;
	s8 =	simm.s32 @!p0 $0x1BF5;
	p2 =	por !p2, p0  }
0x20: {  	[sflag:s8] =	ssyncset.s32 @!p0 $0xFFFFF086;
	s6 =	sadd.s32 @!p0 s3, s7;
	s7 =	simm.s32 @!p0 $0x108  }
0x21: {  	s3 =	sadd.s32 s3, s9;
	s6 =	sadd.s32 @!p0 $0x88, s6;
	s7 =	simm.s32 @p2 $0x1082  }
0x22: {  	[simem:s7], [sflag:s8] =	dma.local @!p0 [hbm:s6], $0xF7A  }
0x23: {  	s9 =	sor.u32 $0xD0000000, s2;
	s6 =	simm.s32 $0x108;
	_ =	swait.ge @!p0 [sflag:s8], $0x0  }
0x24: {  	s3 =	sadd.s32 $0x88, s3;
	s6 =	simm.s32 @!p1 $0x1082;
	[sflag:s4] =	ssyncset.s32 $0xFFFFF086  }
0x25: {  	[simem:s6], [sflag:s4] =	dma.local [hbm:s3], $0xF7A  }
0x26: {  	[smem:$0x3F7F] =	sst s1;
	(tag) =	ssettag s2;
	_ =	strace s9  }
0x27: {  	s1 =	sld [smem:$0x3F8F]  }
0x28: {  	s2 =	sld [smem:$0x3F90]  }
0x29: {  	s4 =	sld [smem:$0x3F92]  }
0x2a: {  	p0 =	seq.s32 s5, $0x0;
	s5 =	sld [smem:$0x3F93]  }
0x2b: {  	s6 =	sld [smem:$0x3F94]  }
0x2c: {  	s7 =	sld [smem:$0x3F95]  }
0x2d: {  	s3 =	simm.s32 $0x108;
	s8 =	sld [smem:$0x3F96]  }
0x2e: {  	s3 =	simm.s32 @!p0 $0x1082;
	s9 =	sld [smem:$0x3F97]  }
0x2f: {  	lr =	sadd.s32 s0, s3;
	s0 =	sld [smem:$0x3F8E]  }
0x30: {  	s3 =	sld [smem:$0x3F91]  }
0x31: {  	[smem:$0x3F9A] =	sst s10  }
0x32: {  	s10 =	sld [smem:$0x3F98];
	_ =	sdelay $0x3  }
0x33: {  	p0 =	seq.s32 s10, $0x1;
	s10 =	sld [smem:$0x3F9A];
	_ =	sdelay $0x3  }
0x34: {  	[smem:$0x3F9A] =	sst s10  }
0x35: {  	s10 =	sld [smem:$0x3F99];
	_ =	sdelay $0x3  }
0x36: {  	p1 =	seq.s32 s10, $0x1;
	s10 =	sld [smem:$0x3F9A];
	_ =	sdelay $0x3  }
0x37: {  	[smem:$0x3F9A] =	sst s10  }
0x38: {  	s10 =	sld [smem:$0x3F9B]  }
0x39: {  	_ = 	snop;
	(pc) =	sbr.ind lr, $3  }
0x3a: {  	_ = 	snop  }
0x3b: {  	_ = 	snop  }
0x3c: {  	p2 =	seq.s32 s10, $0x1;
	s10 =	sld [smem:$0x3F9A]  }
0x3d: {  	_ =	shalt  }
0x3e: {  	_ =	shalt  }
0x3f: {  	_ =	shalt  }
0x40: {  	_ =	shalt  }
0x41: {  	_ =	shalt  }
0x42: {  	_ =	shalt  }
0x43: {  	_ =	shalt  }
0x44: {  	_ =	shalt  }
0x45: {  	_ =	shalt  }
0x46: {  	_ =	shalt  }
0x47: {  	_ =	shalt  }
0x48: {  	_ =	shalt  }
0x49: {  	_ =	shalt  }
0x4a: {  	_ =	shalt  }
0x4b: {  	_ =	shalt  }
0x4c: {  	_ =	shalt  }
0x4d: {  	_ =	shalt  }
0x4e: {  	_ =	shalt  }
0x4f: {  	_ =	shalt  }
0x50: {  	_ =	shalt  }
0x51: {  	_ =	shalt  }
0x52: {  	_ =	shalt  }
0x53: {  	_ =	shalt  }
0x54: {  	_ =	shalt  }
0x55: {  	_ =	shalt  }
0x56: {  	_ =	shalt  }
0x57: {  	_ =	shalt  }
0x58: {  	_ =	shalt  }
0x59: {  	_ =	shalt  }
0x5a: {  	_ =	shalt  }
0x5b: {  	_ =	shalt  }
0x5c: {  	_ =	shalt  }
0x5d: {  	_ =	shalt  }
0x5e: {  	_ =	shalt  }
0x5f: {  	_ =	shalt  }
0x60: {  	_ =	shalt  }
0x61: {  	_ =	shalt  }
0x62: {  	_ =	shalt  }
0x63: {  	_ =	shalt  }
0x64: {  	_ =	shalt  }
0x65: {  	_ =	shalt  }
0x66: {  	_ =	shalt  }
0x67: {  	_ =	shalt  }
0x68: {  	_ =	shalt  }
0x69: {  	_ =	shalt  }
0x6a: {  	_ =	shalt  }
0x6b: {  	_ =	shalt  }
0x6c: {  	_ =	shalt  }
0x6d: {  	_ =	shalt  }
0x6e: {  	_ =	shalt  }
0x6f: {  	_ =	shalt  }
0x70: {  	_ =	shalt  }
0x71: {  	_ =	shalt  }
0x72: {  	_ =	shalt  }
0x73: {  	_ =	shalt  }
0x74: {  	_ =	shalt  }
0x75: {  	_ =	shalt  }
0x76: {  	_ =	shalt  }
0x77: {  	_ =	shalt  }
0x78: {  	_ =	shalt  }
0x79: {  	_ =	shalt  }
0x7a: {  	_ =	shalt  }
0x7b: {  	_ =	shalt  }
0x7c: {  	_ =	shalt  }
0x7d: {  	_ =	shalt  }
0x7e: {  	_ =	shalt  }
0x7f: {  	_ =	shalt  }
0x80: {  	_ =	shalt  }
0x81: {  	_ =	shalt  }
0x82: {  	_ =	shalt  }
0x83: {  	_ =	shalt  }
0x84: {  	_ =	shalt  }
0x85: {  	_ =	shalt  }
0x86: {  	_ =	shalt  }
0x87: {  	_ =	shalt  }
.Lfunc_end0:
.L_simem_size_0:
called_computation.4_lowered:
.L_overlay_start_0:
0x88: {  	s2 =	sld [smem:$0x3FD9]  }
0x89: {  	s3 =	sld [smem:$0x3FFE];
	_ =	sdelay $0x1  }
0x8a: {  	s1 =	srdreg.scid  }
0x8b: {  	s0 =	sand.u32 $0x1, s1  }
0x8c: {  	s17 =	sshll.u32 s0, $0xA;
	s2 =	sadd.s32 s3, s2  }
0x8d: {  	s2 =	sadd.s32 s2, s17  }
0x8e: {  	[smem:$0x3FA6] =	sst s2  }
0x8f: {  	_ = 	snop  }
0x90: {  	s2 =	sld [smem:$0x3FD0];
	(tm) =	ssettm $0x1  }
0x91: {  	s18 =	sld [smem:$0x3FFB];
	_ =	sdelay $0x3  }
0x92: {  	_ =	strace s18  }
0x93: {  	s3 =	sld [smem:$0x3FFC];
	_ =	sdelay $0x3  }
0x94: {  	_ =	strace s3  }
0x95: {  	s3 =	sld [smem:$0x3FFD];
	_ =	sdelay $0x3  }
0x96: {  	_ =	strace s3  }
0x97: {  	_ =	strace $0x8FFFFFFF  }
0x98: {  	s19 =	sld [smem:$0x3FDB];
	_ =	sdelay $0x1  }
0x99: {  	s4 =	simm.s32 $_scs_section_size  }
0x9a: {  	s5 =	simm.s32 $_size__tile_overlayer_lowered;
	s6 =	simm.s32 $_tile_overlayer_lowered  }
0x9b: {  	s22 =	simm.s32 $0x1BFF;
	s21 =	sshll.u32 s6, $0x1;
	s3 =	sadd.s32 s4, s19  }
0x9c: {  	s7 =	simm.s32 $0x0;
	s20 =	sshll.u32 s5, $0x1;
	s5 =	sadd.s32 s21, s3  }
0x9d: {  	[timem:s7], [sflag:s22] =	dma.local [hbm:s5], s20  }
0x9e: {  	_ =	swait.ge [sflag:s22], s20  }
0x9f: {  	s4 =	ssub.s32 $0x0, s20;
	[sflag:s22] =	ssyncset.done $0x0  }
0xa0: {  	[sflag:s22] =	ssyncadd.s32 s4;
	_ =	sdelay $0x1  }
0xa1: {  	s23 =	simm.s32 $0x1B8B  }
0xa2: {  	_ =	swait.ge [sflag:s23], $0x1  }
0xa3: {  	[sflag:s23] =	ssyncset.done $0x0  }
0xa4: {  	s25 =	simm.s32 $0x1B8E;
	s24 =	sld [smem:$0x3FFE];
	[sflag:s23] =	ssyncadd.s32 $0xFFFFFFFF  }
0xa5: {  	s26 =	simm.s32 $execute0_lowered;
	[smem:$0x3FD2] =	sst s25  }
0xa6: {  	s5 =	sshll.u32 s26, $0x1;
	_ =	strace $0x80000052;
	[dreg:$0x1] =	wrdreg $0xFFFFFFFF  }
0xa7: {  	s28 =	simm.s32 $_size_execute0_lowered;
	s3 =	sadd.s32 s3, s5;
	[dreg:$0x0] =	wrdreg $0x0  }
0xa8: {  	s5 =	sshll.u32 s28, $0x1;
	[dreg:$0x2] =	wrdreg s3  }
0xa9: {  	[dreg:$0x3] =	wrdreg s5  }
0xaa: {  	[dreg:$0x4] =	wrdreg $0xC0  }
0xab: {  	_ =	task [dreg:s7], $0x5FFFF  }
0xac: {  	[dreg:$0x1] =	wrdreg $0xFFFFFFFF  }
0xad: {  	[dreg:$0x0] =	wrdreg $0x60  }
0xae: {  	[dreg:$0x2] =	wrdreg s24  }
0xaf: {  	[dreg:$0x3] =	wrdreg s2  }
0xb0: {  	[dreg:$0x4] =	wrdreg $0x9  }
0xb1: {  	_ =	task.clear_ibuf [dreg:s7], $0x5FFFF;
	_ =	strace $0x90000052  }
0xb2: {  	s29 =	simm.s32 $0x9;
	_ =	strace $0x80000054  }
0xb3: {  	_ =	swait.ge [sflag:s29], $0x1  }
0xb4: {  	[sflag:s29] =	ssyncadd.s32 $0xFFFFFFFF  }
0xb5: {  	_ =	strace $0x90000054  }
0xb6: {  	_ =	sfence  }
0xb7: {  	s30 =	sld [smem:$0x0];
	_ =	sdelay $0x2  }
0xb8: {  	s31 =	sshll.u32 s1, $0xD;
	s1 =	sshrl.u32 s1, $0x2  }
0xb9: {  	s3 =	sand.u32 $0x4000, s31;
	s1 =	sadd.s32 s1, s30  }
0xba: {  	s0 =	sor.u32 s3, s0;
	s1 =	sshll.u32 s1, $0x11  }
0xbb: {  	s0 =	sor.u32 s1, s0  }
0xbc: {  	s0 =	sadd.s32 $0x8F2B, s0  }
0xbd: {  	[sflag:s0] =	ssyncadd.remote.s32 $0x1  }
0xbe: {  	_ =	sfence.sel $0xFFFF  }
0xbf: {  	[dreg:$0x0] =	wrdreg $0xFFFFFFFF;
	(pc) =	sbr.abs _section_cstart, $3  }
0xc0: {  	[dreg:$0x1] =	wrdreg $0xFFFFFFFF  }
0xc1: {  	_ =	task.clear_ibuf [dreg:s7], $0x2FFFF;
	_ =	strace $0x9FFFFFFF  }
0xc2: {  	(tm) =	ssettm $0x7FFFFFFF  }
0xc3: {  	_ =	shalt  }
tec
execute0_lowered:
.L_overlay_start_1:
0x0: {  	(tag) =	ssettag $0x1  }
0x1: {  	s1 =	srdreg.scid  }
0x2: {  	s6 =	rddreg [dreg:$0x0];
	s0 =	stileid.u32  }
0x3: {  	s4 =	rddreg [dreg:$0x1];
	s2 =	simm.s32 $0x0;
	s10 =	simm.s32 $0x880  }
0x4: {  	s11 =	simm.s32 $0x1080;
	s12 =	simm.s32 $0x1880;
	s13 =	simm.s32 $0x2080  }
0x5: {  	s14 =	simm.s32 $0x2880;
	s15 =	simm.s32 $0x3080;
	s16 =	simm.s32 $0x3880  }
0x6: {  	s17 =	simm.s32 $0x4080;
	s18 =	simm.s32 $0x4880;
	s19 =	simm.s32 $0x5080  }
0x7: {  	s20 =	simm.s32 $0x5880;
	s21 =	simm.s32 $0x6080;
	s22 =	simm.s32 $0x6880  }
0x8: {  	s23 =	simm.s32 $0x7080;
	s24 =	simm.s32 $0x7880;
	s25 =	simm.s32 $0x1  }
0x9: {  	s3 =	sand.u32 $0x1, s1;
	s5 =	sshll.u32 s0, $0x7;
	[smem:$0x7FF] =	sst s2  }
0xa: {  	s1 =	rddreg [dreg:$0x2];
	s7 =	sshll.u32 s3, $0x6;
	_ =	strace $0x80000053  }
0xb: {  	s8 =	ssub.s32 $0x2, s3;
	s3 =	sadd.s32 $0x98800, s6;
	s5 =	sor.u32 s7, s5  }
0xc: {  	s9 =	sshrl.u32 s8, $0x1;
	s7 =	sshll.u32 s5, $0x6;
	s5 =	sshrl.u32 s5, $0x3  }
0xd: {  	v2 =	vlaneseq.u32;
	s8 =	ssub.s32 s8, s9;
	s9 =	simm.s32 $0x80;
	s7 =	sand.u32 $0xF000, s7  }
0xe: {  	vm0 =	vmmov $0xffff;
	v1 =	vshrl.u32 v2, $0x3;
	s4 =	sadd.s32 s4, s5;
	s7 =	sadd.s32 s7, s6;
	s6 =	sadd.s32 $0x98900, s6  }
0xf: {  	v0 =	vand.u32 $0x7, v2;
	v2 =	vor.u32 $0x8, v2;
	v1 =	vmul.u32 $0x8, v1;
	s5 =	sadd.s32 $0x17600, s7;
	s7 =	smax.u32 s8, $0x1;
	s8 =	simm.s32 $0x2  }
.LBB2_1:
0x10: {  	[tilespmem:s2], [sflag:$0x2] =	stream.linear.gather [hbm4b:s4+s2], $0x40, $0x38;
	[tilespmem:$0x8080] =	vst v63  }
0x11: {  	_ =	swait.ge [sflag:s8], $0x40  }
0x12: {  	[sflag:s8] =	ssyncset.done $0x0  }
0x13: {  	[sflag:s8] =	ssyncadd.s32 $0xFFFFFFC0  }
0x14: {  	[tilespmem:s9], [sflag:$0x2] =	stream.linear.gather [hbm4b:s5+s2], $0x8000, $0x38;
	[tilespmem:$0x8080] =	vst v63  }
0x15: {  	_ =	swait.ge [sflag:s8], $0x8000  }
0x16: {  	[sflag:s8] =	ssyncset.done $0x0  }
0x17: {  	[sflag:s8] =	ssyncadd.s32 $0xFFFF8000  }
0x18: {  	v3 =	vld [tilespmem:$0x0];
	_ =	sdelay $0x4  }
0x19: {  	v4 =	vshll.u32 v3, $0x2  }
0x1a: {  	v3 =	vand.u32 $0x7, v3;
	v4 =	vand.u32 $0xFFFFFFE0, v4  }
0x1b: {  	v3 =	vor.u32 v3, v4  }
0x1c: {  	v4 =	vperm.xlane v3, v0;
	_ =	sdelay $0x1  }
0x1d: {  	v4 =	vadd.s32 v1, v4;
	_ =	sdelay $0x1  }
0x1e: {  	v3 =	vperm.xlane v3, v2;
	_ =	sdelay $0x1  }
0x1f: {  	v3 =	vadd.s32 v1, v3  }
0x20: {  	[hbm4b:s3+s2] =	stream.indirect_vreg.scatter [tilespmem:s9], [sflag:$0x1], $0x80, v4, vm0, $0xb8;
	[tilespmem:$0x8080] =	vst v63  }
0x21: {  	_ = 	snop  }
0x22: {  	[hbm4b:s6+s2] =	stream.indirect_vreg.scatter [tilespmem:s10], [sflag:$0x1], $0x80, v4, vm0, $0xb8;
	[tilespmem:$0x8080] =	vst v63  }
0x23: {  	_ = 	snop  }
0x24: {  	[hbm4b:s3+s2] =	stream.indirect_vreg.scatter [tilespmem:s11], [sflag:$0x1], $0x80, v3, vm0, $0xb8;
	[tilespmem:$0x8080] =	vst v63  }
0x25: {  	_ = 	snop  }
0x26: {  	[hbm4b:s6+s2] =	stream.indirect_vreg.scatter [tilespmem:s12], [sflag:$0x1], $0x80, v3, vm0, $0xb8;
	[tilespmem:$0x8080] =	vst v63  }
0x27: {  	v3 =	vld [tilespmem:$0x10];
	_ =	sdelay $0x4  }
0x28: {  	v61 =	vshll.u32 v3, $0x2  }
0x29: {  	v3 =	vand.u32 $0x7, v3;
	v4 =	vand.u32 $0xFFFFFFE0, v61  }
0x2a: {  	v3 =	vor.u32 v3, v4  }
0x2b: {  	v4 =	vperm.xlane v3, v0;
	_ =	sdelay $0x1  }
0x2c: {  	v4 =	vadd.s32 v1, v4;
	_ =	sdelay $0x1  }
0x2d: {  	v3 =	vperm.xlane v3, v2;
	_ =	sdelay $0x1  }
0x2e: {  	v3 =	vadd.s32 v1, v3  }
0x2f: {  	[hbm4b:s3+s2] =	stream.indirect_vreg.scatter [tilespmem:s13], [sflag:$0x1], $0x80, v4, vm0, $0xb8;
	[tilespmem:$0x8080] =	vst v63  }
0x30: {  	_ = 	snop  }
0x31: {  	[hbm4b:s6+s2] =	stream.indirect_vreg.scatter [tilespmem:s14], [sflag:$0x1], $0x80, v4, vm0, $0xb8;
	[tilespmem:$0x8080] =	vst v63  }
0x32: {  	_ = 	snop  }
0x33: {  	[hbm4b:s3+s2] =	stream.indirect_vreg.scatter [tilespmem:s15], [sflag:$0x1], $0x80, v3, vm0, $0xb8;
	[tilespmem:$0x8080] =	vst v63  }
0x34: {  	_ = 	snop  }
0x35: {  	[hbm4b:s6+s2] =	stream.indirect_vreg.scatter [tilespmem:s16], [sflag:$0x1], $0x80, v3, vm0, $0xb8;
	[tilespmem:$0x8080] =	vst v63  }
0x36: {  	v3 =	vld [tilespmem:$0x20];
	_ =	sdelay $0x4  }
0x37: {  	v62 =	vshll.u32 v3, $0x2  }
0x38: {  	v3 =	vand.u32 $0x7, v3;
	v4 =	vand.u32 $0xFFFFFFE0, v62  }
0x39: {  	v3 =	vor.u32 v3, v4  }
0x3a: {  	v4 =	vperm.xlane v3, v0;
	_ =	sdelay $0x1  }
0x3b: {  	v4 =	vadd.s32 v1, v4;
	_ =	sdelay $0x1  }
0x3c: {  	v3 =	vperm.xlane v3, v2;
	_ =	sdelay $0x1  }
0x3d: {  	v3 =	vadd.s32 v1, v3  }
0x3e: {  	[hbm4b:s3+s2] =	stream.indirect_vreg.scatter [tilespmem:s17], [sflag:$0x1], $0x80, v4, vm0, $0xb8;
	[tilespmem:$0x8080] =	vst v63  }
0x3f: {  	_ = 	snop  }
0x40: {  	[hbm4b:s6+s2] =	stream.indirect_vreg.scatter [tilespmem:s18], [sflag:$0x1], $0x80, v4, vm0, $0xb8;
	[tilespmem:$0x8080] =	vst v63  }
0x41: {  	_ = 	snop  }
0x42: {  	[hbm4b:s3+s2] =	stream.indirect_vreg.scatter [tilespmem:s19], [sflag:$0x1], $0x80, v3, vm0, $0xb8;
	[tilespmem:$0x8080] =	vst v63  }
0x43: {  	_ = 	snop  }
0x44: {  	[hbm4b:s6+s2] =	stream.indirect_vreg.scatter [tilespmem:s20], [sflag:$0x1], $0x80, v3, vm0, $0xb8;
	[tilespmem:$0x8080] =	vst v63  }
0x45: {  	v3 =	vld [tilespmem:$0x30];
	_ =	sdelay $0x4  }
0x46: {  	v63 =	vshll.u32 v3, $0x2  }
0x47: {  	v3 =	vand.u32 $0x7, v3;
	v4 =	vand.u32 $0xFFFFFFE0, v63  }
0x48: {  	v3 =	vor.u32 v3, v4  }
0x49: {  	v4 =	vperm.xlane v3, v0;
	_ =	sdelay $0x1  }
0x4a: {  	v4 =	vadd.s32 v1, v4;
	_ =	sdelay $0x1  }
0x4b: {  	v3 =	vperm.xlane v3, v2;
	_ =	sdelay $0x1  }
0x4c: {  	v3 =	vadd.s32 v1, v3  }
0x4d: {  	[hbm4b:s3+s2] =	stream.indirect_vreg.scatter [tilespmem:s21], [sflag:$0x1], $0x80, v4, vm0, $0xb8;
	[tilespmem:$0x8080] =	vst v63  }
0x4e: {  	_ = 	snop  }
0x4f: {  	[hbm4b:s6+s2] =	stream.indirect_vreg.scatter [tilespmem:s22], [sflag:$0x1], $0x80, v4, vm0, $0xb8;
	[tilespmem:$0x8080] =	vst v63  }
0x50: {  	p0 =	sne.s32 s7, $0x1  }
0x51: {  	[hbm4b:s3+s2] =	stream.indirect_vreg.scatter [tilespmem:s23], [sflag:$0x1], $0x80, v3, vm0, $0xb8;
	[tilespmem:$0x8080] =	vst v63  }
.Ltmp0:
0x52: {  	_ = 	snop;
	(pc) =	sbr.rel @p0 .LBB2_1-.Ltmp0, $4  }
0x53: {  	[hbm4b:s6+s2] =	stream.indirect_vreg.scatter [tilespmem:s24], [sflag:$0x1], $0x80, v3, vm0, $0xb8;
	[tilespmem:$0x8080] =	vst v63  }
0x54: {  	_ =	swait.ge [sflag:s25], $0x8000  }
0x55: {  	[sflag:s25] =	ssyncset.done $0x0  }
0x56: {  	s7 =	sadd.s32 $0xFFFFFFFF, s7;
	[sflag:s25] =	ssyncadd.s32 $0xFFFF8000  }
0x57: {  	_ =	sfence.sel $0x180000  }
0x58: {  	[bflag:$0x0] =	sbarrier.arrive $0xFFFF  }
0x59: {  	p0 =	sne.s32 s0, $0x0;
	_ =	strace $0x90000053  }
0x5a: {  	s0 =	sadd.s32 @!p0 $0x100000, s1;
	[bflag:$0x2] =	sbarrier.arrive $0xFFFF  }
0x5b: {  	[sflag:s0] =	ssyncadd.tile.s32 @!p0 $0x1;
	_ =	shalt  }
.Lfunc_end2:
_tile_overlayer_lowered:
.L_overlay_start_2:
0x5c: {  	(tag) =	ssettag $0x2  }
0x5d: {  	s0 =	rddreg [dreg:$0x0];
	s2 =	stileid.u32  }
0x5e: {  	s1 =	rddreg [dreg:$0x1];
	p0 =	sne.s32 s2, $0x0  }
0x5f: {  	s3 =	rddreg [dreg:$0x2];
	[bflag:$0x3] =	sbarrier.arrive $0xFFFF;
	s2 =	simm.s32 @!p0 $0x1C02  }
0x60: {  	[timem:s3], [sflag:s2] =	dma.local @!p0 [hbm:s0], s1  }
0x61: {  	s0 =	simm.s32 @!p0 $0x2  }
0x62: {  	_ =	swait.ge @!p0 [sflag:s0], s1  }
0x63: {  	s1 =	ssub.s32 @!p0 $0x0, s1;
	[sflag:s0] =	ssyncset.done @!p0 $0x0  }
0x64: {  	[sflag:s0] =	ssyncadd.s32 @!p0 s1  }
0x65: {  	[bflag:$0x3] =	sbarrier.arrive $0xFFFF  }
0x66: {  	_ =	shalt  }

// kernel: kernel.42.cloned.1.call-start
scs
__scs_entry_jumppad:
0x0: {  	(pc) =	sbr.rel $0x88, $3  }
0x1: {  	(tag) =	ssettag $0x0;
	lr =	simm.s32 $0x1  }
0x2: {  	[smem:$0x3F7F] =	sst lr;
	_ =	strace $0xD0000000  }
0x3: {  	_ = 	snop  }
0x4: {  	_ = 	snop  }
0x5: {  	_ = 	snop  }
0x6: {  	_ = 	snop  }
0x7: {  	_ = 	snop  }
__scs_overlays_trampoline_lowered:
0x8: {  	[smem:$0x3F8E] =	sst s0  }
0x9: {  	[smem:$0x3F8F] =	sst s1  }
0xa: {  	[smem:$0x3F90] =	sst s2  }
0xb: {  	[smem:$0x3F91] =	sst s3  }
0xc: {  	[smem:$0x3F92] =	sst s4  }
0xd: {  	[smem:$0x3F93] =	sst s5  }
0xe: {  	[smem:$0x3F94] =	sst s6  }
0xf: {  	[smem:$0x3F95] =	sst s7  }
0x10: {  	[smem:$0x3F96] =	sst s8  }
0x11: {  	[smem:$0x3F97] =	sst s9;
	s0 =	simm.s32 @!p0 $0x0  }
0x12: {  	s1 =	sld [smem:$0x3F7D];
	s0 =	simm.s32 @p0 $0x1  }
0x13: {  	[smem:$0x3F98] =	sst s0;
	s0 =	simm.s32 @!p1 $0x0  }
0x14: {  	s2 =	sld [smem:$0x3F7C];
	s0 =	simm.s32 @p1 $0x1  }
0x15: {  	[smem:$0x3F99] =	sst s0;
	s0 =	simm.s32 @!p2 $0x0  }
0x16: {  	s3 =	sld [smem:$0x3FDB];
	s0 =	simm.s32 @p2 $0x1  }
0x17: {  	s4 =	simm.s32 $0x1BF5;
	[smem:$0x3F9B] =	sst s0  }
0x18: {  	s0 =	sld [smem:$0x3F7E];
	_ =	swait.ge [sflag:s4], $0x0  }
0x19: {  	s7 =	sld [smem:$0x3F7F]  }
0x1a: {  	s8 =	sadd.s32 $0xFFFFE003, lr  }
0x1b: {  	s9 =	sadd.s32 $0xFFFFFEF7, lr;
	s5 =	simm.s32 $0xFFFFFFFF;
	p2 =	slt.u32 s8, $0xFFFFF086  }
0x1c: {  	p1 =	slt.u32 s9, $0xF7A;
	s5 =	simm.s32 @!p2 $0x0  }
0x1d: {  	s5 =	simm.s32 @p1 $0x1;
	p0 =	seq.s32 s7, s2  }
0x1e: {  	s7 =	smul.u32 @!p0 $0xF7A, s2;
	p2 =	seq.s32 @!p0 s5, $0x0  }
0x1f: {  	s9 =	smul.u32 $0xF7A, s1;
	s8 =	simm.s32 @!p0 $0x1BF5;
	p2 =	por !p2, p0  }
0x20: {  	[sflag:s8] =	ssyncset.s32 @!p0 $0xFFFFF086;
	s6 =	sadd.s32 @!p0 s3, s7;
	s7 =	simm.s32 @!p0 $0x108  }
0x21: {  	s3 =	sadd.s32 s3, s9;
	s6 =	sadd.s32 @!p0 $0x88, s6;
	s7 =	simm.s32 @p2 $0x1082  }
0x22: {  	[simem:s7], [sflag:s8] =	dma.local @!p0 [hbm:s6], $0xF7A  }
0x23: {  	s9 =	sor.u32 $0xD0000000, s2;
	s6 =	simm.s32 $0x108;
	_ =	swait.ge @!p0 [sflag:s8], $0x0  }
0x24: {  	s3 =	sadd.s32 $0x88, s3;
	s6 =	simm.s32 @!p1 $0x1082;
	[sflag:s4] =	ssyncset.s32 $0xFFFFF086  }
0x25: {  	[simem:s6], [sflag:s4] =	dma.local [hbm:s3], $0xF7A  }
0x26: {  	[smem:$0x3F7F] =	sst s1;
	(tag) =	ssettag s2;
	_ =	strace s9  }
0x27: {  	s1 =	sld [smem:$0x3F8F]  }
0x28: {  	s2 =	sld [smem:$0x3F90]  }
0x29: {  	s4 =	sld [smem:$0x3F92]  }
0x2a: {  	p0 =	seq.s32 s5, $0x0;
	s5 =	sld [smem:$0x3F93]  }
0x2b: {  	s6 =	sld [smem:$0x3F94]  }
0x2c: {  	s7 =	sld [smem:$0x3F95]  }
0x2d: {  	s3 =	simm.s32 $0x108;
	s8 =	sld [smem:$0x3F96]  }
0x2e: {  	s3 =	simm.s32 @!p0 $0x1082;
	s9 =	sld [smem:$0x3F97]  }
0x2f: {  	lr =	sadd.s32 s0, s3;
	s0 =	sld [smem:$0x3F8E]  }
0x30: {  	s3 =	sld [smem:$0x3F91]  }
0x31: {  	[smem:$0x3F9A] =	sst s10  }
0x32: {  	s10 =	sld [smem:$0x3F98];
	_ =	sdelay $0x3  }
0x33: {  	p0 =	seq.s32 s10, $0x1;
	s10 =	sld [smem:$0x3F9A];
	_ =	sdelay $0x3  }
0x34: {  	[smem:$0x3F9A] =	sst s10  }
0x35: {  	s10 =	sld [smem:$0x3F99];
	_ =	sdelay $0x3  }
0x36: {  	p1 =	seq.s32 s10, $0x1;
	s10 =	sld [smem:$0x3F9A];
	_ =	sdelay $0x3  }
0x37: {  	[smem:$0x3F9A] =	sst s10  }
0x38: {  	s10 =	sld [smem:$0x3F9B]  }
0x39: {  	_ = 	snop;
	(pc) =	sbr.ind lr, $3  }
0x3a: {  	_ = 	snop  }
0x3b: {  	_ = 	snop  }
0x3c: {  	p2 =	seq.s32 s10, $0x1;
	s10 =	sld [smem:$0x3F9A]  }
0x3d: {  	_ =	shalt  }
0x3e: {  	_ =	shalt  }
0x3f: {  	_ =	shalt  }
0x40: {  	_ =	shalt  }
0x41: {  	_ =	shalt  }
0x42: {  	_ =	shalt  }
0x43: {  	_ =	shalt  }
0x44: {  	_ =	shalt  }
0x45: {  	_ =	shalt  }
0x46: {  	_ =	shalt  }
0x47: {  	_ =	shalt  }
0x48: {  	_ =	shalt  }
0x49: {  	_ =	shalt  }
0x4a: {  	_ =	shalt  }
0x4b: {  	_ =	shalt  }
0x4c: {  	_ =	shalt  }
0x4d: {  	_ =	shalt  }
0x4e: {  	_ =	shalt  }
0x4f: {  	_ =	shalt  }
0x50: {  	_ =	shalt  }
0x51: {  	_ =	shalt  }
0x52: {  	_ =	shalt  }
0x53: {  	_ =	shalt  }
0x54: {  	_ =	shalt  }
0x55: {  	_ =	shalt  }
0x56: {  	_ =	shalt  }
0x57: {  	_ =	shalt  }
0x58: {  	_ =	shalt  }
0x59: {  	_ =	shalt  }
0x5a: {  	_ =	shalt  }
0x5b: {  	_ =	shalt  }
0x5c: {  	_ =	shalt  }
0x5d: {  	_ =	shalt  }
0x5e: {  	_ =	shalt  }
0x5f: {  	_ =	shalt  }
0x60: {  	_ =	shalt  }
0x61: {  	_ =	shalt  }
0x62: {  	_ =	shalt  }
0x63: {  	_ =	shalt  }
0x64: {  	_ =	shalt  }
0x65: {  	_ =	shalt  }
0x66: {  	_ =	shalt  }
0x67: {  	_ =	shalt  }
0x68: {  	_ =	shalt  }
0x69: {  	_ =	shalt  }
0x6a: {  	_ =	shalt  }
0x6b: {  	_ =	shalt  }
0x6c: {  	_ =	shalt  }
0x6d: {  	_ =	shalt  }
0x6e: {  	_ =	shalt  }
0x6f: {  	_ =	shalt  }
0x70: {  	_ =	shalt  }
0x71: {  	_ =	shalt  }
0x72: {  	_ =	shalt  }
0x73: {  	_ =	shalt  }
0x74: {  	_ =	shalt  }
0x75: {  	_ =	shalt  }
0x76: {  	_ =	shalt  }
0x77: {  	_ =	shalt  }
0x78: {  	_ =	shalt  }
0x79: {  	_ =	shalt  }
0x7a: {  	_ =	shalt  }
0x7b: {  	_ =	shalt  }
0x7c: {  	_ =	shalt  }
0x7d: {  	_ =	shalt  }
0x7e: {  	_ =	shalt  }
0x7f: {  	_ =	shalt  }
0x80: {  	_ =	shalt  }
0x81: {  	_ =	shalt  }
0x82: {  	_ =	shalt  }
0x83: {  	_ =	shalt  }
0x84: {  	_ =	shalt  }
0x85: {  	_ =	shalt  }
0x86: {  	_ =	shalt  }
0x87: {  	_ =	shalt  }
.Lfunc_end0:
.L_simem_size_0:
called_computation.5_lowered:
.L_overlay_start_0:
0x88: {  	s2 =	sld [smem:$0x3FD9]  }
0x89: {  	s3 =	sld [smem:$0x3FFE];
	_ =	sdelay $0x1  }
0x8a: {  	s1 =	srdreg.scid  }
0x8b: {  	s0 =	sand.u32 $0x1, s1  }
0x8c: {  	s17 =	sshll.u32 s0, $0xA;
	s2 =	sadd.s32 s3, s2  }
0x8d: {  	s2 =	sadd.s32 s2, s17  }
0x8e: {  	[smem:$0x3FA6] =	sst s2  }
0x8f: {  	_ = 	snop  }
0x90: {  	s2 =	sld [smem:$0x3FD0];
	(tm) =	ssettm $0x1  }
0x91: {  	s18 =	sld [smem:$0x3FFB];
	_ =	sdelay $0x3  }
0x92: {  	_ =	strace s18  }
0x93: {  	s3 =	sld [smem:$0x3FFC];
	_ =	sdelay $0x3  }
0x94: {  	_ =	strace s3  }
0x95: {  	s3 =	sld [smem:$0x3FFD];
	_ =	sdelay $0x3  }
0x96: {  	_ =	strace s3  }
0x97: {  	_ =	strace $0x8FFFFFFF  }
0x98: {  	s19 =	sld [smem:$0x3FDB];
	_ =	sdelay $0x1  }
0x99: {  	s4 =	simm.s32 $_scs_section_size  }
0x9a: {  	s5 =	simm.s32 $_size__tile_overlayer_lowered;
	s6 =	simm.s32 $_tile_overlayer_lowered  }
0x9b: {  	s22 =	simm.s32 $0x1BFF;
	s21 =	sshll.u32 s6, $0x1;
	s3 =	sadd.s32 s4, s19  }
0x9c: {  	s7 =	simm.s32 $0x0;
	s20 =	sshll.u32 s5, $0x1;
	s5 =	sadd.s32 s21, s3  }
0x9d: {  	[timem:s7], [sflag:s22] =	dma.local [hbm:s5], s20  }
0x9e: {  	_ =	swait.ge [sflag:s22], s20  }
0x9f: {  	s4 =	ssub.s32 $0x0, s20;
	[sflag:s22] =	ssyncset.done $0x0  }
0xa0: {  	[sflag:s22] =	ssyncadd.s32 s4;
	_ =	sdelay $0x1  }
0xa1: {  	s23 =	simm.s32 $0x1B8B  }
0xa2: {  	_ =	swait.ge [sflag:s23], $0x1  }
0xa3: {  	[sflag:s23] =	ssyncset.done $0x0  }
0xa4: {  	s25 =	simm.s32 $0x1B8E;
	s24 =	sld [smem:$0x3FFE];
	[sflag:s23] =	ssyncadd.s32 $0xFFFFFFFF  }
0xa5: {  	s26 =	simm.s32 $execute0_lowered;
	[smem:$0x3FD2] =	sst s25  }
0xa6: {  	s5 =	sshll.u32 s26, $0x1;
	_ =	strace $0x80000055;
	[dreg:$0x1] =	wrdreg $0xFFFFFFFF  }
0xa7: {  	s28 =	simm.s32 $_size_execute0_lowered;
	s3 =	sadd.s32 s3, s5;
	[dreg:$0x0] =	wrdreg $0x0  }
0xa8: {  	s5 =	sshll.u32 s28, $0x1;
	[dreg:$0x2] =	wrdreg s3  }
0xa9: {  	[dreg:$0x3] =	wrdreg s5  }
0xaa: {  	[dreg:$0x4] =	wrdreg $0xC0  }
0xab: {  	_ =	task [dreg:s7], $0x5FFFF  }
0xac: {  	[dreg:$0x1] =	wrdreg $0xFFFFFFFF  }
0xad: {  	[dreg:$0x0] =	wrdreg $0x60  }
0xae: {  	[dreg:$0x2] =	wrdreg s24  }
0xaf: {  	[dreg:$0x3] =	wrdreg s2  }
0xb0: {  	[dreg:$0x4] =	wrdreg $0x9  }
0xb1: {  	_ =	task.clear_ibuf [dreg:s7], $0x5FFFF;
	_ =	strace $0x90000055  }
0xb2: {  	s29 =	simm.s32 $0x9;
	_ =	strace $0x80000057  }
0xb3: {  	_ =	swait.ge [sflag:s29], $0x1  }
0xb4: {  	[sflag:s29] =	ssyncadd.s32 $0xFFFFFFFF  }
0xb5: {  	_ =	strace $0x90000057  }
0xb6: {  	_ =	sfence  }
0xb7: {  	s30 =	sld [smem:$0x0];
	_ =	sdelay $0x2  }
0xb8: {  	s31 =	sshll.u32 s1, $0xD;
	s1 =	sshrl.u32 s1, $0x2  }
0xb9: {  	s3 =	sand.u32 $0x4000, s31;
	s1 =	sadd.s32 s1, s30  }
0xba: {  	s0 =	sor.u32 s3, s0;
	s1 =	sshll.u32 s1, $0x11  }
0xbb: {  	s0 =	sor.u32 s1, s0  }
0xbc: {  	s0 =	sadd.s32 $0x8F2B, s0  }
0xbd: {  	[sflag:s0] =	ssyncadd.remote.s32 $0x1  }
0xbe: {  	_ =	sfence.sel $0xFFFF  }
0xbf: {  	[dreg:$0x0] =	wrdreg $0xFFFFFFFF;
	(pc) =	sbr.abs _section_cstart, $3  }
0xc0: {  	[dreg:$0x1] =	wrdreg $0xFFFFFFFF  }
0xc1: {  	_ =	task.clear_ibuf [dreg:s7], $0x2FFFF;
	_ =	strace $0x9FFFFFFF  }
0xc2: {  	(tm) =	ssettm $0x7FFFFFFF  }
0xc3: {  	_ =	shalt  }
tec
execute0_lowered:
.L_overlay_start_1:
0x0: {  	(tag) =	ssettag $0x1  }
0x1: {  	s5 =	rddreg [dreg:$0x0]  }
0x2: {  	s4 =	rddreg [dreg:$0x1]  }
0x3: {  	s0 =	rddreg [dreg:$0x2];
	s2 =	simm.s32 $0x0;
	s3 =	srdreg.scid  }
0x4: {  	s1 =	stileid.u32;
	s10 =	simm.s32 $0x880;
	s11 =	simm.s32 $0x1080  }
0x5: {  	s12 =	simm.s32 $0x1880;
	s13 =	simm.s32 $0x2080;
	s14 =	simm.s32 $0x2880  }
0x6: {  	s15 =	simm.s32 $0x3080;
	s16 =	simm.s32 $0x3880;
	s17 =	simm.s32 $0x4080  }
0x7: {  	s18 =	simm.s32 $0x4880;
	s19 =	simm.s32 $0x5080;
	s20 =	simm.s32 $0x5880  }
0x8: {  	s21 =	simm.s32 $0x6080;
	s22 =	simm.s32 $0x6880;
	s23 =	simm.s32 $0x7080  }
0x9: {  	s24 =	simm.s32 $0x7880;
	s25 =	simm.s32 $0x1;
	s6 =	sand.u32 $0x1, s3  }
0xa: {  	[smem:$0x7FF] =	sst s2;
	s7 =	sshll.u32 s1, $0x7;
	s8 =	sshll.u32 s6, $0x6  }
0xb: {  	s3 =	sadd.s32 $0xF0800, s5;
	s6 =	ssub.s32 $0x2, s6;
	s7 =	sor.u32 s8, s7  }
0xc: {  	_ =	strace $0x80000056;
	s9 =	sshrl.u32 s6, $0x1;
	s8 =	sshll.u32 s7, $0x6  }
0xd: {  	v2 =	vlaneseq.u32;
	s7 =	sshrl.u32 s7, $0x3;
	s9 =	ssub.s32 s6, s9;
	s8 =	sadd.s32 s8, s5  }
0xe: {  	vm0 =	vmmov $0xffff;
	v1 =	vshrl.u32 v2, $0x3;
	s4 =	sadd.s32 s4, s7;
	s5 =	sadd.s32 $0xF0900, s5;
	s7 =	smax.u32 s9, $0x1  }
0xf: {  	v0 =	vand.u32 $0x7, v2;
	v2 =	vor.u32 $0x8, v2;
	v1 =	vmul.u32 $0x8, v1;
	s9 =	simm.s32 $0x80;
	s6 =	sadd.s32 $0x63A00, s8;
	s8 =	simm.s32 $0x2  }
.LBB2_1:
0x10: {  	[tilespmem:s2], [sflag:$0x2] =	stream.linear.gather [hbm4b:s4+s2], $0x40, $0x38;
	[tilespmem:$0x8080] =	vst v63  }
0x11: {  	_ =	swait.ge [sflag:s8], $0x40  }
0x12: {  	[sflag:s8] =	ssyncset.done $0x0  }
0x13: {  	[sflag:s8] =	ssyncadd.s32 $0xFFFFFFC0  }
0x14: {  	v3 =	vld [tilespmem:$0x0];
	_ =	sdelay $0x4  }
0x15: {  	v4 =	vshll.u32 v3, $0x2  }
0x16: {  	v3 =	vand.u32 $0x7, v3;
	v4 =	vand.u32 $0xFFFFFFE0, v4  }
0x17: {  	v3 =	vor.u32 v3, v4  }
0x18: {  	v4 =	vperm.xlane v3, v0;
	_ =	sdelay $0x1  }
0x19: {  	v4 =	vadd.s32 v1, v4;
	_ =	sdelay $0x1  }
0x1a: {  	v3 =	vperm.xlane v3, v2;
	_ =	sdelay $0x1  }
0x1b: {  	v3 =	vadd.s32 v1, v3  }
0x1c: {  	[tilespmem:s9], [sflag:$0x1] =	stream.indirect_vreg.gather [hbm4b:s3+s2], $0x80, v4, vm0, $0xb8;
	[tilespmem:$0x8080] =	vst v63  }
0x1d: {  	_ = 	snop  }
0x1e: {  	[tilespmem:s10], [sflag:$0x1] =	stream.indirect_vreg.gather [hbm4b:s5+s2], $0x80, v4, vm0, $0xb8;
	[tilespmem:$0x8080] =	vst v63  }
0x1f: {  	_ = 	snop  }
0x20: {  	[tilespmem:s11], [sflag:$0x1] =	stream.indirect_vreg.gather [hbm4b:s3+s2], $0x80, v3, vm0, $0xb8;
	[tilespmem:$0x8080] =	vst v63  }
0x21: {  	_ = 	snop  }
0x22: {  	[tilespmem:s12], [sflag:$0x1] =	stream.indirect_vreg.gather [hbm4b:s5+s2], $0x80, v3, vm0, $0xb8;
	[tilespmem:$0x8080] =	vst v63  }
0x23: {  	v3 =	vld [tilespmem:$0x10];
	_ =	sdelay $0x4  }
0x24: {  	v61 =	vshll.u32 v3, $0x2  }
0x25: {  	v3 =	vand.u32 $0x7, v3;
	v4 =	vand.u32 $0xFFFFFFE0, v61  }
0x26: {  	v3 =	vor.u32 v3, v4  }
0x27: {  	v4 =	vperm.xlane v3, v0;
	_ =	sdelay $0x1  }
0x28: {  	v4 =	vadd.s32 v1, v4;
	_ =	sdelay $0x1  }
0x29: {  	v3 =	vperm.xlane v3, v2;
	_ =	sdelay $0x1  }
0x2a: {  	v3 =	vadd.s32 v1, v3  }
0x2b: {  	[tilespmem:s13], [sflag:$0x1] =	stream.indirect_vreg.gather [hbm4b:s3+s2], $0x80, v4, vm0, $0xb8;
	[tilespmem:$0x8080] =	vst v63  }
0x2c: {  	_ = 	snop  }
0x2d: {  	[tilespmem:s14], [sflag:$0x1] =	stream.indirect_vreg.gather [hbm4b:s5+s2], $0x80, v4, vm0, $0xb8;
	[tilespmem:$0x8080] =	vst v63  }
0x2e: {  	_ = 	snop  }
0x2f: {  	[tilespmem:s15], [sflag:$0x1] =	stream.indirect_vreg.gather [hbm4b:s3+s2], $0x80, v3, vm0, $0xb8;
	[tilespmem:$0x8080] =	vst v63  }
0x30: {  	_ = 	snop  }
0x31: {  	[tilespmem:s16], [sflag:$0x1] =	stream.indirect_vreg.gather [hbm4b:s5+s2], $0x80, v3, vm0, $0xb8;
	[tilespmem:$0x8080] =	vst v63  }
0x32: {  	v3 =	vld [tilespmem:$0x20];
	_ =	sdelay $0x4  }
0x33: {  	v62 =	vshll.u32 v3, $0x2  }
0x34: {  	v3 =	vand.u32 $0x7, v3;
	v4 =	vand.u32 $0xFFFFFFE0, v62  }
0x35: {  	v3 =	vor.u32 v3, v4  }
0x36: {  	v4 =	vperm.xlane v3, v0;
	_ =	sdelay $0x1  }
0x37: {  	v4 =	vadd.s32 v1, v4;
	_ =	sdelay $0x1  }
0x38: {  	v3 =	vperm.xlane v3, v2;
	_ =	sdelay $0x1  }
0x39: {  	v3 =	vadd.s32 v1, v3  }
0x3a: {  	[tilespmem:s17], [sflag:$0x1] =	stream.indirect_vreg.gather [hbm4b:s3+s2], $0x80, v4, vm0, $0xb8;
	[tilespmem:$0x8080] =	vst v63  }
0x3b: {  	_ = 	snop  }
0x3c: {  	[tilespmem:s18], [sflag:$0x1] =	stream.indirect_vreg.gather [hbm4b:s5+s2], $0x80, v4, vm0, $0xb8;
	[tilespmem:$0x8080] =	vst v63  }
0x3d: {  	_ = 	snop  }
0x3e: {  	[tilespmem:s19], [sflag:$0x1] =	stream.indirect_vreg.gather [hbm4b:s3+s2], $0x80, v3, vm0, $0xb8;
	[tilespmem:$0x8080] =	vst v63  }
0x3f: {  	_ = 	snop  }
0x40: {  	[tilespmem:s20], [sflag:$0x1] =	stream.indirect_vreg.gather [hbm4b:s5+s2], $0x80, v3, vm0, $0xb8;
	[tilespmem:$0x8080] =	vst v63  }
0x41: {  	v3 =	vld [tilespmem:$0x30];
	_ =	sdelay $0x4  }
0x42: {  	v63 =	vshll.u32 v3, $0x2  }
0x43: {  	v3 =	vand.u32 $0x7, v3;
	v4 =	vand.u32 $0xFFFFFFE0, v63  }
0x44: {  	v3 =	vor.u32 v3, v4  }
0x45: {  	v4 =	vperm.xlane v3, v0;
	_ =	sdelay $0x1  }
0x46: {  	v4 =	vadd.s32 v1, v4;
	_ =	sdelay $0x1  }
0x47: {  	v3 =	vperm.xlane v3, v2;
	_ =	sdelay $0x1  }
0x48: {  	v3 =	vadd.s32 v1, v3  }
0x49: {  	[tilespmem:s21], [sflag:$0x1] =	stream.indirect_vreg.gather [hbm4b:s3+s2], $0x80, v4, vm0, $0xb8;
	[tilespmem:$0x8080] =	vst v63  }
0x4a: {  	_ = 	snop  }
0x4b: {  	[tilespmem:s22], [sflag:$0x1] =	stream.indirect_vreg.gather [hbm4b:s5+s2], $0x80, v4, vm0, $0xb8;
	[tilespmem:$0x8080] =	vst v63  }
0x4c: {  	_ = 	snop  }
0x4d: {  	[tilespmem:s23], [sflag:$0x1] =	stream.indirect_vreg.gather [hbm4b:s3+s2], $0x80, v3, vm0, $0xb8;
	[tilespmem:$0x8080] =	vst v63  }
0x4e: {  	_ = 	snop  }
0x4f: {  	[tilespmem:s24], [sflag:$0x1] =	stream.indirect_vreg.gather [hbm4b:s5+s2], $0x80, v3, vm0, $0xb8;
	[tilespmem:$0x8080] =	vst v63  }
0x50: {  	_ =	swait.ge [sflag:s25], $0x8000  }
0x51: {  	p0 =	sne.s32 s7, $0x1;
	[sflag:s25] =	ssyncset.done $0x0  }
.Ltmp0:
0x52: {  	[sflag:s25] =	ssyncadd.s32 $0xFFFF8000;
	(pc) =	sbr.rel @p0 .LBB2_1-.Ltmp0, $4  }
0x53: {  	[hbm4b:s6+s2] =	stream.linear.scatter [tilespmem:s9], [sflag:$0x2], $0x8000, $0x38;
	[tilespmem:$0x8080] =	vst v63  }
0x54: {  	_ =	swait.ge [sflag:s8], $0x8000  }
0x55: {  	[sflag:s8] =	ssyncset.done $0x0  }
0x56: {  	s7 =	sadd.s32 $0xFFFFFFFF, s7;
	[sflag:s8] =	ssyncadd.s32 $0xFFFF8000  }
0x57: {  	_ =	sfence.sel $0x180000  }
0x58: {  	[bflag:$0x0] =	sbarrier.arrive $0xFFFF  }
0x59: {  	p0 =	sne.s32 s1, $0x0;
	_ =	strace $0x90000056  }
0x5a: {  	s0 =	sadd.s32 @!p0 $0x100000, s0;
	[bflag:$0x2] =	sbarrier.arrive $0xFFFF  }
0x5b: {  	[sflag:s0] =	ssyncadd.tile.s32 @!p0 $0x1;
	_ =	shalt  }
.Lfunc_end2:
_tile_overlayer_lowered:
.L_overlay_start_2:
0x5c: {  	(tag) =	ssettag $0x2  }
0x5d: {  	s0 =	rddreg [dreg:$0x0];
	s2 =	stileid.u32  }
0x5e: {  	s1 =	rddreg [dreg:$0x1];
	p0 =	sne.s32 s2, $0x0  }
0x5f: {  	s3 =	rddreg [dreg:$0x2];
	[bflag:$0x3] =	sbarrier.arrive $0xFFFF;
	s2 =	simm.s32 @!p0 $0x1C02  }
0x60: {  	[timem:s3], [sflag:s2] =	dma.local @!p0 [hbm:s0], s1  }
0x61: {  	s0 =	simm.s32 @!p0 $0x2  }
0x62: {  	_ =	swait.ge @!p0 [sflag:s0], s1  }
0x63: {  	s1 =	ssub.s32 @!p0 $0x0, s1;
	[sflag:s0] =	ssyncset.done @!p0 $0x0  }
0x64: {  	[sflag:s0] =	ssyncadd.s32 @!p0 s1  }
0x65: {  	[bflag:$0x3] =	sbarrier.arrive $0xFFFF  }
0x66: {  	_ =	shalt  }

// kernel: kernel.45.cloned.1.call-start
scs
__scs_entry_jumppad:
0x0: {  	(pc) =	sbr.rel $0x88, $3  }
0x1: {  	(tag) =	ssettag $0x0;
	lr =	simm.s32 $0x1  }
0x2: {  	[smem:$0x3F7F] =	sst lr;
	_ =	strace $0xD0000000  }
0x3: {  	_ = 	snop  }
0x4: {  	_ = 	snop  }
0x5: {  	_ = 	snop  }
0x6: {  	_ = 	snop  }
0x7: {  	_ = 	snop  }
__scs_overlays_trampoline_lowered:
0x8: {  	[smem:$0x3F8E] =	sst s0  }
0x9: {  	[smem:$0x3F8F] =	sst s1  }
0xa: {  	[smem:$0x3F90] =	sst s2  }
0xb: {  	[smem:$0x3F91] =	sst s3  }
0xc: {  	[smem:$0x3F92] =	sst s4  }
0xd: {  	[smem:$0x3F93] =	sst s5  }
0xe: {  	[smem:$0x3F94] =	sst s6  }
0xf: {  	[smem:$0x3F95] =	sst s7  }
0x10: {  	[smem:$0x3F96] =	sst s8  }
0x11: {  	[smem:$0x3F97] =	sst s9;
	s0 =	simm.s32 @!p0 $0x0  }
0x12: {  	s1 =	sld [smem:$0x3F7D];
	s0 =	simm.s32 @p0 $0x1  }
0x13: {  	[smem:$0x3F98] =	sst s0;
	s0 =	simm.s32 @!p1 $0x0  }
0x14: {  	s2 =	sld [smem:$0x3F7C];
	s0 =	simm.s32 @p1 $0x1  }
0x15: {  	[smem:$0x3F99] =	sst s0;
	s0 =	simm.s32 @!p2 $0x0  }
0x16: {  	s3 =	sld [smem:$0x3FDB];
	s0 =	simm.s32 @p2 $0x1  }
0x17: {  	s4 =	simm.s32 $0x1BF5;
	[smem:$0x3F9B] =	sst s0  }
0x18: {  	s0 =	sld [smem:$0x3F7E];
	_ =	swait.ge [sflag:s4], $0x0  }
0x19: {  	s7 =	sld [smem:$0x3F7F]  }
0x1a: {  	s8 =	sadd.s32 $0xFFFFE003, lr  }
0x1b: {  	s9 =	sadd.s32 $0xFFFFFEF7, lr;
	s5 =	simm.s32 $0xFFFFFFFF;
	p2 =	slt.u32 s8, $0xFFFFF086  }
0x1c: {  	p1 =	slt.u32 s9, $0xF7A;
	s5 =	simm.s32 @!p2 $0x0  }
0x1d: {  	s5 =	simm.s32 @p1 $0x1;
	p0 =	seq.s32 s7, s2  }
0x1e: {  	s7 =	smul.u32 @!p0 $0xF7A, s2;
	p2 =	seq.s32 @!p0 s5, $0x0  }
0x1f: {  	s9 =	smul.u32 $0xF7A, s1;
	s8 =	simm.s32 @!p0 $0x1BF5;
	p2 =	por !p2, p0  }
0x20: {  	[sflag:s8] =	ssyncset.s32 @!p0 $0xFFFFF086;
	s6 =	sadd.s32 @!p0 s3, s7;
	s7 =	simm.s32 @!p0 $0x108  }
0x21: {  	s3 =	sadd.s32 s3, s9;
	s6 =	sadd.s32 @!p0 $0x88, s6;
	s7 =	simm.s32 @p2 $0x1082  }
0x22: {  	[simem:s7], [sflag:s8] =	dma.local @!p0 [hbm:s6], $0xF7A  }
0x23: {  	s9 =	sor.u32 $0xD0000000, s2;
	s6 =	simm.s32 $0x108;
	_ =	swait.ge @!p0 [sflag:s8], $0x0  }
0x24: {  	s3 =	sadd.s32 $0x88, s3;
	s6 =	simm.s32 @!p1 $0x1082;
	[sflag:s4] =	ssyncset.s32 $0xFFFFF086  }
0x25: {  	[simem:s6], [sflag:s4] =	dma.local [hbm:s3], $0xF7A  }
0x26: {  	[smem:$0x3F7F] =	sst s1;
	(tag) =	ssettag s2;
	_ =	strace s9  }
0x27: {  	s1 =	sld [smem:$0x3F8F]  }
0x28: {  	s2 =	sld [smem:$0x3F90]  }
0x29: {  	s4 =	sld [smem:$0x3F92]  }
0x2a: {  	p0 =	seq.s32 s5, $0x0;
	s5 =	sld [smem:$0x3F93]  }
0x2b: {  	s6 =	sld [smem:$0x3F94]  }
0x2c: {  	s7 =	sld [smem:$0x3F95]  }
0x2d: {  	s3 =	simm.s32 $0x108;
	s8 =	sld [smem:$0x3F96]  }
0x2e: {  	s3 =	simm.s32 @!p0 $0x1082;
	s9 =	sld [smem:$0x3F97]  }
0x2f: {  	lr =	sadd.s32 s0, s3;
	s0 =	sld [smem:$0x3F8E]  }
0x30: {  	s3 =	sld [smem:$0x3F91]  }
0x31: {  	[smem:$0x3F9A] =	sst s10  }
0x32: {  	s10 =	sld [smem:$0x3F98];
	_ =	sdelay $0x3  }
0x33: {  	p0 =	seq.s32 s10, $0x1;
	s10 =	sld [smem:$0x3F9A];
	_ =	sdelay $0x3  }
0x34: {  	[smem:$0x3F9A] =	sst s10  }
0x35: {  	s10 =	sld [smem:$0x3F99];
	_ =	sdelay $0x3  }
0x36: {  	p1 =	seq.s32 s10, $0x1;
	s10 =	sld [smem:$0x3F9A];
	_ =	sdelay $0x3  }
0x37: {  	[smem:$0x3F9A] =	sst s10  }
0x38: {  	s10 =	sld [smem:$0x3F9B]  }
0x39: {  	_ = 	snop;
	(pc) =	sbr.ind lr, $3  }
0x3a: {  	_ = 	snop  }
0x3b: {  	_ = 	snop  }
0x3c: {  	p2 =	seq.s32 s10, $0x1;
	s10 =	sld [smem:$0x3F9A]  }
0x3d: {  	_ =	shalt  }
0x3e: {  	_ =	shalt  }
0x3f: {  	_ =	shalt  }
0x40: {  	_ =	shalt  }
0x41: {  	_ =	shalt  }
0x42: {  	_ =	shalt  }
0x43: {  	_ =	shalt  }
0x44: {  	_ =	shalt  }
0x45: {  	_ =	shalt  }
0x46: {  	_ =	shalt  }
0x47: {  	_ =	shalt  }
0x48: {  	_ =	shalt  }
0x49: {  	_ =	shalt  }
0x4a: {  	_ =	shalt  }
0x4b: {  	_ =	shalt  }
0x4c: {  	_ =	shalt  }
0x4d: {  	_ =	shalt  }
0x4e: {  	_ =	shalt  }
0x4f: {  	_ =	shalt  }
0x50: {  	_ =	shalt  }
0x51: {  	_ =	shalt  }
0x52: {  	_ =	shalt  }
0x53: {  	_ =	shalt  }
0x54: {  	_ =	shalt  }
0x55: {  	_ =	shalt  }
0x56: {  	_ =	shalt  }
0x57: {  	_ =	shalt  }
0x58: {  	_ =	shalt  }
0x59: {  	_ =	shalt  }
0x5a: {  	_ =	shalt  }
0x5b: {  	_ =	shalt  }
0x5c: {  	_ =	shalt  }
0x5d: {  	_ =	shalt  }
0x5e: {  	_ =	shalt  }
0x5f: {  	_ =	shalt  }
0x60: {  	_ =	shalt  }
0x61: {  	_ =	shalt  }
0x62: {  	_ =	shalt  }
0x63: {  	_ =	shalt  }
0x64: {  	_ =	shalt  }
0x65: {  	_ =	shalt  }
0x66: {  	_ =	shalt  }
0x67: {  	_ =	shalt  }
0x68: {  	_ =	shalt  }
0x69: {  	_ =	shalt  }
0x6a: {  	_ =	shalt  }
0x6b: {  	_ =	shalt  }
0x6c: {  	_ =	shalt  }
0x6d: {  	_ =	shalt  }
0x6e: {  	_ =	shalt  }
0x6f: {  	_ =	shalt  }
0x70: {  	_ =	shalt  }
0x71: {  	_ =	shalt  }
0x72: {  	_ =	shalt  }
0x73: {  	_ =	shalt  }
0x74: {  	_ =	shalt  }
0x75: {  	_ =	shalt  }
0x76: {  	_ =	shalt  }
0x77: {  	_ =	shalt  }
0x78: {  	_ =	shalt  }
0x79: {  	_ =	shalt  }
0x7a: {  	_ =	shalt  }
0x7b: {  	_ =	shalt  }
0x7c: {  	_ =	shalt  }
0x7d: {  	_ =	shalt  }
0x7e: {  	_ =	shalt  }
0x7f: {  	_ =	shalt  }
0x80: {  	_ =	shalt  }
0x81: {  	_ =	shalt  }
0x82: {  	_ =	shalt  }
0x83: {  	_ =	shalt  }
0x84: {  	_ =	shalt  }
0x85: {  	_ =	shalt  }
0x86: {  	_ =	shalt  }
0x87: {  	_ =	shalt  }
.Lfunc_end0:
.L_simem_size_0:
called_computation.6_lowered:
.L_overlay_start_0:
0x88: {  	s2 =	sld [smem:$0x3FD9]  }
0x89: {  	s3 =	sld [smem:$0x3FFE];
	_ =	sdelay $0x1  }
0x8a: {  	s1 =	srdreg.scid  }
0x8b: {  	s0 =	sand.u32 $0x1, s1  }
0x8c: {  	s17 =	sshll.u32 s0, $0xA;
	s2 =	sadd.s32 s3, s2  }
0x8d: {  	s2 =	sadd.s32 s2, s17  }
0x8e: {  	[smem:$0x3FA6] =	sst s2  }
0x8f: {  	_ = 	snop  }
0x90: {  	s2 =	sld [smem:$0x3FD0];
	(tm) =	ssettm $0x1  }
0x91: {  	s18 =	sld [smem:$0x3FFB];
	_ =	sdelay $0x3  }
0x92: {  	_ =	strace s18  }
0x93: {  	s3 =	sld [smem:$0x3FFC];
	_ =	sdelay $0x3  }
0x94: {  	_ =	strace s3  }
0x95: {  	s3 =	sld [smem:$0x3FFD];
	_ =	sdelay $0x3  }
0x96: {  	_ =	strace s3  }
0x97: {  	_ =	strace $0x8FFFFFFF  }
0x98: {  	s19 =	sld [smem:$0x3FDB];
	_ =	sdelay $0x1  }
0x99: {  	s4 =	simm.s32 $_scs_section_size  }
0x9a: {  	s5 =	simm.s32 $_size__tile_overlayer_lowered;
	s6 =	simm.s32 $_tile_overlayer_lowered  }
0x9b: {  	s22 =	simm.s32 $0x1BFF;
	s21 =	sshll.u32 s6, $0x1;
	s3 =	sadd.s32 s4, s19  }
0x9c: {  	s7 =	simm.s32 $0x0;
	s20 =	sshll.u32 s5, $0x1;
	s5 =	sadd.s32 s21, s3  }
0x9d: {  	[timem:s7], [sflag:s22] =	dma.local [hbm:s5], s20  }
0x9e: {  	_ =	swait.ge [sflag:s22], s20  }
0x9f: {  	s4 =	ssub.s32 $0x0, s20;
	[sflag:s22] =	ssyncset.done $0x0  }
0xa0: {  	[sflag:s22] =	ssyncadd.s32 s4;
	_ =	sdelay $0x1  }
0xa1: {  	s23 =	simm.s32 $0x1B8B  }
0xa2: {  	_ =	swait.ge [sflag:s23], $0x1  }
0xa3: {  	[sflag:s23] =	ssyncset.done $0x0  }
0xa4: {  	s25 =	simm.s32 $0x1B8E;
	s24 =	sld [smem:$0x3FFE];
	[sflag:s23] =	ssyncadd.s32 $0xFFFFFFFF  }
0xa5: {  	s26 =	simm.s32 $execute0_lowered;
	[smem:$0x3FD2] =	sst s25  }
0xa6: {  	s5 =	sshll.u32 s26, $0x1;
	_ =	strace $0x80000058;
	[dreg:$0x1] =	wrdreg $0xFFFFFFFF  }
0xa7: {  	s28 =	simm.s32 $_size_execute0_lowered;
	s3 =	sadd.s32 s3, s5;
	[dreg:$0x0] =	wrdreg $0x0  }
0xa8: {  	s5 =	sshll.u32 s28, $0x1;
	[dreg:$0x2] =	wrdreg s3  }
0xa9: {  	[dreg:$0x3] =	wrdreg s5  }
0xaa: {  	[dreg:$0x4] =	wrdreg $0xC0  }
0xab: {  	_ =	task [dreg:s7], $0x5FFFF  }
0xac: {  	[dreg:$0x1] =	wrdreg $0xFFFFFFFF  }
0xad: {  	[dreg:$0x0] =	wrdreg $0x60  }
0xae: {  	[dreg:$0x2] =	wrdreg s24  }
0xaf: {  	[dreg:$0x3] =	wrdreg s2  }
0xb0: {  	[dreg:$0x4] =	wrdreg $0x9  }
0xb1: {  	_ =	task.clear_ibuf [dreg:s7], $0x5FFFF;
	_ =	strace $0x90000058  }
0xb2: {  	s29 =	simm.s32 $0x9;
	_ =	strace $0x8000005A  }
0xb3: {  	_ =	swait.ge [sflag:s29], $0x1  }
0xb4: {  	[sflag:s29] =	ssyncadd.s32 $0xFFFFFFFF  }
0xb5: {  	_ =	strace $0x9000005A  }
0xb6: {  	_ =	sfence  }
0xb7: {  	s30 =	sld [smem:$0x0];
	_ =	sdelay $0x2  }
0xb8: {  	s31 =	sshll.u32 s1, $0xD;
	s1 =	sshrl.u32 s1, $0x2  }
0xb9: {  	s3 =	sand.u32 $0x4000, s31;
	s1 =	sadd.s32 s1, s30  }
0xba: {  	s0 =	sor.u32 s3, s0;
	s1 =	sshll.u32 s1, $0x11  }
0xbb: {  	s0 =	sor.u32 s1, s0  }
0xbc: {  	s0 =	sadd.s32 $0x8F2B, s0  }
0xbd: {  	[sflag:s0] =	ssyncadd.remote.s32 $0x1  }
0xbe: {  	_ =	sfence.sel $0xFFFF  }
0xbf: {  	[dreg:$0x0] =	wrdreg $0xFFFFFFFF;
	(pc) =	sbr.abs _section_cstart, $3  }
0xc0: {  	[dreg:$0x1] =	wrdreg $0xFFFFFFFF  }
0xc1: {  	_ =	task.clear_ibuf [dreg:s7], $0x2FFFF;
	_ =	strace $0x9FFFFFFF  }
0xc2: {  	(tm) =	ssettm $0x7FFFFFFF  }
0xc3: {  	_ =	shalt  }
tec
execute0_lowered:
.L_overlay_start_1:
0x0: {  	(tag) =	ssettag $0x1  }
0x1: {  	s1 =	srdreg.scid  }
0x2: {  	s6 =	rddreg [dreg:$0x0];
	s0 =	stileid.u32  }
0x3: {  	s4 =	rddreg [dreg:$0x1];
	s2 =	simm.s32 $0x0;
	s10 =	simm.s32 $0x880  }
0x4: {  	s11 =	simm.s32 $0x1080;
	s12 =	simm.s32 $0x1880;
	s13 =	simm.s32 $0x2080  }
0x5: {  	s14 =	simm.s32 $0x2880;
	s15 =	simm.s32 $0x3080;
	s16 =	simm.s32 $0x3880  }
0x6: {  	s17 =	simm.s32 $0x4080;
	s18 =	simm.s32 $0x4880;
	s19 =	simm.s32 $0x5080  }
0x7: {  	s20 =	simm.s32 $0x5880;
	s21 =	simm.s32 $0x6080;
	s22 =	simm.s32 $0x6880  }
0x8: {  	s23 =	simm.s32 $0x7080;
	s24 =	simm.s32 $0x7880;
	s25 =	simm.s32 $0x1  }
0x9: {  	s3 =	sand.u32 $0x1, s1;
	s5 =	sshll.u32 s0, $0x7;
	[smem:$0x7FF] =	sst s2  }
0xa: {  	s1 =	rddreg [dreg:$0x2];
	s7 =	sshll.u32 s3, $0x6;
	_ =	strace $0x80000059  }
0xb: {  	s8 =	ssub.s32 $0x2, s3;
	s3 =	sadd.s32 $0x98800, s6;
	s5 =	sor.u32 s7, s5  }
0xc: {  	s9 =	sshrl.u32 s8, $0x1;
	s7 =	sshll.u32 s5, $0x6;
	s5 =	sshrl.u32 s5, $0x3  }
0xd: {  	v2 =	vlaneseq.u32;
	s8 =	ssub.s32 s8, s9;
	s9 =	simm.s32 $0x80;
	s7 =	sand.u32 $0xF000, s7  }
0xe: {  	vm0 =	vmmov $0xffff;
	v1 =	vshrl.u32 v2, $0x3;
	s4 =	sadd.s32 s4, s5;
	s7 =	sadd.s32 s7, s6;
	s6 =	sadd.s32 $0x98900, s6  }
0xf: {  	v0 =	vand.u32 $0x7, v2;
	v2 =	vor.u32 $0x8, v2;
	v1 =	vmul.u32 $0x8, v1;
	s5 =	sadd.s32 $0x17600, s7;
	s7 =	smax.u32 s8, $0x1;
	s8 =	simm.s32 $0x2  }
.LBB2_1:
0x10: {  	[tilespmem:s2], [sflag:$0x2] =	stream.linear.gather [hbm4b:s4+s2], $0x40, $0x38;
	[tilespmem:$0x8080] =	vst v63  }
0x11: {  	_ =	swait.ge [sflag:s8], $0x40  }
0x12: {  	[sflag:s8] =	ssyncset.done $0x0  }
0x13: {  	[sflag:s8] =	ssyncadd.s32 $0xFFFFFFC0  }
0x14: {  	[tilespmem:s9], [sflag:$0x2] =	stream.linear.gather [hbm4b:s5+s2], $0x8000, $0x38;
	[tilespmem:$0x8080] =	vst v63  }
0x15: {  	_ =	swait.ge [sflag:s8], $0x8000  }
0x16: {  	[sflag:s8] =	ssyncset.done $0x0  }
0x17: {  	[sflag:s8] =	ssyncadd.s32 $0xFFFF8000  }
0x18: {  	v3 =	vld [tilespmem:$0x0];
	_ =	sdelay $0x4  }
0x19: {  	v4 =	vshll.u32 v3, $0x2  }
0x1a: {  	v3 =	vand.u32 $0x7, v3;
	v4 =	vand.u32 $0xFFFFFFE0, v4  }
0x1b: {  	v3 =	vor.u32 v3, v4  }
0x1c: {  	v4 =	vperm.xlane v3, v0;
	_ =	sdelay $0x1  }
0x1d: {  	v4 =	vadd.s32 v1, v4;
	_ =	sdelay $0x1  }
0x1e: {  	v3 =	vperm.xlane v3, v2;
	_ =	sdelay $0x1  }
0x1f: {  	v3 =	vadd.s32 v1, v3  }
0x20: {  	[hbm4b:s3+s2] =	stream.indirect_vreg.scatter [tilespmem:s9], [sflag:$0x1], $0x80, v4, vm0, $0xb8;
	[tilespmem:$0x8080] =	vst v63  }
0x21: {  	_ = 	snop  }
0x22: {  	[hbm4b:s6+s2] =	stream.indirect_vreg.scatter [tilespmem:s10], [sflag:$0x1], $0x80, v4, vm0, $0xb8;
	[tilespmem:$0x8080] =	vst v63  }
0x23: {  	_ = 	snop  }
0x24: {  	[hbm4b:s3+s2] =	stream.indirect_vreg.scatter [tilespmem:s11], [sflag:$0x1], $0x80, v3, vm0, $0xb8;
	[tilespmem:$0x8080] =	vst v63  }
0x25: {  	_ = 	snop  }
0x26: {  	[hbm4b:s6+s2] =	stream.indirect_vreg.scatter [tilespmem:s12], [sflag:$0x1], $0x80, v3, vm0, $0xb8;
	[tilespmem:$0x8080] =	vst v63  }
0x27: {  	v3 =	vld [tilespmem:$0x10];
	_ =	sdelay $0x4  }
0x28: {  	v61 =	vshll.u32 v3, $0x2  }
0x29: {  	v3 =	vand.u32 $0x7, v3;
	v4 =	vand.u32 $0xFFFFFFE0, v61  }
0x2a: {  	v3 =	vor.u32 v3, v4  }
0x2b: {  	v4 =	vperm.xlane v3, v0;
	_ =	sdelay $0x1  }
0x2c: {  	v4 =	vadd.s32 v1, v4;
	_ =	sdelay $0x1  }
0x2d: {  	v3 =	vperm.xlane v3, v2;
	_ =	sdelay $0x1  }
0x2e: {  	v3 =	vadd.s32 v1, v3  }
0x2f: {  	[hbm4b:s3+s2] =	stream.indirect_vreg.scatter [tilespmem:s13], [sflag:$0x1], $0x80, v4, vm0, $0xb8;
	[tilespmem:$0x8080] =	vst v63  }
0x30: {  	_ = 	snop  }
0x31: {  	[hbm4b:s6+s2] =	stream.indirect_vreg.scatter [tilespmem:s14], [sflag:$0x1], $0x80, v4, vm0, $0xb8;
	[tilespmem:$0x8080] =	vst v63  }
0x32: {  	_ = 	snop  }
0x33: {  	[hbm4b:s3+s2] =	stream.indirect_vreg.scatter [tilespmem:s15], [sflag:$0x1], $0x80, v3, vm0, $0xb8;
	[tilespmem:$0x8080] =	vst v63  }
0x34: {  	_ = 	snop  }
0x35: {  	[hbm4b:s6+s2] =	stream.indirect_vreg.scatter [tilespmem:s16], [sflag:$0x1], $0x80, v3, vm0, $0xb8;
	[tilespmem:$0x8080] =	vst v63  }
0x36: {  	v3 =	vld [tilespmem:$0x20];
	_ =	sdelay $0x4  }
0x37: {  	v62 =	vshll.u32 v3, $0x2  }
0x38: {  	v3 =	vand.u32 $0x7, v3;
	v4 =	vand.u32 $0xFFFFFFE0, v62  }
0x39: {  	v3 =	vor.u32 v3, v4  }
0x3a: {  	v4 =	vperm.xlane v3, v0;
	_ =	sdelay $0x1  }
0x3b: {  	v4 =	vadd.s32 v1, v4;
	_ =	sdelay $0x1  }
0x3c: {  	v3 =	vperm.xlane v3, v2;
	_ =	sdelay $0x1  }
0x3d: {  	v3 =	vadd.s32 v1, v3  }
0x3e: {  	[hbm4b:s3+s2] =	stream.indirect_vreg.scatter [tilespmem:s17], [sflag:$0x1], $0x80, v4, vm0, $0xb8;
	[tilespmem:$0x8080] =	vst v63  }
0x3f: {  	_ = 	snop  }
0x40: {  	[hbm4b:s6+s2] =	stream.indirect_vreg.scatter [tilespmem:s18], [sflag:$0x1], $0x80, v4, vm0, $0xb8;
	[tilespmem:$0x8080] =	vst v63  }
0x41: {  	_ = 	snop  }
0x42: {  	[hbm4b:s3+s2] =	stream.indirect_vreg.scatter [tilespmem:s19], [sflag:$0x1], $0x80, v3, vm0, $0xb8;
	[tilespmem:$0x8080] =	vst v63  }
0x43: {  	_ = 	snop  }
0x44: {  	[hbm4b:s6+s2] =	stream.indirect_vreg.scatter [tilespmem:s20], [sflag:$0x1], $0x80, v3, vm0, $0xb8;
	[tilespmem:$0x8080] =	vst v63  }
0x45: {  	v3 =	vld [tilespmem:$0x30];
	_ =	sdelay $0x4  }
0x46: {  	v63 =	vshll.u32 v3, $0x2  }
0x47: {  	v3 =	vand.u32 $0x7, v3;
	v4 =	vand.u32 $0xFFFFFFE0, v63  }
0x48: {  	v3 =	vor.u32 v3, v4  }
0x49: {  	v4 =	vperm.xlane v3, v0;
	_ =	sdelay $0x1  }
0x4a: {  	v4 =	vadd.s32 v1, v4;
	_ =	sdelay $0x1  }
0x4b: {  	v3 =	vperm.xlane v3, v2;
	_ =	sdelay $0x1  }
0x4c: {  	v3 =	vadd.s32 v1, v3  }
0x4d: {  	[hbm4b:s3+s2] =	stream.indirect_vreg.scatter [tilespmem:s21], [sflag:$0x1], $0x80, v4, vm0, $0xb8;
	[tilespmem:$0x8080] =	vst v63  }
0x4e: {  	_ = 	snop  }
0x4f: {  	[hbm4b:s6+s2] =	stream.indirect_vreg.scatter [tilespmem:s22], [sflag:$0x1], $0x80, v4, vm0, $0xb8;
	[tilespmem:$0x8080] =	vst v63  }
0x50: {  	p0 =	sne.s32 s7, $0x1  }
0x51: {  	[hbm4b:s3+s2] =	stream.indirect_vreg.scatter [tilespmem:s23], [sflag:$0x1], $0x80, v3, vm0, $0xb8;
	[tilespmem:$0x8080] =	vst v63  }
.Ltmp0:
0x52: {  	_ = 	snop;
	(pc) =	sbr.rel @p0 .LBB2_1-.Ltmp0, $4  }
0x53: {  	[hbm4b:s6+s2] =	stream.indirect_vreg.scatter [tilespmem:s24], [sflag:$0x1], $0x80, v3, vm0, $0xb8;
	[tilespmem:$0x8080] =	vst v63  }
0x54: {  	_ =	swait.ge [sflag:s25], $0x8000  }
0x55: {  	[sflag:s25] =	ssyncset.done $0x0  }
0x56: {  	s7 =	sadd.s32 $0xFFFFFFFF, s7;
	[sflag:s25] =	ssyncadd.s32 $0xFFFF8000  }
0x57: {  	_ =	sfence.sel $0x180000  }
0x58: {  	[bflag:$0x0] =	sbarrier.arrive $0xFFFF  }
0x59: {  	p0 =	sne.s32 s0, $0x0;
	_ =	strace $0x90000059  }
0x5a: {  	s0 =	sadd.s32 @!p0 $0x100000, s1;
	[bflag:$0x2] =	sbarrier.arrive $0xFFFF  }
0x5b: {  	[sflag:s0] =	ssyncadd.tile.s32 @!p0 $0x1;
	_ =	shalt  }
.Lfunc_end2:
_tile_overlayer_lowered:
.L_overlay_start_2:
0x5c: {  	(tag) =	ssettag $0x2  }
0x5d: {  	s0 =	rddreg [dreg:$0x0];
	s2 =	stileid.u32  }
0x5e: {  	s1 =	rddreg [dreg:$0x1];
	p0 =	sne.s32 s2, $0x0  }
0x5f: {  	s3 =	rddreg [dreg:$0x2];
	[bflag:$0x3] =	sbarrier.arrive $0xFFFF;
	s2 =	simm.s32 @!p0 $0x1C02  }
0x60: {  	[timem:s3], [sflag:s2] =	dma.local @!p0 [hbm:s0], s1  }
0x61: {  	s0 =	simm.s32 @!p0 $0x2  }
0x62: {  	_ =	swait.ge @!p0 [sflag:s0], s1  }
0x63: {  	s1 =	ssub.s32 @!p0 $0x0, s1;
	[sflag:s0] =	ssyncset.done @!p0 $0x0  }
0x64: {  	[sflag:s0] =	ssyncadd.s32 @!p0 s1  }
0x65: {  	[bflag:$0x3] =	sbarrier.arrive $0xFFFF  }
0x66: {  	_ =	shalt  }

// kernel: kernel.48.cloned.1.call-start
scs
__scs_entry_jumppad:
0x0: {  	(pc) =	sbr.rel $0x88, $3  }
0x1: {  	(tag) =	ssettag $0x0;
	lr =	simm.s32 $0x1  }
0x2: {  	[smem:$0x3F7F] =	sst lr;
	_ =	strace $0xD0000000  }
0x3: {  	_ = 	snop  }
0x4: {  	_ = 	snop  }
0x5: {  	_ = 	snop  }
0x6: {  	_ = 	snop  }
0x7: {  	_ = 	snop  }
__scs_overlays_trampoline_lowered:
0x8: {  	[smem:$0x3F8E] =	sst s0  }
0x9: {  	[smem:$0x3F8F] =	sst s1  }
0xa: {  	[smem:$0x3F90] =	sst s2  }
0xb: {  	[smem:$0x3F91] =	sst s3  }
0xc: {  	[smem:$0x3F92] =	sst s4  }
0xd: {  	[smem:$0x3F93] =	sst s5  }
0xe: {  	[smem:$0x3F94] =	sst s6  }
0xf: {  	[smem:$0x3F95] =	sst s7  }
0x10: {  	[smem:$0x3F96] =	sst s8  }
0x11: {  	[smem:$0x3F97] =	sst s9;
	s0 =	simm.s32 @!p0 $0x0  }
0x12: {  	s1 =	sld [smem:$0x3F7D];
	s0 =	simm.s32 @p0 $0x1  }
0x13: {  	[smem:$0x3F98] =	sst s0;
	s0 =	simm.s32 @!p1 $0x0  }
0x14: {  	s2 =	sld [smem:$0x3F7C];
	s0 =	simm.s32 @p1 $0x1  }
0x15: {  	[smem:$0x3F99] =	sst s0;
	s0 =	simm.s32 @!p2 $0x0  }
0x16: {  	s3 =	sld [smem:$0x3FDB];
	s0 =	simm.s32 @p2 $0x1  }
0x17: {  	s4 =	simm.s32 $0x1BF5;
	[smem:$0x3F9B] =	sst s0  }
0x18: {  	s0 =	sld [smem:$0x3F7E];
	_ =	swait.ge [sflag:s4], $0x0  }
0x19: {  	s7 =	sld [smem:$0x3F7F]  }
0x1a: {  	s8 =	sadd.s32 $0xFFFFE003, lr  }
0x1b: {  	s9 =	sadd.s32 $0xFFFFFEF7, lr;
	s5 =	simm.s32 $0xFFFFFFFF;
	p2 =	slt.u32 s8, $0xFFFFF086  }
0x1c: {  	p1 =	slt.u32 s9, $0xF7A;
	s5 =	simm.s32 @!p2 $0x0  }
0x1d: {  	s5 =	simm.s32 @p1 $0x1;
	p0 =	seq.s32 s7, s2  }
0x1e: {  	s7 =	smul.u32 @!p0 $0xF7A, s2;
	p2 =	seq.s32 @!p0 s5, $0x0  }
0x1f: {  	s9 =	smul.u32 $0xF7A, s1;
	s8 =	simm.s32 @!p0 $0x1BF5;
	p2 =	por !p2, p0  }
0x20: {  	[sflag:s8] =	ssyncset.s32 @!p0 $0xFFFFF086;
	s6 =	sadd.s32 @!p0 s3, s7;
	s7 =	simm.s32 @!p0 $0x108  }
0x21: {  	s3 =	sadd.s32 s3, s9;
	s6 =	sadd.s32 @!p0 $0x88, s6;
	s7 =	simm.s32 @p2 $0x1082  }
0x22: {  	[simem:s7], [sflag:s8] =	dma.local @!p0 [hbm:s6], $0xF7A  }
0x23: {  	s9 =	sor.u32 $0xD0000000, s2;
	s6 =	simm.s32 $0x108;
	_ =	swait.ge @!p0 [sflag:s8], $0x0  }
0x24: {  	s3 =	sadd.s32 $0x88, s3;
	s6 =	simm.s32 @!p1 $0x1082;
	[sflag:s4] =	ssyncset.s32 $0xFFFFF086  }
0x25: {  	[simem:s6], [sflag:s4] =	dma.local [hbm:s3], $0xF7A  }
0x26: {  	[smem:$0x3F7F] =	sst s1;
	(tag) =	ssettag s2;
	_ =	strace s9  }
0x27: {  	s1 =	sld [smem:$0x3F8F]  }
0x28: {  	s2 =	sld [smem:$0x3F90]  }
0x29: {  	s4 =	sld [smem:$0x3F92]  }
0x2a: {  	p0 =	seq.s32 s5, $0x0;
	s5 =	sld [smem:$0x3F93]  }
0x2b: {  	s6 =	sld [smem:$0x3F94]  }
0x2c: {  	s7 =	sld [smem:$0x3F95]  }
0x2d: {  	s3 =	simm.s32 $0x108;
	s8 =	sld [smem:$0x3F96]  }
0x2e: {  	s3 =	simm.s32 @!p0 $0x1082;
	s9 =	sld [smem:$0x3F97]  }
0x2f: {  	lr =	sadd.s32 s0, s3;
	s0 =	sld [smem:$0x3F8E]  }
0x30: {  	s3 =	sld [smem:$0x3F91]  }
0x31: {  	[smem:$0x3F9A] =	sst s10  }
0x32: {  	s10 =	sld [smem:$0x3F98];
	_ =	sdelay $0x3  }
0x33: {  	p0 =	seq.s32 s10, $0x1;
	s10 =	sld [smem:$0x3F9A];
	_ =	sdelay $0x3  }
0x34: {  	[smem:$0x3F9A] =	sst s10  }
0x35: {  	s10 =	sld [smem:$0x3F99];
	_ =	sdelay $0x3  }
0x36: {  	p1 =	seq.s32 s10, $0x1;
	s10 =	sld [smem:$0x3F9A];
	_ =	sdelay $0x3  }
0x37: {  	[smem:$0x3F9A] =	sst s10  }
0x38: {  	s10 =	sld [smem:$0x3F9B]  }
0x39: {  	_ = 	snop;
	(pc) =	sbr.ind lr, $3  }
0x3a: {  	_ = 	snop  }
0x3b: {  	_ = 	snop  }
0x3c: {  	p2 =	seq.s32 s10, $0x1;
	s10 =	sld [smem:$0x3F9A]  }
0x3d: {  	_ =	shalt  }
0x3e: {  	_ =	shalt  }
0x3f: {  	_ =	shalt  }
0x40: {  	_ =	shalt  }
0x41: {  	_ =	shalt  }
0x42: {  	_ =	shalt  }
0x43: {  	_ =	shalt  }
0x44: {  	_ =	shalt  }
0x45: {  	_ =	shalt  }
0x46: {  	_ =	shalt  }
0x47: {  	_ =	shalt  }
0x48: {  	_ =	shalt  }
0x49: {  	_ =	shalt  }
0x4a: {  	_ =	shalt  }
0x4b: {  	_ =	shalt  }
0x4c: {  	_ =	shalt  }
0x4d: {  	_ =	shalt  }
0x4e: {  	_ =	shalt  }
0x4f: {  	_ =	shalt  }
0x50: {  	_ =	shalt  }
0x51: {  	_ =	shalt  }
0x52: {  	_ =	shalt  }
0x53: {  	_ =	shalt  }
0x54: {  	_ =	shalt  }
0x55: {  	_ =	shalt  }
0x56: {  	_ =	shalt  }
0x57: {  	_ =	shalt  }
0x58: {  	_ =	shalt  }
0x59: {  	_ =	shalt  }
0x5a: {  	_ =	shalt  }
0x5b: {  	_ =	shalt  }
0x5c: {  	_ =	shalt  }
0x5d: {  	_ =	shalt  }
0x5e: {  	_ =	shalt  }
0x5f: {  	_ =	shalt  }
0x60: {  	_ =	shalt  }
0x61: {  	_ =	shalt  }
0x62: {  	_ =	shalt  }
0x63: {  	_ =	shalt  }
0x64: {  	_ =	shalt  }
0x65: {  	_ =	shalt  }
0x66: {  	_ =	shalt  }
0x67: {  	_ =	shalt  }
0x68: {  	_ =	shalt  }
0x69: {  	_ =	shalt  }
0x6a: {  	_ =	shalt  }
0x6b: {  	_ =	shalt  }
0x6c: {  	_ =	shalt  }
0x6d: {  	_ =	shalt  }
0x6e: {  	_ =	shalt  }
0x6f: {  	_ =	shalt  }
0x70: {  	_ =	shalt  }
0x71: {  	_ =	shalt  }
0x72: {  	_ =	shalt  }
0x73: {  	_ =	shalt  }
0x74: {  	_ =	shalt  }
0x75: {  	_ =	shalt  }
0x76: {  	_ =	shalt  }
0x77: {  	_ =	shalt  }
0x78: {  	_ =	shalt  }
0x79: {  	_ =	shalt  }
0x7a: {  	_ =	shalt  }
0x7b: {  	_ =	shalt  }
0x7c: {  	_ =	shalt  }
0x7d: {  	_ =	shalt  }
0x7e: {  	_ =	shalt  }
0x7f: {  	_ =	shalt  }
0x80: {  	_ =	shalt  }
0x81: {  	_ =	shalt  }
0x82: {  	_ =	shalt  }
0x83: {  	_ =	shalt  }
0x84: {  	_ =	shalt  }
0x85: {  	_ =	shalt  }
0x86: {  	_ =	shalt  }
0x87: {  	_ =	shalt  }
.Lfunc_end0:
.L_simem_size_0:
called_computation.7_lowered:
.L_overlay_start_0:
0x88: {  	s2 =	sld [smem:$0x3FD9]  }
0x89: {  	s3 =	sld [smem:$0x3FFE];
	_ =	sdelay $0x1  }
0x8a: {  	s1 =	srdreg.scid  }
0x8b: {  	s0 =	sand.u32 $0x1, s1  }
0x8c: {  	s17 =	sshll.u32 s0, $0xA;
	s2 =	sadd.s32 s3, s2  }
0x8d: {  	s2 =	sadd.s32 s2, s17  }
0x8e: {  	[smem:$0x3FA6] =	sst s2  }
0x8f: {  	_ = 	snop  }
0x90: {  	s2 =	sld [smem:$0x3FD0];
	(tm) =	ssettm $0x1  }
0x91: {  	s18 =	sld [smem:$0x3FFB];
	_ =	sdelay $0x3  }
0x92: {  	_ =	strace s18  }
0x93: {  	s3 =	sld [smem:$0x3FFC];
	_ =	sdelay $0x3  }
0x94: {  	_ =	strace s3  }
0x95: {  	s3 =	sld [smem:$0x3FFD];
	_ =	sdelay $0x3  }
0x96: {  	_ =	strace s3  }
0x97: {  	_ =	strace $0x8FFFFFFF  }
0x98: {  	s19 =	sld [smem:$0x3FDB];
	_ =	sdelay $0x1  }
0x99: {  	s4 =	simm.s32 $_scs_section_size  }
0x9a: {  	s5 =	simm.s32 $_size__tile_overlayer_lowered;
	s6 =	simm.s32 $_tile_overlayer_lowered  }
0x9b: {  	s22 =	simm.s32 $0x1BFF;
	s21 =	sshll.u32 s6, $0x1;
	s3 =	sadd.s32 s4, s19  }
0x9c: {  	s7 =	simm.s32 $0x0;
	s20 =	sshll.u32 s5, $0x1;
	s5 =	sadd.s32 s21, s3  }
0x9d: {  	[timem:s7], [sflag:s22] =	dma.local [hbm:s5], s20  }
0x9e: {  	_ =	swait.ge [sflag:s22], s20  }
0x9f: {  	s4 =	ssub.s32 $0x0, s20;
	[sflag:s22] =	ssyncset.done $0x0  }
0xa0: {  	[sflag:s22] =	ssyncadd.s32 s4;
	_ =	sdelay $0x1  }
0xa1: {  	s23 =	simm.s32 $0x1B8B  }
0xa2: {  	_ =	swait.ge [sflag:s23], $0x1  }
0xa3: {  	[sflag:s23] =	ssyncset.done $0x0  }
0xa4: {  	s25 =	simm.s32 $0x1B8E;
	s24 =	sld [smem:$0x3FFE];
	[sflag:s23] =	ssyncadd.s32 $0xFFFFFFFF  }
0xa5: {  	s26 =	simm.s32 $execute0_lowered;
	[smem:$0x3FD2] =	sst s25  }
0xa6: {  	s5 =	sshll.u32 s26, $0x1;
	_ =	strace $0x8000005B;
	[dreg:$0x1] =	wrdreg $0xFFFFFFFF  }
0xa7: {  	s28 =	simm.s32 $_size_execute0_lowered;
	s3 =	sadd.s32 s3, s5;
	[dreg:$0x0] =	wrdreg $0x0  }
0xa8: {  	s5 =	sshll.u32 s28, $0x1;
	[dreg:$0x2] =	wrdreg s3  }
0xa9: {  	[dreg:$0x3] =	wrdreg s5  }
0xaa: {  	[dreg:$0x4] =	wrdreg $0xC0  }
0xab: {  	_ =	task [dreg:s7], $0x5FFFF  }
0xac: {  	[dreg:$0x1] =	wrdreg $0xFFFFFFFF  }
0xad: {  	[dreg:$0x0] =	wrdreg $0x60  }
0xae: {  	[dreg:$0x2] =	wrdreg s24  }
0xaf: {  	[dreg:$0x3] =	wrdreg s2  }
0xb0: {  	[dreg:$0x4] =	wrdreg $0x9  }
0xb1: {  	_ =	task.clear_ibuf [dreg:s7], $0x5FFFF;
	_ =	strace $0x9000005B  }
0xb2: {  	s29 =	simm.s32 $0x9;
	_ =	strace $0x8000005D  }
0xb3: {  	_ =	swait.ge [sflag:s29], $0x1  }
0xb4: {  	[sflag:s29] =	ssyncadd.s32 $0xFFFFFFFF  }
0xb5: {  	_ =	strace $0x9000005D  }
0xb6: {  	_ =	sfence  }
0xb7: {  	s30 =	sld [smem:$0x0];
	_ =	sdelay $0x2  }
0xb8: {  	s31 =	sshll.u32 s1, $0xD;
	s1 =	sshrl.u32 s1, $0x2  }
0xb9: {  	s3 =	sand.u32 $0x4000, s31;
	s1 =	sadd.s32 s1, s30  }
0xba: {  	s0 =	sor.u32 s3, s0;
	s1 =	sshll.u32 s1, $0x11  }
0xbb: {  	s0 =	sor.u32 s1, s0  }
0xbc: {  	s0 =	sadd.s32 $0x8F2B, s0  }
0xbd: {  	[sflag:s0] =	ssyncadd.remote.s32 $0x1  }
0xbe: {  	_ =	sfence.sel $0xFFFF  }
0xbf: {  	[dreg:$0x0] =	wrdreg $0xFFFFFFFF;
	(pc) =	sbr.abs _section_cstart, $3  }
0xc0: {  	[dreg:$0x1] =	wrdreg $0xFFFFFFFF  }
0xc1: {  	_ =	task.clear_ibuf [dreg:s7], $0x2FFFF;
	_ =	strace $0x9FFFFFFF  }
0xc2: {  	(tm) =	ssettm $0x7FFFFFFF  }
0xc3: {  	_ =	shalt  }
tec
execute0_lowered:
.L_overlay_start_1:
0x0: {  	(tag) =	ssettag $0x1  }
0x1: {  	s5 =	rddreg [dreg:$0x0]  }
0x2: {  	s4 =	rddreg [dreg:$0x1]  }
0x3: {  	s0 =	rddreg [dreg:$0x2];
	s2 =	simm.s32 $0x0;
	s3 =	srdreg.scid  }
0x4: {  	s1 =	stileid.u32;
	s10 =	simm.s32 $0x880;
	s11 =	simm.s32 $0x1080  }
0x5: {  	s12 =	simm.s32 $0x1880;
	s13 =	simm.s32 $0x2080;
	s14 =	simm.s32 $0x2880  }
0x6: {  	s15 =	simm.s32 $0x3080;
	s16 =	simm.s32 $0x3880;
	s17 =	simm.s32 $0x4080  }
0x7: {  	s18 =	simm.s32 $0x4880;
	s19 =	simm.s32 $0x5080;
	s20 =	simm.s32 $0x5880  }
0x8: {  	s21 =	simm.s32 $0x6080;
	s22 =	simm.s32 $0x6880;
	s23 =	simm.s32 $0x7080  }
0x9: {  	s24 =	simm.s32 $0x7880;
	s25 =	simm.s32 $0x1;
	s6 =	sand.u32 $0x1, s3  }
0xa: {  	[smem:$0x7FF] =	sst s2;
	s7 =	sshll.u32 s1, $0x7;
	s8 =	sshll.u32 s6, $0x6  }
0xb: {  	s3 =	sadd.s32 $0x48E800, s5;
	s6 =	ssub.s32 $0x2, s6;
	s7 =	sor.u32 s8, s7  }
0xc: {  	_ =	strace $0x8000005C;
	s9 =	sshrl.u32 s6, $0x1;
	s8 =	sshll.u32 s7, $0x6  }
0xd: {  	v2 =	vlaneseq.u32;
	s7 =	sshrl.u32 s7, $0x3;
	s9 =	ssub.s32 s6, s9;
	s8 =	sadd.s32 s8, s5  }
0xe: {  	vm0 =	vmmov $0xffff;
	v1 =	vshrl.u32 v2, $0x3;
	s4 =	sadd.s32 s4, s7;
	s5 =	sadd.s32 $0x48E900, s5;
	s7 =	smax.u32 s9, $0x1  }
0xf: {  	v0 =	vand.u32 $0x7, v2;
	v2 =	vor.u32 $0x8, v2;
	v1 =	vmul.u32 $0x8, v1;
	s9 =	simm.s32 $0x80;
	s6 =	sadd.s32 $0x53A00, s8;
	s8 =	simm.s32 $0x2  }
.LBB2_1:
0x10: {  	[tilespmem:s2], [sflag:$0x2] =	stream.linear.gather [hbm4b:s4+s2], $0x40, $0x38;
	[tilespmem:$0x8080] =	vst v63  }
0x11: {  	_ =	swait.ge [sflag:s8], $0x40  }
0x12: {  	[sflag:s8] =	ssyncset.done $0x0  }
0x13: {  	[sflag:s8] =	ssyncadd.s32 $0xFFFFFFC0  }
0x14: {  	v3 =	vld [tilespmem:$0x0];
	_ =	sdelay $0x4  }
0x15: {  	v4 =	vshll.u32 v3, $0x2  }
0x16: {  	v3 =	vand.u32 $0x7, v3;
	v4 =	vand.u32 $0xFFFFFFE0, v4  }
0x17: {  	v3 =	vor.u32 v3, v4  }
0x18: {  	v4 =	vperm.xlane v3, v0;
	_ =	sdelay $0x1  }
0x19: {  	v4 =	vadd.s32 v1, v4;
	_ =	sdelay $0x1  }
0x1a: {  	v3 =	vperm.xlane v3, v2;
	_ =	sdelay $0x1  }
0x1b: {  	v3 =	vadd.s32 v1, v3  }
0x1c: {  	[tilespmem:s9], [sflag:$0x1] =	stream.indirect_vreg.gather [hbm4b:s3+s2], $0x80, v4, vm0, $0xb8;
	[tilespmem:$0x8080] =	vst v63  }
0x1d: {  	_ = 	snop  }
0x1e: {  	[tilespmem:s10], [sflag:$0x1] =	stream.indirect_vreg.gather [hbm4b:s5+s2], $0x80, v4, vm0, $0xb8;
	[tilespmem:$0x8080] =	vst v63  }
0x1f: {  	_ = 	snop  }
0x20: {  	[tilespmem:s11], [sflag:$0x1] =	stream.indirect_vreg.gather [hbm4b:s3+s2], $0x80, v3, vm0, $0xb8;
	[tilespmem:$0x8080] =	vst v63  }
0x21: {  	_ = 	snop  }
0x22: {  	[tilespmem:s12], [sflag:$0x1] =	stream.indirect_vreg.gather [hbm4b:s5+s2], $0x80, v3, vm0, $0xb8;
	[tilespmem:$0x8080] =	vst v63  }
0x23: {  	v3 =	vld [tilespmem:$0x10];
	_ =	sdelay $0x4  }
0x24: {  	v61 =	vshll.u32 v3, $0x2  }
0x25: {  	v3 =	vand.u32 $0x7, v3;
	v4 =	vand.u32 $0xFFFFFFE0, v61  }
0x26: {  	v3 =	vor.u32 v3, v4  }
0x27: {  	v4 =	vperm.xlane v3, v0;
	_ =	sdelay $0x1  }
0x28: {  	v4 =	vadd.s32 v1, v4;
	_ =	sdelay $0x1  }
0x29: {  	v3 =	vperm.xlane v3, v2;
	_ =	sdelay $0x1  }
0x2a: {  	v3 =	vadd.s32 v1, v3  }
0x2b: {  	[tilespmem:s13], [sflag:$0x1] =	stream.indirect_vreg.gather [hbm4b:s3+s2], $0x80, v4, vm0, $0xb8;
	[tilespmem:$0x8080] =	vst v63  }
0x2c: {  	_ = 	snop  }
0x2d: {  	[tilespmem:s14], [sflag:$0x1] =	stream.indirect_vreg.gather [hbm4b:s5+s2], $0x80, v4, vm0, $0xb8;
	[tilespmem:$0x8080] =	vst v63  }
0x2e: {  	_ = 	snop  }
0x2f: {  	[tilespmem:s15], [sflag:$0x1] =	stream.indirect_vreg.gather [hbm4b:s3+s2], $0x80, v3, vm0, $0xb8;
	[tilespmem:$0x8080] =	vst v63  }
0x30: {  	_ = 	snop  }
0x31: {  	[tilespmem:s16], [sflag:$0x1] =	stream.indirect_vreg.gather [hbm4b:s5+s2], $0x80, v3, vm0, $0xb8;
	[tilespmem:$0x8080] =	vst v63  }
0x32: {  	v3 =	vld [tilespmem:$0x20];
	_ =	sdelay $0x4  }
0x33: {  	v62 =	vshll.u32 v3, $0x2  }
0x34: {  	v3 =	vand.u32 $0x7, v3;
	v4 =	vand.u32 $0xFFFFFFE0, v62  }
0x35: {  	v3 =	vor.u32 v3, v4  }
0x36: {  	v4 =	vperm.xlane v3, v0;
	_ =	sdelay $0x1  }
0x37: {  	v4 =	vadd.s32 v1, v4;
	_ =	sdelay $0x1  }
0x38: {  	v3 =	vperm.xlane v3, v2;
	_ =	sdelay $0x1  }
0x39: {  	v3 =	vadd.s32 v1, v3  }
0x3a: {  	[tilespmem:s17], [sflag:$0x1] =	stream.indirect_vreg.gather [hbm4b:s3+s2], $0x80, v4, vm0, $0xb8;
	[tilespmem:$0x8080] =	vst v63  }
0x3b: {  	_ = 	snop  }
0x3c: {  	[tilespmem:s18], [sflag:$0x1] =	stream.indirect_vreg.gather [hbm4b:s5+s2], $0x80, v4, vm0, $0xb8;
	[tilespmem:$0x8080] =	vst v63  }
0x3d: {  	_ = 	snop  }
0x3e: {  	[tilespmem:s19], [sflag:$0x1] =	stream.indirect_vreg.gather [hbm4b:s3+s2], $0x80, v3, vm0, $0xb8;
	[tilespmem:$0x8080] =	vst v63  }
0x3f: {  	_ = 	snop  }
0x40: {  	[tilespmem:s20], [sflag:$0x1] =	stream.indirect_vreg.gather [hbm4b:s5+s2], $0x80, v3, vm0, $0xb8;
	[tilespmem:$0x8080] =	vst v63  }
0x41: {  	v3 =	vld [tilespmem:$0x30];
	_ =	sdelay $0x4  }
0x42: {  	v63 =	vshll.u32 v3, $0x2  }
0x43: {  	v3 =	vand.u32 $0x7, v3;
	v4 =	vand.u32 $0xFFFFFFE0, v63  }
0x44: {  	v3 =	vor.u32 v3, v4  }
0x45: {  	v4 =	vperm.xlane v3, v0;
	_ =	sdelay $0x1  }
0x46: {  	v4 =	vadd.s32 v1, v4;
	_ =	sdelay $0x1  }
0x47: {  	v3 =	vperm.xlane v3, v2;
	_ =	sdelay $0x1  }
0x48: {  	v3 =	vadd.s32 v1, v3  }
0x49: {  	[tilespmem:s21], [sflag:$0x1] =	stream.indirect_vreg.gather [hbm4b:s3+s2], $0x80, v4, vm0, $0xb8;
	[tilespmem:$0x8080] =	vst v63  }
0x4a: {  	_ = 	snop  }
0x4b: {  	[tilespmem:s22], [sflag:$0x1] =	stream.indirect_vreg.gather [hbm4b:s5+s2], $0x80, v4, vm0, $0xb8;
	[tilespmem:$0x8080] =	vst v63  }
0x4c: {  	_ = 	snop  }
0x4d: {  	[tilespmem:s23], [sflag:$0x1] =	stream.indirect_vreg.gather [hbm4b:s3+s2], $0x80, v3, vm0, $0xb8;
	[tilespmem:$0x8080] =	vst v63  }
0x4e: {  	_ = 	snop  }
0x4f: {  	[tilespmem:s24], [sflag:$0x1] =	stream.indirect_vreg.gather [hbm4b:s5+s2], $0x80, v3, vm0, $0xb8;
	[tilespmem:$0x8080] =	vst v63  }
0x50: {  	_ =	swait.ge [sflag:s25], $0x8000  }
0x51: {  	p0 =	sne.s32 s7, $0x1;
	[sflag:s25] =	ssyncset.done $0x0  }
.Ltmp0:
0x52: {  	[sflag:s25] =	ssyncadd.s32 $0xFFFF8000;
	(pc) =	sbr.rel @p0 .LBB2_1-.Ltmp0, $4  }
0x53: {  	[hbm4b:s6+s2] =	stream.linear.scatter [tilespmem:s9], [sflag:$0x2], $0x8000, $0x38;
	[tilespmem:$0x8080] =	vst v63  }
0x54: {  	_ =	swait.ge [sflag:s8], $0x8000  }
0x55: {  	[sflag:s8] =	ssyncset.done $0x0  }
0x56: {  	s7 =	sadd.s32 $0xFFFFFFFF, s7;
	[sflag:s8] =	ssyncadd.s32 $0xFFFF8000  }
0x57: {  	_ =	sfence.sel $0x180000  }
0x58: {  	[bflag:$0x0] =	sbarrier.arrive $0xFFFF  }
0x59: {  	p0 =	sne.s32 s1, $0x0;
	_ =	strace $0x9000005C  }
0x5a: {  	s0 =	sadd.s32 @!p0 $0x100000, s0;
	[bflag:$0x2] =	sbarrier.arrive $0xFFFF  }
0x5b: {  	[sflag:s0] =	ssyncadd.tile.s32 @!p0 $0x1;
	_ =	shalt  }
.Lfunc_end2:
_tile_overlayer_lowered:
.L_overlay_start_2:
0x5c: {  	(tag) =	ssettag $0x2  }
0x5d: {  	s0 =	rddreg [dreg:$0x0];
	s2 =	stileid.u32  }
0x5e: {  	s1 =	rddreg [dreg:$0x1];
	p0 =	sne.s32 s2, $0x0  }
0x5f: {  	s3 =	rddreg [dreg:$0x2];
	[bflag:$0x3] =	sbarrier.arrive $0xFFFF;
	s2 =	simm.s32 @!p0 $0x1C02  }
0x60: {  	[timem:s3], [sflag:s2] =	dma.local @!p0 [hbm:s0], s1  }
0x61: {  	s0 =	simm.s32 @!p0 $0x2  }
0x62: {  	_ =	swait.ge @!p0 [sflag:s0], s1  }
0x63: {  	s1 =	ssub.s32 @!p0 $0x0, s1;
	[sflag:s0] =	ssyncset.done @!p0 $0x0  }
0x64: {  	[sflag:s0] =	ssyncadd.s32 @!p0 s1  }
0x65: {  	[bflag:$0x3] =	sbarrier.arrive $0xFFFF  }
0x66: {  	_ =	shalt  }

// kernel: kernel.51.cloned.1.call-start
scs
__scs_entry_jumppad:
0x0: {  	(pc) =	sbr.rel $0x88, $3  }
0x1: {  	(tag) =	ssettag $0x0;
	lr =	simm.s32 $0x1  }
0x2: {  	[smem:$0x3F7F] =	sst lr;
	_ =	strace $0xD0000000  }
0x3: {  	_ = 	snop  }
0x4: {  	_ = 	snop  }
0x5: {  	_ = 	snop  }
0x6: {  	_ = 	snop  }
0x7: {  	_ = 	snop  }
__scs_overlays_trampoline_lowered:
0x8: {  	[smem:$0x3F8E] =	sst s0  }
0x9: {  	[smem:$0x3F8F] =	sst s1  }
0xa: {  	[smem:$0x3F90] =	sst s2  }
0xb: {  	[smem:$0x3F91] =	sst s3  }
0xc: {  	[smem:$0x3F92] =	sst s4  }
0xd: {  	[smem:$0x3F93] =	sst s5  }
0xe: {  	[smem:$0x3F94] =	sst s6  }
0xf: {  	[smem:$0x3F95] =	sst s7  }
0x10: {  	[smem:$0x3F96] =	sst s8  }
0x11: {  	[smem:$0x3F97] =	sst s9;
	s0 =	simm.s32 @!p0 $0x0  }
0x12: {  	s1 =	sld [smem:$0x3F7D];
	s0 =	simm.s32 @p0 $0x1  }
0x13: {  	[smem:$0x3F98] =	sst s0;
	s0 =	simm.s32 @!p1 $0x0  }
0x14: {  	s2 =	sld [smem:$0x3F7C];
	s0 =	simm.s32 @p1 $0x1  }
0x15: {  	[smem:$0x3F99] =	sst s0;
	s0 =	simm.s32 @!p2 $0x0  }
0x16: {  	s3 =	sld [smem:$0x3FDB];
	s0 =	simm.s32 @p2 $0x1  }
0x17: {  	s4 =	simm.s32 $0x1BF5;
	[smem:$0x3F9B] =	sst s0  }
0x18: {  	s0 =	sld [smem:$0x3F7E];
	_ =	swait.ge [sflag:s4], $0x0  }
0x19: {  	s7 =	sld [smem:$0x3F7F]  }
0x1a: {  	s8 =	sadd.s32 $0xFFFFE003, lr  }
0x1b: {  	s9 =	sadd.s32 $0xFFFFFEF7, lr;
	s5 =	simm.s32 $0xFFFFFFFF;
	p2 =	slt.u32 s8, $0xFFFFF086  }
0x1c: {  	p1 =	slt.u32 s9, $0xF7A;
	s5 =	simm.s32 @!p2 $0x0  }
0x1d: {  	s5 =	simm.s32 @p1 $0x1;
	p0 =	seq.s32 s7, s2  }
0x1e: {  	s7 =	smul.u32 @!p0 $0xF7A, s2;
	p2 =	seq.s32 @!p0 s5, $0x0  }
0x1f: {  	s9 =	smul.u32 $0xF7A, s1;
	s8 =	simm.s32 @!p0 $0x1BF5;
	p2 =	por !p2, p0  }
0x20: {  	[sflag:s8] =	ssyncset.s32 @!p0 $0xFFFFF086;
	s6 =	sadd.s32 @!p0 s3, s7;
	s7 =	simm.s32 @!p0 $0x108  }
0x21: {  	s3 =	sadd.s32 s3, s9;
	s6 =	sadd.s32 @!p0 $0x88, s6;
	s7 =	simm.s32 @p2 $0x1082  }
0x22: {  	[simem:s7], [sflag:s8] =	dma.local @!p0 [hbm:s6], $0xF7A  }
0x23: {  	s9 =	sor.u32 $0xD0000000, s2;
	s6 =	simm.s32 $0x108;
	_ =	swait.ge @!p0 [sflag:s8], $0x0  }
0x24: {  	s3 =	sadd.s32 $0x88, s3;
	s6 =	simm.s32 @!p1 $0x1082;
	[sflag:s4] =	ssyncset.s32 $0xFFFFF086  }
0x25: {  	[simem:s6], [sflag:s4] =	dma.local [hbm:s3], $0xF7A  }
0x26: {  	[smem:$0x3F7F] =	sst s1;
	(tag) =	ssettag s2;
	_ =	strace s9  }
0x27: {  	s1 =	sld [smem:$0x3F8F]  }
0x28: {  	s2 =	sld [smem:$0x3F90]  }
0x29: {  	s4 =	sld [smem:$0x3F92]  }
0x2a: {  	p0 =	seq.s32 s5, $0x0;
	s5 =	sld [smem:$0x3F93]  }
0x2b: {  	s6 =	sld [smem:$0x3F94]  }
0x2c: {  	s7 =	sld [smem:$0x3F95]  }
0x2d: {  	s3 =	simm.s32 $0x108;
	s8 =	sld [smem:$0x3F96]  }
0x2e: {  	s3 =	simm.s32 @!p0 $0x1082;
	s9 =	sld [smem:$0x3F97]  }
0x2f: {  	lr =	sadd.s32 s0, s3;
	s0 =	sld [smem:$0x3F8E]  }
0x30: {  	s3 =	sld [smem:$0x3F91]  }
0x31: {  	[smem:$0x3F9A] =	sst s10  }
0x32: {  	s10 =	sld [smem:$0x3F98];
	_ =	sdelay $0x3  }
0x33: {  	p0 =	seq.s32 s10, $0x1;
	s10 =	sld [smem:$0x3F9A];
	_ =	sdelay $0x3  }
0x34: {  	[smem:$0x3F9A] =	sst s10  }
0x35: {  	s10 =	sld [smem:$0x3F99];
	_ =	sdelay $0x3  }
0x36: {  	p1 =	seq.s32 s10, $0x1;
	s10 =	sld [smem:$0x3F9A];
	_ =	sdelay $0x3  }
0x37: {  	[smem:$0x3F9A] =	sst s10  }
0x38: {  	s10 =	sld [smem:$0x3F9B]  }
0x39: {  	_ = 	snop;
	(pc) =	sbr.ind lr, $3  }
0x3a: {  	_ = 	snop  }
0x3b: {  	_ = 	snop  }
0x3c: {  	p2 =	seq.s32 s10, $0x1;
	s10 =	sld [smem:$0x3F9A]  }
0x3d: {  	_ =	shalt  }
0x3e: {  	_ =	shalt  }
0x3f: {  	_ =	shalt  }
0x40: {  	_ =	shalt  }
0x41: {  	_ =	shalt  }
0x42: {  	_ =	shalt  }
0x43: {  	_ =	shalt  }
0x44: {  	_ =	shalt  }
0x45: {  	_ =	shalt  }
0x46: {  	_ =	shalt  }
0x47: {  	_ =	shalt  }
0x48: {  	_ =	shalt  }
0x49: {  	_ =	shalt  }
0x4a: {  	_ =	shalt  }
0x4b: {  	_ =	shalt  }
0x4c: {  	_ =	shalt  }
0x4d: {  	_ =	shalt  }
0x4e: {  	_ =	shalt  }
0x4f: {  	_ =	shalt  }
0x50: {  	_ =	shalt  }
0x51: {  	_ =	shalt  }
0x52: {  	_ =	shalt  }
0x53: {  	_ =	shalt  }
0x54: {  	_ =	shalt  }
0x55: {  	_ =	shalt  }
0x56: {  	_ =	shalt  }
0x57: {  	_ =	shalt  }
0x58: {  	_ =	shalt  }
0x59: {  	_ =	shalt  }
0x5a: {  	_ =	shalt  }
0x5b: {  	_ =	shalt  }
0x5c: {  	_ =	shalt  }
0x5d: {  	_ =	shalt  }
0x5e: {  	_ =	shalt  }
0x5f: {  	_ =	shalt  }
0x60: {  	_ =	shalt  }
0x61: {  	_ =	shalt  }
0x62: {  	_ =	shalt  }
0x63: {  	_ =	shalt  }
0x64: {  	_ =	shalt  }
0x65: {  	_ =	shalt  }
0x66: {  	_ =	shalt  }
0x67: {  	_ =	shalt  }
0x68: {  	_ =	shalt  }
0x69: {  	_ =	shalt  }
0x6a: {  	_ =	shalt  }
0x6b: {  	_ =	shalt  }
0x6c: {  	_ =	shalt  }
0x6d: {  	_ =	shalt  }
0x6e: {  	_ =	shalt  }
0x6f: {  	_ =	shalt  }
0x70: {  	_ =	shalt  }
0x71: {  	_ =	shalt  }
0x72: {  	_ =	shalt  }
0x73: {  	_ =	shalt  }
0x74: {  	_ =	shalt  }
0x75: {  	_ =	shalt  }
0x76: {  	_ =	shalt  }
0x77: {  	_ =	shalt  }
0x78: {  	_ =	shalt  }
0x79: {  	_ =	shalt  }
0x7a: {  	_ =	shalt  }
0x7b: {  	_ =	shalt  }
0x7c: {  	_ =	shalt  }
0x7d: {  	_ =	shalt  }
0x7e: {  	_ =	shalt  }
0x7f: {  	_ =	shalt  }
0x80: {  	_ =	shalt  }
0x81: {  	_ =	shalt  }
0x82: {  	_ =	shalt  }
0x83: {  	_ =	shalt  }
0x84: {  	_ =	shalt  }
0x85: {  	_ =	shalt  }
0x86: {  	_ =	shalt  }
0x87: {  	_ =	shalt  }
.Lfunc_end0:
.L_simem_size_0:
called_computation.8_lowered:
.L_overlay_start_0:
0x88: {  	s2 =	sld [smem:$0x3FD9]  }
0x89: {  	s3 =	sld [smem:$0x3FFE];
	_ =	sdelay $0x1  }
0x8a: {  	s1 =	srdreg.scid  }
0x8b: {  	s0 =	sand.u32 $0x1, s1  }
0x8c: {  	s17 =	sshll.u32 s0, $0xA;
	s2 =	sadd.s32 s3, s2  }
0x8d: {  	s2 =	sadd.s32 s2, s17  }
0x8e: {  	[smem:$0x3FA6] =	sst s2  }
0x8f: {  	_ = 	snop  }
0x90: {  	s2 =	sld [smem:$0x3FD0];
	(tm) =	ssettm $0x1  }
0x91: {  	s18 =	sld [smem:$0x3FFB];
	_ =	sdelay $0x3  }
0x92: {  	_ =	strace s18  }
0x93: {  	s3 =	sld [smem:$0x3FFC];
	_ =	sdelay $0x3  }
0x94: {  	_ =	strace s3  }
0x95: {  	s3 =	sld [smem:$0x3FFD];
	_ =	sdelay $0x3  }
0x96: {  	_ =	strace s3  }
0x97: {  	_ =	strace $0x8FFFFFFF  }
0x98: {  	s19 =	sld [smem:$0x3FDB];
	_ =	sdelay $0x1  }
0x99: {  	s4 =	simm.s32 $_scs_section_size  }
0x9a: {  	s5 =	simm.s32 $_size__tile_overlayer_lowered;
	s6 =	simm.s32 $_tile_overlayer_lowered  }
0x9b: {  	s22 =	simm.s32 $0x1BFF;
	s21 =	sshll.u32 s6, $0x1;
	s3 =	sadd.s32 s4, s19  }
0x9c: {  	s7 =	simm.s32 $0x0;
	s20 =	sshll.u32 s5, $0x1;
	s5 =	sadd.s32 s21, s3  }
0x9d: {  	[timem:s7], [sflag:s22] =	dma.local [hbm:s5], s20  }
0x9e: {  	_ =	swait.ge [sflag:s22], s20  }
0x9f: {  	s4 =	ssub.s32 $0x0, s20;
	[sflag:s22] =	ssyncset.done $0x0  }
0xa0: {  	[sflag:s22] =	ssyncadd.s32 s4;
	_ =	sdelay $0x1  }
0xa1: {  	s23 =	simm.s32 $0x1B8B  }
0xa2: {  	_ =	swait.ge [sflag:s23], $0x1  }
0xa3: {  	[sflag:s23] =	ssyncset.done $0x0  }
0xa4: {  	s25 =	simm.s32 $0x1B8E;
	s24 =	sld [smem:$0x3FFE];
	[sflag:s23] =	ssyncadd.s32 $0xFFFFFFFF  }
0xa5: {  	s26 =	simm.s32 $execute0_lowered;
	[smem:$0x3FD2] =	sst s25  }
0xa6: {  	s5 =	sshll.u32 s26, $0x1;
	_ =	strace $0x8000005E;
	[dreg:$0x1] =	wrdreg $0xFFFFFFFF  }
0xa7: {  	s28 =	simm.s32 $_size_execute0_lowered;
	s3 =	sadd.s32 s3, s5;
	[dreg:$0x0] =	wrdreg $0x0  }
0xa8: {  	s5 =	sshll.u32 s28, $0x1;
	[dreg:$0x2] =	wrdreg s3  }
0xa9: {  	[dreg:$0x3] =	wrdreg s5  }
0xaa: {  	[dreg:$0x4] =	wrdreg $0xC0  }
0xab: {  	_ =	task [dreg:s7], $0x5FFFF  }
0xac: {  	[dreg:$0x1] =	wrdreg $0xFFFFFFFF  }
0xad: {  	[dreg:$0x0] =	wrdreg $0x60  }
0xae: {  	[dreg:$0x2] =	wrdreg s24  }
0xaf: {  	[dreg:$0x3] =	wrdreg s2  }
0xb0: {  	[dreg:$0x4] =	wrdreg $0x9  }
0xb1: {  	_ =	task.clear_ibuf [dreg:s7], $0x5FFFF;
	_ =	strace $0x9000005E  }
0xb2: {  	s29 =	simm.s32 $0x9;
	_ =	strace $0x80000060  }
0xb3: {  	_ =	swait.ge [sflag:s29], $0x1  }
0xb4: {  	[sflag:s29] =	ssyncadd.s32 $0xFFFFFFFF  }
0xb5: {  	_ =	strace $0x90000060  }
0xb6: {  	_ =	sfence  }
0xb7: {  	s30 =	sld [smem:$0x0];
	_ =	sdelay $0x2  }
0xb8: {  	s31 =	sshll.u32 s1, $0xD;
	s1 =	sshrl.u32 s1, $0x2  }
0xb9: {  	s3 =	sand.u32 $0x4000, s31;
	s1 =	sadd.s32 s1, s30  }
0xba: {  	s0 =	sor.u32 s3, s0;
	s1 =	sshll.u32 s1, $0x11  }
0xbb: {  	s0 =	sor.u32 s1, s0  }
0xbc: {  	s0 =	sadd.s32 $0x8F2B, s0  }
0xbd: {  	[sflag:s0] =	ssyncadd.remote.s32 $0x1  }
0xbe: {  	_ =	sfence.sel $0xFFFF  }
0xbf: {  	[dreg:$0x0] =	wrdreg $0xFFFFFFFF;
	(pc) =	sbr.abs _section_cstart, $3  }
0xc0: {  	[dreg:$0x1] =	wrdreg $0xFFFFFFFF  }
0xc1: {  	_ =	task.clear_ibuf [dreg:s7], $0x2FFFF;
	_ =	strace $0x9FFFFFFF  }
0xc2: {  	(tm) =	ssettm $0x7FFFFFFF  }
0xc3: {  	_ =	shalt  }
tec
execute0_lowered:
.L_overlay_start_1:
0x0: {  	(tag) =	ssettag $0x1  }
0x1: {  	s1 =	srdreg.scid  }
0x2: {  	s6 =	rddreg [dreg:$0x0];
	s0 =	stileid.u32  }
0x3: {  	s4 =	rddreg [dreg:$0x1];
	s2 =	simm.s32 $0x0;
	s10 =	simm.s32 $0x880  }
0x4: {  	s11 =	simm.s32 $0x1080;
	s12 =	simm.s32 $0x1880;
	s13 =	simm.s32 $0x2080  }
0x5: {  	s14 =	simm.s32 $0x2880;
	s15 =	simm.s32 $0x3080;
	s16 =	simm.s32 $0x3880  }
0x6: {  	s17 =	simm.s32 $0x4080;
	s18 =	simm.s32 $0x4880;
	s19 =	simm.s32 $0x5080  }
0x7: {  	s20 =	simm.s32 $0x5880;
	s21 =	simm.s32 $0x6080;
	s22 =	simm.s32 $0x6880  }
0x8: {  	s23 =	simm.s32 $0x7080;
	s24 =	simm.s32 $0x7880;
	s25 =	simm.s32 $0x1  }
0x9: {  	s3 =	sand.u32 $0x1, s1;
	s5 =	sshll.u32 s0, $0x7;
	[smem:$0x7FF] =	sst s2  }
0xa: {  	s1 =	rddreg [dreg:$0x2];
	s7 =	sshll.u32 s3, $0x6;
	_ =	strace $0x8000005F  }
0xb: {  	s8 =	ssub.s32 $0x2, s3;
	s3 =	sadd.s32 $0x48E800, s6;
	s5 =	sor.u32 s7, s5  }
0xc: {  	s9 =	sshrl.u32 s8, $0x1;
	s7 =	sshll.u32 s5, $0x6;
	s5 =	sshrl.u32 s5, $0x3  }
0xd: {  	v2 =	vlaneseq.u32;
	s8 =	ssub.s32 s8, s9;
	s9 =	simm.s32 $0x80;
	s7 =	sand.u32 $0xF000, s7  }
0xe: {  	vm0 =	vmmov $0xffff;
	v1 =	vshrl.u32 v2, $0x3;
	s4 =	sadd.s32 s4, s5;
	s7 =	sadd.s32 s7, s6;
	s6 =	sadd.s32 $0x48E900, s6  }
0xf: {  	v0 =	vand.u32 $0x7, v2;
	v2 =	vor.u32 $0x8, v2;
	v1 =	vmul.u32 $0x8, v1;
	s5 =	sadd.s32 $0x15600, s7;
	s7 =	smax.u32 s8, $0x1;
	s8 =	simm.s32 $0x2  }
.LBB2_1:
0x10: {  	[tilespmem:s2], [sflag:$0x2] =	stream.linear.gather [hbm4b:s4+s2], $0x40, $0x38;
	[tilespmem:$0x8080] =	vst v63  }
0x11: {  	_ =	swait.ge [sflag:s8], $0x40  }
0x12: {  	[sflag:s8] =	ssyncset.done $0x0  }
0x13: {  	[sflag:s8] =	ssyncadd.s32 $0xFFFFFFC0  }
0x14: {  	[tilespmem:s9], [sflag:$0x2] =	stream.linear.gather [hbm4b:s5+s2], $0x8000, $0x38;
	[tilespmem:$0x8080] =	vst v63  }
0x15: {  	_ =	swait.ge [sflag:s8], $0x8000  }
0x16: {  	[sflag:s8] =	ssyncset.done $0x0  }
0x17: {  	[sflag:s8] =	ssyncadd.s32 $0xFFFF8000  }
0x18: {  	v3 =	vld [tilespmem:$0x0];
	_ =	sdelay $0x4  }
0x19: {  	v4 =	vshll.u32 v3, $0x2  }
0x1a: {  	v3 =	vand.u32 $0x7, v3;
	v4 =	vand.u32 $0xFFFFFFE0, v4  }
0x1b: {  	v3 =	vor.u32 v3, v4  }
0x1c: {  	v4 =	vperm.xlane v3, v0;
	_ =	sdelay $0x1  }
0x1d: {  	v4 =	vadd.s32 v1, v4;
	_ =	sdelay $0x1  }
0x1e: {  	v3 =	vperm.xlane v3, v2;
	_ =	sdelay $0x1  }
0x1f: {  	v3 =	vadd.s32 v1, v3  }
0x20: {  	[hbm4b:s3+s2] =	stream.indirect_vreg.scatter [tilespmem:s9], [sflag:$0x1], $0x80, v4, vm0, $0xb8;
	[tilespmem:$0x8080] =	vst v63  }
0x21: {  	_ = 	snop  }
0x22: {  	[hbm4b:s6+s2] =	stream.indirect_vreg.scatter [tilespmem:s10], [sflag:$0x1], $0x80, v4, vm0, $0xb8;
	[tilespmem:$0x8080] =	vst v63  }
0x23: {  	_ = 	snop  }
0x24: {  	[hbm4b:s3+s2] =	stream.indirect_vreg.scatter [tilespmem:s11], [sflag:$0x1], $0x80, v3, vm0, $0xb8;
	[tilespmem:$0x8080] =	vst v63  }
0x25: {  	_ = 	snop  }
0x26: {  	[hbm4b:s6+s2] =	stream.indirect_vreg.scatter [tilespmem:s12], [sflag:$0x1], $0x80, v3, vm0, $0xb8;
	[tilespmem:$0x8080] =	vst v63  }
0x27: {  	v3 =	vld [tilespmem:$0x10];
	_ =	sdelay $0x4  }
0x28: {  	v61 =	vshll.u32 v3, $0x2  }
0x29: {  	v3 =	vand.u32 $0x7, v3;
	v4 =	vand.u32 $0xFFFFFFE0, v61  }
0x2a: {  	v3 =	vor.u32 v3, v4  }
0x2b: {  	v4 =	vperm.xlane v3, v0;
	_ =	sdelay $0x1  }
0x2c: {  	v4 =	vadd.s32 v1, v4;
	_ =	sdelay $0x1  }
0x2d: {  	v3 =	vperm.xlane v3, v2;
	_ =	sdelay $0x1  }
0x2e: {  	v3 =	vadd.s32 v1, v3  }
0x2f: {  	[hbm4b:s3+s2] =	stream.indirect_vreg.scatter [tilespmem:s13], [sflag:$0x1], $0x80, v4, vm0, $0xb8;
	[tilespmem:$0x8080] =	vst v63  }
0x30: {  	_ = 	snop  }
0x31: {  	[hbm4b:s6+s2] =	stream.indirect_vreg.scatter [tilespmem:s14], [sflag:$0x1], $0x80, v4, vm0, $0xb8;
	[tilespmem:$0x8080] =	vst v63  }
0x32: {  	_ = 	snop  }
0x33: {  	[hbm4b:s3+s2] =	stream.indirect_vreg.scatter [tilespmem:s15], [sflag:$0x1], $0x80, v3, vm0, $0xb8;
	[tilespmem:$0x8080] =	vst v63  }
0x34: {  	_ = 	snop  }
0x35: {  	[hbm4b:s6+s2] =	stream.indirect_vreg.scatter [tilespmem:s16], [sflag:$0x1], $0x80, v3, vm0, $0xb8;
	[tilespmem:$0x8080] =	vst v63  }
0x36: {  	v3 =	vld [tilespmem:$0x20];
	_ =	sdelay $0x4  }
0x37: {  	v62 =	vshll.u32 v3, $0x2  }
0x38: {  	v3 =	vand.u32 $0x7, v3;
	v4 =	vand.u32 $0xFFFFFFE0, v62  }
0x39: {  	v3 =	vor.u32 v3, v4  }
0x3a: {  	v4 =	vperm.xlane v3, v0;
	_ =	sdelay $0x1  }
0x3b: {  	v4 =	vadd.s32 v1, v4;
	_ =	sdelay $0x1  }
0x3c: {  	v3 =	vperm.xlane v3, v2;
	_ =	sdelay $0x1  }
0x3d: {  	v3 =	vadd.s32 v1, v3  }
0x3e: {  	[hbm4b:s3+s2] =	stream.indirect_vreg.scatter [tilespmem:s17], [sflag:$0x1], $0x80, v4, vm0, $0xb8;
	[tilespmem:$0x8080] =	vst v63  }
0x3f: {  	_ = 	snop  }
0x40: {  	[hbm4b:s6+s2] =	stream.indirect_vreg.scatter [tilespmem:s18], [sflag:$0x1], $0x80, v4, vm0, $0xb8;
	[tilespmem:$0x8080] =	vst v63  }
0x41: {  	_ = 	snop  }
0x42: {  	[hbm4b:s3+s2] =	stream.indirect_vreg.scatter [tilespmem:s19], [sflag:$0x1], $0x80, v3, vm0, $0xb8;
	[tilespmem:$0x8080] =	vst v63  }
0x43: {  	_ = 	snop  }
0x44: {  	[hbm4b:s6+s2] =	stream.indirect_vreg.scatter [tilespmem:s20], [sflag:$0x1], $0x80, v3, vm0, $0xb8;
	[tilespmem:$0x8080] =	vst v63  }
0x45: {  	v3 =	vld [tilespmem:$0x30];
	_ =	sdelay $0x4  }
0x46: {  	v63 =	vshll.u32 v3, $0x2  }
0x47: {  	v3 =	vand.u32 $0x7, v3;
	v4 =	vand.u32 $0xFFFFFFE0, v63  }
0x48: {  	v3 =	vor.u32 v3, v4  }
0x49: {  	v4 =	vperm.xlane v3, v0;
	_ =	sdelay $0x1  }
0x4a: {  	v4 =	vadd.s32 v1, v4;
	_ =	sdelay $0x1  }
0x4b: {  	v3 =	vperm.xlane v3, v2;
	_ =	sdelay $0x1  }
0x4c: {  	v3 =	vadd.s32 v1, v3  }
0x4d: {  	[hbm4b:s3+s2] =	stream.indirect_vreg.scatter [tilespmem:s21], [sflag:$0x1], $0x80, v4, vm0, $0xb8;
	[tilespmem:$0x8080] =	vst v63  }
0x4e: {  	_ = 	snop  }
0x4f: {  	[hbm4b:s6+s2] =	stream.indirect_vreg.scatter [tilespmem:s22], [sflag:$0x1], $0x80, v4, vm0, $0xb8;
	[tilespmem:$0x8080] =	vst v63  }
0x50: {  	p0 =	sne.s32 s7, $0x1  }
0x51: {  	[hbm4b:s3+s2] =	stream.indirect_vreg.scatter [tilespmem:s23], [sflag:$0x1], $0x80, v3, vm0, $0xb8;
	[tilespmem:$0x8080] =	vst v63  }
.Ltmp0:
0x52: {  	_ = 	snop;
	(pc) =	sbr.rel @p0 .LBB2_1-.Ltmp0, $4  }
0x53: {  	[hbm4b:s6+s2] =	stream.indirect_vreg.scatter [tilespmem:s24], [sflag:$0x1], $0x80, v3, vm0, $0xb8;
	[tilespmem:$0x8080] =	vst v63  }
0x54: {  	_ =	swait.ge [sflag:s25], $0x8000  }
0x55: {  	[sflag:s25] =	ssyncset.done $0x0  }
0x56: {  	s7 =	sadd.s32 $0xFFFFFFFF, s7;
	[sflag:s25] =	ssyncadd.s32 $0xFFFF8000  }
0x57: {  	_ =	sfence.sel $0x180000  }
0x58: {  	[bflag:$0x0] =	sbarrier.arrive $0xFFFF  }
0x59: {  	p0 =	sne.s32 s0, $0x0;
	_ =	strace $0x9000005F  }
0x5a: {  	s0 =	sadd.s32 @!p0 $0x100000, s1;
	[bflag:$0x2] =	sbarrier.arrive $0xFFFF  }
0x5b: {  	[sflag:s0] =	ssyncadd.tile.s32 @!p0 $0x1;
	_ =	shalt  }
.Lfunc_end2:
_tile_overlayer_lowered:
.L_overlay_start_2:
0x5c: {  	(tag) =	ssettag $0x2  }
0x5d: {  	s0 =	rddreg [dreg:$0x0];
	s2 =	stileid.u32  }
0x5e: {  	s1 =	rddreg [dreg:$0x1];
	p0 =	sne.s32 s2, $0x0  }
0x5f: {  	s3 =	rddreg [dreg:$0x2];
	[bflag:$0x3] =	sbarrier.arrive $0xFFFF;
	s2 =	simm.s32 @!p0 $0x1C02  }
0x60: {  	[timem:s3], [sflag:s2] =	dma.local @!p0 [hbm:s0], s1  }
0x61: {  	s0 =	simm.s32 @!p0 $0x2  }
0x62: {  	_ =	swait.ge @!p0 [sflag:s0], s1  }
0x63: {  	s1 =	ssub.s32 @!p0 $0x0, s1;
	[sflag:s0] =	ssyncset.done @!p0 $0x0  }
0x64: {  	[sflag:s0] =	ssyncadd.s32 @!p0 s1  }
0x65: {  	[bflag:$0x3] =	sbarrier.arrive $0xFFFF  }
0x66: {  	_ =	shalt  }

// kernel: kernel.54.cloned.1.call-start
scs
__scs_entry_jumppad:
0x0: {  	(pc) =	sbr.rel $0x88, $3  }
0x1: {  	(tag) =	ssettag $0x0;
	lr =	simm.s32 $0x1  }
0x2: {  	[smem:$0x3F7F] =	sst lr;
	_ =	strace $0xD0000000  }
0x3: {  	_ = 	snop  }
0x4: {  	_ = 	snop  }
0x5: {  	_ = 	snop  }
0x6: {  	_ = 	snop  }
0x7: {  	_ = 	snop  }
__scs_overlays_trampoline_lowered:
0x8: {  	[smem:$0x3F8E] =	sst s0  }
0x9: {  	[smem:$0x3F8F] =	sst s1  }
0xa: {  	[smem:$0x3F90] =	sst s2  }
0xb: {  	[smem:$0x3F91] =	sst s3  }
0xc: {  	[smem:$0x3F92] =	sst s4  }
0xd: {  	[smem:$0x3F93] =	sst s5  }
0xe: {  	[smem:$0x3F94] =	sst s6  }
0xf: {  	[smem:$0x3F95] =	sst s7  }
0x10: {  	[smem:$0x3F96] =	sst s8  }
0x11: {  	[smem:$0x3F97] =	sst s9;
	s0 =	simm.s32 @!p0 $0x0  }
0x12: {  	s1 =	sld [smem:$0x3F7D];
	s0 =	simm.s32 @p0 $0x1  }
0x13: {  	[smem:$0x3F98] =	sst s0;
	s0 =	simm.s32 @!p1 $0x0  }
0x14: {  	s2 =	sld [smem:$0x3F7C];
	s0 =	simm.s32 @p1 $0x1  }
0x15: {  	[smem:$0x3F99] =	sst s0;
	s0 =	simm.s32 @!p2 $0x0  }
0x16: {  	s3 =	sld [smem:$0x3FDB];
	s0 =	simm.s32 @p2 $0x1  }
0x17: {  	s4 =	simm.s32 $0x1BF5;
	[smem:$0x3F9B] =	sst s0  }
0x18: {  	s0 =	sld [smem:$0x3F7E];
	_ =	swait.ge [sflag:s4], $0x0  }
0x19: {  	s7 =	sld [smem:$0x3F7F]  }
0x1a: {  	s8 =	sadd.s32 $0xFFFFE003, lr  }
0x1b: {  	s9 =	sadd.s32 $0xFFFFFEF7, lr;
	s5 =	simm.s32 $0xFFFFFFFF;
	p2 =	slt.u32 s8, $0xFFFFF086  }
0x1c: {  	p1 =	slt.u32 s9, $0xF7A;
	s5 =	simm.s32 @!p2 $0x0  }
0x1d: {  	s5 =	simm.s32 @p1 $0x1;
	p0 =	seq.s32 s7, s2  }
0x1e: {  	s7 =	smul.u32 @!p0 $0xF7A, s2;
	p2 =	seq.s32 @!p0 s5, $0x0  }
0x1f: {  	s9 =	smul.u32 $0xF7A, s1;
	s8 =	simm.s32 @!p0 $0x1BF5;
	p2 =	por !p2, p0  }
0x20: {  	[sflag:s8] =	ssyncset.s32 @!p0 $0xFFFFF086;
	s6 =	sadd.s32 @!p0 s3, s7;
	s7 =	simm.s32 @!p0 $0x108  }
0x21: {  	s3 =	sadd.s32 s3, s9;
	s6 =	sadd.s32 @!p0 $0x88, s6;
	s7 =	simm.s32 @p2 $0x1082  }
0x22: {  	[simem:s7], [sflag:s8] =	dma.local @!p0 [hbm:s6], $0xF7A  }
0x23: {  	s9 =	sor.u32 $0xD0000000, s2;
	s6 =	simm.s32 $0x108;
	_ =	swait.ge @!p0 [sflag:s8], $0x0  }
0x24: {  	s3 =	sadd.s32 $0x88, s3;
	s6 =	simm.s32 @!p1 $0x1082;
	[sflag:s4] =	ssyncset.s32 $0xFFFFF086  }
0x25: {  	[simem:s6], [sflag:s4] =	dma.local [hbm:s3], $0xF7A  }
0x26: {  	[smem:$0x3F7F] =	sst s1;
	(tag) =	ssettag s2;
	_ =	strace s9  }
0x27: {  	s1 =	sld [smem:$0x3F8F]  }
0x28: {  	s2 =	sld [smem:$0x3F90]  }
0x29: {  	s4 =	sld [smem:$0x3F92]  }
0x2a: {  	p0 =	seq.s32 s5, $0x0;
	s5 =	sld [smem:$0x3F93]  }
0x2b: {  	s6 =	sld [smem:$0x3F94]  }
0x2c: {  	s7 =	sld [smem:$0x3F95]  }
0x2d: {  	s3 =	simm.s32 $0x108;
	s8 =	sld [smem:$0x3F96]  }
0x2e: {  	s3 =	simm.s32 @!p0 $0x1082;
	s9 =	sld [smem:$0x3F97]  }
0x2f: {  	lr =	sadd.s32 s0, s3;
	s0 =	sld [smem:$0x3F8E]  }
0x30: {  	s3 =	sld [smem:$0x3F91]  }
0x31: {  	[smem:$0x3F9A] =	sst s10  }
0x32: {  	s10 =	sld [smem:$0x3F98];
	_ =	sdelay $0x3  }
0x33: {  	p0 =	seq.s32 s10, $0x1;
	s10 =	sld [smem:$0x3F9A];
	_ =	sdelay $0x3  }
0x34: {  	[smem:$0x3F9A] =	sst s10  }
0x35: {  	s10 =	sld [smem:$0x3F99];
	_ =	sdelay $0x3  }
0x36: {  	p1 =	seq.s32 s10, $0x1;
	s10 =	sld [smem:$0x3F9A];
	_ =	sdelay $0x3  }
0x37: {  	[smem:$0x3F9A] =	sst s10  }
0x38: {  	s10 =	sld [smem:$0x3F9B]  }
0x39: {  	_ = 	snop;
	(pc) =	sbr.ind lr, $3  }
0x3a: {  	_ = 	snop  }
0x3b: {  	_ = 	snop  }
0x3c: {  	p2 =	seq.s32 s10, $0x1;
	s10 =	sld [smem:$0x3F9A]  }
0x3d: {  	_ =	shalt  }
0x3e: {  	_ =	shalt  }
0x3f: {  	_ =	shalt  }
0x40: {  	_ =	shalt  }
0x41: {  	_ =	shalt  }
0x42: {  	_ =	shalt  }
0x43: {  	_ =	shalt  }
0x44: {  	_ =	shalt  }
0x45: {  	_ =	shalt  }
0x46: {  	_ =	shalt  }
0x47: {  	_ =	shalt  }
0x48: {  	_ =	shalt  }
0x49: {  	_ =	shalt  }
0x4a: {  	_ =	shalt  }
0x4b: {  	_ =	shalt  }
0x4c: {  	_ =	shalt  }
0x4d: {  	_ =	shalt  }
0x4e: {  	_ =	shalt  }
0x4f: {  	_ =	shalt  }
0x50: {  	_ =	shalt  }
0x51: {  	_ =	shalt  }
0x52: {  	_ =	shalt  }
0x53: {  	_ =	shalt  }
0x54: {  	_ =	shalt  }
0x55: {  	_ =	shalt  }
0x56: {  	_ =	shalt  }
0x57: {  	_ =	shalt  }
0x58: {  	_ =	shalt  }
0x59: {  	_ =	shalt  }
0x5a: {  	_ =	shalt  }
0x5b: {  	_ =	shalt  }
0x5c: {  	_ =	shalt  }
0x5d: {  	_ =	shalt  }
0x5e: {  	_ =	shalt  }
0x5f: {  	_ =	shalt  }
0x60: {  	_ =	shalt  }
0x61: {  	_ =	shalt  }
0x62: {  	_ =	shalt  }
0x63: {  	_ =	shalt  }
0x64: {  	_ =	shalt  }
0x65: {  	_ =	shalt  }
0x66: {  	_ =	shalt  }
0x67: {  	_ =	shalt  }
0x68: {  	_ =	shalt  }
0x69: {  	_ =	shalt  }
0x6a: {  	_ =	shalt  }
0x6b: {  	_ =	shalt  }
0x6c: {  	_ =	shalt  }
0x6d: {  	_ =	shalt  }
0x6e: {  	_ =	shalt  }
0x6f: {  	_ =	shalt  }
0x70: {  	_ =	shalt  }
0x71: {  	_ =	shalt  }
0x72: {  	_ =	shalt  }
0x73: {  	_ =	shalt  }
0x74: {  	_ =	shalt  }
0x75: {  	_ =	shalt  }
0x76: {  	_ =	shalt  }
0x77: {  	_ =	shalt  }
0x78: {  	_ =	shalt  }
0x79: {  	_ =	shalt  }
0x7a: {  	_ =	shalt  }
0x7b: {  	_ =	shalt  }
0x7c: {  	_ =	shalt  }
0x7d: {  	_ =	shalt  }
0x7e: {  	_ =	shalt  }
0x7f: {  	_ =	shalt  }
0x80: {  	_ =	shalt  }
0x81: {  	_ =	shalt  }
0x82: {  	_ =	shalt  }
0x83: {  	_ =	shalt  }
0x84: {  	_ =	shalt  }
0x85: {  	_ =	shalt  }
0x86: {  	_ =	shalt  }
0x87: {  	_ =	shalt  }
.Lfunc_end0:
.L_simem_size_0:
called_computation.9_lowered:
.L_overlay_start_0:
0x88: {  	s2 =	sld [smem:$0x3FD9]  }
0x89: {  	s3 =	sld [smem:$0x3FFE];
	_ =	sdelay $0x1  }
0x8a: {  	s1 =	srdreg.scid  }
0x8b: {  	s0 =	sand.u32 $0x1, s1  }
0x8c: {  	s17 =	sshll.u32 s0, $0xA;
	s2 =	sadd.s32 s3, s2  }
0x8d: {  	s2 =	sadd.s32 s2, s17  }
0x8e: {  	[smem:$0x3FA6] =	sst s2  }
0x8f: {  	_ = 	snop  }
0x90: {  	s2 =	sld [smem:$0x3FD0];
	(tm) =	ssettm $0x1  }
0x91: {  	s18 =	sld [smem:$0x3FFB];
	_ =	sdelay $0x3  }
0x92: {  	_ =	strace s18  }
0x93: {  	s3 =	sld [smem:$0x3FFC];
	_ =	sdelay $0x3  }
0x94: {  	_ =	strace s3  }
0x95: {  	s3 =	sld [smem:$0x3FFD];
	_ =	sdelay $0x3  }
0x96: {  	_ =	strace s3  }
0x97: {  	_ =	strace $0x8FFFFFFF  }
0x98: {  	s19 =	sld [smem:$0x3FDB];
	_ =	sdelay $0x1  }
0x99: {  	s4 =	simm.s32 $_scs_section_size  }
0x9a: {  	s5 =	simm.s32 $_size__tile_overlayer_lowered;
	s6 =	simm.s32 $_tile_overlayer_lowered  }
0x9b: {  	s22 =	simm.s32 $0x1BFF;
	s21 =	sshll.u32 s6, $0x1;
	s3 =	sadd.s32 s4, s19  }
0x9c: {  	s7 =	simm.s32 $0x0;
	s20 =	sshll.u32 s5, $0x1;
	s5 =	sadd.s32 s21, s3  }
0x9d: {  	[timem:s7], [sflag:s22] =	dma.local [hbm:s5], s20  }
0x9e: {  	_ =	swait.ge [sflag:s22], s20  }
0x9f: {  	s4 =	ssub.s32 $0x0, s20;
	[sflag:s22] =	ssyncset.done $0x0  }
0xa0: {  	[sflag:s22] =	ssyncadd.s32 s4;
	_ =	sdelay $0x1  }
0xa1: {  	s23 =	simm.s32 $0x1B8B  }
0xa2: {  	_ =	swait.ge [sflag:s23], $0x1  }
0xa3: {  	[sflag:s23] =	ssyncset.done $0x0  }
0xa4: {  	s25 =	simm.s32 $0x1B8E;
	s24 =	sld [smem:$0x3FFE];
	[sflag:s23] =	ssyncadd.s32 $0xFFFFFFFF  }
0xa5: {  	s26 =	simm.s32 $execute0_lowered;
	[smem:$0x3FD2] =	sst s25  }
0xa6: {  	s5 =	sshll.u32 s26, $0x1;
	_ =	strace $0x80000061;
	[dreg:$0x1] =	wrdreg $0xFFFFFFFF  }
0xa7: {  	s28 =	simm.s32 $_size_execute0_lowered;
	s3 =	sadd.s32 s3, s5;
	[dreg:$0x0] =	wrdreg $0x0  }
0xa8: {  	s5 =	sshll.u32 s28, $0x1;
	[dreg:$0x2] =	wrdreg s3  }
0xa9: {  	[dreg:$0x3] =	wrdreg s5  }
0xaa: {  	[dreg:$0x4] =	wrdreg $0xC0  }
0xab: {  	_ =	task [dreg:s7], $0x5FFFF  }
0xac: {  	[dreg:$0x1] =	wrdreg $0xFFFFFFFF  }
0xad: {  	[dreg:$0x0] =	wrdreg $0x60  }
0xae: {  	[dreg:$0x2] =	wrdreg s24  }
0xaf: {  	[dreg:$0x3] =	wrdreg s2  }
0xb0: {  	[dreg:$0x4] =	wrdreg $0x9  }
0xb1: {  	_ =	task.clear_ibuf [dreg:s7], $0x5FFFF;
	_ =	strace $0x90000061  }
0xb2: {  	s29 =	simm.s32 $0x9;
	_ =	strace $0x80000063  }
0xb3: {  	_ =	swait.ge [sflag:s29], $0x1  }
0xb4: {  	[sflag:s29] =	ssyncadd.s32 $0xFFFFFFFF  }
0xb5: {  	_ =	strace $0x90000063  }
0xb6: {  	_ =	sfence  }
0xb7: {  	s30 =	sld [smem:$0x0];
	_ =	sdelay $0x2  }
0xb8: {  	s31 =	sshll.u32 s1, $0xD;
	s1 =	sshrl.u32 s1, $0x2  }
0xb9: {  	s3 =	sand.u32 $0x4000, s31;
	s1 =	sadd.s32 s1, s30  }
0xba: {  	s0 =	sor.u32 s3, s0;
	s1 =	sshll.u32 s1, $0x11  }
0xbb: {  	s0 =	sor.u32 s1, s0  }
0xbc: {  	s0 =	sadd.s32 $0x8F2B, s0  }
0xbd: {  	[sflag:s0] =	ssyncadd.remote.s32 $0x1  }
0xbe: {  	_ =	sfence.sel $0xFFFF  }
0xbf: {  	[dreg:$0x0] =	wrdreg $0xFFFFFFFF;
	(pc) =	sbr.abs _section_cstart, $3  }
0xc0: {  	[dreg:$0x1] =	wrdreg $0xFFFFFFFF  }
0xc1: {  	_ =	task.clear_ibuf [dreg:s7], $0x2FFFF;
	_ =	strace $0x9FFFFFFF  }
0xc2: {  	(tm) =	ssettm $0x7FFFFFFF  }
0xc3: {  	_ =	shalt  }
tec
execute0_lowered:
.L_overlay_start_1:
0x0: {  	(tag) =	ssettag $0x1  }
0x1: {  	s5 =	rddreg [dreg:$0x0]  }
0x2: {  	s4 =	rddreg [dreg:$0x1]  }
0x3: {  	s0 =	rddreg [dreg:$0x2];
	s2 =	simm.s32 $0x0;
	s3 =	srdreg.scid  }
0x4: {  	s1 =	stileid.u32;
	s10 =	simm.s32 $0x880;
	s11 =	simm.s32 $0x1080  }
0x5: {  	s12 =	simm.s32 $0x1880;
	s13 =	simm.s32 $0x2080;
	s14 =	simm.s32 $0x2880  }
0x6: {  	s15 =	simm.s32 $0x3080;
	s16 =	simm.s32 $0x3880;
	s17 =	simm.s32 $0x4080  }
0x7: {  	s18 =	simm.s32 $0x4880;
	s19 =	simm.s32 $0x5080;
	s20 =	simm.s32 $0x5880  }
0x8: {  	s21 =	simm.s32 $0x6080;
	s22 =	simm.s32 $0x6880;
	s23 =	simm.s32 $0x7080  }
0x9: {  	s24 =	simm.s32 $0x7880;
	s25 =	simm.s32 $0x1;
	s6 =	sand.u32 $0x1, s3  }
0xa: {  	[smem:$0x7FF] =	sst s2;
	s7 =	sshll.u32 s1, $0x7;
	s8 =	sshll.u32 s6, $0x6  }
0xb: {  	s3 =	sadd.s32 $0x52E800, s5;
	s6 =	ssub.s32 $0x2, s6;
	s7 =	sor.u32 s8, s7  }
0xc: {  	_ =	strace $0x80000062;
	s9 =	sshrl.u32 s6, $0x1;
	s8 =	sshll.u32 s7, $0x6  }
0xd: {  	v2 =	vlaneseq.u32;
	s7 =	sshrl.u32 s7, $0x3;
	s9 =	ssub.s32 s6, s9;
	s8 =	sadd.s32 s8, s5  }
0xe: {  	vm0 =	vmmov $0xffff;
	v1 =	vshrl.u32 v2, $0x3;
	s4 =	sadd.s32 s4, s7;
	s5 =	sadd.s32 $0x52E900, s5;
	s7 =	smax.u32 s9, $0x1  }
0xf: {  	v0 =	vand.u32 $0x7, v2;
	v2 =	vor.u32 $0x8, v2;
	v1 =	vmul.u32 $0x8, v1;
	s9 =	simm.s32 $0x80;
	s6 =	sadd.s32 $0x43A00, s8;
	s8 =	simm.s32 $0x2  }
.LBB2_1:
0x10: {  	[tilespmem:s2], [sflag:$0x2] =	stream.linear.gather [hbm4b:s4+s2], $0x40, $0x38;
	[tilespmem:$0x8080] =	vst v63  }
0x11: {  	_ =	swait.ge [sflag:s8], $0x40  }
0x12: {  	[sflag:s8] =	ssyncset.done $0x0  }
0x13: {  	[sflag:s8] =	ssyncadd.s32 $0xFFFFFFC0  }
0x14: {  	v3 =	vld [tilespmem:$0x0];
	_ =	sdelay $0x4  }
0x15: {  	v4 =	vshll.u32 v3, $0x2  }
0x16: {  	v3 =	vand.u32 $0x7, v3;
	v4 =	vand.u32 $0xFFFFFFE0, v4  }
0x17: {  	v3 =	vor.u32 v3, v4  }
0x18: {  	v4 =	vperm.xlane v3, v0;
	_ =	sdelay $0x1  }
0x19: {  	v4 =	vadd.s32 v1, v4;
	_ =	sdelay $0x1  }
0x1a: {  	v3 =	vperm.xlane v3, v2;
	_ =	sdelay $0x1  }
0x1b: {  	v3 =	vadd.s32 v1, v3  }
0x1c: {  	[tilespmem:s9], [sflag:$0x1] =	stream.indirect_vreg.gather [hbm4b:s3+s2], $0x80, v4, vm0, $0xb8;
	[tilespmem:$0x8080] =	vst v63  }
0x1d: {  	_ = 	snop  }
0x1e: {  	[tilespmem:s10], [sflag:$0x1] =	stream.indirect_vreg.gather [hbm4b:s5+s2], $0x80, v4, vm0, $0xb8;
	[tilespmem:$0x8080] =	vst v63  }
0x1f: {  	_ = 	snop  }
0x20: {  	[tilespmem:s11], [sflag:$0x1] =	stream.indirect_vreg.gather [hbm4b:s3+s2], $0x80, v3, vm0, $0xb8;
	[tilespmem:$0x8080] =	vst v63  }
0x21: {  	_ = 	snop  }
0x22: {  	[tilespmem:s12], [sflag:$0x1] =	stream.indirect_vreg.gather [hbm4b:s5+s2], $0x80, v3, vm0, $0xb8;
	[tilespmem:$0x8080] =	vst v63  }
0x23: {  	v3 =	vld [tilespmem:$0x10];
	_ =	sdelay $0x4  }
0x24: {  	v61 =	vshll.u32 v3, $0x2  }
0x25: {  	v3 =	vand.u32 $0x7, v3;
	v4 =	vand.u32 $0xFFFFFFE0, v61  }
0x26: {  	v3 =	vor.u32 v3, v4  }
0x27: {  	v4 =	vperm.xlane v3, v0;
	_ =	sdelay $0x1  }
0x28: {  	v4 =	vadd.s32 v1, v4;
	_ =	sdelay $0x1  }
0x29: {  	v3 =	vperm.xlane v3, v2;
	_ =	sdelay $0x1  }
0x2a: {  	v3 =	vadd.s32 v1, v3  }
0x2b: {  	[tilespmem:s13], [sflag:$0x1] =	stream.indirect_vreg.gather [hbm4b:s3+s2], $0x80, v4, vm0, $0xb8;
	[tilespmem:$0x8080] =	vst v63  }
0x2c: {  	_ = 	snop  }
0x2d: {  	[tilespmem:s14], [sflag:$0x1] =	stream.indirect_vreg.gather [hbm4b:s5+s2], $0x80, v4, vm0, $0xb8;
	[tilespmem:$0x8080] =	vst v63  }
0x2e: {  	_ = 	snop  }
0x2f: {  	[tilespmem:s15], [sflag:$0x1] =	stream.indirect_vreg.gather [hbm4b:s3+s2], $0x80, v3, vm0, $0xb8;
	[tilespmem:$0x8080] =	vst v63  }
0x30: {  	_ = 	snop  }
0x31: {  	[tilespmem:s16], [sflag:$0x1] =	stream.indirect_vreg.gather [hbm4b:s5+s2], $0x80, v3, vm0, $0xb8;
	[tilespmem:$0x8080] =	vst v63  }
0x32: {  	v3 =	vld [tilespmem:$0x20];
	_ =	sdelay $0x4  }
0x33: {  	v62 =	vshll.u32 v3, $0x2  }
0x34: {  	v3 =	vand.u32 $0x7, v3;
	v4 =	vand.u32 $0xFFFFFFE0, v62  }
0x35: {  	v3 =	vor.u32 v3, v4  }
0x36: {  	v4 =	vperm.xlane v3, v0;
	_ =	sdelay $0x1  }
0x37: {  	v4 =	vadd.s32 v1, v4;
	_ =	sdelay $0x1  }
0x38: {  	v3 =	vperm.xlane v3, v2;
	_ =	sdelay $0x1  }
0x39: {  	v3 =	vadd.s32 v1, v3  }
0x3a: {  	[tilespmem:s17], [sflag:$0x1] =	stream.indirect_vreg.gather [hbm4b:s3+s2], $0x80, v4, vm0, $0xb8;
	[tilespmem:$0x8080] =	vst v63  }
0x3b: {  	_ = 	snop  }
0x3c: {  	[tilespmem:s18], [sflag:$0x1] =	stream.indirect_vreg.gather [hbm4b:s5+s2], $0x80, v4, vm0, $0xb8;
	[tilespmem:$0x8080] =	vst v63  }
0x3d: {  	_ = 	snop  }
0x3e: {  	[tilespmem:s19], [sflag:$0x1] =	stream.indirect_vreg.gather [hbm4b:s3+s2], $0x80, v3, vm0, $0xb8;
	[tilespmem:$0x8080] =	vst v63  }
0x3f: {  	_ = 	snop  }
0x40: {  	[tilespmem:s20], [sflag:$0x1] =	stream.indirect_vreg.gather [hbm4b:s5+s2], $0x80, v3, vm0, $0xb8;
	[tilespmem:$0x8080] =	vst v63  }
0x41: {  	v3 =	vld [tilespmem:$0x30];
	_ =	sdelay $0x4  }
0x42: {  	v63 =	vshll.u32 v3, $0x2  }
0x43: {  	v3 =	vand.u32 $0x7, v3;
	v4 =	vand.u32 $0xFFFFFFE0, v63  }
0x44: {  	v3 =	vor.u32 v3, v4  }
0x45: {  	v4 =	vperm.xlane v3, v0;
	_ =	sdelay $0x1  }
0x46: {  	v4 =	vadd.s32 v1, v4;
	_ =	sdelay $0x1  }
0x47: {  	v3 =	vperm.xlane v3, v2;
	_ =	sdelay $0x1  }
0x48: {  	v3 =	vadd.s32 v1, v3  }
0x49: {  	[tilespmem:s21], [sflag:$0x1] =	stream.indirect_vreg.gather [hbm4b:s3+s2], $0x80, v4, vm0, $0xb8;
	[tilespmem:$0x8080] =	vst v63  }
0x4a: {  	_ = 	snop  }
0x4b: {  	[tilespmem:s22], [sflag:$0x1] =	stream.indirect_vreg.gather [hbm4b:s5+s2], $0x80, v4, vm0, $0xb8;
	[tilespmem:$0x8080] =	vst v63  }
0x4c: {  	_ = 	snop  }
0x4d: {  	[tilespmem:s23], [sflag:$0x1] =	stream.indirect_vreg.gather [hbm4b:s3+s2], $0x80, v3, vm0, $0xb8;
	[tilespmem:$0x8080] =	vst v63  }
0x4e: {  	_ = 	snop  }
0x4f: {  	[tilespmem:s24], [sflag:$0x1] =	stream.indirect_vreg.gather [hbm4b:s5+s2], $0x80, v3, vm0, $0xb8;
	[tilespmem:$0x8080] =	vst v63  }
0x50: {  	_ =	swait.ge [sflag:s25], $0x8000  }
0x51: {  	p0 =	sne.s32 s7, $0x1;
	[sflag:s25] =	ssyncset.done $0x0  }
.Ltmp0:
0x52: {  	[sflag:s25] =	ssyncadd.s32 $0xFFFF8000;
	(pc) =	sbr.rel @p0 .LBB2_1-.Ltmp0, $4  }
0x53: {  	[hbm4b:s6+s2] =	stream.linear.scatter [tilespmem:s9], [sflag:$0x2], $0x8000, $0x38;
	[tilespmem:$0x8080] =	vst v63  }
0x54: {  	_ =	swait.ge [sflag:s8], $0x8000  }
0x55: {  	[sflag:s8] =	ssyncset.done $0x0  }
0x56: {  	s7 =	sadd.s32 $0xFFFFFFFF, s7;
	[sflag:s8] =	ssyncadd.s32 $0xFFFF8000  }
0x57: {  	_ =	sfence.sel $0x180000  }
0x58: {  	[bflag:$0x0] =	sbarrier.arrive $0xFFFF  }
0x59: {  	p0 =	sne.s32 s1, $0x0;
	_ =	strace $0x90000062  }
0x5a: {  	s0 =	sadd.s32 @!p0 $0x100000, s0;
	[bflag:$0x2] =	sbarrier.arrive $0xFFFF  }
0x5b: {  	[sflag:s0] =	ssyncadd.tile.s32 @!p0 $0x1;
	_ =	shalt  }
.Lfunc_end2:
_tile_overlayer_lowered:
.L_overlay_start_2:
0x5c: {  	(tag) =	ssettag $0x2  }
0x5d: {  	s0 =	rddreg [dreg:$0x0];
	s2 =	stileid.u32  }
0x5e: {  	s1 =	rddreg [dreg:$0x1];
	p0 =	sne.s32 s2, $0x0  }
0x5f: {  	s3 =	rddreg [dreg:$0x2];
	[bflag:$0x3] =	sbarrier.arrive $0xFFFF;
	s2 =	simm.s32 @!p0 $0x1C02  }
0x60: {  	[timem:s3], [sflag:s2] =	dma.local @!p0 [hbm:s0], s1  }
0x61: {  	s0 =	simm.s32 @!p0 $0x2  }
0x62: {  	_ =	swait.ge @!p0 [sflag:s0], s1  }
0x63: {  	s1 =	ssub.s32 @!p0 $0x0, s1;
	[sflag:s0] =	ssyncset.done @!p0 $0x0  }
0x64: {  	[sflag:s0] =	ssyncadd.s32 @!p0 s1  }
0x65: {  	[bflag:$0x3] =	sbarrier.arrive $0xFFFF  }
0x66: {  	_ =	shalt  }

// kernel: kernel.57.cloned.1.call-start
scs
__scs_entry_jumppad:
0x0: {  	(pc) =	sbr.rel $0x88, $3  }
0x1: {  	(tag) =	ssettag $0x0;
	lr =	simm.s32 $0x1  }
0x2: {  	[smem:$0x3F7F] =	sst lr;
	_ =	strace $0xD0000000  }
0x3: {  	_ = 	snop  }
0x4: {  	_ = 	snop  }
0x5: {  	_ = 	snop  }
0x6: {  	_ = 	snop  }
0x7: {  	_ = 	snop  }
__scs_overlays_trampoline_lowered:
0x8: {  	[smem:$0x3F8E] =	sst s0  }
0x9: {  	[smem:$0x3F8F] =	sst s1  }
0xa: {  	[smem:$0x3F90] =	sst s2  }
0xb: {  	[smem:$0x3F91] =	sst s3  }
0xc: {  	[smem:$0x3F92] =	sst s4  }
0xd: {  	[smem:$0x3F93] =	sst s5  }
0xe: {  	[smem:$0x3F94] =	sst s6  }
0xf: {  	[smem:$0x3F95] =	sst s7  }
0x10: {  	[smem:$0x3F96] =	sst s8  }
0x11: {  	[smem:$0x3F97] =	sst s9;
	s0 =	simm.s32 @!p0 $0x0  }
0x12: {  	s1 =	sld [smem:$0x3F7D];
	s0 =	simm.s32 @p0 $0x1  }
0x13: {  	[smem:$0x3F98] =	sst s0;
	s0 =	simm.s32 @!p1 $0x0  }
0x14: {  	s2 =	sld [smem:$0x3F7C];
	s0 =	simm.s32 @p1 $0x1  }
0x15: {  	[smem:$0x3F99] =	sst s0;
	s0 =	simm.s32 @!p2 $0x0  }
0x16: {  	s3 =	sld [smem:$0x3FDB];
	s0 =	simm.s32 @p2 $0x1  }
0x17: {  	s4 =	simm.s32 $0x1BF5;
	[smem:$0x3F9B] =	sst s0  }
0x18: {  	s0 =	sld [smem:$0x3F7E];
	_ =	swait.ge [sflag:s4], $0x0  }
0x19: {  	s7 =	sld [smem:$0x3F7F]  }
0x1a: {  	s8 =	sadd.s32 $0xFFFFE003, lr  }
0x1b: {  	s9 =	sadd.s32 $0xFFFFFEF7, lr;
	s5 =	simm.s32 $0xFFFFFFFF;
	p2 =	slt.u32 s8, $0xFFFFF086  }
0x1c: {  	p1 =	slt.u32 s9, $0xF7A;
	s5 =	simm.s32 @!p2 $0x0  }
0x1d: {  	s5 =	simm.s32 @p1 $0x1;
	p0 =	seq.s32 s7, s2  }
0x1e: {  	s7 =	smul.u32 @!p0 $0xF7A, s2;
	p2 =	seq.s32 @!p0 s5, $0x0  }
0x1f: {  	s9 =	smul.u32 $0xF7A, s1;
	s8 =	simm.s32 @!p0 $0x1BF5;
	p2 =	por !p2, p0  }
0x20: {  	[sflag:s8] =	ssyncset.s32 @!p0 $0xFFFFF086;
	s6 =	sadd.s32 @!p0 s3, s7;
	s7 =	simm.s32 @!p0 $0x108  }
0x21: {  	s3 =	sadd.s32 s3, s9;
	s6 =	sadd.s32 @!p0 $0x88, s6;
	s7 =	simm.s32 @p2 $0x1082  }
0x22: {  	[simem:s7], [sflag:s8] =	dma.local @!p0 [hbm:s6], $0xF7A  }
0x23: {  	s9 =	sor.u32 $0xD0000000, s2;
	s6 =	simm.s32 $0x108;
	_ =	swait.ge @!p0 [sflag:s8], $0x0  }
0x24: {  	s3 =	sadd.s32 $0x88, s3;
	s6 =	simm.s32 @!p1 $0x1082;
	[sflag:s4] =	ssyncset.s32 $0xFFFFF086  }
0x25: {  	[simem:s6], [sflag:s4] =	dma.local [hbm:s3], $0xF7A  }
0x26: {  	[smem:$0x3F7F] =	sst s1;
	(tag) =	ssettag s2;
	_ =	strace s9  }
0x27: {  	s1 =	sld [smem:$0x3F8F]  }
0x28: {  	s2 =	sld [smem:$0x3F90]  }
0x29: {  	s4 =	sld [smem:$0x3F92]  }
0x2a: {  	p0 =	seq.s32 s5, $0x0;
	s5 =	sld [smem:$0x3F93]  }
0x2b: {  	s6 =	sld [smem:$0x3F94]  }
0x2c: {  	s7 =	sld [smem:$0x3F95]  }
0x2d: {  	s3 =	simm.s32 $0x108;
	s8 =	sld [smem:$0x3F96]  }
0x2e: {  	s3 =	simm.s32 @!p0 $0x1082;
	s9 =	sld [smem:$0x3F97]  }
0x2f: {  	lr =	sadd.s32 s0, s3;
	s0 =	sld [smem:$0x3F8E]  }
0x30: {  	s3 =	sld [smem:$0x3F91]  }
0x31: {  	[smem:$0x3F9A] =	sst s10  }
0x32: {  	s10 =	sld [smem:$0x3F98];
	_ =	sdelay $0x3  }
0x33: {  	p0 =	seq.s32 s10, $0x1;
	s10 =	sld [smem:$0x3F9A];
	_ =	sdelay $0x3  }
0x34: {  	[smem:$0x3F9A] =	sst s10  }
0x35: {  	s10 =	sld [smem:$0x3F99];
	_ =	sdelay $0x3  }
0x36: {  	p1 =	seq.s32 s10, $0x1;
	s10 =	sld [smem:$0x3F9A];
	_ =	sdelay $0x3  }
0x37: {  	[smem:$0x3F9A] =	sst s10  }
0x38: {  	s10 =	sld [smem:$0x3F9B]  }
0x39: {  	_ = 	snop;
	(pc) =	sbr.ind lr, $3  }
0x3a: {  	_ = 	snop  }
0x3b: {  	_ = 	snop  }
0x3c: {  	p2 =	seq.s32 s10, $0x1;
	s10 =	sld [smem:$0x3F9A]  }
0x3d: {  	_ =	shalt  }
0x3e: {  	_ =	shalt  }
0x3f: {  	_ =	shalt  }
0x40: {  	_ =	shalt  }
0x41: {  	_ =	shalt  }
0x42: {  	_ =	shalt  }
0x43: {  	_ =	shalt  }
0x44: {  	_ =	shalt  }
0x45: {  	_ =	shalt  }
0x46: {  	_ =	shalt  }
0x47: {  	_ =	shalt  }
0x48: {  	_ =	shalt  }
0x49: {  	_ =	shalt  }
0x4a: {  	_ =	shalt  }
0x4b: {  	_ =	shalt  }
0x4c: {  	_ =	shalt  }
0x4d: {  	_ =	shalt  }
0x4e: {  	_ =	shalt  }
0x4f: {  	_ =	shalt  }
0x50: {  	_ =	shalt  }
0x51: {  	_ =	shalt  }
0x52: {  	_ =	shalt  }
0x53: {  	_ =	shalt  }
0x54: {  	_ =	shalt  }
0x55: {  	_ =	shalt  }
0x56: {  	_ =	shalt  }
0x57: {  	_ =	shalt  }
0x58: {  	_ =	shalt  }
0x59: {  	_ =	shalt  }
0x5a: {  	_ =	shalt  }
0x5b: {  	_ =	shalt  }
0x5c: {  	_ =	shalt  }
0x5d: {  	_ =	shalt  }
0x5e: {  	_ =	shalt  }
0x5f: {  	_ =	shalt  }
0x60: {  	_ =	shalt  }
0x61: {  	_ =	shalt  }
0x62: {  	_ =	shalt  }
0x63: {  	_ =	shalt  }
0x64: {  	_ =	shalt  }
0x65: {  	_ =	shalt  }
0x66: {  	_ =	shalt  }
0x67: {  	_ =	shalt  }
0x68: {  	_ =	shalt  }
0x69: {  	_ =	shalt  }
0x6a: {  	_ =	shalt  }
0x6b: {  	_ =	shalt  }
0x6c: {  	_ =	shalt  }
0x6d: {  	_ =	shalt  }
0x6e: {  	_ =	shalt  }
0x6f: {  	_ =	shalt  }
0x70: {  	_ =	shalt  }
0x71: {  	_ =	shalt  }
0x72: {  	_ =	shalt  }
0x73: {  	_ =	shalt  }
0x74: {  	_ =	shalt  }
0x75: {  	_ =	shalt  }
0x76: {  	_ =	shalt  }
0x77: {  	_ =	shalt  }
0x78: {  	_ =	shalt  }
0x79: {  	_ =	shalt  }
0x7a: {  	_ =	shalt  }
0x7b: {  	_ =	shalt  }
0x7c: {  	_ =	shalt  }
0x7d: {  	_ =	shalt  }
0x7e: {  	_ =	shalt  }
0x7f: {  	_ =	shalt  }
0x80: {  	_ =	shalt  }
0x81: {  	_ =	shalt  }
0x82: {  	_ =	shalt  }
0x83: {  	_ =	shalt  }
0x84: {  	_ =	shalt  }
0x85: {  	_ =	shalt  }
0x86: {  	_ =	shalt  }
0x87: {  	_ =	shalt  }
.Lfunc_end0:
.L_simem_size_0:
called_computation.10_lowered:
.L_overlay_start_0:
0x88: {  	s2 =	sld [smem:$0x3FD9]  }
0x89: {  	s3 =	sld [smem:$0x3FFE];
	_ =	sdelay $0x1  }
0x8a: {  	s1 =	srdreg.scid  }
0x8b: {  	s0 =	sand.u32 $0x1, s1  }
0x8c: {  	s17 =	sshll.u32 s0, $0xA;
	s2 =	sadd.s32 s3, s2  }
0x8d: {  	s2 =	sadd.s32 s2, s17  }
0x8e: {  	[smem:$0x3FA6] =	sst s2  }
0x8f: {  	_ = 	snop  }
0x90: {  	s2 =	sld [smem:$0x3FD0];
	(tm) =	ssettm $0x1  }
0x91: {  	s18 =	sld [smem:$0x3FFB];
	_ =	sdelay $0x3  }
0x92: {  	_ =	strace s18  }
0x93: {  	s3 =	sld [smem:$0x3FFC];
	_ =	sdelay $0x3  }
0x94: {  	_ =	strace s3  }
0x95: {  	s3 =	sld [smem:$0x3FFD];
	_ =	sdelay $0x3  }
0x96: {  	_ =	strace s3  }
0x97: {  	_ =	strace $0x8FFFFFFF  }
0x98: {  	s19 =	sld [smem:$0x3FDB];
	_ =	sdelay $0x1  }
0x99: {  	s4 =	simm.s32 $_scs_section_size  }
0x9a: {  	s5 =	simm.s32 $_size__tile_overlayer_lowered;
	s6 =	simm.s32 $_tile_overlayer_lowered  }
0x9b: {  	s22 =	simm.s32 $0x1BFF;
	s21 =	sshll.u32 s6, $0x1;
	s3 =	sadd.s32 s4, s19  }
0x9c: {  	s7 =	simm.s32 $0x0;
	s20 =	sshll.u32 s5, $0x1;
	s5 =	sadd.s32 s21, s3  }
0x9d: {  	[timem:s7], [sflag:s22] =	dma.local [hbm:s5], s20  }
0x9e: {  	_ =	swait.ge [sflag:s22], s20  }
0x9f: {  	s4 =	ssub.s32 $0x0, s20;
	[sflag:s22] =	ssyncset.done $0x0  }
0xa0: {  	[sflag:s22] =	ssyncadd.s32 s4;
	_ =	sdelay $0x1  }
0xa1: {  	s23 =	simm.s32 $0x1B8B  }
0xa2: {  	_ =	swait.ge [sflag:s23], $0x1  }
0xa3: {  	[sflag:s23] =	ssyncset.done $0x0  }
0xa4: {  	s25 =	simm.s32 $0x1B8E;
	s24 =	sld [smem:$0x3FFE];
	[sflag:s23] =	ssyncadd.s32 $0xFFFFFFFF  }
0xa5: {  	s26 =	simm.s32 $execute0_lowered;
	[smem:$0x3FD2] =	sst s25  }
0xa6: {  	s5 =	sshll.u32 s26, $0x1;
	_ =	strace $0x80000064;
	[dreg:$0x1] =	wrdreg $0xFFFFFFFF  }
0xa7: {  	s28 =	simm.s32 $_size_execute0_lowered;
	s3 =	sadd.s32 s3, s5;
	[dreg:$0x0] =	wrdreg $0x0  }
0xa8: {  	s5 =	sshll.u32 s28, $0x1;
	[dreg:$0x2] =	wrdreg s3  }
0xa9: {  	[dreg:$0x3] =	wrdreg s5  }
0xaa: {  	[dreg:$0x4] =	wrdreg $0xC0  }
0xab: {  	_ =	task [dreg:s7], $0x5FFFF  }
0xac: {  	[dreg:$0x1] =	wrdreg $0xFFFFFFFF  }
0xad: {  	[dreg:$0x0] =	wrdreg $0x60  }
0xae: {  	[dreg:$0x2] =	wrdreg s24  }
0xaf: {  	[dreg:$0x3] =	wrdreg s2  }
0xb0: {  	[dreg:$0x4] =	wrdreg $0x9  }
0xb1: {  	_ =	task.clear_ibuf [dreg:s7], $0x5FFFF;
	_ =	strace $0x90000064  }
0xb2: {  	s29 =	simm.s32 $0x9;
	_ =	strace $0x80000066  }
0xb3: {  	_ =	swait.ge [sflag:s29], $0x1  }
0xb4: {  	[sflag:s29] =	ssyncadd.s32 $0xFFFFFFFF  }
0xb5: {  	_ =	strace $0x90000066  }
0xb6: {  	_ =	sfence  }
0xb7: {  	s30 =	sld [smem:$0x0];
	_ =	sdelay $0x2  }
0xb8: {  	s31 =	sshll.u32 s1, $0xD;
	s1 =	sshrl.u32 s1, $0x2  }
0xb9: {  	s3 =	sand.u32 $0x4000, s31;
	s1 =	sadd.s32 s1, s30  }
0xba: {  	s0 =	sor.u32 s3, s0;
	s1 =	sshll.u32 s1, $0x11  }
0xbb: {  	s0 =	sor.u32 s1, s0  }
0xbc: {  	s0 =	sadd.s32 $0x8F2B, s0  }
0xbd: {  	[sflag:s0] =	ssyncadd.remote.s32 $0x1  }
0xbe: {  	_ =	sfence.sel $0xFFFF  }
0xbf: {  	[dreg:$0x0] =	wrdreg $0xFFFFFFFF;
	(pc) =	sbr.abs _section_cstart, $3  }
0xc0: {  	[dreg:$0x1] =	wrdreg $0xFFFFFFFF  }
0xc1: {  	_ =	task.clear_ibuf [dreg:s7], $0x2FFFF;
	_ =	strace $0x9FFFFFFF  }
0xc2: {  	(tm) =	ssettm $0x7FFFFFFF  }
0xc3: {  	_ =	shalt  }
tec
execute0_lowered:
.L_overlay_start_1:
0x0: {  	(tag) =	ssettag $0x1  }
0x1: {  	s1 =	srdreg.scid  }
0x2: {  	s6 =	rddreg [dreg:$0x0];
	s0 =	stileid.u32  }
0x3: {  	s4 =	rddreg [dreg:$0x1];
	s2 =	simm.s32 $0x0;
	s10 =	simm.s32 $0x880  }
0x4: {  	s11 =	simm.s32 $0x1080;
	s12 =	simm.s32 $0x1880;
	s13 =	simm.s32 $0x2080  }
0x5: {  	s14 =	simm.s32 $0x2880;
	s15 =	simm.s32 $0x3080;
	s16 =	simm.s32 $0x3880  }
0x6: {  	s17 =	simm.s32 $0x4080;
	s18 =	simm.s32 $0x4880;
	s19 =	simm.s32 $0x5080  }
0x7: {  	s20 =	simm.s32 $0x5880;
	s21 =	simm.s32 $0x6080;
	s22 =	simm.s32 $0x6880  }
0x8: {  	s23 =	simm.s32 $0x7080;
	s24 =	simm.s32 $0x7880;
	s25 =	simm.s32 $0x1  }
0x9: {  	s3 =	sand.u32 $0x1, s1;
	s5 =	sshll.u32 s0, $0x7;
	[smem:$0x7FF] =	sst s2  }
0xa: {  	s1 =	rddreg [dreg:$0x2];
	s7 =	sshll.u32 s3, $0x6;
	_ =	strace $0x80000065  }
0xb: {  	s8 =	ssub.s32 $0x2, s3;
	s3 =	sadd.s32 $0x52E800, s6;
	s5 =	sor.u32 s7, s5  }
0xc: {  	s9 =	sshrl.u32 s8, $0x1;
	s7 =	sshll.u32 s5, $0x6;
	s5 =	sshrl.u32 s5, $0x3  }
0xd: {  	v2 =	vlaneseq.u32;
	s8 =	ssub.s32 s8, s9;
	s9 =	simm.s32 $0x80;
	s7 =	sand.u32 $0xF000, s7  }
0xe: {  	vm0 =	vmmov $0xffff;
	v1 =	vshrl.u32 v2, $0x3;
	s4 =	sadd.s32 s4, s5;
	s7 =	sadd.s32 s7, s6;
	s6 =	sadd.s32 $0x52E900, s6  }
0xf: {  	v0 =	vand.u32 $0x7, v2;
	v2 =	vor.u32 $0x8, v2;
	v1 =	vmul.u32 $0x8, v1;
	s5 =	sadd.s32 $0x15600, s7;
	s7 =	smax.u32 s8, $0x1;
	s8 =	simm.s32 $0x2  }
.LBB2_1:
0x10: {  	[tilespmem:s2], [sflag:$0x2] =	stream.linear.gather [hbm4b:s4+s2], $0x40, $0x38;
	[tilespmem:$0x8080] =	vst v63  }
0x11: {  	_ =	swait.ge [sflag:s8], $0x40  }
0x12: {  	[sflag:s8] =	ssyncset.done $0x0  }
0x13: {  	[sflag:s8] =	ssyncadd.s32 $0xFFFFFFC0  }
0x14: {  	[tilespmem:s9], [sflag:$0x2] =	stream.linear.gather [hbm4b:s5+s2], $0x8000, $0x38;
	[tilespmem:$0x8080] =	vst v63  }
0x15: {  	_ =	swait.ge [sflag:s8], $0x8000  }
0x16: {  	[sflag:s8] =	ssyncset.done $0x0  }
0x17: {  	[sflag:s8] =	ssyncadd.s32 $0xFFFF8000  }
0x18: {  	v3 =	vld [tilespmem:$0x0];
	_ =	sdelay $0x4  }
0x19: {  	v4 =	vshll.u32 v3, $0x2  }
0x1a: {  	v3 =	vand.u32 $0x7, v3;
	v4 =	vand.u32 $0xFFFFFFE0, v4  }
0x1b: {  	v3 =	vor.u32 v3, v4  }
0x1c: {  	v4 =	vperm.xlane v3, v0;
	_ =	sdelay $0x1  }
0x1d: {  	v4 =	vadd.s32 v1, v4;
	_ =	sdelay $0x1  }
0x1e: {  	v3 =	vperm.xlane v3, v2;
	_ =	sdelay $0x1  }
0x1f: {  	v3 =	vadd.s32 v1, v3  }
0x20: {  	[hbm4b:s3+s2] =	stream.indirect_vreg.scatter [tilespmem:s9], [sflag:$0x1], $0x80, v4, vm0, $0xb8;
	[tilespmem:$0x8080] =	vst v63  }
0x21: {  	_ = 	snop  }
0x22: {  	[hbm4b:s6+s2] =	stream.indirect_vreg.scatter [tilespmem:s10], [sflag:$0x1], $0x80, v4, vm0, $0xb8;
	[tilespmem:$0x8080] =	vst v63  }
0x23: {  	_ = 	snop  }
0x24: {  	[hbm4b:s3+s2] =	stream.indirect_vreg.scatter [tilespmem:s11], [sflag:$0x1], $0x80, v3, vm0, $0xb8;
	[tilespmem:$0x8080] =	vst v63  }
0x25: {  	_ = 	snop  }
0x26: {  	[hbm4b:s6+s2] =	stream.indirect_vreg.scatter [tilespmem:s12], [sflag:$0x1], $0x80, v3, vm0, $0xb8;
	[tilespmem:$0x8080] =	vst v63  }
0x27: {  	v3 =	vld [tilespmem:$0x10];
	_ =	sdelay $0x4  }
0x28: {  	v61 =	vshll.u32 v3, $0x2  }
0x29: {  	v3 =	vand.u32 $0x7, v3;
	v4 =	vand.u32 $0xFFFFFFE0, v61  }
0x2a: {  	v3 =	vor.u32 v3, v4  }
0x2b: {  	v4 =	vperm.xlane v3, v0;
	_ =	sdelay $0x1  }
0x2c: {  	v4 =	vadd.s32 v1, v4;
	_ =	sdelay $0x1  }
0x2d: {  	v3 =	vperm.xlane v3, v2;
	_ =	sdelay $0x1  }
0x2e: {  	v3 =	vadd.s32 v1, v3  }
0x2f: {  	[hbm4b:s3+s2] =	stream.indirect_vreg.scatter [tilespmem:s13], [sflag:$0x1], $0x80, v4, vm0, $0xb8;
	[tilespmem:$0x8080] =	vst v63  }
0x30: {  	_ = 	snop  }
0x31: {  	[hbm4b:s6+s2] =	stream.indirect_vreg.scatter [tilespmem:s14], [sflag:$0x1], $0x80, v4, vm0, $0xb8;
	[tilespmem:$0x8080] =	vst v63  }
0x32: {  	_ = 	snop  }
0x33: {  	[hbm4b:s3+s2] =	stream.indirect_vreg.scatter [tilespmem:s15], [sflag:$0x1], $0x80, v3, vm0, $0xb8;
	[tilespmem:$0x8080] =	vst v63  }
0x34: {  	_ = 	snop  }
0x35: {  	[hbm4b:s6+s2] =	stream.indirect_vreg.scatter [tilespmem:s16], [sflag:$0x1], $0x80, v3, vm0, $0xb8;
	[tilespmem:$0x8080] =	vst v63  }
0x36: {  	v3 =	vld [tilespmem:$0x20];
	_ =	sdelay $0x4  }
0x37: {  	v62 =	vshll.u32 v3, $0x2  }
0x38: {  	v3 =	vand.u32 $0x7, v3;
	v4 =	vand.u32 $0xFFFFFFE0, v62  }
0x39: {  	v3 =	vor.u32 v3, v4  }
0x3a: {  	v4 =	vperm.xlane v3, v0;
	_ =	sdelay $0x1  }
0x3b: {  	v4 =	vadd.s32 v1, v4;
	_ =	sdelay $0x1  }
0x3c: {  	v3 =	vperm.xlane v3, v2;
	_ =	sdelay $0x1  }
0x3d: {  	v3 =	vadd.s32 v1, v3  }
0x3e: {  	[hbm4b:s3+s2] =	stream.indirect_vreg.scatter [tilespmem:s17], [sflag:$0x1], $0x80, v4, vm0, $0xb8;
	[tilespmem:$0x8080] =	vst v63  }
0x3f: {  	_ = 	snop  }
0x40: {  	[hbm4b:s6+s2] =	stream.indirect_vreg.scatter [tilespmem:s18], [sflag:$0x1], $0x80, v4, vm0, $0xb8;
	[tilespmem:$0x8080] =	vst v63  }
0x41: {  	_ = 	snop  }
0x42: {  	[hbm4b:s3+s2] =	stream.indirect_vreg.scatter [tilespmem:s19], [sflag:$0x1], $0x80, v3, vm0, $0xb8;
	[tilespmem:$0x8080] =	vst v63  }
0x43: {  	_ = 	snop  }
0x44: {  	[hbm4b:s6+s2] =	stream.indirect_vreg.scatter [tilespmem:s20], [sflag:$0x1], $0x80, v3, vm0, $0xb8;
	[tilespmem:$0x8080] =	vst v63  }
0x45: {  	v3 =	vld [tilespmem:$0x30];
	_ =	sdelay $0x4  }
0x46: {  	v63 =	vshll.u32 v3, $0x2  }
0x47: {  	v3 =	vand.u32 $0x7, v3;
	v4 =	vand.u32 $0xFFFFFFE0, v63  }
0x48: {  	v3 =	vor.u32 v3, v4  }
0x49: {  	v4 =	vperm.xlane v3, v0;
	_ =	sdelay $0x1  }
0x4a: {  	v4 =	vadd.s32 v1, v4;
	_ =	sdelay $0x1  }
0x4b: {  	v3 =	vperm.xlane v3, v2;
	_ =	sdelay $0x1  }
0x4c: {  	v3 =	vadd.s32 v1, v3  }
0x4d: {  	[hbm4b:s3+s2] =	stream.indirect_vreg.scatter [tilespmem:s21], [sflag:$0x1], $0x80, v4, vm0, $0xb8;
	[tilespmem:$0x8080] =	vst v63  }
0x4e: {  	_ = 	snop  }
0x4f: {  	[hbm4b:s6+s2] =	stream.indirect_vreg.scatter [tilespmem:s22], [sflag:$0x1], $0x80, v4, vm0, $0xb8;
	[tilespmem:$0x8080] =	vst v63  }
0x50: {  	p0 =	sne.s32 s7, $0x1  }
0x51: {  	[hbm4b:s3+s2] =	stream.indirect_vreg.scatter [tilespmem:s23], [sflag:$0x1], $0x80, v3, vm0, $0xb8;
	[tilespmem:$0x8080] =	vst v63  }
.Ltmp0:
0x52: {  	_ = 	snop;
	(pc) =	sbr.rel @p0 .LBB2_1-.Ltmp0, $4  }
0x53: {  	[hbm4b:s6+s2] =	stream.indirect_vreg.scatter [tilespmem:s24], [sflag:$0x1], $0x80, v3, vm0, $0xb8;
	[tilespmem:$0x8080] =	vst v63  }
0x54: {  	_ =	swait.ge [sflag:s25], $0x8000  }
0x55: {  	[sflag:s25] =	ssyncset.done $0x0  }
0x56: {  	s7 =	sadd.s32 $0xFFFFFFFF, s7;
	[sflag:s25] =	ssyncadd.s32 $0xFFFF8000  }
0x57: {  	_ =	sfence.sel $0x180000  }
0x58: {  	[bflag:$0x0] =	sbarrier.arrive $0xFFFF  }
0x59: {  	p0 =	sne.s32 s0, $0x0;
	_ =	strace $0x90000065  }
0x5a: {  	s0 =	sadd.s32 @!p0 $0x100000, s1;
	[bflag:$0x2] =	sbarrier.arrive $0xFFFF  }
0x5b: {  	[sflag:s0] =	ssyncadd.tile.s32 @!p0 $0x1;
	_ =	shalt  }
.Lfunc_end2:
_tile_overlayer_lowered:
.L_overlay_start_2:
0x5c: {  	(tag) =	ssettag $0x2  }
0x5d: {  	s0 =	rddreg [dreg:$0x0];
	s2 =	stileid.u32  }
0x5e: {  	s1 =	rddreg [dreg:$0x1];
	p0 =	sne.s32 s2, $0x0  }
0x5f: {  	s3 =	rddreg [dreg:$0x2];
	[bflag:$0x3] =	sbarrier.arrive $0xFFFF;
	s2 =	simm.s32 @!p0 $0x1C02  }
0x60: {  	[timem:s3], [sflag:s2] =	dma.local @!p0 [hbm:s0], s1  }
0x61: {  	s0 =	simm.s32 @!p0 $0x2  }
0x62: {  	_ =	swait.ge @!p0 [sflag:s0], s1  }
0x63: {  	s1 =	ssub.s32 @!p0 $0x0, s1;
	[sflag:s0] =	ssyncset.done @!p0 $0x0  }
0x64: {  	[sflag:s0] =	ssyncadd.s32 @!p0 s1  }
0x65: {  	[bflag:$0x3] =	sbarrier.arrive $0xFFFF  }
0x66: {  	_ =	shalt  }

// kernel: kernel.60.cloned.1.call-start
scs
__scs_entry_jumppad:
0x0: {  	(pc) =	sbr.rel $0x88, $3  }
0x1: {  	(tag) =	ssettag $0x0;
	lr =	simm.s32 $0x1  }
0x2: {  	[smem:$0x3F7F] =	sst lr;
	_ =	strace $0xD0000000  }
0x3: {  	_ = 	snop  }
0x4: {  	_ = 	snop  }
0x5: {  	_ = 	snop  }
0x6: {  	_ = 	snop  }
0x7: {  	_ = 	snop  }
__scs_overlays_trampoline_lowered:
0x8: {  	[smem:$0x3F8E] =	sst s0  }
0x9: {  	[smem:$0x3F8F] =	sst s1  }
0xa: {  	[smem:$0x3F90] =	sst s2  }
0xb: {  	[smem:$0x3F91] =	sst s3  }
0xc: {  	[smem:$0x3F92] =	sst s4  }
0xd: {  	[smem:$0x3F93] =	sst s5  }
0xe: {  	[smem:$0x3F94] =	sst s6  }
0xf: {  	[smem:$0x3F95] =	sst s7  }
0x10: {  	[smem:$0x3F96] =	sst s8  }
0x11: {  	[smem:$0x3F97] =	sst s9;
	s0 =	simm.s32 @!p0 $0x0  }
0x12: {  	s1 =	sld [smem:$0x3F7D];
	s0 =	simm.s32 @p0 $0x1  }
0x13: {  	[smem:$0x3F98] =	sst s0;
	s0 =	simm.s32 @!p1 $0x0  }
0x14: {  	s2 =	sld [smem:$0x3F7C];
	s0 =	simm.s32 @p1 $0x1  }
0x15: {  	[smem:$0x3F99] =	sst s0;
	s0 =	simm.s32 @!p2 $0x0  }
0x16: {  	s3 =	sld [smem:$0x3FDB];
	s0 =	simm.s32 @p2 $0x1  }
0x17: {  	s4 =	simm.s32 $0x1BF5;
	[smem:$0x3F9B] =	sst s0  }
0x18: {  	s0 =	sld [smem:$0x3F7E];
	_ =	swait.ge [sflag:s4], $0x0  }
0x19: {  	s7 =	sld [smem:$0x3F7F]  }
0x1a: {  	s8 =	sadd.s32 $0xFFFFE003, lr  }
0x1b: {  	s9 =	sadd.s32 $0xFFFFFEF7, lr;
	s5 =	simm.s32 $0xFFFFFFFF;
	p2 =	slt.u32 s8, $0xFFFFF086  }
0x1c: {  	p1 =	slt.u32 s9, $0xF7A;
	s5 =	simm.s32 @!p2 $0x0  }
0x1d: {  	s5 =	simm.s32 @p1 $0x1;
	p0 =	seq.s32 s7, s2  }
0x1e: {  	s7 =	smul.u32 @!p0 $0xF7A, s2;
	p2 =	seq.s32 @!p0 s5, $0x0  }
0x1f: {  	s9 =	smul.u32 $0xF7A, s1;
	s8 =	simm.s32 @!p0 $0x1BF5;
	p2 =	por !p2, p0  }
0x20: {  	[sflag:s8] =	ssyncset.s32 @!p0 $0xFFFFF086;
	s6 =	sadd.s32 @!p0 s3, s7;
	s7 =	simm.s32 @!p0 $0x108  }
0x21: {  	s3 =	sadd.s32 s3, s9;
	s6 =	sadd.s32 @!p0 $0x88, s6;
	s7 =	simm.s32 @p2 $0x1082  }
0x22: {  	[simem:s7], [sflag:s8] =	dma.local @!p0 [hbm:s6], $0xF7A  }
0x23: {  	s9 =	sor.u32 $0xD0000000, s2;
	s6 =	simm.s32 $0x108;
	_ =	swait.ge @!p0 [sflag:s8], $0x0  }
0x24: {  	s3 =	sadd.s32 $0x88, s3;
	s6 =	simm.s32 @!p1 $0x1082;
	[sflag:s4] =	ssyncset.s32 $0xFFFFF086  }
0x25: {  	[simem:s6], [sflag:s4] =	dma.local [hbm:s3], $0xF7A  }
0x26: {  	[smem:$0x3F7F] =	sst s1;
	(tag) =	ssettag s2;
	_ =	strace s9  }
0x27: {  	s1 =	sld [smem:$0x3F8F]  }
0x28: {  	s2 =	sld [smem:$0x3F90]  }
0x29: {  	s4 =	sld [smem:$0x3F92]  }
0x2a: {  	p0 =	seq.s32 s5, $0x0;
	s5 =	sld [smem:$0x3F93]  }
0x2b: {  	s6 =	sld [smem:$0x3F94]  }
0x2c: {  	s7 =	sld [smem:$0x3F95]  }
0x2d: {  	s3 =	simm.s32 $0x108;
	s8 =	sld [smem:$0x3F96]  }
0x2e: {  	s3 =	simm.s32 @!p0 $0x1082;
	s9 =	sld [smem:$0x3F97]  }
0x2f: {  	lr =	sadd.s32 s0, s3;
	s0 =	sld [smem:$0x3F8E]  }
0x30: {  	s3 =	sld [smem:$0x3F91]  }
0x31: {  	[smem:$0x3F9A] =	sst s10  }
0x32: {  	s10 =	sld [smem:$0x3F98];
	_ =	sdelay $0x3  }
0x33: {  	p0 =	seq.s32 s10, $0x1;
	s10 =	sld [smem:$0x3F9A];
	_ =	sdelay $0x3  }
0x34: {  	[smem:$0x3F9A] =	sst s10  }
0x35: {  	s10 =	sld [smem:$0x3F99];
	_ =	sdelay $0x3  }
0x36: {  	p1 =	seq.s32 s10, $0x1;
	s10 =	sld [smem:$0x3F9A];
	_ =	sdelay $0x3  }
0x37: {  	[smem:$0x3F9A] =	sst s10  }
0x38: {  	s10 =	sld [smem:$0x3F9B]  }
0x39: {  	_ = 	snop;
	(pc) =	sbr.ind lr, $3  }
0x3a: {  	_ = 	snop  }
0x3b: {  	_ = 	snop  }
0x3c: {  	p2 =	seq.s32 s10, $0x1;
	s10 =	sld [smem:$0x3F9A]  }
0x3d: {  	_ =	shalt  }
0x3e: {  	_ =	shalt  }
0x3f: {  	_ =	shalt  }
0x40: {  	_ =	shalt  }
0x41: {  	_ =	shalt  }
0x42: {  	_ =	shalt  }
0x43: {  	_ =	shalt  }
0x44: {  	_ =	shalt  }
0x45: {  	_ =	shalt  }
0x46: {  	_ =	shalt  }
0x47: {  	_ =	shalt  }
0x48: {  	_ =	shalt  }
0x49: {  	_ =	shalt  }
0x4a: {  	_ =	shalt  }
0x4b: {  	_ =	shalt  }
0x4c: {  	_ =	shalt  }
0x4d: {  	_ =	shalt  }
0x4e: {  	_ =	shalt  }
0x4f: {  	_ =	shalt  }
0x50: {  	_ =	shalt  }
0x51: {  	_ =	shalt  }
0x52: {  	_ =	shalt  }
0x53: {  	_ =	shalt  }
0x54: {  	_ =	shalt  }
0x55: {  	_ =	shalt  }
0x56: {  	_ =	shalt  }
0x57: {  	_ =	shalt  }
0x58: {  	_ =	shalt  }
0x59: {  	_ =	shalt  }
0x5a: {  	_ =	shalt  }
0x5b: {  	_ =	shalt  }
0x5c: {  	_ =	shalt  }
0x5d: {  	_ =	shalt  }
0x5e: {  	_ =	shalt  }
0x5f: {  	_ =	shalt  }
0x60: {  	_ =	shalt  }
0x61: {  	_ =	shalt  }
0x62: {  	_ =	shalt  }
0x63: {  	_ =	shalt  }
0x64: {  	_ =	shalt  }
0x65: {  	_ =	shalt  }
0x66: {  	_ =	shalt  }
0x67: {  	_ =	shalt  }
0x68: {  	_ =	shalt  }
0x69: {  	_ =	shalt  }
0x6a: {  	_ =	shalt  }
0x6b: {  	_ =	shalt  }
0x6c: {  	_ =	shalt  }
0x6d: {  	_ =	shalt  }
0x6e: {  	_ =	shalt  }
0x6f: {  	_ =	shalt  }
0x70: {  	_ =	shalt  }
0x71: {  	_ =	shalt  }
0x72: {  	_ =	shalt  }
0x73: {  	_ =	shalt  }
0x74: {  	_ =	shalt  }
0x75: {  	_ =	shalt  }
0x76: {  	_ =	shalt  }
0x77: {  	_ =	shalt  }
0x78: {  	_ =	shalt  }
0x79: {  	_ =	shalt  }
0x7a: {  	_ =	shalt  }
0x7b: {  	_ =	shalt  }
0x7c: {  	_ =	shalt  }
0x7d: {  	_ =	shalt  }
0x7e: {  	_ =	shalt  }
0x7f: {  	_ =	shalt  }
0x80: {  	_ =	shalt  }
0x81: {  	_ =	shalt  }
0x82: {  	_ =	shalt  }
0x83: {  	_ =	shalt  }
0x84: {  	_ =	shalt  }
0x85: {  	_ =	shalt  }
0x86: {  	_ =	shalt  }
0x87: {  	_ =	shalt  }
.Lfunc_end0:
.L_simem_size_0:
called_computation.11_lowered:
.L_overlay_start_0:
0x88: {  	s2 =	sld [smem:$0x3FD9]  }
0x89: {  	s3 =	sld [smem:$0x3FFE];
	_ =	sdelay $0x1  }
0x8a: {  	s1 =	srdreg.scid  }
0x8b: {  	s0 =	sand.u32 $0x1, s1  }
0x8c: {  	s17 =	sshll.u32 s0, $0xA;
	s2 =	sadd.s32 s3, s2  }
0x8d: {  	s2 =	sadd.s32 s2, s17  }
0x8e: {  	[smem:$0x3FA6] =	sst s2  }
0x8f: {  	_ = 	snop  }
0x90: {  	s2 =	sld [smem:$0x3FD0];
	(tm) =	ssettm $0x1  }
0x91: {  	s18 =	sld [smem:$0x3FFB];
	_ =	sdelay $0x3  }
0x92: {  	_ =	strace s18  }
0x93: {  	s3 =	sld [smem:$0x3FFC];
	_ =	sdelay $0x3  }
0x94: {  	_ =	strace s3  }
0x95: {  	s3 =	sld [smem:$0x3FFD];
	_ =	sdelay $0x3  }
0x96: {  	_ =	strace s3  }
0x97: {  	_ =	strace $0x8FFFFFFF  }
0x98: {  	s19 =	sld [smem:$0x3FDB];
	_ =	sdelay $0x1  }
0x99: {  	s4 =	simm.s32 $_scs_section_size  }
0x9a: {  	s5 =	simm.s32 $_size__tile_overlayer_lowered;
	s6 =	simm.s32 $_tile_overlayer_lowered  }
0x9b: {  	s22 =	simm.s32 $0x1BFF;
	s21 =	sshll.u32 s6, $0x1;
	s3 =	sadd.s32 s4, s19  }
0x9c: {  	s7 =	simm.s32 $0x0;
	s20 =	sshll.u32 s5, $0x1;
	s5 =	sadd.s32 s21, s3  }
0x9d: {  	[timem:s7], [sflag:s22] =	dma.local [hbm:s5], s20  }
0x9e: {  	_ =	swait.ge [sflag:s22], s20  }
0x9f: {  	s4 =	ssub.s32 $0x0, s20;
	[sflag:s22] =	ssyncset.done $0x0  }
0xa0: {  	[sflag:s22] =	ssyncadd.s32 s4;
	_ =	sdelay $0x1  }
0xa1: {  	s23 =	simm.s32 $0x1B8B  }
0xa2: {  	_ =	swait.ge [sflag:s23], $0x1  }
0xa3: {  	[sflag:s23] =	ssyncset.done $0x0  }
0xa4: {  	s25 =	simm.s32 $0x1B8E;
	s24 =	sld [smem:$0x3FFE];
	[sflag:s23] =	ssyncadd.s32 $0xFFFFFFFF  }
0xa5: {  	s26 =	simm.s32 $execute0_lowered;
	[smem:$0x3FD2] =	sst s25  }
0xa6: {  	s5 =	sshll.u32 s26, $0x1;
	_ =	strace $0x80000067;
	[dreg:$0x1] =	wrdreg $0xFFFFFFFF  }
0xa7: {  	s28 =	simm.s32 $_size_execute0_lowered;
	s3 =	sadd.s32 s3, s5;
	[dreg:$0x0] =	wrdreg $0x0  }
0xa8: {  	s5 =	sshll.u32 s28, $0x1;
	[dreg:$0x2] =	wrdreg s3  }
0xa9: {  	[dreg:$0x3] =	wrdreg s5  }
0xaa: {  	[dreg:$0x4] =	wrdreg $0xC0  }
0xab: {  	_ =	task [dreg:s7], $0x5FFFF  }
0xac: {  	[dreg:$0x1] =	wrdreg $0xFFFFFFFF  }
0xad: {  	[dreg:$0x0] =	wrdreg $0x60  }
0xae: {  	[dreg:$0x2] =	wrdreg s24  }
0xaf: {  	[dreg:$0x3] =	wrdreg s2  }
0xb0: {  	[dreg:$0x4] =	wrdreg $0x9  }
0xb1: {  	_ =	task.clear_ibuf [dreg:s7], $0x5FFFF;
	_ =	strace $0x90000067  }
0xb2: {  	s29 =	simm.s32 $0x9;
	_ =	strace $0x80000069  }
0xb3: {  	_ =	swait.ge [sflag:s29], $0x1  }
0xb4: {  	[sflag:s29] =	ssyncadd.s32 $0xFFFFFFFF  }
0xb5: {  	_ =	strace $0x90000069  }
0xb6: {  	_ =	sfence  }
0xb7: {  	s30 =	sld [smem:$0x0];
	_ =	sdelay $0x2  }
0xb8: {  	s31 =	sshll.u32 s1, $0xD;
	s1 =	sshrl.u32 s1, $0x2  }
0xb9: {  	s3 =	sand.u32 $0x4000, s31;
	s1 =	sadd.s32 s1, s30  }
0xba: {  	s0 =	sor.u32 s3, s0;
	s1 =	sshll.u32 s1, $0x11  }
0xbb: {  	s0 =	sor.u32 s1, s0  }
0xbc: {  	s0 =	sadd.s32 $0x8F2B, s0  }
0xbd: {  	[sflag:s0] =	ssyncadd.remote.s32 $0x1  }
0xbe: {  	_ =	sfence.sel $0xFFFF  }
0xbf: {  	[dreg:$0x0] =	wrdreg $0xFFFFFFFF;
	(pc) =	sbr.abs _section_cstart, $3  }
0xc0: {  	[dreg:$0x1] =	wrdreg $0xFFFFFFFF  }
0xc1: {  	_ =	task.clear_ibuf [dreg:s7], $0x2FFFF;
	_ =	strace $0x9FFFFFFF  }
0xc2: {  	(tm) =	ssettm $0x7FFFFFFF  }
0xc3: {  	_ =	shalt  }
tec
execute0_lowered:
.L_overlay_start_1:
0x0: {  	(tag) =	ssettag $0x1  }
0x1: {  	s5 =	rddreg [dreg:$0x0]  }
0x2: {  	s4 =	rddreg [dreg:$0x1]  }
0x3: {  	s0 =	rddreg [dreg:$0x2];
	s2 =	simm.s32 $0x0;
	s3 =	srdreg.scid  }
0x4: {  	s1 =	stileid.u32;
	s10 =	simm.s32 $0x880;
	s11 =	simm.s32 $0x1080  }
0x5: {  	s12 =	simm.s32 $0x1880;
	s13 =	simm.s32 $0x2080;
	s14 =	simm.s32 $0x2880  }
0x6: {  	s15 =	simm.s32 $0x3080;
	s16 =	simm.s32 $0x3880;
	s17 =	simm.s32 $0x4080  }
0x7: {  	s18 =	simm.s32 $0x4880;
	s19 =	simm.s32 $0x5080;
	s20 =	simm.s32 $0x5880  }
0x8: {  	s21 =	simm.s32 $0x6080;
	s22 =	simm.s32 $0x6880;
	s23 =	simm.s32 $0x7080  }
0x9: {  	s24 =	simm.s32 $0x7880;
	s25 =	simm.s32 $0x1;
	s6 =	sand.u32 $0x1, s3  }
0xa: {  	[smem:$0x7FF] =	sst s2;
	s7 =	sshll.u32 s1, $0x7;
	s8 =	sshll.u32 s6, $0x6  }
0xb: {  	s3 =	sadd.s32 $0x98800, s5;
	s6 =	ssub.s32 $0x2, s6;
	s7 =	sor.u32 s8, s7  }
0xc: {  	_ =	strace $0x80000068;
	s9 =	sshrl.u32 s6, $0x1;
	s8 =	sshll.u32 s7, $0x6  }
0xd: {  	v2 =	vlaneseq.u32;
	s7 =	sshrl.u32 s7, $0x3;
	s9 =	ssub.s32 s6, s9;
	s8 =	sadd.s32 s8, s5  }
0xe: {  	vm0 =	vmmov $0xffff;
	v1 =	vshrl.u32 v2, $0x3;
	s4 =	sadd.s32 s4, s7;
	s5 =	sadd.s32 $0x98900, s5;
	s7 =	smax.u32 s9, $0x1  }
0xf: {  	v0 =	vand.u32 $0x7, v2;
	v2 =	vor.u32 $0x8, v2;
	v1 =	vmul.u32 $0x8, v1;
	s9 =	simm.s32 $0x80;
	s6 =	sadd.s32 $0x45600, s8;
	s8 =	simm.s32 $0x2  }
.LBB2_1:
0x10: {  	[tilespmem:s2], [sflag:$0x2] =	stream.linear.gather [hbm4b:s4+s2], $0x40, $0x38;
	[tilespmem:$0x8080] =	vst v63  }
0x11: {  	_ =	swait.ge [sflag:s8], $0x40  }
0x12: {  	[sflag:s8] =	ssyncset.done $0x0  }
0x13: {  	[sflag:s8] =	ssyncadd.s32 $0xFFFFFFC0  }
0x14: {  	v3 =	vld [tilespmem:$0x0];
	_ =	sdelay $0x4  }
0x15: {  	v4 =	vshll.u32 v3, $0x2  }
0x16: {  	v3 =	vand.u32 $0x7, v3;
	v4 =	vand.u32 $0xFFFFFFE0, v4  }
0x17: {  	v3 =	vor.u32 v3, v4  }
0x18: {  	v4 =	vperm.xlane v3, v0;
	_ =	sdelay $0x1  }
0x19: {  	v4 =	vadd.s32 v1, v4;
	_ =	sdelay $0x1  }
0x1a: {  	v3 =	vperm.xlane v3, v2;
	_ =	sdelay $0x1  }
0x1b: {  	v3 =	vadd.s32 v1, v3  }
0x1c: {  	[tilespmem:s9], [sflag:$0x1] =	stream.indirect_vreg.gather [hbm4b:s3+s2], $0x80, v4, vm0, $0xb8;
	[tilespmem:$0x8080] =	vst v63  }
0x1d: {  	_ = 	snop  }
0x1e: {  	[tilespmem:s10], [sflag:$0x1] =	stream.indirect_vreg.gather [hbm4b:s5+s2], $0x80, v4, vm0, $0xb8;
	[tilespmem:$0x8080] =	vst v63  }
0x1f: {  	_ = 	snop  }
0x20: {  	[tilespmem:s11], [sflag:$0x1] =	stream.indirect_vreg.gather [hbm4b:s3+s2], $0x80, v3, vm0, $0xb8;
	[tilespmem:$0x8080] =	vst v63  }
0x21: {  	_ = 	snop  }
0x22: {  	[tilespmem:s12], [sflag:$0x1] =	stream.indirect_vreg.gather [hbm4b:s5+s2], $0x80, v3, vm0, $0xb8;
	[tilespmem:$0x8080] =	vst v63  }
0x23: {  	v3 =	vld [tilespmem:$0x10];
	_ =	sdelay $0x4  }
0x24: {  	v61 =	vshll.u32 v3, $0x2  }
0x25: {  	v3 =	vand.u32 $0x7, v3;
	v4 =	vand.u32 $0xFFFFFFE0, v61  }
0x26: {  	v3 =	vor.u32 v3, v4  }
0x27: {  	v4 =	vperm.xlane v3, v0;
	_ =	sdelay $0x1  }
0x28: {  	v4 =	vadd.s32 v1, v4;
	_ =	sdelay $0x1  }
0x29: {  	v3 =	vperm.xlane v3, v2;
	_ =	sdelay $0x1  }
0x2a: {  	v3 =	vadd.s32 v1, v3  }
0x2b: {  	[tilespmem:s13], [sflag:$0x1] =	stream.indirect_vreg.gather [hbm4b:s3+s2], $0x80, v4, vm0, $0xb8;
	[tilespmem:$0x8080] =	vst v63  }
0x2c: {  	_ = 	snop  }
0x2d: {  	[tilespmem:s14], [sflag:$0x1] =	stream.indirect_vreg.gather [hbm4b:s5+s2], $0x80, v4, vm0, $0xb8;
	[tilespmem:$0x8080] =	vst v63  }
0x2e: {  	_ = 	snop  }
0x2f: {  	[tilespmem:s15], [sflag:$0x1] =	stream.indirect_vreg.gather [hbm4b:s3+s2], $0x80, v3, vm0, $0xb8;
	[tilespmem:$0x8080] =	vst v63  }
0x30: {  	_ = 	snop  }
0x31: {  	[tilespmem:s16], [sflag:$0x1] =	stream.indirect_vreg.gather [hbm4b:s5+s2], $0x80, v3, vm0, $0xb8;
	[tilespmem:$0x8080] =	vst v63  }
0x32: {  	v3 =	vld [tilespmem:$0x20];
	_ =	sdelay $0x4  }
0x33: {  	v62 =	vshll.u32 v3, $0x2  }
0x34: {  	v3 =	vand.u32 $0x7, v3;
	v4 =	vand.u32 $0xFFFFFFE0, v62  }
0x35: {  	v3 =	vor.u32 v3, v4  }
0x36: {  	v4 =	vperm.xlane v3, v0;
	_ =	sdelay $0x1  }
0x37: {  	v4 =	vadd.s32 v1, v4;
	_ =	sdelay $0x1  }
0x38: {  	v3 =	vperm.xlane v3, v2;
	_ =	sdelay $0x1  }
0x39: {  	v3 =	vadd.s32 v1, v3  }
0x3a: {  	[tilespmem:s17], [sflag:$0x1] =	stream.indirect_vreg.gather [hbm4b:s3+s2], $0x80, v4, vm0, $0xb8;
	[tilespmem:$0x8080] =	vst v63  }
0x3b: {  	_ = 	snop  }
0x3c: {  	[tilespmem:s18], [sflag:$0x1] =	stream.indirect_vreg.gather [hbm4b:s5+s2], $0x80, v4, vm0, $0xb8;
	[tilespmem:$0x8080] =	vst v63  }
0x3d: {  	_ = 	snop  }
0x3e: {  	[tilespmem:s19], [sflag:$0x1] =	stream.indirect_vreg.gather [hbm4b:s3+s2], $0x80, v3, vm0, $0xb8;
	[tilespmem:$0x8080] =	vst v63  }
0x3f: {  	_ = 	snop  }
0x40: {  	[tilespmem:s20], [sflag:$0x1] =	stream.indirect_vreg.gather [hbm4b:s5+s2], $0x80, v3, vm0, $0xb8;
	[tilespmem:$0x8080] =	vst v63  }
0x41: {  	v3 =	vld [tilespmem:$0x30];
	_ =	sdelay $0x4  }
0x42: {  	v63 =	vshll.u32 v3, $0x2  }
0x43: {  	v3 =	vand.u32 $0x7, v3;
	v4 =	vand.u32 $0xFFFFFFE0, v63  }
0x44: {  	v3 =	vor.u32 v3, v4  }
0x45: {  	v4 =	vperm.xlane v3, v0;
	_ =	sdelay $0x1  }
0x46: {  	v4 =	vadd.s32 v1, v4;
	_ =	sdelay $0x1  }
0x47: {  	v3 =	vperm.xlane v3, v2;
	_ =	sdelay $0x1  }
0x48: {  	v3 =	vadd.s32 v1, v3  }
0x49: {  	[tilespmem:s21], [sflag:$0x1] =	stream.indirect_vreg.gather [hbm4b:s3+s2], $0x80, v4, vm0, $0xb8;
	[tilespmem:$0x8080] =	vst v63  }
0x4a: {  	_ = 	snop  }
0x4b: {  	[tilespmem:s22], [sflag:$0x1] =	stream.indirect_vreg.gather [hbm4b:s5+s2], $0x80, v4, vm0, $0xb8;
	[tilespmem:$0x8080] =	vst v63  }
0x4c: {  	_ = 	snop  }
0x4d: {  	[tilespmem:s23], [sflag:$0x1] =	stream.indirect_vreg.gather [hbm4b:s3+s2], $0x80, v3, vm0, $0xb8;
	[tilespmem:$0x8080] =	vst v63  }
0x4e: {  	_ = 	snop  }
0x4f: {  	[tilespmem:s24], [sflag:$0x1] =	stream.indirect_vreg.gather [hbm4b:s5+s2], $0x80, v3, vm0, $0xb8;
	[tilespmem:$0x8080] =	vst v63  }
0x50: {  	_ =	swait.ge [sflag:s25], $0x8000  }
0x51: {  	p0 =	sne.s32 s7, $0x1;
	[sflag:s25] =	ssyncset.done $0x0  }
.Ltmp0:
0x52: {  	[sflag:s25] =	ssyncadd.s32 $0xFFFF8000;
	(pc) =	sbr.rel @p0 .LBB2_1-.Ltmp0, $4  }
0x53: {  	[hbm4b:s6+s2] =	stream.linear.scatter [tilespmem:s9], [sflag:$0x2], $0x8000, $0x38;
	[tilespmem:$0x8080] =	vst v63  }
0x54: {  	_ =	swait.ge [sflag:s8], $0x8000  }
0x55: {  	[sflag:s8] =	ssyncset.done $0x0  }
0x56: {  	s7 =	sadd.s32 $0xFFFFFFFF, s7;
	[sflag:s8] =	ssyncadd.s32 $0xFFFF8000  }
0x57: {  	_ =	sfence.sel $0x180000  }
0x58: {  	[bflag:$0x0] =	sbarrier.arrive $0xFFFF  }
0x59: {  	p0 =	sne.s32 s1, $0x0;
	_ =	strace $0x90000068  }
0x5a: {  	s0 =	sadd.s32 @!p0 $0x100000, s0;
	[bflag:$0x2] =	sbarrier.arrive $0xFFFF  }
0x5b: {  	[sflag:s0] =	ssyncadd.tile.s32 @!p0 $0x1;
	_ =	shalt  }
.Lfunc_end2:
_tile_overlayer_lowered:
.L_overlay_start_2:
0x5c: {  	(tag) =	ssettag $0x2  }
0x5d: {  	s0 =	rddreg [dreg:$0x0];
	s2 =	stileid.u32  }
0x5e: {  	s1 =	rddreg [dreg:$0x1];
	p0 =	sne.s32 s2, $0x0  }
0x5f: {  	s3 =	rddreg [dreg:$0x2];
	[bflag:$0x3] =	sbarrier.arrive $0xFFFF;
	s2 =	simm.s32 @!p0 $0x1C02  }
0x60: {  	[timem:s3], [sflag:s2] =	dma.local @!p0 [hbm:s0], s1  }
0x61: {  	s0 =	simm.s32 @!p0 $0x2  }
0x62: {  	_ =	swait.ge @!p0 [sflag:s0], s1  }
0x63: {  	s1 =	ssub.s32 @!p0 $0x0, s1;
	[sflag:s0] =	ssyncset.done @!p0 $0x0  }
0x64: {  	[sflag:s0] =	ssyncadd.s32 @!p0 s1  }
0x65: {  	[bflag:$0x3] =	sbarrier.arrive $0xFFFF  }
0x66: {  	_ =	shalt  }

</sc_bundles>
